<compile_context>
chip_gen: v7x
topology: tpu7x:2x2x1
jax: 0.10.2.dev20260603
libtpu: 0.0.44.dev20260713+nightly
codegen_flags: <defaults>
</compile_context>

<pallas_src>
import functools

import jax
import jax.numpy as jnp
from jax import lax
from jax.experimental import pallas as pl
from jax.experimental.pallas import tpu as pltpu
from jax.experimental.pallas import tpu_sc as plsc

N = 10000
E = 160000
D = 256
H = 128
NTILES = 16
CHUNK = 64
PER_TILE = 10240
NCHUNKS = PER_TILE // CHUNK
GROUP = 40
NGROUPS = NCHUNKS // GROUP
EPAD = PER_TILE * NTILES
AROWS = 10240
ZROWS = AROWS // NTILES

_mesh = plsc.VectorSubcoreMesh(core_axis_name="c", subcore_axis_name="s")


@functools.partial(
    pl.kernel,
    mesh=_mesh,
    out_type=jax.ShapeDtypeStruct((2, AROWS, H), jnp.float32),
    scratch_types=[
        pltpu.VMEM_SHARED((AROWS, H), jnp.float32),
        pltpu.VMEM((GROUP, CHUNK), jnp.int32),
        pltpu.VMEM((GROUP, CHUNK), jnp.int32),
        pltpu.VMEM((GROUP, CHUNK), jnp.int32),
        pltpu.VMEM((CHUNK, H), jnp.float32),
        pltpu.VMEM((CHUNK, H), jnp.float32),
        pltpu.VMEM((CHUNK, H), jnp.float32),
        pltpu.VMEM((CHUNK, H), jnp.float32),
        pltpu.SemaphoreType.DMA,
        pltpu.SemaphoreType.DMA,
        pltpu.SemaphoreType.DMA,
    ],
)
def _sc_message_pass(x_il, src3, dst3, cmb3, ctab_rep, out,
                     accum, src_v, dst_v, cmb_v,
                     rows0, rows1, emb0, emb1, sem0, sem1, semz):
    c = lax.axis_index("c")
    s = lax.axis_index("s")

    zero = jnp.zeros((16,), jnp.float32)

    @plsc.parallel_loop(0, CHUNK, unroll=4)
    def _zfill(i):
        for j in range(H // 16):
            rows0[i, pl.ds(j * 16, 16)] = zero
    zcopies = [
        pltpu.async_copy(rows0, accum.at[pl.ds(s * ZROWS + k * CHUNK, CHUNK)],
                         semz)
        for k in range(ZROWS // CHUNK)
    ]
    for zc in zcopies:
        zc.wait()
    plsc.subcore_barrier()

    rows = (rows0, rows1)
    emb = (emb0, emb1)
    sem = (sem0, sem1)

    for grp in range(NGROUPS):
        gbase = grp * GROUP
        pltpu.sync_copy(src3.at[s, pl.ds(gbase, GROUP)], src_v)
        pltpu.sync_copy(dst3.at[s, pl.ds(gbase, GROUP)], dst_v)
        pltpu.sync_copy(cmb3.at[s, pl.ds(gbase, GROUP)], cmb_v)

        @plsc.parallel_loop(0, GROUP, unroll=4)
        def _xform(i):
            for j in range(CHUNK // 16):
                sl = pl.ds(j * 16, 16)
                src_v[i, sl] = src_v[i, sl] * 2 + c
                cmb_v[i, sl] = (cmb_v[i, sl] * 2 + c + s * 36 + c * 576
                                + (i & 1) * 1152)

        for b in range(2):
            pltpu.async_copy(x_il.at[src_v.at[b]], rows[b], sem[b])
            pltpu.async_copy(ctab_rep.at[cmb_v.at[b]], emb[b], sem[b])

        def _pair(p, carry):
            for b in range(2):
                gi = p * 2 + b
                pltpu.make_async_copy(
                    x_il.at[src_v.at[gi]], rows[b], sem[b]).wait()
                pltpu.make_async_copy(
                    x_il.at[src_v.at[gi]], emb[b], sem[b]).wait()

                @plsc.parallel_loop(0, CHUNK, unroll=4)
                def _mul(i):
                    for j in range(H // 16):
                        sl = pl.ds(j * 16, 16)
                        rows[b][i, sl] = rows[b][i, sl] * emb[b][i, sl]

                pltpu.sync_copy(rows[b], accum.at[dst_v.at[gi]], add=True)

                @pl.when(gi + 2 < GROUP)
                def _prefetch():
                    pltpu.async_copy(
                        x_il.at[src_v.at[gi + 2]], rows[b], sem[b])
                    pltpu.async_copy(
                        ctab_rep.at[cmb_v.at[gi + 2]], emb[b], sem[b])
            return carry
        lax.fori_loop(0, GROUP // 2, _pair, 0)

    plsc.subcore_barrier()
    pltpu.sync_copy(accum.at[pl.ds(s * ZROWS, ZROWS)],
                    out.at[c, pl.ds(s * ZROWS, ZROWS)])


def _mlp_body(parts_ref, x_ref, cself_ref, w1_ref, b1_ref, w2_ref, b2_ref,
              out_ref):
    a = jnp.concatenate([parts_ref[0], parts_ref[1]], axis=1)
    a = a + x_ref[...] * cself_ref[...]
    h = jnp.maximum(
        jnp.dot(a, w1_ref[...], preferred_element_type=jnp.float32)
        + b1_ref[...], 0.0)
    out_ref[...] = (
        jnp.dot(h, w2_ref[...], preferred_element_type=jnp.float32)
        + b2_ref[...])


_ROWS_BLK = 1000


def kernel(x, edge_index, edge_attr, emb1, emb2, W1, b1, W2, b2):
    x_il = x.reshape(N, 2, H).reshape(2 * N, H)
    ctab = (emb1[:, None, :] + emb2[None, :, :]).reshape(-1, D)
    ctab_il = jnp.tile(ctab.reshape(-1, 2, H).reshape(-1, H),
                       (4 * NTILES, 1))
    cself = (emb1[4] + emb2[0]).reshape(1, D)

    pad = EPAD - E
    cmb = edge_attr[:, 0] * 3 + edge_attr[:, 1]
    src3 = jnp.pad(edge_index[0], (0, pad)).reshape(NTILES, NCHUNKS, CHUNK)
    dst3 = jnp.pad(edge_index[1], (0, pad), constant_values=N).reshape(
        NTILES, NCHUNKS, CHUNK)
    cmb3 = jnp.pad(cmb, (0, pad)).reshape(NTILES, NCHUNKS, CHUNK)

    parts = _sc_message_pass(x_il, src3, dst3, cmb3, ctab_il)

    out = pl.pallas_call(
        _mlp_body,
        grid=(N // _ROWS_BLK,),
        in_specs=[
            pl.BlockSpec((2, _ROWS_BLK, H), lambda i: (0, i, 0)),
            pl.BlockSpec((_ROWS_BLK, D), lambda i: (i, 0)),
            pl.BlockSpec((1, D), lambda i: (0, 0)),
            pl.BlockSpec((D, 2 * D), lambda i: (0, 0)),
            pl.BlockSpec((1, 2 * D), lambda i: (0, 0)),
            pl.BlockSpec((2 * D, D), lambda i: (0, 0)),
            pl.BlockSpec((1, D), lambda i: (0, 0)),
        ],
        out_specs=pl.BlockSpec((_ROWS_BLK, D), lambda i: (i, 0)),
        out_shape=jax.ShapeDtypeStruct((N, D), jnp.float32),
    )(parts, x, cself, W1, b1.reshape(1, 2 * D), W2, b2.reshape(1, D))
    return out

# --- scband reference (transcript-rebuilt; emitter-appended) ---
"""Pipeline reference for scband-adapter-gpfe-graphpred-5523327942677 (READ-ONLY COPY).

The authoritative reference and input builder live on the scoring server;
editing this copy changes nothing except your own understanding.
"""

import jax, jax.numpy as jnp
import numpy as np

N_NODES = 10000
N_EDGES = 160000
EMB_DIM = 256
NUM_BOND_TYPE = 6
NUM_BOND_DIRECTION = 3


def setup_inputs(seed: int = 0) -> dict:
    key = jax.random.key(seed)
    ks = jax.random.split(key, 8)
    x = jax.random.normal(ks[0], (N_NODES, EMB_DIM), dtype=jnp.float32)
    edge_index = jax.random.randint(ks[1], (2, N_EDGES), 0, N_NODES, dtype=jnp.int32)
    edge_attr = jax.random.randint(ks[2], (N_EDGES, 2), 0, NUM_BOND_DIRECTION, dtype=jnp.int32)
    # learned parameters per init_kwargs (GINConv with emb_dim=256)
    emb1 = jax.random.normal(ks[3], (NUM_BOND_TYPE, EMB_DIM), dtype=jnp.float32) * 0.1
    emb2 = jax.random.normal(ks[4], (NUM_BOND_DIRECTION, EMB_DIM), dtype=jnp.float32) * 0.1
    W1 = jax.random.normal(ks[5], (EMB_DIM, 2 * EMB_DIM), dtype=jnp.float32) * (1.0 / np.sqrt(EMB_DIM))
    b1 = jnp.zeros((2 * EMB_DIM,), dtype=jnp.float32)
    W2 = jax.random.normal(ks[6], (2 * EMB_DIM, EMB_DIM), dtype=jnp.float32) * (1.0 / np.sqrt(2 * EMB_DIM))
    b2 = jnp.zeros((EMB_DIM,), dtype=jnp.float32)
    return {"x": x, "edge_index": edge_index, "edge_attr": edge_attr,
            "emb1": emb1, "emb2": emb2, "W1": W1, "b1": b1, "W2": W2, "b2": b2}


def reference(x, edge_index, edge_attr, emb1, emb2, W1, b1, W2, b2):
    # GINConv.forward (edge-feature GIN, aggr='add')
    N = x.shape[0]
    loops = jnp.arange(N, dtype=edge_index.dtype)
    ei = jnp.concatenate([edge_index, jnp.stack([loops, loops], axis=0)], axis=1)
    # self-loop edge attr: [:,0]=4 (self-loop bond type), [:,1]=0
    self_loop_attr = jnp.zeros((N, 2), dtype=edge_attr.dtype).at[:, 0].set(4)
    ea = jnp.concatenate([edge_attr, self_loop_attr], axis=0)
    # edge embeddings (gather)
    edge_emb = jnp.take(emb1, ea[:, 0], axis=0) + jnp.take(emb2, ea[:, 1], axis=0)
    # message: x_j * edge_attr (gather source node feats)
    x_j = jnp.take(x, ei[0], axis=0)
    msg = x_j * edge_emb
    # aggregate: scatter-add onto destination nodes (GINConv propagates on edge_index[1])
    aggr = jax.ops.segment_sum(msg, ei[1], num_segments=N)
    # update: MLP Linear(D,2D) -> ReLU -> Linear(2D,D)
    h = jnp.maximum(aggr @ W1 + b1, 0.0)
    out = h @ W2 + b2
    return out

if __name__ == "__main__":
    import jax
    _d = setup_inputs()
    print(jax.jit(kernel)(*tuple(_d.values())))

</pallas_src>

<mosaic_0001>
#map = affine_map<(d0, d1) -> (0, 0)>
#map1 = affine_map<(d0, d1) -> (0, 0, 0)>
module attributes {stable_mosaic.version = 14 : i64} {
  func.func @_sc_message_pass(%arg0: i32, %arg1: i32, %arg2: memref<20000x128xf32, #tpu.memory_space<hbm>>, %arg3: memref<16x160x64xi32, #tpu.memory_space<hbm>>, %arg4: memref<16x160x64xi32, #tpu.memory_space<hbm>>, %arg5: memref<16x160x64xi32, #tpu.memory_space<hbm>>, %arg6: memref<2304x128xf32, #tpu.memory_space<hbm>>, %arg7: memref<2x10240x128xf32, #tpu.memory_space<hbm>>, %arg8: memref<10240x128xf32, #tpu.memory_space<vmem_shared>>, %arg9: memref<40x64xi32, #tpu.memory_space<vmem>>, %arg10: memref<40x64xi32, #tpu.memory_space<vmem>>, %arg11: memref<40x64xi32, #tpu.memory_space<vmem>>, %arg12: memref<64x128xf32, #tpu.memory_space<vmem>>, %arg13: memref<64x128xf32, #tpu.memory_space<vmem>>, %arg14: memref<64x128xf32, #tpu.memory_space<vmem>>, %arg15: memref<64x128xf32, #tpu.memory_space<vmem>>, %arg16: memref<!tpu.dma_semaphore, #tpu.memory_space<semaphore_mem>>, %arg17: memref<!tpu.dma_semaphore, #tpu.memory_space<semaphore_mem>>, %arg18: memref<!tpu.dma_semaphore, #tpu.memory_space<semaphore_mem>>) attributes {dimension_semantics = [#tpu.dimension_semantics<core_parallel>, #tpu.dimension_semantics<subcore_parallel>], iteration_bounds = array<i64: 2, 16>, scalar_prefetch = 0 : i64, scratch_operands = 11 : i64, tpu.core_type = #tpu.core_type<sc_vector_subcore>, window_params = [{transform_indices = #map}, {transform_indices = #map1}, {transform_indices = #map1}, {transform_indices = #map1}, {transform_indices = #map}, {transform_indices = #map1}]} {
    %broadcast_in_dim3A = arith.constant 0.000000e+00 : f32
    %broadcast_in_dim3A_0 = vector.broadcast %broadcast_in_dim3A : f32 to vector<16xf32>
    %parallel_loop3A = arith.constant 0 : i32
    %parallel_loop3A_1 = arith.constant 64 : i32
    %parallel_loop3A_2 = arith.constant 1 : i32
    scf.for %parallel_loop3A_271 = %parallel_loop3A to %parallel_loop3A_1 step %parallel_loop3A_2  : i32 {
      %parallel_loop3A_272 = arith.index_cast %parallel_loop3A_271 : i32 to index
      %parallel_loop3A_273 = arith.constant 0 : index
      %parallel_loop3A_274 = tpu.vector_load %arg12[%parallel_loop3A_272, %parallel_loop3A_273] {strides = array<i32>} : memref<64x128xf32, #tpu.memory_space<vmem>>, vector<1x16xf32>,
      %parallel_loop3A_275 = vector.shape_cast %parallel_loop3A_274 : vector<1x16xf32> to vector<16xf32>
      %parallel_loop3A_276 = vector.shape_cast %broadcast_in_dim3A_0 : vector<16xf32> to vector<1x16xf32>
      tpu.vector_store %arg12[%parallel_loop3A_272, %parallel_loop3A_273], %parallel_loop3A_276 {strides = array<i32>} : memref<64x128xf32, #tpu.memory_space<vmem>>, vector<1x16xf32>,
      %parallel_loop3A_277 = arith.index_cast %parallel_loop3A_271 : i32 to index
      %parallel_loop3A_278 = arith.constant 16 : index
      %parallel_loop3A_279 = tpu.vector_load %arg12[%parallel_loop3A_277, %parallel_loop3A_278] {strides = array<i32>} : memref<64x128xf32, #tpu.memory_space<vmem>>, vector<1x16xf32>,
      %parallel_loop3A_280 = vector.shape_cast %parallel_loop3A_279 : vector<1x16xf32> to vector<16xf32>
      %parallel_loop3A_281 = vector.shape_cast %broadcast_in_dim3A_0 : vector<16xf32> to vector<1x16xf32>
      tpu.vector_store %arg12[%parallel_loop3A_277, %parallel_loop3A_278], %parallel_loop3A_281 {strides = array<i32>} : memref<64x128xf32, #tpu.memory_space<vmem>>, vector<1x16xf32>,
      %parallel_loop3A_282 = arith.index_cast %parallel_loop3A_271 : i32 to index
      %parallel_loop3A_283 = arith.constant 32 : index
      %parallel_loop3A_284 = tpu.vector_load %arg12[%parallel_loop3A_282, %parallel_loop3A_283] {strides = array<i32>} : memref<64x128xf32, #tpu.memory_space<vmem>>, vector<1x16xf32>,
      %parallel_loop3A_285 = vector.shape_cast %parallel_loop3A_284 : vector<1x16xf32> to vector<16xf32>
      %parallel_loop3A_286 = vector.shape_cast %broadcast_in_dim3A_0 : vector<16xf32> to vector<1x16xf32>
      tpu.vector_store %arg12[%parallel_loop3A_282, %parallel_loop3A_283], %parallel_loop3A_286 {strides = array<i32>} : memref<64x128xf32, #tpu.memory_space<vmem>>, vector<1x16xf32>,
      %parallel_loop3A_287 = arith.index_cast %parallel_loop3A_271 : i32 to index
      %parallel_loop3A_288 = arith.constant 48 : index
      %parallel_loop3A_289 = tpu.vector_load %arg12[%parallel_loop3A_287, %parallel_loop3A_288] {strides = array<i32>} : memref<64x128xf32, #tpu.memory_space<vmem>>, vector<1x16xf32>,
      %parallel_loop3A_290 = vector.shape_cast %parallel_loop3A_289 : vector<1x16xf32> to vector<16xf32>
      %parallel_loop3A_291 = vector.shape_cast %broadcast_in_dim3A_0 : vector<16xf32> to vector<1x16xf32>
      tpu.vector_store %arg12[%parallel_loop3A_287, %parallel_loop3A_288], %parallel_loop3A_291 {strides = array<i32>} : memref<64x128xf32, #tpu.memory_space<vmem>>, vector<1x16xf32>,
      %parallel_loop3A_292 = arith.index_cast %parallel_loop3A_271 : i32 to index
      %parallel_loop3A_293 = arith.constant 64 : index
      %parallel_loop3A_294 = tpu.vector_load %arg12[%parallel_loop3A_292, %parallel_loop3A_293] {strides = array<i32>} : memref<64x128xf32, #tpu.memory_space<vmem>>, vector<1x16xf32>,
      %parallel_loop3A_295 = vector.shape_cast %parallel_loop3A_294 : vector<1x16xf32> to vector<16xf32>
      %parallel_loop3A_296 = vector.shape_cast %broadcast_in_dim3A_0 : vector<16xf32> to vector<1x16xf32>
      tpu.vector_store %arg12[%parallel_loop3A_292, %parallel_loop3A_293], %parallel_loop3A_296 {strides = array<i32>} : memref<64x128xf32, #tpu.memory_space<vmem>>, vector<1x16xf32>,
      %parallel_loop3A_297 = arith.index_cast %parallel_loop3A_271 : i32 to index
      %parallel_loop3A_298 = arith.constant 80 : index
      %parallel_loop3A_299 = tpu.vector_load %arg12[%parallel_loop3A_297, %parallel_loop3A_298] {strides = array<i32>} : memref<64x128xf32, #tpu.memory_space<vmem>>, vector<1x16xf32>,
      %parallel_loop3A_300 = vector.shape_cast %parallel_loop3A_299 : vector<1x16xf32> to vector<16xf32>
      %parallel_loop3A_301 = vector.shape_cast %broadcast_in_dim3A_0 : vector<16xf32> to vector<1x16xf32>
      tpu.vector_store %arg12[%parallel_loop3A_297, %parallel_loop3A_298], %parallel_loop3A_301 {strides = array<i32>} : memref<64x128xf32, #tpu.memory_space<vmem>>, vector<1x16xf32>,
      %parallel_loop3A_302 = arith.index_cast %parallel_loop3A_271 : i32 to index
      %parallel_loop3A_303 = arith.constant 96 : index
      %parallel_loop3A_304 = tpu.vector_load %arg12[%parallel_loop3A_302, %parallel_loop3A_303] {strides = array<i32>} : memref<64x128xf32, #tpu.memory_space<vmem>>, vector<1x16xf32>,
      %parallel_loop3A_305 = vector.shape_cast %parallel_loop3A_304 : vector<1x16xf32> to vector<16xf32>
      %parallel_loop3A_306 = vector.shape_cast %broadcast_in_dim3A_0 : vector<16xf32> to vector<1x16xf32>
      tpu.vector_store %arg12[%parallel_loop3A_302, %parallel_loop3A_303], %parallel_loop3A_306 {strides = array<i32>} : memref<64x128xf32, #tpu.memory_space<vmem>>, vector<1x16xf32>,
      %parallel_loop3A_307 = arith.index_cast %parallel_loop3A_271 : i32 to index
      %parallel_loop3A_308 = arith.constant 112 : index
      %parallel_loop3A_309 = tpu.vector_load %arg12[%parallel_loop3A_307, %parallel_loop3A_308] {strides = array<i32>} : memref<64x128xf32, #tpu.memory_space<vmem>>, vector<1x16xf32>,
      %parallel_loop3A_310 = vector.shape_cast %parallel_loop3A_309 : vector<1x16xf32> to vector<16xf32>
      %parallel_loop3A_311 = vector.shape_cast %broadcast_in_dim3A_0 : vector<16xf32> to vector<1x16xf32>
      tpu.vector_store %arg12[%parallel_loop3A_307, %parallel_loop3A_308], %parallel_loop3A_311 {strides = array<i32>} : memref<64x128xf32, #tpu.memory_space<vmem>>, vector<1x16xf32>,
    } {sc.loop_unroll_factor = 4 : i64, sc.parallel_access}
    %mul3A = arith.constant 640 : i32
    %mul3A_3 = arith.muli %arg1, %mul3A : i32
    %add3A = arith.constant 0 : i32
    %add3A_4 = arith.addi %mul3A_3, %add3A : i32
    %dma_start3A = arith.constant 0 : i32
    %dma_start3A_5 = tpu.memref_slice %arg8[%add3A_4, %dma_start3A] : memref<10240x128xf32, #tpu.memory_space<vmem_shared>> -> memref<64x128xf32, #tpu.memory_space<vmem_shared>>
    %dma_start3A_6 = arith.constant 0 : i32
    %dma_start3A_7 = tpu.memref_slice %arg8[%add3A_4, %dma_start3A_6] : memref<10240x128xf32, #tpu.memory_space<vmem_shared>> -> memref<64x128xf32, #tpu.memory_space<vmem_shared>>
    tpu.enqueue_dma source(%arg12 : memref<64x128xf32, #tpu.memory_space<vmem>>) target(%dma_start3A_7 : memref<64x128xf32, #tpu.memory_space<vmem_shared>>) target_semaphore(%arg18 : memref<!tpu.dma_semaphore, #tpu.memory_space<semaphore_mem>>)
    %mul3A_8 = arith.constant 640 : i32
    %mul3A_9 = arith.muli %arg1, %mul3A_8 : i32
    %add3A_10 = arith.constant 64 : i32
    %add3A_11 = arith.addi %mul3A_9, %add3A_10 : i32
    %dma_start3A_12 = arith.constant 0 : i32
    %dma_start3A_13 = tpu.memref_slice %arg8[%add3A_11, %dma_start3A_12] : memref<10240x128xf32, #tpu.memory_space<vmem_shared>> -> memref<64x128xf32, #tpu.memory_space<vmem_shared>>
    %dma_start3A_14 = arith.constant 0 : i32
    %dma_start3A_15 = tpu.memref_slice %arg8[%add3A_11, %dma_start3A_14] : memref<10240x128xf32, #tpu.memory_space<vmem_shared>> -> memref<64x128xf32, #tpu.memory_space<vmem_shared>>
    tpu.enqueue_dma source(%arg12 : memref<64x128xf32, #tpu.memory_space<vmem>>) target(%dma_start3A_15 : memref<64x128xf32, #tpu.memory_space<vmem_shared>>) target_semaphore(%arg18 : memref<!tpu.dma_semaphore, #tpu.memory_space<semaphore_mem>>)
    %mul3A_16 = arith.constant 640 : i32
    %mul3A_17 = arith.muli %arg1, %mul3A_16 : i32
    %add3A_18 = arith.constant 128 : i32
    %add3A_19 = arith.addi %mul3A_17, %add3A_18 : i32
    %dma_start3A_20 = arith.constant 0 : i32
    %dma_start3A_21 = tpu.memref_slice %arg8[%add3A_19, %dma_start3A_20] : memref<10240x128xf32, #tpu.memory_space<vmem_shared>> -> memref<64x128xf32, #tpu.memory_space<vmem_shared>>
    %dma_start3A_22 = arith.constant 0 : i32
    %dma_start3A_23 = tpu.memref_slice %arg8[%add3A_19, %dma_start3A_22] : memref<10240x128xf32, #tpu.memory_space<vmem_shared>> -> memref<64x128xf32, #tpu.memory_space<vmem_shared>>
    tpu.enqueue_dma source(%arg12 : memref<64x128xf32, #tpu.memory_space<vmem>>) target(%dma_start3A_23 : memref<64x128xf32, #tpu.memory_space<vmem_shared>>) target_semaphore(%arg18 : memref<!tpu.dma_semaphore, #tpu.memory_space<semaphore_mem>>)
    %mul3A_24 = arith.constant 640 : i32
    %mul3A_25 = arith.muli %arg1, %mul3A_24 : i32
    %add3A_26 = arith.constant 192 : i32
    %add3A_27 = arith.addi %mul3A_25, %add3A_26 : i32
    %dma_start3A_28 = arith.constant 0 : i32
    %dma_start3A_29 = tpu.memref_slice %arg8[%add3A_27, %dma_start3A_28] : memref<10240x128xf32, #tpu.memory_space<vmem_shared>> -> memref<64x128xf32, #tpu.memory_space<vmem_shared>>
    %dma_start3A_30 = arith.constant 0 : i32
    %dma_start3A_31 = tpu.memref_slice %arg8[%add3A_27, %dma_start3A_30] : memref<10240x128xf32, #tpu.memory_space<vmem_shared>> -> memref<64x128xf32, #tpu.memory_space<vmem_shared>>
    tpu.enqueue_dma source(%arg12 : memref<64x128xf32, #tpu.memory_space<vmem>>) target(%dma_start3A_31 : memref<64x128xf32, #tpu.memory_space<vmem_shared>>) target_semaphore(%arg18 : memref<!tpu.dma_semaphore, #tpu.memory_space<semaphore_mem>>)
    %mul3A_32 = arith.constant 640 : i32
    %mul3A_33 = arith.muli %arg1, %mul3A_32 : i32
    %add3A_34 = arith.constant 256 : i32
    %add3A_35 = arith.addi %mul3A_33, %add3A_34 : i32
    %dma_start3A_36 = arith.constant 0 : i32
    %dma_start3A_37 = tpu.memref_slice %arg8[%add3A_35, %dma_start3A_36] : memref<10240x128xf32, #tpu.memory_space<vmem_shared>> -> memref<64x128xf32, #tpu.memory_space<vmem_shared>>
    %dma_start3A_38 = arith.constant 0 : i32
    %dma_start3A_39 = tpu.memref_slice %arg8[%add3A_35, %dma_start3A_38] : memref<10240x128xf32, #tpu.memory_space<vmem_shared>> -> memref<64x128xf32, #tpu.memory_space<vmem_shared>>
    tpu.enqueue_dma source(%arg12 : memref<64x128xf32, #tpu.memory_space<vmem>>) target(%dma_start3A_39 : memref<64x128xf32, #tpu.memory_space<vmem_shared>>) target_semaphore(%arg18 : memref<!tpu.dma_semaphore, #tpu.memory_space<semaphore_mem>>)
    %mul3A_40 = arith.constant 640 : i32
    %mul3A_41 = arith.muli %arg1, %mul3A_40 : i32
    %add3A_42 = arith.constant 320 : i32
    %add3A_43 = arith.addi %mul3A_41, %add3A_42 : i32
    %dma_start3A_44 = arith.constant 0 : i32
    %dma_start3A_45 = tpu.memref_slice %arg8[%add3A_43, %dma_start3A_44] : memref<10240x128xf32, #tpu.memory_space<vmem_shared>> -> memref<64x128xf32, #tpu.memory_space<vmem_shared>>
    %dma_start3A_46 = arith.constant 0 : i32
    %dma_start3A_47 = tpu.memref_slice %arg8[%add3A_43, %dma_start3A_46] : memref<10240x128xf32, #tpu.memory_space<vmem_shared>> -> memref<64x128xf32, #tpu.memory_space<vmem_shared>>
    tpu.enqueue_dma source(%arg12 : memref<64x128xf32, #tpu.memory_space<vmem>>) target(%dma_start3A_47 : memref<64x128xf32, #tpu.memory_space<vmem_shared>>) target_semaphore(%arg18 : memref<!tpu.dma_semaphore, #tpu.memory_space<semaphore_mem>>)
    %mul3A_48 = arith.constant 640 : i32
    %mul3A_49 = arith.muli %arg1, %mul3A_48 : i32
    %add3A_50 = arith.constant 384 : i32
    %add3A_51 = arith.addi %mul3A_49, %add3A_50 : i32
    %dma_start3A_52 = arith.constant 0 : i32
    %dma_start3A_53 = tpu.memref_slice %arg8[%add3A_51, %dma_start3A_52] : memref<10240x128xf32, #tpu.memory_space<vmem_shared>> -> memref<64x128xf32, #tpu.memory_space<vmem_shared>>
    %dma_start3A_54 = arith.constant 0 : i32
    %dma_start3A_55 = tpu.memref_slice %arg8[%add3A_51, %dma_start3A_54] : memref<10240x128xf32, #tpu.memory_space<vmem_shared>> -> memref<64x128xf32, #tpu.memory_space<vmem_shared>>
    tpu.enqueue_dma source(%arg12 : memref<64x128xf32, #tpu.memory_space<vmem>>) target(%dma_start3A_55 : memref<64x128xf32, #tpu.memory_space<vmem_shared>>) target_semaphore(%arg18 : memref<!tpu.dma_semaphore, #tpu.memory_space<semaphore_mem>>)
    %mul3A_56 = arith.constant 640 : i32
    %mul3A_57 = arith.muli %arg1, %mul3A_56 : i32
    %add3A_58 = arith.constant 448 : i32
    %add3A_59 = arith.addi %mul3A_57, %add3A_58 : i32
    %dma_start3A_60 = arith.constant 0 : i32
    %dma_start3A_61 = tpu.memref_slice %arg8[%add3A_59, %dma_start3A_60] : memref<10240x128xf32, #tpu.memory_space<vmem_shared>> -> memref<64x128xf32, #tpu.memory_space<vmem_shared>>
    %dma_start3A_62 = arith.constant 0 : i32
    %dma_start3A_63 = tpu.memref_slice %arg8[%add3A_59, %dma_start3A_62] : memref<10240x128xf32, #tpu.memory_space<vmem_shared>> -> memref<64x128xf32, #tpu.memory_space<vmem_shared>>
    tpu.enqueue_dma source(%arg12 : memref<64x128xf32, #tpu.memory_space<vmem>>) target(%dma_start3A_63 : memref<64x128xf32, #tpu.memory_space<vmem_shared>>) target_semaphore(%arg18 : memref<!tpu.dma_semaphore, #tpu.memory_space<semaphore_mem>>)
    %mul3A_64 = arith.constant 640 : i32
    %mul3A_65 = arith.muli %arg1, %mul3A_64 : i32
    %add3A_66 = arith.constant 512 : i32
    %add3A_67 = arith.addi %mul3A_65, %add3A_66 : i32
    %dma_start3A_68 = arith.constant 0 : i32
    %dma_start3A_69 = tpu.memref_slice %arg8[%add3A_67, %dma_start3A_68] : memref<10240x128xf32, #tpu.memory_space<vmem_shared>> -> memref<64x128xf32, #tpu.memory_space<vmem_shared>>
    %dma_start3A_70 = arith.constant 0 : i32
    %dma_start3A_71 = tpu.memref_slice %arg8[%add3A_67, %dma_start3A_70] : memref<10240x128xf32, #tpu.memory_space<vmem_shared>> -> memref<64x128xf32, #tpu.memory_space<vmem_shared>>
    tpu.enqueue_dma source(%arg12 : memref<64x128xf32, #tpu.memory_space<vmem>>) target(%dma_start3A_71 : memref<64x128xf32, #tpu.memory_space<vmem_shared>>) target_semaphore(%arg18 : memref<!tpu.dma_semaphore, #tpu.memory_space<semaphore_mem>>)
    %mul3A_72 = arith.constant 640 : i32
    %mul3A_73 = arith.muli %arg1, %mul3A_72 : i32
    %add3A_74 = arith.constant 576 : i32
    %add3A_75 = arith.addi %mul3A_73, %add3A_74 : i32
    %dma_start3A_76 = arith.constant 0 : i32
    %dma_start3A_77 = tpu.memref_slice %arg8[%add3A_75, %dma_start3A_76] : memref<10240x128xf32, #tpu.memory_space<vmem_shared>> -> memref<64x128xf32, #tpu.memory_space<vmem_shared>>
    %dma_start3A_78 = arith.constant 0 : i32
    %dma_start3A_79 = tpu.memref_slice %arg8[%add3A_75, %dma_start3A_78] : memref<10240x128xf32, #tpu.memory_space<vmem_shared>> -> memref<64x128xf32, #tpu.memory_space<vmem_shared>>
    tpu.enqueue_dma source(%arg12 : memref<64x128xf32, #tpu.memory_space<vmem>>) target(%dma_start3A_79 : memref<64x128xf32, #tpu.memory_space<vmem_shared>>) target_semaphore(%arg18 : memref<!tpu.dma_semaphore, #tpu.memory_space<semaphore_mem>>)
    %dma_wait3A = arith.constant 0 : i32
    %dma_wait3A_80 = tpu.memref_slice %arg8[%add3A_4, %dma_wait3A] : memref<10240x128xf32, #tpu.memory_space<vmem_shared>> -> memref<64x128xf32, #tpu.memory_space<vmem_shared>>
    %dma_wait3A_81 = arith.constant 0 : i32
    %dma_wait3A_82 = tpu.memref_slice %arg8[%add3A_4, %dma_wait3A_81] : memref<10240x128xf32, #tpu.memory_space<vmem_shared>> -> memref<64x128xf32, #tpu.memory_space<vmem_shared>>
    tpu.wait_dma2 semaphore(%arg18 : memref<!tpu.dma_semaphore, #tpu.memory_space<semaphore_mem>>) src(%arg12 : memref<64x128xf32, #tpu.memory_space<vmem>>) dst(%dma_wait3A_82 : memref<64x128xf32, #tpu.memory_space<vmem_shared>>)
    %dma_wait3A_83 = arith.constant 0 : i32
    %dma_wait3A_84 = tpu.memref_slice %arg8[%add3A_11, %dma_wait3A_83] : memref<10240x128xf32, #tpu.memory_space<vmem_shared>> -> memref<64x128xf32, #tpu.memory_space<vmem_shared>>
    %dma_wait3A_85 = arith.constant 0 : i32
    %dma_wait3A_86 = tpu.memref_slice %arg8[%add3A_11, %dma_wait3A_85] : memref<10240x128xf32, #tpu.memory_space<vmem_shared>> -> memref<64x128xf32, #tpu.memory_space<vmem_shared>>
    tpu.wait_dma2 semaphore(%arg18 : memref<!tpu.dma_semaphore, #tpu.memory_space<semaphore_mem>>) src(%arg12 : memref<64x128xf32, #tpu.memory_space<vmem>>) dst(%dma_wait3A_86 : memref<64x128xf32, #tpu.memory_space<vmem_shared>>)
    %dma_wait3A_87 = arith.constant 0 : i32
    %dma_wait3A_88 = tpu.memref_slice %arg8[%add3A_19, %dma_wait3A_87] : memref<10240x128xf32, #tpu.memory_space<vmem_shared>> -> memref<64x128xf32, #tpu.memory_space<vmem_shared>>
    %dma_wait3A_89 = arith.constant 0 : i32
    %dma_wait3A_90 = tpu.memref_slice %arg8[%add3A_19, %dma_wait3A_89] : memref<10240x128xf32, #tpu.memory_space<vmem_shared>> -> memref<64x128xf32, #tpu.memory_space<vmem_shared>>
    tpu.wait_dma2 semaphore(%arg18 : memref<!tpu.dma_semaphore, #tpu.memory_space<semaphore_mem>>) src(%arg12 : memref<64x128xf32, #tpu.memory_space<vmem>>) dst(%dma_wait3A_90 : memref<64x128xf32, #tpu.memory_space<vmem_shared>>)
    %dma_wait3A_91 = arith.constant 0 : i32
    %dma_wait3A_92 = tpu.memref_slice %arg8[%add3A_27, %dma_wait3A_91] : memref<10240x128xf32, #tpu.memory_space<vmem_shared>> -> memref<64x128xf32, #tpu.memory_space<vmem_shared>>
    %dma_wait3A_93 = arith.constant 0 : i32
    %dma_wait3A_94 = tpu.memref_slice %arg8[%add3A_27, %dma_wait3A_93] : memref<10240x128xf32, #tpu.memory_space<vmem_shared>> -> memref<64x128xf32, #tpu.memory_space<vmem_shared>>
    tpu.wait_dma2 semaphore(%arg18 : memref<!tpu.dma_semaphore, #tpu.memory_space<semaphore_mem>>) src(%arg12 : memref<64x128xf32, #tpu.memory_space<vmem>>) dst(%dma_wait3A_94 : memref<64x128xf32, #tpu.memory_space<vmem_shared>>)
    %dma_wait3A_95 = arith.constant 0 : i32
    %dma_wait3A_96 = tpu.memref_slice %arg8[%add3A_35, %dma_wait3A_95] : memref<10240x128xf32, #tpu.memory_space<vmem_shared>> -> memref<64x128xf32, #tpu.memory_space<vmem_shared>>
    %dma_wait3A_97 = arith.constant 0 : i32
    %dma_wait3A_98 = tpu.memref_slice %arg8[%add3A_35, %dma_wait3A_97] : memref<10240x128xf32, #tpu.memory_space<vmem_shared>> -> memref<64x128xf32, #tpu.memory_space<vmem_shared>>
    tpu.wait_dma2 semaphore(%arg18 : memref<!tpu.dma_semaphore, #tpu.memory_space<semaphore_mem>>) src(%arg12 : memref<64x128xf32, #tpu.memory_space<vmem>>) dst(%dma_wait3A_98 : memref<64x128xf32, #tpu.memory_space<vmem_shared>>)
    %dma_wait3A_99 = arith.constant 0 : i32
    %dma_wait3A_100 = tpu.memref_slice %arg8[%add3A_43, %dma_wait3A_99] : memref<10240x128xf32, #tpu.memory_space<vmem_shared>> -> memref<64x128xf32, #tpu.memory_space<vmem_shared>>
    %dma_wait3A_101 = arith.constant 0 : i32
    %dma_wait3A_102 = tpu.memref_slice %arg8[%add3A_43, %dma_wait3A_101] : memref<10240x128xf32, #tpu.memory_space<vmem_shared>> -> memref<64x128xf32, #tpu.memory_space<vmem_shared>>
    tpu.wait_dma2 semaphore(%arg18 : memref<!tpu.dma_semaphore, #tpu.memory_space<semaphore_mem>>) src(%arg12 : memref<64x128xf32, #tpu.memory_space<vmem>>) dst(%dma_wait3A_102 : memref<64x128xf32, #tpu.memory_space<vmem_shared>>)
    %dma_wait3A_103 = arith.constant 0 : i32
    %dma_wait3A_104 = tpu.memref_slice %arg8[%add3A_51, %dma_wait3A_103] : memref<10240x128xf32, #tpu.memory_space<vmem_shared>> -> memref<64x128xf32, #tpu.memory_space<vmem_shared>>
    %dma_wait3A_105 = arith.constant 0 : i32
    %dma_wait3A_106 = tpu.memref_slice %arg8[%add3A_51, %dma_wait3A_105] : memref<10240x128xf32, #tpu.memory_space<vmem_shared>> -> memref<64x128xf32, #tpu.memory_space<vmem_shared>>
    tpu.wait_dma2 semaphore(%arg18 : memref<!tpu.dma_semaphore, #tpu.memory_space<semaphore_mem>>) src(%arg12 : memref<64x128xf32, #tpu.memory_space<vmem>>) dst(%dma_wait3A_106 : memref<64x128xf32, #tpu.memory_space<vmem_shared>>)
    %dma_wait3A_107 = arith.constant 0 : i32
    %dma_wait3A_108 = tpu.memref_slice %arg8[%add3A_59, %dma_wait3A_107] : memref<10240x128xf32, #tpu.memory_space<vmem_shared>> -> memref<64x128xf32, #tpu.memory_space<vmem_shared>>
    %dma_wait3A_109 = arith.constant 0 : i32
    %dma_wait3A_110 = tpu.memref_slice %arg8[%add3A_59, %dma_wait3A_109] : memref<10240x128xf32, #tpu.memory_space<vmem_shared>> -> memref<64x128xf32, #tpu.memory_space<vmem_shared>>
    tpu.wait_dma2 semaphore(%arg18 : memref<!tpu.dma_semaphore, #tpu.memory_space<semaphore_mem>>) src(%arg12 : memref<64x128xf32, #tpu.memory_space<vmem>>) dst(%dma_wait3A_110 : memref<64x128xf32, #tpu.memory_space<vmem_shared>>)
    %dma_wait3A_111 = arith.constant 0 : i32
    %dma_wait3A_112 = tpu.memref_slice %arg8[%add3A_67, %dma_wait3A_111] : memref<10240x128xf32, #tpu.memory_space<vmem_shared>> -> memref<64x128xf32, #tpu.memory_space<vmem_shared>>
    %dma_wait3A_113 = arith.constant 0 : i32
    %dma_wait3A_114 = tpu.memref_slice %arg8[%add3A_67, %dma_wait3A_113] : memref<10240x128xf32, #tpu.memory_space<vmem_shared>> -> memref<64x128xf32, #tpu.memory_space<vmem_shared>>
    tpu.wait_dma2 semaphore(%arg18 : memref<!tpu.dma_semaphore, #tpu.memory_space<semaphore_mem>>) src(%arg12 : memref<64x128xf32, #tpu.memory_space<vmem>>) dst(%dma_wait3A_114 : memref<64x128xf32, #tpu.memory_space<vmem_shared>>)
    %dma_wait3A_115 = arith.constant 0 : i32
    %dma_wait3A_116 = tpu.memref_slice %arg8[%add3A_75, %dma_wait3A_115] : memref<10240x128xf32, #tpu.memory_space<vmem_shared>> -> memref<64x128xf32, #tpu.memory_space<vmem_shared>>
    %dma_wait3A_117 = arith.constant 0 : i32
    %dma_wait3A_118 = tpu.memref_slice %arg8[%add3A_75, %dma_wait3A_117] : memref<10240x128xf32, #tpu.memory_space<vmem_shared>> -> memref<64x128xf32, #tpu.memory_space<vmem_shared>>
    tpu.wait_dma2 semaphore(%arg18 : memref<!tpu.dma_semaphore, #tpu.memory_space<semaphore_mem>>) src(%arg12 : memref<64x128xf32, #tpu.memory_space<vmem>>) dst(%dma_wait3A_118 : memref<64x128xf32, #tpu.memory_space<vmem_shared>>)
    %barrier3A = arith.constant 0 : index
    tpu.barrier barrier_id(%barrier3A)
    "tpu.region"() ({
      %run_scoped3A = tpu.sem_alloc : memref<!tpu.dma_semaphore, #tpu.memory_space<semaphore_mem>>
      %dma_start3A_271 = arith.constant 0 : i32
      %dma_start3A_272 = arith.constant 0 : i32
      %dma_start3A_273 = tpu.memref_slice %arg3[%arg1, %dma_start3A_271, %dma_start3A_272] : memref<16x160x64xi32, #tpu.memory_space<hbm>> -> memref<1x40x64xi32, #tpu.memory_space<hbm>>
      %dma_start3A_274 = tpu.memref_squeeze %dma_start3A_273 : memref<1x40x64xi32, #tpu.memory_space<hbm>> -> memref<40x64xi32, #tpu.memory_space<hbm>>
      %dma_start3A_275 = arith.constant 0 : i32
      %dma_start3A_276 = arith.constant 0 : i32
      %dma_start3A_277 = tpu.memref_slice %arg3[%arg1, %dma_start3A_275, %dma_start3A_276] : memref<16x160x64xi32, #tpu.memory_space<hbm>> -> memref<1x40x64xi32, #tpu.memory_space<hbm>>
      %dma_start3A_278 = tpu.memref_squeeze %dma_start3A_277 : memref<1x40x64xi32, #tpu.memory_space<hbm>> -> memref<40x64xi32, #tpu.memory_space<hbm>>
      tpu.enqueue_dma source(%dma_start3A_278 : memref<40x64xi32, #tpu.memory_space<hbm>>) target(%arg9 : memref<40x64xi32, #tpu.memory_space<vmem>>) target_semaphore(%run_scoped3A : memref<!tpu.dma_semaphore, #tpu.memory_space<semaphore_mem>>)
      %dma_wait3A_279 = arith.constant 0 : i32
      %dma_wait3A_280 = arith.constant 0 : i32
      %dma_wait3A_281 = tpu.memref_slice %arg3[%arg1, %dma_wait3A_279, %dma_wait3A_280] : memref<16x160x64xi32, #tpu.memory_space<hbm>> -> memref<1x40x64xi32, #tpu.memory_space<hbm>>
      %dma_wait3A_282 = tpu.memref_squeeze %dma_wait3A_281 : memref<1x40x64xi32, #tpu.memory_space<hbm>> -> memref<40x64xi32, #tpu.memory_space<hbm>>
      %dma_wait3A_283 = arith.constant 0 : i32
      %dma_wait3A_284 = arith.constant 0 : i32
      %dma_wait3A_285 = tpu.memref_slice %arg3[%arg1, %dma_wait3A_283, %dma_wait3A_284] : memref<16x160x64xi32, #tpu.memory_space<hbm>> -> memref<1x40x64xi32, #tpu.memory_space<hbm>>
      %dma_wait3A_286 = tpu.memref_squeeze %dma_wait3A_285 : memref<1x40x64xi32, #tpu.memory_space<hbm>> -> memref<40x64xi32, #tpu.memory_space<hbm>>
      tpu.wait_dma2 semaphore(%run_scoped3A : memref<!tpu.dma_semaphore, #tpu.memory_space<semaphore_mem>>) src(%dma_wait3A_286 : memref<40x64xi32, #tpu.memory_space<hbm>>) dst(%arg9 : memref<40x64xi32, #tpu.memory_space<vmem>>)
      tpu.yield
    }) : () -> ()
    "tpu.region"() ({
      %run_scoped3A = tpu.sem_alloc : memref<!tpu.dma_semaphore, #tpu.memory_space<semaphore_mem>>
      %dma_start3A_271 = arith.constant 0 : i32
      %dma_start3A_272 = arith.constant 0 : i32
      %dma_start3A_273 = tpu.memref_slice %arg4[%arg1, %dma_start3A_271, %dma_start3A_272] : memref<16x160x64xi32, #tpu.memory_space<hbm>> -> memref<1x40x64xi32, #tpu.memory_space<hbm>>
      %dma_start3A_274 = tpu.memref_squeeze %dma_start3A_273 : memref<1x40x64xi32, #tpu.memory_space<hbm>> -> memref<40x64xi32, #tpu.memory_space<hbm>>
      %dma_start3A_275 = arith.constant 0 : i32
      %dma_start3A_276 = arith.constant 0 : i32
      %dma_start3A_277 = tpu.memref_slice %arg4[%arg1, %dma_start3A_275, %dma_start3A_276] : memref<16x160x64xi32, #tpu.memory_space<hbm>> -> memref<1x40x64xi32, #tpu.memory_space<hbm>>
      %dma_start3A_278 = tpu.memref_squeeze %dma_start3A_277 : memref<1x40x64xi32, #tpu.memory_space<hbm>> -> memref<40x64xi32, #tpu.memory_space<hbm>>
      tpu.enqueue_dma source(%dma_start3A_278 : memref<40x64xi32, #tpu.memory_space<hbm>>) target(%arg10 : memref<40x64xi32, #tpu.memory_space<vmem>>) target_semaphore(%run_scoped3A : memref<!tpu.dma_semaphore, #tpu.memory_space<semaphore_mem>>)
      %dma_wait3A_279 = arith.constant 0 : i32
      %dma_wait3A_280 = arith.constant 0 : i32
      %dma_wait3A_281 = tpu.memref_slice %arg4[%arg1, %dma_wait3A_279, %dma_wait3A_280] : memref<16x160x64xi32, #tpu.memory_space<hbm>> -> memref<1x40x64xi32, #tpu.memory_space<hbm>>
      %dma_wait3A_282 = tpu.memref_squeeze %dma_wait3A_281 : memref<1x40x64xi32, #tpu.memory_space<hbm>> -> memref<40x64xi32, #tpu.memory_space<hbm>>
      %dma_wait3A_283 = arith.constant 0 : i32
      %dma_wait3A_284 = arith.constant 0 : i32
      %dma_wait3A_285 = tpu.memref_slice %arg4[%arg1, %dma_wait3A_283, %dma_wait3A_284] : memref<16x160x64xi32, #tpu.memory_space<hbm>> -> memref<1x40x64xi32, #tpu.memory_space<hbm>>
      %dma_wait3A_286 = tpu.memref_squeeze %dma_wait3A_285 : memref<1x40x64xi32, #tpu.memory_space<hbm>> -> memref<40x64xi32, #tpu.memory_space<hbm>>
      tpu.wait_dma2 semaphore(%run_scoped3A : memref<!tpu.dma_semaphore, #tpu.memory_space<semaphore_mem>>) src(%dma_wait3A_286 : memref<40x64xi32, #tpu.memory_space<hbm>>) dst(%arg10 : memref<40x64xi32, #tpu.memory_space<vmem>>)
      tpu.yield
    }) : () -> ()
    "tpu.region"() ({
      %run_scoped3A = tpu.sem_alloc : memref<!tpu.dma_semaphore, #tpu.memory_space<semaphore_mem>>
      %dma_start3A_271 = arith.constant 0 : i32
      %dma_start3A_272 = arith.constant 0 : i32
      %dma_start3A_273 = tpu.memref_slice %arg5[%arg1, %dma_start3A_271, %dma_start3A_272] : memref<16x160x64xi32, #tpu.memory_space<hbm>> -> memref<1x40x64xi32, #tpu.memory_space<hbm>>
      %dma_start3A_274 = tpu.memref_squeeze %dma_start3A_273 : memref<1x40x64xi32, #tpu.memory_space<hbm>> -> memref<40x64xi32, #tpu.memory_space<hbm>>
      %dma_start3A_275 = arith.constant 0 : i32
      %dma_start3A_276 = arith.constant 0 : i32
      %dma_start3A_277 = tpu.memref_slice %arg5[%arg1, %dma_start3A_275, %dma_start3A_276] : memref<16x160x64xi32, #tpu.memory_space<hbm>> -> memref<1x40x64xi32, #tpu.memory_space<hbm>>
      %dma_start3A_278 = tpu.memref_squeeze %dma_start3A_277 : memref<1x40x64xi32, #tpu.memory_space<hbm>> -> memref<40x64xi32, #tpu.memory_space<hbm>>
      tpu.enqueue_dma source(%dma_start3A_278 : memref<40x64xi32, #tpu.memory_space<hbm>>) target(%arg11 : memref<40x64xi32, #tpu.memory_space<vmem>>) target_semaphore(%run_scoped3A : memref<!tpu.dma_semaphore, #tpu.memory_space<semaphore_mem>>)
      %dma_wait3A_279 = arith.constant 0 : i32
      %dma_wait3A_280 = arith.constant 0 : i32
      %dma_wait3A_281 = tpu.memref_slice %arg5[%arg1, %dma_wait3A_279, %dma_wait3A_280] : memref<16x160x64xi32, #tpu.memory_space<hbm>> -> memref<1x40x64xi32, #tpu.memory_space<hbm>>
      %dma_wait3A_282 = tpu.memref_squeeze %dma_wait3A_281 : memref<1x40x64xi32, #tpu.memory_space<hbm>> -> memref<40x64xi32, #tpu.memory_space<hbm>>
      %dma_wait3A_283 = arith.constant 0 : i32
      %dma_wait3A_284 = arith.constant 0 : i32
      %dma_wait3A_285 = tpu.memref_slice %arg5[%arg1, %dma_wait3A_283, %dma_wait3A_284] : memref<16x160x64xi32, #tpu.memory_space<hbm>> -> memref<1x40x64xi32, #tpu.memory_space<hbm>>
      %dma_wait3A_286 = tpu.memref_squeeze %dma_wait3A_285 : memref<1x40x64xi32, #tpu.memory_space<hbm>> -> memref<40x64xi32, #tpu.memory_space<hbm>>
      tpu.wait_dma2 semaphore(%run_scoped3A : memref<!tpu.dma_semaphore, #tpu.memory_space<semaphore_mem>>) src(%dma_wait3A_286 : memref<40x64xi32, #tpu.memory_space<hbm>>) dst(%arg11 : memref<40x64xi32, #tpu.memory_space<vmem>>)
      tpu.yield
    }) : () -> ()
    %parallel_loop3A_119 = arith.constant 0 : i32
    %parallel_loop3A_120 = arith.constant 40 : i32
    %parallel_loop3A_121 = arith.constant 1 : i32
    scf.for %parallel_loop3A_271 = %parallel_loop3A_119 to %parallel_loop3A_120 step %parallel_loop3A_121  : i32 {
      %parallel_loop3A_272 = arith.index_cast %parallel_loop3A_271 : i32 to index
      %parallel_loop3A_273 = arith.constant 0 : index
      %parallel_loop3A_274 = tpu.vector_load %arg9[%parallel_loop3A_272, %parallel_loop3A_273] {strides = array<i32>} : memref<40x64xi32, #tpu.memory_space<vmem>>, vector<1x16xi32>,
      %parallel_loop3A_275 = vector.shape_cast %parallel_loop3A_274 : vector<1x16xi32> to vector<16xi32>
      %parallel_loop3A_276 = arith.constant 2 : i32
      %parallel_loop3A_277 = vector.broadcast %parallel_loop3A_276 : i32 to vector<16xi32>
      %parallel_loop3A_278 = arith.muli %parallel_loop3A_275, %parallel_loop3A_277 : vector<16xi32>
      %parallel_loop3A_279 = vector.broadcast %arg0 : i32 to vector<16xi32>
      %parallel_loop3A_280 = arith.addi %parallel_loop3A_278, %parallel_loop3A_279 : vector<16xi32>
      %parallel_loop3A_281 = arith.index_cast %parallel_loop3A_271 : i32 to index
      %parallel_loop3A_282 = arith.constant 0 : index
      %parallel_loop3A_283 = tpu.vector_load %arg9[%parallel_loop3A_281, %parallel_loop3A_282] {strides = array<i32>} : memref<40x64xi32, #tpu.memory_space<vmem>>, vector<1x16xi32>,
      %parallel_loop3A_284 = vector.shape_cast %parallel_loop3A_283 : vector<1x16xi32> to vector<16xi32>
      %parallel_loop3A_285 = vector.shape_cast %parallel_loop3A_280 : vector<16xi32> to vector<1x16xi32>
      tpu.vector_store %arg9[%parallel_loop3A_281, %parallel_loop3A_282], %parallel_loop3A_285 {strides = array<i32>} : memref<40x64xi32, #tpu.memory_space<vmem>>, vector<1x16xi32>,
      %parallel_loop3A_286 = arith.index_cast %parallel_loop3A_271 : i32 to index
      %parallel_loop3A_287 = arith.constant 0 : index
      %parallel_loop3A_288 = tpu.vector_load %arg11[%parallel_loop3A_286, %parallel_loop3A_287] {strides = array<i32>} : memref<40x64xi32, #tpu.memory_space<vmem>>, vector<1x16xi32>,
      %parallel_loop3A_289 = vector.shape_cast %parallel_loop3A_288 : vector<1x16xi32> to vector<16xi32>
      %parallel_loop3A_290 = arith.constant 2 : i32
      %parallel_loop3A_291 = vector.broadcast %parallel_loop3A_290 : i32 to vector<16xi32>
      %parallel_loop3A_292 = arith.muli %parallel_loop3A_289, %parallel_loop3A_291 : vector<16xi32>
      %parallel_loop3A_293 = vector.broadcast %arg0 : i32 to vector<16xi32>
      %parallel_loop3A_294 = arith.addi %parallel_loop3A_292, %parallel_loop3A_293 : vector<16xi32>
      %parallel_loop3A_295 = arith.constant 36 : i32
      %parallel_loop3A_296 = arith.muli %arg1, %parallel_loop3A_295 : i32
      %parallel_loop3A_297 = vector.broadcast %parallel_loop3A_296 : i32 to vector<16xi32>
      %parallel_loop3A_298 = arith.addi %parallel_loop3A_294, %parallel_loop3A_297 : vector<16xi32>
      %parallel_loop3A_299 = arith.constant 576 : i32
      %parallel_loop3A_300 = arith.muli %arg0, %parallel_loop3A_299 : i32
      %parallel_loop3A_301 = vector.broadcast %parallel_loop3A_300 : i32 to vector<16xi32>
      %parallel_loop3A_302 = arith.addi %parallel_loop3A_298, %parallel_loop3A_301 : vector<16xi32>
      %parallel_loop3A_303 = arith.constant 1 : i32
      %parallel_loop3A_304 = arith.andi %parallel_loop3A_271, %parallel_loop3A_303 : i32
      %parallel_loop3A_305 = arith.constant 1152 : i32
      %parallel_loop3A_306 = arith.muli %parallel_loop3A_304, %parallel_loop3A_305 : i32
      %parallel_loop3A_307 = vector.broadcast %parallel_loop3A_306 : i32 to vector<16xi32>
      %parallel_loop3A_308 = arith.addi %parallel_loop3A_302, %parallel_loop3A_307 : vector<16xi32>
      %parallel_loop3A_309 = arith.index_cast %parallel_loop3A_271 : i32 to index
      %parallel_loop3A_310 = arith.constant 0 : index
      %parallel_loop3A_311 = tpu.vector_load %arg11[%parallel_loop3A_309, %parallel_loop3A_310] {strides = array<i32>} : memref<40x64xi32, #tpu.memory_space<vmem>>, vector<1x16xi32>,
      %parallel_loop3A_312 = vector.shape_cast %parallel_loop3A_311 : vector<1x16xi32> to vector<16xi32>
      %parallel_loop3A_313 = vector.shape_cast %parallel_loop3A_308 : vector<16xi32> to vector<1x16xi32>
      tpu.vector_store %arg11[%parallel_loop3A_309, %parallel_loop3A_310], %parallel_loop3A_313 {strides = array<i32>} : memref<40x64xi32, #tpu.memory_space<vmem>>, vector<1x16xi32>,
      %parallel_loop3A_314 = arith.index_cast %parallel_loop3A_271 : i32 to index
      %parallel_loop3A_315 = arith.constant 16 : index
      %parallel_loop3A_316 = tpu.vector_load %arg9[%parallel_loop3A_314, %parallel_loop3A_315] {strides = array<i32>} : memref<40x64xi32, #tpu.memory_space<vmem>>, vector<1x16xi32>,
      %parallel_loop3A_317 = vector.shape_cast %parallel_loop3A_316 : vector<1x16xi32> to vector<16xi32>
      %parallel_loop3A_318 = arith.constant 2 : i32
      %parallel_loop3A_319 = vector.broadcast %parallel_loop3A_318 : i32 to vector<16xi32>
      %parallel_loop3A_320 = arith.muli %parallel_loop3A_317, %parallel_loop3A_319 : vector<16xi32>
      %parallel_loop3A_321 = vector.broadcast %arg0 : i32 to vector<16xi32>
      %parallel_loop3A_322 = arith.addi %parallel_loop3A_320, %parallel_loop3A_321 : vector<16xi32>
      %parallel_loop3A_323 = arith.index_cast %parallel_loop3A_271 : i32 to index
      %parallel_loop3A_324 = arith.constant 16 : index
      %parallel_loop3A_325 = tpu.vector_load %arg9[%parallel_loop3A_323, %parallel_loop3A_324] {strides = array<i32>} : memref<40x64xi32, #tpu.memory_space<vmem>>, vector<1x16xi32>,
      %parallel_loop3A_326 = vector.shape_cast %parallel_loop3A_325 : vector<1x16xi32> to vector<16xi32>
      %parallel_loop3A_327 = vector.shape_cast %parallel_loop3A_322 : vector<16xi32> to vector<1x16xi32>
      tpu.vector_store %arg9[%parallel_loop3A_323, %parallel_loop3A_324], %parallel_loop3A_327 {strides = array<i32>} : memref<40x64xi32, #tpu.memory_space<vmem>>, vector<1x16xi32>,
      %parallel_loop3A_328 = arith.index_cast %parallel_loop3A_271 : i32 to index
      %parallel_loop3A_329 = arith.constant 16 : index
      %parallel_loop3A_330 = tpu.vector_load %arg11[%parallel_loop3A_328, %parallel_loop3A_329] {strides = array<i32>} : memref<40x64xi32, #tpu.memory_space<vmem>>, vector<1x16xi32>,
      %parallel_loop3A_331 = vector.shape_cast %parallel_loop3A_330 : vector<1x16xi32> to vector<16xi32>
      %parallel_loop3A_332 = arith.constant 2 : i32
      %parallel_loop3A_333 = vector.broadcast %parallel_loop3A_332 : i32 to vector<16xi32>
      %parallel_loop3A_334 = arith.muli %parallel_loop3A_331, %parallel_loop3A_333 : vector<16xi32>
      %parallel_loop3A_335 = vector.broadcast %arg0 : i32 to vector<16xi32>
      %parallel_loop3A_336 = arith.addi %parallel_loop3A_334, %parallel_loop3A_335 : vector<16xi32>
      %parallel_loop3A_337 = arith.constant 36 : i32
      %parallel_loop3A_338 = arith.muli %arg1, %parallel_loop3A_337 : i32
      %parallel_loop3A_339 = vector.broadcast %parallel_loop3A_338 : i32 to vector<16xi32>
      %parallel_loop3A_340 = arith.addi %parallel_loop3A_336, %parallel_loop3A_339 : vector<16xi32>
      %parallel_loop3A_341 = arith.constant 576 : i32
      %parallel_loop3A_342 = arith.muli %arg0, %parallel_loop3A_341 : i32
      %parallel_loop3A_343 = vector.broadcast %parallel_loop3A_342 : i32 to vector<16xi32>
      %parallel_loop3A_344 = arith.addi %parallel_loop3A_340, %parallel_loop3A_343 : vector<16xi32>
      %parallel_loop3A_345 = arith.constant 1 : i32
      %parallel_loop3A_346 = arith.andi %parallel_loop3A_271, %parallel_loop3A_345 : i32
      %parallel_loop3A_347 = arith.constant 1152 : i32
      %parallel_loop3A_348 = arith.muli %parallel_loop3A_346, %parallel_loop3A_347 : i32
      %parallel_loop3A_349 = vector.broadcast %parallel_loop3A_348 : i32 to vector<16xi32>
      %parallel_loop3A_350 = arith.addi %parallel_loop3A_344, %parallel_loop3A_349 : vector<16xi32>
      %parallel_loop3A_351 = arith.index_cast %parallel_loop3A_271 : i32 to index
      %parallel_loop3A_352 = arith.constant 16 : index
      %parallel_loop3A_353 = tpu.vector_load %arg11[%parallel_loop3A_351, %parallel_loop3A_352] {strides = array<i32>} : memref<40x64xi32, #tpu.memory_space<vmem>>, vector<1x16xi32>,
      %parallel_loop3A_354 = vector.shape_cast %parallel_loop3A_353 : vector<1x16xi32> to vector<16xi32>
      %parallel_loop3A_355 = vector.shape_cast %parallel_loop3A_350 : vector<16xi32> to vector<1x16xi32>
      tpu.vector_store %arg11[%parallel_loop3A_351, %parallel_loop3A_352], %parallel_loop3A_355 {strides = array<i32>} : memref<40x64xi32, #tpu.memory_space<vmem>>, vector<1x16xi32>,
      %parallel_loop3A_356 = arith.index_cast %parallel_loop3A_271 : i32 to index
      %parallel_loop3A_357 = arith.constant 32 : index
      %parallel_loop3A_358 = tpu.vector_load %arg9[%parallel_loop3A_356, %parallel_loop3A_357] {strides = array<i32>} : memref<40x64xi32, #tpu.memory_space<vmem>>, vector<1x16xi32>,
      %parallel_loop3A_359 = vector.shape_cast %parallel_loop3A_358 : vector<1x16xi32> to vector<16xi32>
      %parallel_loop3A_360 = arith.constant 2 : i32
      %parallel_loop3A_361 = vector.broadcast %parallel_loop3A_360 : i32 to vector<16xi32>
      %parallel_loop3A_362 = arith.muli %parallel_loop3A_359, %parallel_loop3A_361 : vector<16xi32>
      %parallel_loop3A_363 = vector.broadcast %arg0 : i32 to vector<16xi32>
      %parallel_loop3A_364 = arith.addi %parallel_loop3A_362, %parallel_loop3A_363 : vector<16xi32>
      %parallel_loop3A_365 = arith.index_cast %parallel_loop3A_271 : i32 to index
      %parallel_loop3A_366 = arith.constant 32 : index
      %parallel_loop3A_367 = tpu.vector_load %arg9[%parallel_loop3A_365, %parallel_loop3A_366] {strides = array<i32>} : memref<40x64xi32, #tpu.memory_space<vmem>>, vector<1x16xi32>,
      %parallel_loop3A_368 = vector.shape_cast %parallel_loop3A_367 : vector<1x16xi32> to vector<16xi32>
      %parallel_loop3A_369 = vector.shape_cast %parallel_loop3A_364 : vector<16xi32> to vector<1x16xi32>
      tpu.vector_store %arg9[%parallel_loop3A_365, %parallel_loop3A_366], %parallel_loop3A_369 {strides = array<i32>} : memref<40x64xi32, #tpu.memory_space<vmem>>, vector<1x16xi32>,
      %parallel_loop3A_370 = arith.index_cast %parallel_loop3A_271 : i32 to index
      %parallel_loop3A_371 = arith.constant 32 : index
      %parallel_loop3A_372 = tpu.vector_load %arg11[%parallel_loop3A_370, %parallel_loop3A_371] {strides = array<i32>} : memref<40x64xi32, #tpu.memory_space<vmem>>, vector<1x16xi32>,
      %parallel_loop3A_373 = vector.shape_cast %parallel_loop3A_372 : vector<1x16xi32> to vector<16xi32>
      %parallel_loop3A_374 = arith.constant 2 : i32
      %parallel_loop3A_375 = vector.broadcast %parallel_loop3A_374 : i32 to vector<16xi32>
      %parallel_loop3A_376 = arith.muli %parallel_loop3A_373, %parallel_loop3A_375 : vector<16xi32>
      %parallel_loop3A_377 = vector.broadcast %arg0 : i32 to vector<16xi32>
      %parallel_loop3A_378 = arith.addi %parallel_loop3A_376, %parallel_loop3A_377 : vector<16xi32>
      %parallel_loop3A_379 = arith.constant 36 : i32
      %parallel_loop3A_380 = arith.muli %arg1, %parallel_loop3A_379 : i32
      %parallel_loop3A_381 = vector.broadcast %parallel_loop3A_380 : i32 to vector<16xi32>
      %parallel_loop3A_382 = arith.addi %parallel_loop3A_378, %parallel_loop3A_381 : vector<16xi32>
      %parallel_loop3A_383 = arith.constant 576 : i32
      %parallel_loop3A_384 = arith.muli %arg0, %parallel_loop3A_383 : i32
      %parallel_loop3A_385 = vector.broadcast %parallel_loop3A_384 : i32 to vector<16xi32>
      %parallel_loop3A_386 = arith.addi %parallel_loop3A_382, %parallel_loop3A_385 : vector<16xi32>
      %parallel_loop3A_387 = arith.constant 1 : i32
      %parallel_loop3A_388 = arith.andi %parallel_loop3A_271, %parallel_loop3A_387 : i32
      %parallel_loop3A_389 = arith.constant 1152 : i32
      %parallel_loop3A_390 = arith.muli %parallel_loop3A_388, %parallel_loop3A_389 : i32
      %parallel_loop3A_391 = vector.broadcast %parallel_loop3A_390 : i32 to vector<16xi32>
      %parallel_loop3A_392 = arith.addi %parallel_loop3A_386, %parallel_loop3A_391 : vector<16xi32>
      %parallel_loop3A_393 = arith.index_cast %parallel_loop3A_271 : i32 to index
      %parallel_loop3A_394 = arith.constant 32 : index
      %parallel_loop3A_395 = tpu.vector_load %arg11[%parallel_loop3A_393, %parallel_loop3A_394] {strides = array<i32>} : memref<40x64xi32, #tpu.memory_space<vmem>>, vector<1x16xi32>,
      %parallel_loop3A_396 = vector.shape_cast %parallel_loop3A_395 : vector<1x16xi32> to vector<16xi32>
      %parallel_loop3A_397 = vector.shape_cast %parallel_loop3A_392 : vector<16xi32> to vector<1x16xi32>
      tpu.vector_store %arg11[%parallel_loop3A_393, %parallel_loop3A_394], %parallel_loop3A_397 {strides = array<i32>} : memref<40x64xi32, #tpu.memory_space<vmem>>, vector<1x16xi32>,
      %parallel_loop3A_398 = arith.index_cast %parallel_loop3A_271 : i32 to index
      %parallel_loop3A_399 = arith.constant 48 : index
      %parallel_loop3A_400 = tpu.vector_load %arg9[%parallel_loop3A_398, %parallel_loop3A_399] {strides = array<i32>} : memref<40x64xi32, #tpu.memory_space<vmem>>, vector<1x16xi32>,
      %parallel_loop3A_401 = vector.shape_cast %parallel_loop3A_400 : vector<1x16xi32> to vector<16xi32>
      %parallel_loop3A_402 = arith.constant 2 : i32
      %parallel_loop3A_403 = vector.broadcast %parallel_loop3A_402 : i32 to vector<16xi32>
      %parallel_loop3A_404 = arith.muli %parallel_loop3A_401, %parallel_loop3A_403 : vector<16xi32>
      %parallel_loop3A_405 = vector.broadcast %arg0 : i32 to vector<16xi32>
      %parallel_loop3A_406 = arith.addi %parallel_loop3A_404, %parallel_loop3A_405 : vector<16xi32>
      %parallel_loop3A_407 = arith.index_cast %parallel_loop3A_271 : i32 to index
      %parallel_loop3A_408 = arith.constant 48 : index
      %parallel_loop3A_409 = tpu.vector_load %arg9[%parallel_loop3A_407, %parallel_loop3A_408] {strides = array<i32>} : memref<40x64xi32, #tpu.memory_space<vmem>>, vector<1x16xi32>,
      %parallel_loop3A_410 = vector.shape_cast %parallel_loop3A_409 : vector<1x16xi32> to vector<16xi32>
      %parallel_loop3A_411 = vector.shape_cast %parallel_loop3A_406 : vector<16xi32> to vector<1x16xi32>
      tpu.vector_store %arg9[%parallel_loop3A_407, %parallel_loop3A_408], %parallel_loop3A_411 {strides = array<i32>} : memref<40x64xi32, #tpu.memory_space<vmem>>, vector<1x16xi32>,
      %parallel_loop3A_412 = arith.index_cast %parallel_loop3A_271 : i32 to index
      %parallel_loop3A_413 = arith.constant 48 : index
      %parallel_loop3A_414 = tpu.vector_load %arg11[%parallel_loop3A_412, %parallel_loop3A_413] {strides = array<i32>} : memref<40x64xi32, #tpu.memory_space<vmem>>, vector<1x16xi32>,
      %parallel_loop3A_415 = vector.shape_cast %parallel_loop3A_414 : vector<1x16xi32> to vector<16xi32>
      %parallel_loop3A_416 = arith.constant 2 : i32
      %parallel_loop3A_417 = vector.broadcast %parallel_loop3A_416 : i32 to vector<16xi32>
      %parallel_loop3A_418 = arith.muli %parallel_loop3A_415, %parallel_loop3A_417 : vector<16xi32>
      %parallel_loop3A_419 = vector.broadcast %arg0 : i32 to vector<16xi32>
      %parallel_loop3A_420 = arith.addi %parallel_loop3A_418, %parallel_loop3A_419 : vector<16xi32>
      %parallel_loop3A_421 = arith.constant 36 : i32
      %parallel_loop3A_422 = arith.muli %arg1, %parallel_loop3A_421 : i32
      %parallel_loop3A_423 = vector.broadcast %parallel_loop3A_422 : i32 to vector<16xi32>
      %parallel_loop3A_424 = arith.addi %parallel_loop3A_420, %parallel_loop3A_423 : vector<16xi32>
      %parallel_loop3A_425 = arith.constant 576 : i32
      %parallel_loop3A_426 = arith.muli %arg0, %parallel_loop3A_425 : i32
      %parallel_loop3A_427 = vector.broadcast %parallel_loop3A_426 : i32 to vector<16xi32>
      %parallel_loop3A_428 = arith.addi %parallel_loop3A_424, %parallel_loop3A_427 : vector<16xi32>
      %parallel_loop3A_429 = arith.constant 1 : i32
      %parallel_loop3A_430 = arith.andi %parallel_loop3A_271, %parallel_loop3A_429 : i32
      %parallel_loop3A_431 = arith.constant 1152 : i32
      %parallel_loop3A_432 = arith.muli %parallel_loop3A_430, %parallel_loop3A_431 : i32
      %parallel_loop3A_433 = vector.broadcast %parallel_loop3A_432 : i32 to vector<16xi32>
      %parallel_loop3A_434 = arith.addi %parallel_loop3A_428, %parallel_loop3A_433 : vector<16xi32>
      %parallel_loop3A_435 = arith.index_cast %parallel_loop3A_271 : i32 to index
      %parallel_loop3A_436 = arith.constant 48 : index
      %parallel_loop3A_437 = tpu.vector_load %arg11[%parallel_loop3A_435, %parallel_loop3A_436] {strides = array<i32>} : memref<40x64xi32, #tpu.memory_space<vmem>>, vector<1x16xi32>,
      %parallel_loop3A_438 = vector.shape_cast %parallel_loop3A_437 : vector<1x16xi32> to vector<16xi32>
      %parallel_loop3A_439 = vector.shape_cast %parallel_loop3A_434 : vector<16xi32> to vector<1x16xi32>
      tpu.vector_store %arg11[%parallel_loop3A_435, %parallel_loop3A_436], %parallel_loop3A_439 {strides = array<i32>} : memref<40x64xi32, #tpu.memory_space<vmem>>, vector<1x16xi32>,
    } {sc.loop_unroll_factor = 4 : i64, sc.parallel_access}
    %dma_start3A_122 = arith.constant 0 : i32
    %dma_start3A_123 = arith.constant 0 : i32
    %dma_start3A_124 = tpu.memref_slice %arg9[%dma_start3A_122, %dma_start3A_123] : memref<40x64xi32, #tpu.memory_space<vmem>> -> memref<1x64xi32, #tpu.memory_space<vmem>>
    %dma_start3A_125 = tpu.memref_squeeze %dma_start3A_124 : memref<1x64xi32, #tpu.memory_space<vmem>> -> memref<64xi32, #tpu.memory_space<vmem>>
    %dma_start3A_126 = arith.constant 0 : i32
    %dma_start3A_127 = arith.constant 0 : i32
    %dma_start3A_128 = tpu.memref_slice %arg2[%dma_start3A_126, %dma_start3A_127] : memref<20000x128xf32, #tpu.memory_space<hbm>> -> memref<20000x128xf32, #tpu.memory_space<hbm>>
    tpu.enqueue_indirect_dma source(%dma_start3A_128 : memref<20000x128xf32, #tpu.memory_space<hbm>>) target(%arg12 : memref<64x128xf32, #tpu.memory_space<vmem>>) offsets(%dma_start3A_125 : memref<64xi32, #tpu.memory_space<vmem>>) semaphore(%arg16 : memref<!tpu.dma_semaphore, #tpu.memory_space<semaphore_mem>>)
    %dma_start3A_129 = arith.constant 0 : i32
    %dma_start3A_130 = arith.constant 0 : i32
    %dma_start3A_131 = tpu.memref_slice %arg11[%dma_start3A_129, %dma_start3A_130] : memref<40x64xi32, #tpu.memory_space<vmem>> -> memref<1x64xi32, #tpu.memory_space<vmem>>
    %dma_start3A_132 = tpu.memref_squeeze %dma_start3A_131 : memref<1x64xi32, #tpu.memory_space<vmem>> -> memref<64xi32, #tpu.memory_space<vmem>>
    %dma_start3A_133 = arith.constant 0 : i32
    %dma_start3A_134 = arith.constant 0 : i32
    %dma_start3A_135 = tpu.memref_slice %arg6[%dma_start3A_133, %dma_start3A_134] : memref<2304x128xf32, #tpu.memory_space<hbm>> -> memref<2304x128xf32, #tpu.memory_space<hbm>>
    tpu.enqueue_indirect_dma source(%dma_start3A_135 : memref<2304x128xf32, #tpu.memory_space<hbm>>) target(%arg14 : memref<64x128xf32, #tpu.memory_space<vmem>>) offsets(%dma_start3A_132 : memref<64xi32, #tpu.memory_space<vmem>>) semaphore(%arg16 : memref<!tpu.dma_semaphore, #tpu.memory_space<semaphore_mem>>)
    %dma_start3A_136 = arith.constant 1 : i32
    %dma_start3A_137 = arith.constant 0 : i32
    %dma_start3A_138 = tpu.memref_slice %arg9[%dma_start3A_136, %dma_start3A_137] : memref<40x64xi32, #tpu.memory_space<vmem>> -> memref<1x64xi32, #tpu.memory_space<vmem>>
    %dma_start3A_139 = tpu.memref_squeeze %dma_start3A_138 : memref<1x64xi32, #tpu.memory_space<vmem>> -> memref<64xi32, #tpu.memory_space<vmem>>
    %dma_start3A_140 = arith.constant 0 : i32
    %dma_start3A_141 = arith.constant 0 : i32
    %dma_start3A_142 = tpu.memref_slice %arg2[%dma_start3A_140, %dma_start3A_141] : memref<20000x128xf32, #tpu.memory_space<hbm>> -> memref<20000x128xf32, #tpu.memory_space<hbm>>
    tpu.enqueue_indirect_dma source(%dma_start3A_142 : memref<20000x128xf32, #tpu.memory_space<hbm>>) target(%arg13 : memref<64x128xf32, #tpu.memory_space<vmem>>) offsets(%dma_start3A_139 : memref<64xi32, #tpu.memory_space<vmem>>) semaphore(%arg17 : memref<!tpu.dma_semaphore, #tpu.memory_space<semaphore_mem>>)
    %dma_start3A_143 = arith.constant 1 : i32
    %dma_start3A_144 = arith.constant 0 : i32
    %dma_start3A_145 = tpu.memref_slice %arg11[%dma_start3A_143, %dma_start3A_144] : memref<40x64xi32, #tpu.memory_space<vmem>> -> memref<1x64xi32, #tpu.memory_space<vmem>>
    %dma_start3A_146 = tpu.memref_squeeze %dma_start3A_145 : memref<1x64xi32, #tpu.memory_space<vmem>> -> memref<64xi32, #tpu.memory_space<vmem>>
    %dma_start3A_147 = arith.constant 0 : i32
    %dma_start3A_148 = arith.constant 0 : i32
    %dma_start3A_149 = tpu.memref_slice %arg6[%dma_start3A_147, %dma_start3A_148] : memref<2304x128xf32, #tpu.memory_space<hbm>> -> memref<2304x128xf32, #tpu.memory_space<hbm>>
    tpu.enqueue_indirect_dma source(%dma_start3A_149 : memref<2304x128xf32, #tpu.memory_space<hbm>>) target(%arg15 : memref<64x128xf32, #tpu.memory_space<vmem>>) offsets(%dma_start3A_146 : memref<64xi32, #tpu.memory_space<vmem>>) semaphore(%arg17 : memref<!tpu.dma_semaphore, #tpu.memory_space<semaphore_mem>>)
    %scan3A = arith.constant 0 : i32
    %scan3A_150 = arith.constant 0 : i32
    %scan3A_151 = arith.constant 20 : i32
    %scan3A_152 = arith.addi %scan3A_150, %scan3A_151 : i32
    %scan3A_153 = arith.constant 1 : i32
    scf.for %scan3A_271 = %scan3A_150 to %scan3A_152 step %scan3A_153  : i32 {
      %mul3A_272 = arith.constant 2 : i32
      %mul3A_273 = arith.muli %scan3A_271, %mul3A_272 : i32
      %add3A_274 = arith.constant 0 : i32
      %add3A_275 = arith.addi %mul3A_273, %add3A_274 : i32
      %dma_wait3A_276 = arith.constant 0 : i32
      %dma_wait3A_277 = tpu.memref_slice %arg9[%add3A_275, %dma_wait3A_276] : memref<40x64xi32, #tpu.memory_space<vmem>> -> memref<1x64xi32, #tpu.memory_space<vmem>>
      %dma_wait3A_278 = tpu.memref_squeeze %dma_wait3A_277 : memref<1x64xi32, #tpu.memory_space<vmem>> -> memref<64xi32, #tpu.memory_space<vmem>>
      %dma_wait3A_279 = arith.constant 0 : i32
      %dma_wait3A_280 = arith.constant 0 : i32
      %dma_wait3A_281 = tpu.memref_slice %arg2[%dma_wait3A_279, %dma_wait3A_280] : memref<20000x128xf32, #tpu.memory_space<hbm>> -> memref<20000x128xf32, #tpu.memory_space<hbm>>
      tpu.wait_indirect_dma semaphore(%arg16 : memref<!tpu.dma_semaphore, #tpu.memory_space<semaphore_mem>>) src(%dma_wait3A_281 : memref<20000x128xf32, #tpu.memory_space<hbm>>) dst(%arg12 : memref<64x128xf32, #tpu.memory_space<vmem>>)
      %dma_wait3A_282 = arith.constant 0 : i32
      %dma_wait3A_283 = tpu.memref_slice %arg9[%add3A_275, %dma_wait3A_282] : memref<40x64xi32, #tpu.memory_space<vmem>> -> memref<1x64xi32, #tpu.memory_space<vmem>>
      %dma_wait3A_284 = tpu.memref_squeeze %dma_wait3A_283 : memref<1x64xi32, #tpu.memory_space<vmem>> -> memref<64xi32, #tpu.memory_space<vmem>>
      %dma_wait3A_285 = arith.constant 0 : i32
      %dma_wait3A_286 = arith.constant 0 : i32
      %dma_wait3A_287 = tpu.memref_slice %arg2[%dma_wait3A_285, %dma_wait3A_286] : memref<20000x128xf32, #tpu.memory_space<hbm>> -> memref<20000x128xf32, #tpu.memory_space<hbm>>
      tpu.wait_indirect_dma semaphore(%arg16 : memref<!tpu.dma_semaphore, #tpu.memory_space<semaphore_mem>>) src(%dma_wait3A_287 : memref<20000x128xf32, #tpu.memory_space<hbm>>) dst(%arg14 : memref<64x128xf32, #tpu.memory_space<vmem>>)
      %parallel_loop3A_288 = arith.constant 0 : i32
      %parallel_loop3A_289 = arith.constant 64 : i32
      %parallel_loop3A_290 = arith.constant 1 : i32
      scf.for %parallel_loop3A_321 = %parallel_loop3A_288 to %parallel_loop3A_289 step %parallel_loop3A_290  : i32 {
        %parallel_loop3A_322 = arith.index_cast %parallel_loop3A_321 : i32 to index
        %parallel_loop3A_323 = arith.constant 0 : index
        %parallel_loop3A_324 = tpu.vector_load %arg12[%parallel_loop3A_322, %parallel_loop3A_323] {strides = array<i32>} : memref<64x128xf32, #tpu.memory_space<vmem>>, vector<1x16xf32>,
        %parallel_loop3A_325 = vector.shape_cast %parallel_loop3A_324 : vector<1x16xf32> to vector<16xf32>
        %parallel_loop3A_326 = arith.index_cast %parallel_loop3A_321 : i32 to index
        %parallel_loop3A_327 = arith.constant 0 : index
        %parallel_loop3A_328 = tpu.vector_load %arg14[%parallel_loop3A_326, %parallel_loop3A_327] {strides = array<i32>} : memref<64x128xf32, #tpu.memory_space<vmem>>, vector<1x16xf32>,
        %parallel_loop3A_329 = vector.shape_cast %parallel_loop3A_328 : vector<1x16xf32> to vector<16xf32>
        %parallel_loop3A_330 = arith.mulf %parallel_loop3A_325, %parallel_loop3A_329 : vector<16xf32>
        %parallel_loop3A_331 = arith.index_cast %parallel_loop3A_321 : i32 to index
        %parallel_loop3A_332 = arith.constant 0 : index
        %parallel_loop3A_333 = tpu.vector_load %arg12[%parallel_loop3A_331, %parallel_loop3A_332] {strides = array<i32>} : memref<64x128xf32, #tpu.memory_space<vmem>>, vector<1x16xf32>,
        %parallel_loop3A_334 = vector.shape_cast %parallel_loop3A_333 : vector<1x16xf32> to vector<16xf32>
        %parallel_loop3A_335 = vector.shape_cast %parallel_loop3A_330 : vector<16xf32> to vector<1x16xf32>
        tpu.vector_store %arg12[%parallel_loop3A_331, %parallel_loop3A_332], %parallel_loop3A_335 {strides = array<i32>} : memref<64x128xf32, #tpu.memory_space<vmem>>, vector<1x16xf32>,
        %parallel_loop3A_336 = arith.index_cast %parallel_loop3A_321 : i32 to index
        %parallel_loop3A_337 = arith.constant 16 : index
        %parallel_loop3A_338 = tpu.vector_load %arg12[%parallel_loop3A_336, %parallel_loop3A_337] {strides = array<i32>} : memref<64x128xf32, #tpu.memory_space<vmem>>, vector<1x16xf32>,
        %parallel_loop3A_339 = vector.shape_cast %parallel_loop3A_338 : vector<1x16xf32> to vector<16xf32>
        %parallel_loop3A_340 = arith.index_cast %parallel_loop3A_321 : i32 to index
        %parallel_loop3A_341 = arith.constant 16 : index
        %parallel_loop3A_342 = tpu.vector_load %arg14[%parallel_loop3A_340, %parallel_loop3A_341] {strides = array<i32>} : memref<64x128xf32, #tpu.memory_space<vmem>>, vector<1x16xf32>,
        %parallel_loop3A_343 = vector.shape_cast %parallel_loop3A_342 : vector<1x16xf32> to vector<16xf32>
        %parallel_loop3A_344 = arith.mulf %parallel_loop3A_339, %parallel_loop3A_343 : vector<16xf32>
        %parallel_loop3A_345 = arith.index_cast %parallel_loop3A_321 : i32 to index
        %parallel_loop3A_346 = arith.constant 16 : index
        %parallel_loop3A_347 = tpu.vector_load %arg12[%parallel_loop3A_345, %parallel_loop3A_346] {strides = array<i32>} : memref<64x128xf32, #tpu.memory_space<vmem>>, vector<1x16xf32>,
        %parallel_loop3A_348 = vector.shape_cast %parallel_loop3A_347 : vector<1x16xf32> to vector<16xf32>
        %parallel_loop3A_349 = vector.shape_cast %parallel_loop3A_344 : vector<16xf32> to vector<1x16xf32>
        tpu.vector_store %arg12[%parallel_loop3A_345, %parallel_loop3A_346], %parallel_loop3A_349 {strides = array<i32>} : memref<64x128xf32, #tpu.memory_space<vmem>>, vector<1x16xf32>,
        %parallel_loop3A_350 = arith.index_cast %parallel_loop3A_321 : i32 to index
        %parallel_loop3A_351 = arith.constant 32 : index
        %parallel_loop3A_352 = tpu.vector_load %arg12[%parallel_loop3A_350, %parallel_loop3A_351] {strides = array<i32>} : memref<64x128xf32, #tpu.memory_space<vmem>>, vector<1x16xf32>,
        %parallel_loop3A_353 = vector.shape_cast %parallel_loop3A_352 : vector<1x16xf32> to vector<16xf32>
        %parallel_loop3A_354 = arith.index_cast %parallel_loop3A_321 : i32 to index
        %parallel_loop3A_355 = arith.constant 32 : index
        %parallel_loop3A_356 = tpu.vector_load %arg14[%parallel_loop3A_354, %parallel_loop3A_355] {strides = array<i32>} : memref<64x128xf32, #tpu.memory_space<vmem>>, vector<1x16xf32>,
        %parallel_loop3A_357 = vector.shape_cast %parallel_loop3A_356 : vector<1x16xf32> to vector<16xf32>
        %parallel_loop3A_358 = arith.mulf %parallel_loop3A_353, %parallel_loop3A_357 : vector<16xf32>
        %parallel_loop3A_359 = arith.index_cast %parallel_loop3A_321 : i32 to index
        %parallel_loop3A_360 = arith.constant 32 : index
        %parallel_loop3A_361 = tpu.vector_load %arg12[%parallel_loop3A_359, %parallel_loop3A_360] {strides = array<i32>} : memref<64x128xf32, #tpu.memory_space<vmem>>, vector<1x16xf32>,
        %parallel_loop3A_362 = vector.shape_cast %parallel_loop3A_361 : vector<1x16xf32> to vector<16xf32>
        %parallel_loop3A_363 = vector.shape_cast %parallel_loop3A_358 : vector<16xf32> to vector<1x16xf32>
        tpu.vector_store %arg12[%parallel_loop3A_359, %parallel_loop3A_360], %parallel_loop3A_363 {strides = array<i32>} : memref<64x128xf32, #tpu.memory_space<vmem>>, vector<1x16xf32>,
        %parallel_loop3A_364 = arith.index_cast %parallel_loop3A_321 : i32 to index
        %parallel_loop3A_365 = arith.constant 48 : index
        %parallel_loop3A_366 = tpu.vector_load %arg12[%parallel_loop3A_364, %parallel_loop3A_365] {strides = array<i32>} : memref<64x128xf32, #tpu.memory_space<vmem>>, vector<1x16xf32>,
        %parallel_loop3A_367 = vector.shape_cast %parallel_loop3A_366 : vector<1x16xf32> to vector<16xf32>
        %parallel_loop3A_368 = arith.index_cast %parallel_loop3A_321 : i32 to index
        %parallel_loop3A_369 = arith.constant 48 : index
        %parallel_loop3A_370 = tpu.vector_load %arg14[%parallel_loop3A_368, %parallel_loop3A_369] {strides = array<i32>} : memref<64x128xf32, #tpu.memory_space<vmem>>, vector<1x16xf32>,
        %parallel_loop3A_371 = vector.shape_cast %parallel_loop3A_370 : vector<1x16xf32> to vector<16xf32>
        %parallel_loop3A_372 = arith.mulf %parallel_loop3A_367, %parallel_loop3A_371 : vector<16xf32>
        %parallel_loop3A_373 = arith.index_cast %parallel_loop3A_321 : i32 to index
        %parallel_loop3A_374 = arith.constant 48 : index
        %parallel_loop3A_375 = tpu.vector_load %arg12[%parallel_loop3A_373, %parallel_loop3A_374] {strides = array<i32>} : memref<64x128xf32, #tpu.memory_space<vmem>>, vector<1x16xf32>,
        %parallel_loop3A_376 = vector.shape_cast %parallel_loop3A_375 : vector<1x16xf32> to vector<16xf32>
        %parallel_loop3A_377 = vector.shape_cast %parallel_loop3A_372 : vector<16xf32> to vector<1x16xf32>
        tpu.vector_store %arg12[%parallel_loop3A_373, %parallel_loop3A_374], %parallel_loop3A_377 {strides = array<i32>} : memref<64x128xf32, #tpu.memory_space<vmem>>, vector<1x16xf32>,
        %parallel_loop3A_378 = arith.index_cast %parallel_loop3A_321 : i32 to index
        %parallel_loop3A_379 = arith.constant 64 : index
        %parallel_loop3A_380 = tpu.vector_load %arg12[%parallel_loop3A_378, %parallel_loop3A_379] {strides = array<i32>} : memref<64x128xf32, #tpu.memory_space<vmem>>, vector<1x16xf32>,
        %parallel_loop3A_381 = vector.shape_cast %parallel_loop3A_380 : vector<1x16xf32> to vector<16xf32>
        %parallel_loop3A_382 = arith.index_cast %parallel_loop3A_321 : i32 to index
        %parallel_loop3A_383 = arith.constant 64 : index
        %parallel_loop3A_384 = tpu.vector_load %arg14[%parallel_loop3A_382, %parallel_loop3A_383] {strides = array<i32>} : memref<64x128xf32, #tpu.memory_space<vmem>>, vector<1x16xf32>,
        %parallel_loop3A_385 = vector.shape_cast %parallel_loop3A_384 : vector<1x16xf32> to vector<16xf32>
        %parallel_loop3A_386 = arith.mulf %parallel_loop3A_381, %parallel_loop3A_385 : vector<16xf32>
        %parallel_loop3A_387 = arith.index_cast %parallel_loop3A_321 : i32 to index
        %parallel_loop3A_388 = arith.constant 64 : index
        %parallel_loop3A_389 = tpu.vector_load %arg12[%parallel_loop3A_387, %parallel_loop3A_388] {strides = array<i32>} : memref<64x128xf32, #tpu.memory_space<vmem>>, vector<1x16xf32>,
        %parallel_loop3A_390 = vector.shape_cast %parallel_loop3A_389 : vector<1x16xf32> to vector<16xf32>
        %parallel_loop3A_391 = vector.shape_cast %parallel_loop3A_386 : vector<16xf32> to vector<1x16xf32>
        tpu.vector_store %arg12[%parallel_loop3A_387, %parallel_loop3A_388], %parallel_loop3A_391 {strides = array<i32>} : memref<64x128xf32, #tpu.memory_space<vmem>>, vector<1x16xf32>,
        %parallel_loop3A_392 = arith.index_cast %parallel_loop3A_321 : i32 to index
        %parallel_loop3A_393 = arith.constant 80 : index
        %parallel_loop3A_394 = tpu.vector_load %arg12[%parallel_loop3A_392, %parallel_loop3A_393] {strides = array<i32>} : memref<64x128xf32, #tpu.memory_space<vmem>>, vector<1x16xf32>,
        %parallel_loop3A_395 = vector.shape_cast %parallel_loop3A_394 : vector<1x16xf32> to vector<16xf32>
        %parallel_loop3A_396 = arith.index_cast %parallel_loop3A_321 : i32 to index
        %parallel_loop3A_397 = arith.constant 80 : index
        %parallel_loop3A_398 = tpu.vector_load %arg14[%parallel_loop3A_396, %parallel_loop3A_397] {strides = array<i32>} : memref<64x128xf32, #tpu.memory_space<vmem>>, vector<1x16xf32>,
        %parallel_loop3A_399 = vector.shape_cast %parallel_loop3A_398 : vector<1x16xf32> to vector<16xf32>
        %parallel_loop3A_400 = arith.mulf %parallel_loop3A_395, %parallel_loop3A_399 : vector<16xf32>
        %parallel_loop3A_401 = arith.index_cast %parallel_loop3A_321 : i32 to index
        %parallel_loop3A_402 = arith.constant 80 : index
        %parallel_loop3A_403 = tpu.vector_load %arg12[%parallel_loop3A_401, %parallel_loop3A_402] {strides = array<i32>} : memref<64x128xf32, #tpu.memory_space<vmem>>, vector<1x16xf32>,
        %parallel_loop3A_404 = vector.shape_cast %parallel_loop3A_403 : vector<1x16xf32> to vector<16xf32>
        %parallel_loop3A_405 = vector.shape_cast %parallel_loop3A_400 : vector<16xf32> to vector<1x16xf32>
        tpu.vector_store %arg12[%parallel_loop3A_401, %parallel_loop3A_402], %parallel_loop3A_405 {strides = array<i32>} : memref<64x128xf32, #tpu.memory_space<vmem>>, vector<1x16xf32>,
        %parallel_loop3A_406 = arith.index_cast %parallel_loop3A_321 : i32 to index
        %parallel_loop3A_407 = arith.constant 96 : index
        %parallel_loop3A_408 = tpu.vector_load %arg12[%parallel_loop3A_406, %parallel_loop3A_407] {strides = array<i32>} : memref<64x128xf32, #tpu.memory_space<vmem>>, vector<1x16xf32>,
        %parallel_loop3A_409 = vector.shape_cast %parallel_loop3A_408 : vector<1x16xf32> to vector<16xf32>
        %parallel_loop3A_410 = arith.index_cast %parallel_loop3A_321 : i32 to index
        %parallel_loop3A_411 = arith.constant 96 : index
        %parallel_loop3A_412 = tpu.vector_load %arg14[%parallel_loop3A_410, %parallel_loop3A_411] {strides = array<i32>} : memref<64x128xf32, #tpu.memory_space<vmem>>, vector<1x16xf32>,
        %parallel_loop3A_413 = vector.shape_cast %parallel_loop3A_412 : vector<1x16xf32> to vector<16xf32>
        %parallel_loop3A_414 = arith.mulf %parallel_loop3A_409, %parallel_loop3A_413 : vector<16xf32>
        %parallel_loop3A_415 = arith.index_cast %parallel_loop3A_321 : i32 to index
        %parallel_loop3A_416 = arith.constant 96 : index
        %parallel_loop3A_417 = tpu.vector_load %arg12[%parallel_loop3A_415, %parallel_loop3A_416] {strides = array<i32>} : memref<64x128xf32, #tpu.memory_space<vmem>>, vector<1x16xf32>,
        %parallel_loop3A_418 = vector.shape_cast %parallel_loop3A_417 : vector<1x16xf32> to vector<16xf32>
        %parallel_loop3A_419 = vector.shape_cast %parallel_loop3A_414 : vector<16xf32> to vector<1x16xf32>
        tpu.vector_store %arg12[%parallel_loop3A_415, %parallel_loop3A_416], %parallel_loop3A_419 {strides = array<i32>} : memref<64x128xf32, #tpu.memory_space<vmem>>, vector<1x16xf32>,
        %parallel_loop3A_420 = arith.index_cast %parallel_loop3A_321 : i32 to index
        %parallel_loop3A_421 = arith.constant 112 : index
        %parallel_loop3A_422 = tpu.vector_load %arg12[%parallel_loop3A_420, %parallel_loop3A_421] {strides = array<i32>} : memref<64x128xf32, #tpu.memory_space<vmem>>, vector<1x16xf32>,
        %parallel_loop3A_423 = vector.shape_cast %parallel_loop3A_422 : vector<1x16xf32> to vector<16xf32>
        %parallel_loop3A_424 = arith.index_cast %parallel_loop3A_321 : i32 to index
        %parallel_loop3A_425 = arith.constant 112 : index
        %parallel_loop3A_426 = tpu.vector_load %arg14[%parallel_loop3A_424, %parallel_loop3A_425] {strides = array<i32>} : memref<64x128xf32, #tpu.memory_space<vmem>>, vector<1x16xf32>,
        %parallel_loop3A_427 = vector.shape_cast %parallel_loop3A_426 : vector<1x16xf32> to vector<16xf32>
        %parallel_loop3A_428 = arith.mulf %parallel_loop3A_423, %parallel_loop3A_427 : vector<16xf32>
        %parallel_loop3A_429 = arith.index_cast %parallel_loop3A_321 : i32 to index
        %parallel_loop3A_430 = arith.constant 112 : index
        %parallel_loop3A_431 = tpu.vector_load %arg12[%parallel_loop3A_429, %parallel_loop3A_430] {strides = array<i32>} : memref<64x128xf32, #tpu.memory_space<vmem>>, vector<1x16xf32>,
        %parallel_loop3A_432 = vector.shape_cast %parallel_loop3A_431 : vector<1x16xf32> to vector<16xf32>
        %parallel_loop3A_433 = vector.shape_cast %parallel_loop3A_428 : vector<16xf32> to vector<1x16xf32>
        tpu.vector_store %arg12[%parallel_loop3A_429, %parallel_loop3A_430], %parallel_loop3A_433 {strides = array<i32>} : memref<64x128xf32, #tpu.memory_space<vmem>>, vector<1x16xf32>,
      } {sc.loop_unroll_factor = 4 : i64, sc.parallel_access}
      "tpu.region"() ({
        %run_scoped3A = tpu.sem_alloc : memref<!tpu.dma_semaphore, #tpu.memory_space<semaphore_mem>>
        %dma_start3A_321 = arith.constant 0 : i32
        %dma_start3A_322 = tpu.memref_slice %arg10[%add3A_275, %dma_start3A_321] : memref<40x64xi32, #tpu.memory_space<vmem>> -> memref<1x64xi32, #tpu.memory_space<vmem>>
        %dma_start3A_323 = tpu.memref_squeeze %dma_start3A_322 : memref<1x64xi32, #tpu.memory_space<vmem>> -> memref<64xi32, #tpu.memory_space<vmem>>
        %dma_start3A_324 = arith.constant 0 : i32
        %dma_start3A_325 = arith.constant 0 : i32
        %dma_start3A_326 = tpu.memref_slice %arg8[%dma_start3A_324, %dma_start3A_325] : memref<10240x128xf32, #tpu.memory_space<vmem_shared>> -> memref<10240x128xf32, #tpu.memory_space<vmem_shared>>
        tpu.enqueue_indirect_dma source(%arg12 : memref<64x128xf32, #tpu.memory_space<vmem>>) target(%dma_start3A_326 : memref<10240x128xf32, #tpu.memory_space<vmem_shared>>) offsets(%dma_start3A_323 : memref<64xi32, #tpu.memory_space<vmem>>) semaphore(%run_scoped3A : memref<!tpu.dma_semaphore, #tpu.memory_space<semaphore_mem>>) {add = true}
        %dma_wait3A_327 = arith.constant 0 : i32
        %dma_wait3A_328 = tpu.memref_slice %arg10[%add3A_275, %dma_wait3A_327] : memref<40x64xi32, #tpu.memory_space<vmem>> -> memref<1x64xi32, #tpu.memory_space<vmem>>
        %dma_wait3A_329 = tpu.memref_squeeze %dma_wait3A_328 : memref<1x64xi32, #tpu.memory_space<vmem>> -> memref<64xi32, #tpu.memory_space<vmem>>
        %dma_wait3A_330 = arith.constant 0 : i32
        %dma_wait3A_331 = arith.constant 0 : i32
        %dma_wait3A_332 = tpu.memref_slice %arg8[%dma_wait3A_330, %dma_wait3A_331] : memref<10240x128xf32, #tpu.memory_space<vmem_shared>> -> memref<10240x128xf32, #tpu.memory_space<vmem_shared>>
        tpu.wait_indirect_dma semaphore(%run_scoped3A : memref<!tpu.dma_semaphore, #tpu.memory_space<semaphore_mem>>) src(%arg12 : memref<64x128xf32, #tpu.memory_space<vmem>>) dst(%dma_wait3A_332 : memref<10240x128xf32, #tpu.memory_space<vmem_shared>>)
        tpu.yield
      }) : () -> ()
      %add3A_291 = arith.constant 2 : i32
      %add3A_292 = arith.addi %add3A_275, %add3A_291 : i32
      %lt3A = arith.constant 40 : i32
      %lt3A_293 = arith.cmpi slt, %add3A_292, %lt3A : i32
      %convert_element_type3A = arith.extui %lt3A_293 : i1 to i32
      %cond3A = arith.constant 0 : i32
      %cond3A_294 = arith.cmpi ne, %convert_element_type3A, %cond3A : i32
      scf.if %cond3A_294 {
        %add3A_321 = arith.constant 2 : i32
        %add3A_322 = arith.addi %add3A_275, %add3A_321 : i32
        %dma_start3A_323 = arith.constant 0 : i32
        %dma_start3A_324 = tpu.memref_slice %arg9[%add3A_322, %dma_start3A_323] : memref<40x64xi32, #tpu.memory_space<vmem>> -> memref<1x64xi32, #tpu.memory_space<vmem>>
        %dma_start3A_325 = tpu.memref_squeeze %dma_start3A_324 : memref<1x64xi32, #tpu.memory_space<vmem>> -> memref<64xi32, #tpu.memory_space<vmem>>
        %dma_start3A_326 = arith.constant 0 : i32
        %dma_start3A_327 = arith.constant 0 : i32
        %dma_start3A_328 = tpu.memref_slice %arg2[%dma_start3A_326, %dma_start3A_327] : memref<20000x128xf32, #tpu.memory_space<hbm>> -> memref<20000x128xf32, #tpu.memory_space<hbm>>
        tpu.enqueue_indirect_dma source(%dma_start3A_328 : memref<20000x128xf32, #tpu.memory_space<hbm>>) target(%arg12 : memref<64x128xf32, #tpu.memory_space<vmem>>) offsets(%dma_start3A_325 : memref<64xi32, #tpu.memory_space<vmem>>) semaphore(%arg16 : memref<!tpu.dma_semaphore, #tpu.memory_space<semaphore_mem>>)
        %add3A_329 = arith.constant 2 : i32
        %add3A_330 = arith.addi %add3A_275, %add3A_329 : i32
        %dma_start3A_331 = arith.constant 0 : i32
        %dma_start3A_332 = tpu.memref_slice %arg11[%add3A_330, %dma_start3A_331] : memref<40x64xi32, #tpu.memory_space<vmem>> -> memref<1x64xi32, #tpu.memory_space<vmem>>
        %dma_start3A_333 = tpu.memref_squeeze %dma_start3A_332 : memref<1x64xi32, #tpu.memory_space<vmem>> -> memref<64xi32, #tpu.memory_space<vmem>>
        %dma_start3A_334 = arith.constant 0 : i32
        %dma_start3A_335 = arith.constant 0 : i32
        %dma_start3A_336 = tpu.memref_slice %arg6[%dma_start3A_334, %dma_start3A_335] : memref<2304x128xf32, #tpu.memory_space<hbm>> -> memref<2304x128xf32, #tpu.memory_space<hbm>>
        tpu.enqueue_indirect_dma source(%dma_start3A_336 : memref<2304x128xf32, #tpu.memory_space<hbm>>) target(%arg14 : memref<64x128xf32, #tpu.memory_space<vmem>>) offsets(%dma_start3A_333 : memref<64xi32, #tpu.memory_space<vmem>>) semaphore(%arg16 : memref<!tpu.dma_semaphore, #tpu.memory_space<semaphore_mem>>)
      } else {
      }
      %mul3A_295 = arith.constant 2 : i32
      %mul3A_296 = arith.muli %scan3A_271, %mul3A_295 : i32
      %add3A_297 = arith.constant 1 : i32
      %add3A_298 = arith.addi %mul3A_296, %add3A_297 : i32
      %dma_wait3A_299 = arith.constant 0 : i32
      %dma_wait3A_300 = tpu.memref_slice %arg9[%add3A_298, %dma_wait3A_299] : memref<40x64xi32, #tpu.memory_space<vmem>> -> memref<1x64xi32, #tpu.memory_space<vmem>>
      %dma_wait3A_301 = tpu.memref_squeeze %dma_wait3A_300 : memref<1x64xi32, #tpu.memory_space<vmem>> -> memref<64xi32, #tpu.memory_space<vmem>>
      %dma_wait3A_302 = arith.constant 0 : i32
      %dma_wait3A_303 = arith.constant 0 : i32
      %dma_wait3A_304 = tpu.memref_slice %arg2[%dma_wait3A_302, %dma_wait3A_303] : memref<20000x128xf32, #tpu.memory_space<hbm>> -> memref<20000x128xf32, #tpu.memory_space<hbm>>
      tpu.wait_indirect_dma semaphore(%arg17 : memref<!tpu.dma_semaphore, #tpu.memory_space<semaphore_mem>>) src(%dma_wait3A_304 : memref<20000x128xf32, #tpu.memory_space<hbm>>) dst(%arg13 : memref<64x128xf32, #tpu.memory_space<vmem>>)
      %dma_wait3A_305 = arith.constant 0 : i32
      %dma_wait3A_306 = tpu.memref_slice %arg9[%add3A_298, %dma_wait3A_305] : memref<40x64xi32, #tpu.memory_space<vmem>> -> memref<1x64xi32, #tpu.memory_space<vmem>>
      %dma_wait3A_307 = tpu.memref_squeeze %dma_wait3A_306 : memref<1x64xi32, #tpu.memory_space<vmem>> -> memref<64xi32, #tpu.memory_space<vmem>>
      %dma_wait3A_308 = arith.constant 0 : i32
      %dma_wait3A_309 = arith.constant 0 : i32
      %dma_wait3A_310 = tpu.memref_slice %arg2[%dma_wait3A_308, %dma_wait3A_309] : memref<20000x128xf32, #tpu.memory_space<hbm>> -> memref<20000x128xf32, #tpu.memory_space<hbm>>
      tpu.wait_indirect_dma semaphore(%arg17 : memref<!tpu.dma_semaphore, #tpu.memory_space<semaphore_mem>>) src(%dma_wait3A_310 : memref<20000x128xf32, #tpu.memory_space<hbm>>) dst(%arg15 : memref<64x128xf32, #tpu.memory_space<vmem>>)
      %parallel_loop3A_311 = arith.constant 0 : i32
      %parallel_loop3A_312 = arith.constant 64 : i32
      %parallel_loop3A_313 = arith.constant 1 : i32
      scf.for %parallel_loop3A_321 = %parallel_loop3A_311 to %parallel_loop3A_312 step %parallel_loop3A_313  : i32 {
        %parallel_loop3A_322 = arith.index_cast %parallel_loop3A_321 : i32 to index
        %parallel_loop3A_323 = arith.constant 0 : index
        %parallel_loop3A_324 = tpu.vector_load %arg13[%parallel_loop3A_322, %parallel_loop3A_323] {strides = array<i32>} : memref<64x128xf32, #tpu.memory_space<vmem>>, vector<1x16xf32>,
        %parallel_loop3A_325 = vector.shape_cast %parallel_loop3A_324 : vector<1x16xf32> to vector<16xf32>
        %parallel_loop3A_326 = arith.index_cast %parallel_loop3A_321 : i32 to index
        %parallel_loop3A_327 = arith.constant 0 : index
        %parallel_loop3A_328 = tpu.vector_load %arg15[%parallel_loop3A_326, %parallel_loop3A_327] {strides = array<i32>} : memref<64x128xf32, #tpu.memory_space<vmem>>, vector<1x16xf32>,
        %parallel_loop3A_329 = vector.shape_cast %parallel_loop3A_328 : vector<1x16xf32> to vector<16xf32>
        %parallel_loop3A_330 = arith.mulf %parallel_loop3A_325, %parallel_loop3A_329 : vector<16xf32>
        %parallel_loop3A_331 = arith.index_cast %parallel_loop3A_321 : i32 to index
        %parallel_loop3A_332 = arith.constant 0 : index
        %parallel_loop3A_333 = tpu.vector_load %arg13[%parallel_loop3A_331, %parallel_loop3A_332] {strides = array<i32>} : memref<64x128xf32, #tpu.memory_space<vmem>>, vector<1x16xf32>,
        %parallel_loop3A_334 = vector.shape_cast %parallel_loop3A_333 : vector<1x16xf32> to vector<16xf32>
        %parallel_loop3A_335 = vector.shape_cast %parallel_loop3A_330 : vector<16xf32> to vector<1x16xf32>
        tpu.vector_store %arg13[%parallel_loop3A_331, %parallel_loop3A_332], %parallel_loop3A_335 {strides = array<i32>} : memref<64x128xf32, #tpu.memory_space<vmem>>, vector<1x16xf32>,
        %parallel_loop3A_336 = arith.index_cast %parallel_loop3A_321 : i32 to index
        %parallel_loop3A_337 = arith.constant 16 : index
        %parallel_loop3A_338 = tpu.vector_load %arg13[%parallel_loop3A_336, %parallel_loop3A_337] {strides = array<i32>} : memref<64x128xf32, #tpu.memory_space<vmem>>, vector<1x16xf32>,
        %parallel_loop3A_339 = vector.shape_cast %parallel_loop3A_338 : vector<1x16xf32> to vector<16xf32>
        %parallel_loop3A_340 = arith.index_cast %parallel_loop3A_321 : i32 to index
        %parallel_loop3A_341 = arith.constant 16 : index
        %parallel_loop3A_342 = tpu.vector_load %arg15[%parallel_loop3A_340, %parallel_loop3A_341] {strides = array<i32>} : memref<64x128xf32, #tpu.memory_space<vmem>>, vector<1x16xf32>,
        %parallel_loop3A_343 = vector.shape_cast %parallel_loop3A_342 : vector<1x16xf32> to vector<16xf32>
        %parallel_loop3A_344 = arith.mulf %parallel_loop3A_339, %parallel_loop3A_343 : vector<16xf32>
        %parallel_loop3A_345 = arith.index_cast %parallel_loop3A_321 : i32 to index
        %parallel_loop3A_346 = arith.constant 16 : index
        %parallel_loop3A_347 = tpu.vector_load %arg13[%parallel_loop3A_345, %parallel_loop3A_346] {strides = array<i32>} : memref<64x128xf32, #tpu.memory_space<vmem>>, vector<1x16xf32>,
        %parallel_loop3A_348 = vector.shape_cast %parallel_loop3A_347 : vector<1x16xf32> to vector<16xf32>
        %parallel_loop3A_349 = vector.shape_cast %parallel_loop3A_344 : vector<16xf32> to vector<1x16xf32>
        tpu.vector_store %arg13[%parallel_loop3A_345, %parallel_loop3A_346], %parallel_loop3A_349 {strides = array<i32>} : memref<64x128xf32, #tpu.memory_space<vmem>>, vector<1x16xf32>,
        %parallel_loop3A_350 = arith.index_cast %parallel_loop3A_321 : i32 to index
        %parallel_loop3A_351 = arith.constant 32 : index
        %parallel_loop3A_352 = tpu.vector_load %arg13[%parallel_loop3A_350, %parallel_loop3A_351] {strides = array<i32>} : memref<64x128xf32, #tpu.memory_space<vmem>>, vector<1x16xf32>,
        %parallel_loop3A_353 = vector.shape_cast %parallel_loop3A_352 : vector<1x16xf32> to vector<16xf32>
        %parallel_loop3A_354 = arith.index_cast %parallel_loop3A_321 : i32 to index
        %parallel_loop3A_355 = arith.constant 32 : index
        %parallel_loop3A_356 = tpu.vector_load %arg15[%parallel_loop3A_354, %parallel_loop3A_355] {strides = array<i32>} : memref<64x128xf32, #tpu.memory_space<vmem>>, vector<1x16xf32>,
        %parallel_loop3A_357 = vector.shape_cast %parallel_loop3A_356 : vector<1x16xf32> to vector<16xf32>
        %parallel_loop3A_358 = arith.mulf %parallel_loop3A_353, %parallel_loop3A_357 : vector<16xf32>
        %parallel_loop3A_359 = arith.index_cast %parallel_loop3A_321 : i32 to index
        %parallel_loop3A_360 = arith.constant 32 : index
        %parallel_loop3A_361 = tpu.vector_load %arg13[%parallel_loop3A_359, %parallel_loop3A_360] {strides = array<i32>} : memref<64x128xf32, #tpu.memory_space<vmem>>, vector<1x16xf32>,
        %parallel_loop3A_362 = vector.shape_cast %parallel_loop3A_361 : vector<1x16xf32> to vector<16xf32>
        %parallel_loop3A_363 = vector.shape_cast %parallel_loop3A_358 : vector<16xf32> to vector<1x16xf32>
        tpu.vector_store %arg13[%parallel_loop3A_359, %parallel_loop3A_360], %parallel_loop3A_363 {strides = array<i32>} : memref<64x128xf32, #tpu.memory_space<vmem>>, vector<1x16xf32>,
        %parallel_loop3A_364 = arith.index_cast %parallel_loop3A_321 : i32 to index
        %parallel_loop3A_365 = arith.constant 48 : index
        %parallel_loop3A_366 = tpu.vector_load %arg13[%parallel_loop3A_364, %parallel_loop3A_365] {strides = array<i32>} : memref<64x128xf32, #tpu.memory_space<vmem>>, vector<1x16xf32>,
        %parallel_loop3A_367 = vector.shape_cast %parallel_loop3A_366 : vector<1x16xf32> to vector<16xf32>
        %parallel_loop3A_368 = arith.index_cast %parallel_loop3A_321 : i32 to index
        %parallel_loop3A_369 = arith.constant 48 : index
        %parallel_loop3A_370 = tpu.vector_load %arg15[%parallel_loop3A_368, %parallel_loop3A_369] {strides = array<i32>} : memref<64x128xf32, #tpu.memory_space<vmem>>, vector<1x16xf32>,
        %parallel_loop3A_371 = vector.shape_cast %parallel_loop3A_370 : vector<1x16xf32> to vector<16xf32>
        %parallel_loop3A_372 = arith.mulf %parallel_loop3A_367, %parallel_loop3A_371 : vector<16xf32>
        %parallel_loop3A_373 = arith.index_cast %parallel_loop3A_321 : i32 to index
        %parallel_loop3A_374 = arith.constant 48 : index
        %parallel_loop3A_375 = tpu.vector_load %arg13[%parallel_loop3A_373, %parallel_loop3A_374] {strides = array<i32>} : memref<64x128xf32, #tpu.memory_space<vmem>>, vector<1x16xf32>,
        %parallel_loop3A_376 = vector.shape_cast %parallel_loop3A_375 : vector<1x16xf32> to vector<16xf32>
        %parallel_loop3A_377 = vector.shape_cast %parallel_loop3A_372 : vector<16xf32> to vector<1x16xf32>
        tpu.vector_store %arg13[%parallel_loop3A_373, %parallel_loop3A_374], %parallel_loop3A_377 {strides = array<i32>} : memref<64x128xf32, #tpu.memory_space<vmem>>, vector<1x16xf32>,
        %parallel_loop3A_378 = arith.index_cast %parallel_loop3A_321 : i32 to index
        %parallel_loop3A_379 = arith.constant 64 : index
        %parallel_loop3A_380 = tpu.vector_load %arg13[%parallel_loop3A_378, %parallel_loop3A_379] {strides = array<i32>} : memref<64x128xf32, #tpu.memory_space<vmem>>, vector<1x16xf32>,
        %parallel_loop3A_381 = vector.shape_cast %parallel_loop3A_380 : vector<1x16xf32> to vector<16xf32>
        %parallel_loop3A_382 = arith.index_cast %parallel_loop3A_321 : i32 to index
        %parallel_loop3A_383 = arith.constant 64 : index
        %parallel_loop3A_384 = tpu.vector_load %arg15[%parallel_loop3A_382, %parallel_loop3A_383] {strides = array<i32>} : memref<64x128xf32, #tpu.memory_space<vmem>>, vector<1x16xf32>,
        %parallel_loop3A_385 = vector.shape_cast %parallel_loop3A_384 : vector<1x16xf32> to vector<16xf32>
        %parallel_loop3A_386 = arith.mulf %parallel_loop3A_381, %parallel_loop3A_385 : vector<16xf32>
        %parallel_loop3A_387 = arith.index_cast %parallel_loop3A_321 : i32 to index
        %parallel_loop3A_388 = arith.constant 64 : index
        %parallel_loop3A_389 = tpu.vector_load %arg13[%parallel_loop3A_387, %parallel_loop3A_388] {strides = array<i32>} : memref<64x128xf32, #tpu.memory_space<vmem>>, vector<1x16xf32>,
        %parallel_loop3A_390 = vector.shape_cast %parallel_loop3A_389 : vector<1x16xf32> to vector<16xf32>
        %parallel_loop3A_391 = vector.shape_cast %parallel_loop3A_386 : vector<16xf32> to vector<1x16xf32>
        tpu.vector_store %arg13[%parallel_loop3A_387, %parallel_loop3A_388], %parallel_loop3A_391 {strides = array<i32>} : memref<64x128xf32, #tpu.memory_space<vmem>>, vector<1x16xf32>,
        %parallel_loop3A_392 = arith.index_cast %parallel_loop3A_321 : i32 to index
        %parallel_loop3A_393 = arith.constant 80 : index
        %parallel_loop3A_394 = tpu.vector_load %arg13[%parallel_loop3A_392, %parallel_loop3A_393] {strides = array<i32>} : memref<64x128xf32, #tpu.memory_space<vmem>>, vector<1x16xf32>,
        %parallel_loop3A_395 = vector.shape_cast %parallel_loop3A_394 : vector<1x16xf32> to vector<16xf32>
        %parallel_loop3A_396 = arith.index_cast %parallel_loop3A_321 : i32 to index
        %parallel_loop3A_397 = arith.constant 80 : index
        %parallel_loop3A_398 = tpu.vector_load %arg15[%parallel_loop3A_396, %parallel_loop3A_397] {strides = array<i32>} : memref<64x128xf32, #tpu.memory_space<vmem>>, vector<1x16xf32>,
        %parallel_loop3A_399 = vector.shape_cast %parallel_loop3A_398 : vector<1x16xf32> to vector<16xf32>
        %parallel_loop3A_400 = arith.mulf %parallel_loop3A_395, %parallel_loop3A_399 : vector<16xf32>
        %parallel_loop3A_401 = arith.index_cast %parallel_loop3A_321 : i32 to index
        %parallel_loop3A_402 = arith.constant 80 : index
        %parallel_loop3A_403 = tpu.vector_load %arg13[%parallel_loop3A_401, %parallel_loop3A_402] {strides = array<i32>} : memref<64x128xf32, #tpu.memory_space<vmem>>, vector<1x16xf32>,
        %parallel_loop3A_404 = vector.shape_cast %parallel_loop3A_403 : vector<1x16xf32> to vector<16xf32>
        %parallel_loop3A_405 = vector.shape_cast %parallel_loop3A_400 : vector<16xf32> to vector<1x16xf32>
        tpu.vector_store %arg13[%parallel_loop3A_401, %parallel_loop3A_402], %parallel_loop3A_405 {strides = array<i32>} : memref<64x128xf32, #tpu.memory_space<vmem>>, vector<1x16xf32>,
        %parallel_loop3A_406 = arith.index_cast %parallel_loop3A_321 : i32 to index
        %parallel_loop3A_407 = arith.constant 96 : index
        %parallel_loop3A_408 = tpu.vector_load %arg13[%parallel_loop3A_406, %parallel_loop3A_407] {strides = array<i32>} : memref<64x128xf32, #tpu.memory_space<vmem>>, vector<1x16xf32>,
        %parallel_loop3A_409 = vector.shape_cast %parallel_loop3A_408 : vector<1x16xf32> to vector<16xf32>
        %parallel_loop3A_410 = arith.index_cast %parallel_loop3A_321 : i32 to index
        %parallel_loop3A_411 = arith.constant 96 : index
        %parallel_loop3A_412 = tpu.vector_load %arg15[%parallel_loop3A_410, %parallel_loop3A_411] {strides = array<i32>} : memref<64x128xf32, #tpu.memory_space<vmem>>, vector<1x16xf32>,
        %parallel_loop3A_413 = vector.shape_cast %parallel_loop3A_412 : vector<1x16xf32> to vector<16xf32>
        %parallel_loop3A_414 = arith.mulf %parallel_loop3A_409, %parallel_loop3A_413 : vector<16xf32>
        %parallel_loop3A_415 = arith.index_cast %parallel_loop3A_321 : i32 to index
        %parallel_loop3A_416 = arith.constant 96 : index
        %parallel_loop3A_417 = tpu.vector_load %arg13[%parallel_loop3A_415, %parallel_loop3A_416] {strides = array<i32>} : memref<64x128xf32, #tpu.memory_space<vmem>>, vector<1x16xf32>,
        %parallel_loop3A_418 = vector.shape_cast %parallel_loop3A_417 : vector<1x16xf32> to vector<16xf32>
        %parallel_loop3A_419 = vector.shape_cast %parallel_loop3A_414 : vector<16xf32> to vector<1x16xf32>
        tpu.vector_store %arg13[%parallel_loop3A_415, %parallel_loop3A_416], %parallel_loop3A_419 {strides = array<i32>} : memref<64x128xf32, #tpu.memory_space<vmem>>, vector<1x16xf32>,
        %parallel_loop3A_420 = arith.index_cast %parallel_loop3A_321 : i32 to index
        %parallel_loop3A_421 = arith.constant 112 : index
        %parallel_loop3A_422 = tpu.vector_load %arg13[%parallel_loop3A_420, %parallel_loop3A_421] {strides = array<i32>} : memref<64x128xf32, #tpu.memory_space<vmem>>, vector<1x16xf32>,
        %parallel_loop3A_423 = vector.shape_cast %parallel_loop3A_422 : vector<1x16xf32> to vector<16xf32>
        %parallel_loop3A_424 = arith.index_cast %parallel_loop3A_321 : i32 to index
        %parallel_loop3A_425 = arith.constant 112 : index
        %parallel_loop3A_426 = tpu.vector_load %arg15[%parallel_loop3A_424, %parallel_loop3A_425] {strides = array<i32>} : memref<64x128xf32, #tpu.memory_space<vmem>>, vector<1x16xf32>,
        %parallel_loop3A_427 = vector.shape_cast %parallel_loop3A_426 : vector<1x16xf32> to vector<16xf32>
        %parallel_loop3A_428 = arith.mulf %parallel_loop3A_423, %parallel_loop3A_427 : vector<16xf32>
        %parallel_loop3A_429 = arith.index_cast %parallel_loop3A_321 : i32 to index
        %parallel_loop3A_430 = arith.constant 112 : index
        %parallel_loop3A_431 = tpu.vector_load %arg13[%parallel_loop3A_429, %parallel_loop3A_430] {strides = array<i32>} : memref<64x128xf32, #tpu.memory_space<vmem>>, vector<1x16xf32>,
        %parallel_loop3A_432 = vector.shape_cast %parallel_loop3A_431 : vector<1x16xf32> to vector<16xf32>
        %parallel_loop3A_433 = vector.shape_cast %parallel_loop3A_428 : vector<16xf32> to vector<1x16xf32>
        tpu.vector_store %arg13[%parallel_loop3A_429, %parallel_loop3A_430], %parallel_loop3A_433 {strides = array<i32>} : memref<64x128xf32, #tpu.memory_space<vmem>>, vector<1x16xf32>,
      } {sc.loop_unroll_factor = 4 : i64, sc.parallel_access}
      "tpu.region"() ({
        %run_scoped3A = tpu.sem_alloc : memref<!tpu.dma_semaphore, #tpu.memory_space<semaphore_mem>>
        %dma_start3A_321 = arith.constant 0 : i32
        %dma_start3A_322 = tpu.memref_slice %arg10[%add3A_298, %dma_start3A_321] : memref<40x64xi32, #tpu.memory_space<vmem>> -> memref<1x64xi32, #tpu.memory_space<vmem>>
        %dma_start3A_323 = tpu.memref_squeeze %dma_start3A_322 : memref<1x64xi32, #tpu.memory_space<vmem>> -> memref<64xi32, #tpu.memory_space<vmem>>
        %dma_start3A_324 = arith.constant 0 : i32
        %dma_start3A_325 = arith.constant 0 : i32
        %dma_start3A_326 = tpu.memref_slice %arg8[%dma_start3A_324, %dma_start3A_325] : memref<10240x128xf32, #tpu.memory_space<vmem_shared>> -> memref<10240x128xf32, #tpu.memory_space<vmem_shared>>
        tpu.enqueue_indirect_dma source(%arg13 : memref<64x128xf32, #tpu.memory_space<vmem>>) target(%dma_start3A_326 : memref<10240x128xf32, #tpu.memory_space<vmem_shared>>) offsets(%dma_start3A_323 : memref<64xi32, #tpu.memory_space<vmem>>) semaphore(%run_scoped3A : memref<!tpu.dma_semaphore, #tpu.memory_space<semaphore_mem>>) {add = true}
        %dma_wait3A_327 = arith.constant 0 : i32
        %dma_wait3A_328 = tpu.memref_slice %arg10[%add3A_298, %dma_wait3A_327] : memref<40x64xi32, #tpu.memory_space<vmem>> -> memref<1x64xi32, #tpu.memory_space<vmem>>
        %dma_wait3A_329 = tpu.memref_squeeze %dma_wait3A_328 : memref<1x64xi32, #tpu.memory_space<vmem>> -> memref<64xi32, #tpu.memory_space<vmem>>
        %dma_wait3A_330 = arith.constant 0 : i32
        %dma_wait3A_331 = arith.constant 0 : i32
        %dma_wait3A_332 = tpu.memref_slice %arg8[%dma_wait3A_330, %dma_wait3A_331] : memref<10240x128xf32, #tpu.memory_space<vmem_shared>> -> memref<10240x128xf32, #tpu.memory_space<vmem_shared>>
        tpu.wait_indirect_dma semaphore(%run_scoped3A : memref<!tpu.dma_semaphore, #tpu.memory_space<semaphore_mem>>) src(%arg13 : memref<64x128xf32, #tpu.memory_space<vmem>>) dst(%dma_wait3A_332 : memref<10240x128xf32, #tpu.memory_space<vmem_shared>>)
        tpu.yield
      }) : () -> ()
      %add3A_314 = arith.constant 2 : i32
      %add3A_315 = arith.addi %add3A_298, %add3A_314 : i32
      %lt3A_316 = arith.constant 40 : i32
      %lt3A_317 = arith.cmpi slt, %add3A_315, %lt3A_316 : i32
      %convert_element_type3A_318 = arith.extui %lt3A_317 : i1 to i32
      %cond3A_319 = arith.constant 0 : i32
      %cond3A_320 = arith.cmpi ne, %convert_element_type3A_318, %cond3A_319 : i32
      scf.if %cond3A_320 {
        %add3A_321 = arith.constant 2 : i32
        %add3A_322 = arith.addi %add3A_298, %add3A_321 : i32
        %dma_start3A_323 = arith.constant 0 : i32
        %dma_start3A_324 = tpu.memref_slice %arg9[%add3A_322, %dma_start3A_323] : memref<40x64xi32, #tpu.memory_space<vmem>> -> memref<1x64xi32, #tpu.memory_space<vmem>>
        %dma_start3A_325 = tpu.memref_squeeze %dma_start3A_324 : memref<1x64xi32, #tpu.memory_space<vmem>> -> memref<64xi32, #tpu.memory_space<vmem>>
        %dma_start3A_326 = arith.constant 0 : i32
        %dma_start3A_327 = arith.constant 0 : i32
        %dma_start3A_328 = tpu.memref_slice %arg2[%dma_start3A_326, %dma_start3A_327] : memref<20000x128xf32, #tpu.memory_space<hbm>> -> memref<20000x128xf32, #tpu.memory_space<hbm>>
        tpu.enqueue_indirect_dma source(%dma_start3A_328 : memref<20000x128xf32, #tpu.memory_space<hbm>>) target(%arg13 : memref<64x128xf32, #tpu.memory_space<vmem>>) offsets(%dma_start3A_325 : memref<64xi32, #tpu.memory_space<vmem>>) semaphore(%arg17 : memref<!tpu.dma_semaphore, #tpu.memory_space<semaphore_mem>>)
        %add3A_329 = arith.constant 2 : i32
        %add3A_330 = arith.addi %add3A_298, %add3A_329 : i32
        %dma_start3A_331 = arith.constant 0 : i32
        %dma_start3A_332 = tpu.memref_slice %arg11[%add3A_330, %dma_start3A_331] : memref<40x64xi32, #tpu.memory_space<vmem>> -> memref<1x64xi32, #tpu.memory_space<vmem>>
        %dma_start3A_333 = tpu.memref_squeeze %dma_start3A_332 : memref<1x64xi32, #tpu.memory_space<vmem>> -> memref<64xi32, #tpu.memory_space<vmem>>
        %dma_start3A_334 = arith.constant 0 : i32
        %dma_start3A_335 = arith.constant 0 : i32
        %dma_start3A_336 = tpu.memref_slice %arg6[%dma_start3A_334, %dma_start3A_335] : memref<2304x128xf32, #tpu.memory_space<hbm>> -> memref<2304x128xf32, #tpu.memory_space<hbm>>
        tpu.enqueue_indirect_dma source(%dma_start3A_336 : memref<2304x128xf32, #tpu.memory_space<hbm>>) target(%arg15 : memref<64x128xf32, #tpu.memory_space<vmem>>) offsets(%dma_start3A_333 : memref<64xi32, #tpu.memory_space<vmem>>) semaphore(%arg17 : memref<!tpu.dma_semaphore, #tpu.memory_space<semaphore_mem>>)
      } else {
      }
    }
    %scan3A_154 = arith.constant 20 : i32
    "tpu.region"() ({
      %run_scoped3A = tpu.sem_alloc : memref<!tpu.dma_semaphore, #tpu.memory_space<semaphore_mem>>
      %dma_start3A_271 = arith.constant 40 : i32
      %dma_start3A_272 = arith.constant 0 : i32
      %dma_start3A_273 = tpu.memref_slice %arg3[%arg1, %dma_start3A_271, %dma_start3A_272] : memref<16x160x64xi32, #tpu.memory_space<hbm>> -> memref<1x40x64xi32, #tpu.memory_space<hbm>>
      %dma_start3A_274 = tpu.memref_squeeze %dma_start3A_273 : memref<1x40x64xi32, #tpu.memory_space<hbm>> -> memref<40x64xi32, #tpu.memory_space<hbm>>
      %dma_start3A_275 = arith.constant 40 : i32
      %dma_start3A_276 = arith.constant 0 : i32
      %dma_start3A_277 = tpu.memref_slice %arg3[%arg1, %dma_start3A_275, %dma_start3A_276] : memref<16x160x64xi32, #tpu.memory_space<hbm>> -> memref<1x40x64xi32, #tpu.memory_space<hbm>>
      %dma_start3A_278 = tpu.memref_squeeze %dma_start3A_277 : memref<1x40x64xi32, #tpu.memory_space<hbm>> -> memref<40x64xi32, #tpu.memory_space<hbm>>
      tpu.enqueue_dma source(%dma_start3A_278 : memref<40x64xi32, #tpu.memory_space<hbm>>) target(%arg9 : memref<40x64xi32, #tpu.memory_space<vmem>>) target_semaphore(%run_scoped3A : memref<!tpu.dma_semaphore, #tpu.memory_space<semaphore_mem>>)
      %dma_wait3A_279 = arith.constant 40 : i32
      %dma_wait3A_280 = arith.constant 0 : i32
      %dma_wait3A_281 = tpu.memref_slice %arg3[%arg1, %dma_wait3A_279, %dma_wait3A_280] : memref<16x160x64xi32, #tpu.memory_space<hbm>> -> memref<1x40x64xi32, #tpu.memory_space<hbm>>
      %dma_wait3A_282 = tpu.memref_squeeze %dma_wait3A_281 : memref<1x40x64xi32, #tpu.memory_space<hbm>> -> memref<40x64xi32, #tpu.memory_space<hbm>>
      %dma_wait3A_283 = arith.constant 40 : i32
      %dma_wait3A_284 = arith.constant 0 : i32
      %dma_wait3A_285 = tpu.memref_slice %arg3[%arg1, %dma_wait3A_283, %dma_wait3A_284] : memref<16x160x64xi32, #tpu.memory_space<hbm>> -> memref<1x40x64xi32, #tpu.memory_space<hbm>>
      %dma_wait3A_286 = tpu.memref_squeeze %dma_wait3A_285 : memref<1x40x64xi32, #tpu.memory_space<hbm>> -> memref<40x64xi32, #tpu.memory_space<hbm>>
      tpu.wait_dma2 semaphore(%run_scoped3A : memref<!tpu.dma_semaphore, #tpu.memory_space<semaphore_mem>>) src(%dma_wait3A_286 : memref<40x64xi32, #tpu.memory_space<hbm>>) dst(%arg9 : memref<40x64xi32, #tpu.memory_space<vmem>>)
      tpu.yield
    }) : () -> ()
    "tpu.region"() ({
      %run_scoped3A = tpu.sem_alloc : memref<!tpu.dma_semaphore, #tpu.memory_space<semaphore_mem>>
      %dma_start3A_271 = arith.constant 40 : i32
      %dma_start3A_272 = arith.constant 0 : i32
      %dma_start3A_273 = tpu.memref_slice %arg4[%arg1, %dma_start3A_271, %dma_start3A_272] : memref<16x160x64xi32, #tpu.memory_space<hbm>> -> memref<1x40x64xi32, #tpu.memory_space<hbm>>
      %dma_start3A_274 = tpu.memref_squeeze %dma_start3A_273 : memref<1x40x64xi32, #tpu.memory_space<hbm>> -> memref<40x64xi32, #tpu.memory_space<hbm>>
      %dma_start3A_275 = arith.constant 40 : i32
      %dma_start3A_276 = arith.constant 0 : i32
      %dma_start3A_277 = tpu.memref_slice %arg4[%arg1, %dma_start3A_275, %dma_start3A_276] : memref<16x160x64xi32, #tpu.memory_space<hbm>> -> memref<1x40x64xi32, #tpu.memory_space<hbm>>
      %dma_start3A_278 = tpu.memref_squeeze %dma_start3A_277 : memref<1x40x64xi32, #tpu.memory_space<hbm>> -> memref<40x64xi32, #tpu.memory_space<hbm>>
      tpu.enqueue_dma source(%dma_start3A_278 : memref<40x64xi32, #tpu.memory_space<hbm>>) target(%arg10 : memref<40x64xi32, #tpu.memory_space<vmem>>) target_semaphore(%run_scoped3A : memref<!tpu.dma_semaphore, #tpu.memory_space<semaphore_mem>>)
      %dma_wait3A_279 = arith.constant 40 : i32
      %dma_wait3A_280 = arith.constant 0 : i32
      %dma_wait3A_281 = tpu.memref_slice %arg4[%arg1, %dma_wait3A_279, %dma_wait3A_280] : memref<16x160x64xi32, #tpu.memory_space<hbm>> -> memref<1x40x64xi32, #tpu.memory_space<hbm>>
      %dma_wait3A_282 = tpu.memref_squeeze %dma_wait3A_281 : memref<1x40x64xi32, #tpu.memory_space<hbm>> -> memref<40x64xi32, #tpu.memory_space<hbm>>
      %dma_wait3A_283 = arith.constant 40 : i32
      %dma_wait3A_284 = arith.constant 0 : i32
      %dma_wait3A_285 = tpu.memref_slice %arg4[%arg1, %dma_wait3A_283, %dma_wait3A_284] : memref<16x160x64xi32, #tpu.memory_space<hbm>> -> memref<1x40x64xi32, #tpu.memory_space<hbm>>
      %dma_wait3A_286 = tpu.memref_squeeze %dma_wait3A_285 : memref<1x40x64xi32, #tpu.memory_space<hbm>> -> memref<40x64xi32, #tpu.memory_space<hbm>>
      tpu.wait_dma2 semaphore(%run_scoped3A : memref<!tpu.dma_semaphore, #tpu.memory_space<semaphore_mem>>) src(%dma_wait3A_286 : memref<40x64xi32, #tpu.memory_space<hbm>>) dst(%arg10 : memref<40x64xi32, #tpu.memory_space<vmem>>)
      tpu.yield
    }) : () -> ()
    "tpu.region"() ({
      %run_scoped3A = tpu.sem_alloc : memref<!tpu.dma_semaphore, #tpu.memory_space<semaphore_mem>>
      %dma_start3A_271 = arith.constant 40 : i32
      %dma_start3A_272 = arith.constant 0 : i32
      %dma_start3A_273 = tpu.memref_slice %arg5[%arg1, %dma_start3A_271, %dma_start3A_272] : memref<16x160x64xi32, #tpu.memory_space<hbm>> -> memref<1x40x64xi32, #tpu.memory_space<hbm>>
      %dma_start3A_274 = tpu.memref_squeeze %dma_start3A_273 : memref<1x40x64xi32, #tpu.memory_space<hbm>> -> memref<40x64xi32, #tpu.memory_space<hbm>>
      %dma_start3A_275 = arith.constant 40 : i32
      %dma_start3A_276 = arith.constant 0 : i32
      %dma_start3A_277 = tpu.memref_slice %arg5[%arg1, %dma_start3A_275, %dma_start3A_276] : memref<16x160x64xi32, #tpu.memory_space<hbm>> -> memref<1x40x64xi32, #tpu.memory_space<hbm>>
      %dma_start3A_278 = tpu.memref_squeeze %dma_start3A_277 : memref<1x40x64xi32, #tpu.memory_space<hbm>> -> memref<40x64xi32, #tpu.memory_space<hbm>>
      tpu.enqueue_dma source(%dma_start3A_278 : memref<40x64xi32, #tpu.memory_space<hbm>>) target(%arg11 : memref<40x64xi32, #tpu.memory_space<vmem>>) target_semaphore(%run_scoped3A : memref<!tpu.dma_semaphore, #tpu.memory_space<semaphore_mem>>)
      %dma_wait3A_279 = arith.constant 40 : i32
      %dma_wait3A_280 = arith.constant 0 : i32
      %dma_wait3A_281 = tpu.memref_slice %arg5[%arg1, %dma_wait3A_279, %dma_wait3A_280] : memref<16x160x64xi32, #tpu.memory_space<hbm>> -> memref<1x40x64xi32, #tpu.memory_space<hbm>>
      %dma_wait3A_282 = tpu.memref_squeeze %dma_wait3A_281 : memref<1x40x64xi32, #tpu.memory_space<hbm>> -> memref<40x64xi32, #tpu.memory_space<hbm>>
      %dma_wait3A_283 = arith.constant 40 : i32
      %dma_wait3A_284 = arith.constant 0 : i32
      %dma_wait3A_285 = tpu.memref_slice %arg5[%arg1, %dma_wait3A_283, %dma_wait3A_284] : memref<16x160x64xi32, #tpu.memory_space<hbm>> -> memref<1x40x64xi32, #tpu.memory_space<hbm>>
      %dma_wait3A_286 = tpu.memref_squeeze %dma_wait3A_285 : memref<1x40x64xi32, #tpu.memory_space<hbm>> -> memref<40x64xi32, #tpu.memory_space<hbm>>
      tpu.wait_dma2 semaphore(%run_scoped3A : memref<!tpu.dma_semaphore, #tpu.memory_space<semaphore_mem>>) src(%dma_wait3A_286 : memref<40x64xi32, #tpu.memory_space<hbm>>) dst(%arg11 : memref<40x64xi32, #tpu.memory_space<vmem>>)
      tpu.yield
    }) : () -> ()
    %parallel_loop3A_155 = arith.constant 0 : i32
    %parallel_loop3A_156 = arith.constant 40 : i32
    %parallel_loop3A_157 = arith.constant 1 : i32
    scf.for %parallel_loop3A_271 = %parallel_loop3A_155 to %parallel_loop3A_156 step %parallel_loop3A_157  : i32 {
      %parallel_loop3A_272 = arith.index_cast %parallel_loop3A_271 : i32 to index
      %parallel_loop3A_273 = arith.constant 0 : index
      %parallel_loop3A_274 = tpu.vector_load %arg9[%parallel_loop3A_272, %parallel_loop3A_273] {strides = array<i32>} : memref<40x64xi32, #tpu.memory_space<vmem>>, vector<1x16xi32>,
      %parallel_loop3A_275 = vector.shape_cast %parallel_loop3A_274 : vector<1x16xi32> to vector<16xi32>
      %parallel_loop3A_276 = arith.constant 2 : i32
      %parallel_loop3A_277 = vector.broadcast %parallel_loop3A_276 : i32 to vector<16xi32>
      %parallel_loop3A_278 = arith.muli %parallel_loop3A_275, %parallel_loop3A_277 : vector<16xi32>
      %parallel_loop3A_279 = vector.broadcast %arg0 : i32 to vector<16xi32>
      %parallel_loop3A_280 = arith.addi %parallel_loop3A_278, %parallel_loop3A_279 : vector<16xi32>
      %parallel_loop3A_281 = arith.index_cast %parallel_loop3A_271 : i32 to index
      %parallel_loop3A_282 = arith.constant 0 : index
      %parallel_loop3A_283 = tpu.vector_load %arg9[%parallel_loop3A_281, %parallel_loop3A_282] {strides = array<i32>} : memref<40x64xi32, #tpu.memory_space<vmem>>, vector<1x16xi32>,
      %parallel_loop3A_284 = vector.shape_cast %parallel_loop3A_283 : vector<1x16xi32> to vector<16xi32>
      %parallel_loop3A_285 = vector.shape_cast %parallel_loop3A_280 : vector<16xi32> to vector<1x16xi32>
      tpu.vector_store %arg9[%parallel_loop3A_281, %parallel_loop3A_282], %parallel_loop3A_285 {strides = array<i32>} : memref<40x64xi32, #tpu.memory_space<vmem>>, vector<1x16xi32>,
      %parallel_loop3A_286 = arith.index_cast %parallel_loop3A_271 : i32 to index
      %parallel_loop3A_287 = arith.constant 0 : index
      %parallel_loop3A_288 = tpu.vector_load %arg11[%parallel_loop3A_286, %parallel_loop3A_287] {strides = array<i32>} : memref<40x64xi32, #tpu.memory_space<vmem>>, vector<1x16xi32>,
      %parallel_loop3A_289 = vector.shape_cast %parallel_loop3A_288 : vector<1x16xi32> to vector<16xi32>
      %parallel_loop3A_290 = arith.constant 2 : i32
      %parallel_loop3A_291 = vector.broadcast %parallel_loop3A_290 : i32 to vector<16xi32>
      %parallel_loop3A_292 = arith.muli %parallel_loop3A_289, %parallel_loop3A_291 : vector<16xi32>
      %parallel_loop3A_293 = vector.broadcast %arg0 : i32 to vector<16xi32>
      %parallel_loop3A_294 = arith.addi %parallel_loop3A_292, %parallel_loop3A_293 : vector<16xi32>
      %parallel_loop3A_295 = arith.constant 36 : i32
      %parallel_loop3A_296 = arith.muli %arg1, %parallel_loop3A_295 : i32
      %parallel_loop3A_297 = vector.broadcast %parallel_loop3A_296 : i32 to vector<16xi32>
      %parallel_loop3A_298 = arith.addi %parallel_loop3A_294, %parallel_loop3A_297 : vector<16xi32>
      %parallel_loop3A_299 = arith.constant 576 : i32
      %parallel_loop3A_300 = arith.muli %arg0, %parallel_loop3A_299 : i32
      %parallel_loop3A_301 = vector.broadcast %parallel_loop3A_300 : i32 to vector<16xi32>
      %parallel_loop3A_302 = arith.addi %parallel_loop3A_298, %parallel_loop3A_301 : vector<16xi32>
      %parallel_loop3A_303 = arith.constant 1 : i32
      %parallel_loop3A_304 = arith.andi %parallel_loop3A_271, %parallel_loop3A_303 : i32
      %parallel_loop3A_305 = arith.constant 1152 : i32
      %parallel_loop3A_306 = arith.muli %parallel_loop3A_304, %parallel_loop3A_305 : i32
      %parallel_loop3A_307 = vector.broadcast %parallel_loop3A_306 : i32 to vector<16xi32>
      %parallel_loop3A_308 = arith.addi %parallel_loop3A_302, %parallel_loop3A_307 : vector<16xi32>
      %parallel_loop3A_309 = arith.index_cast %parallel_loop3A_271 : i32 to index
      %parallel_loop3A_310 = arith.constant 0 : index
      %parallel_loop3A_311 = tpu.vector_load %arg11[%parallel_loop3A_309, %parallel_loop3A_310] {strides = array<i32>} : memref<40x64xi32, #tpu.memory_space<vmem>>, vector<1x16xi32>,
      %parallel_loop3A_312 = vector.shape_cast %parallel_loop3A_311 : vector<1x16xi32> to vector<16xi32>
      %parallel_loop3A_313 = vector.shape_cast %parallel_loop3A_308 : vector<16xi32> to vector<1x16xi32>
      tpu.vector_store %arg11[%parallel_loop3A_309, %parallel_loop3A_310], %parallel_loop3A_313 {strides = array<i32>} : memref<40x64xi32, #tpu.memory_space<vmem>>, vector<1x16xi32>,
      %parallel_loop3A_314 = arith.index_cast %parallel_loop3A_271 : i32 to index
      %parallel_loop3A_315 = arith.constant 16 : index
      %parallel_loop3A_316 = tpu.vector_load %arg9[%parallel_loop3A_314, %parallel_loop3A_315] {strides = array<i32>} : memref<40x64xi32, #tpu.memory_space<vmem>>, vector<1x16xi32>,
      %parallel_loop3A_317 = vector.shape_cast %parallel_loop3A_316 : vector<1x16xi32> to vector<16xi32>
      %parallel_loop3A_318 = arith.constant 2 : i32
      %parallel_loop3A_319 = vector.broadcast %parallel_loop3A_318 : i32 to vector<16xi32>
      %parallel_loop3A_320 = arith.muli %parallel_loop3A_317, %parallel_loop3A_319 : vector<16xi32>
      %parallel_loop3A_321 = vector.broadcast %arg0 : i32 to vector<16xi32>
      %parallel_loop3A_322 = arith.addi %parallel_loop3A_320, %parallel_loop3A_321 : vector<16xi32>
      %parallel_loop3A_323 = arith.index_cast %parallel_loop3A_271 : i32 to index
      %parallel_loop3A_324 = arith.constant 16 : index
      %parallel_loop3A_325 = tpu.vector_load %arg9[%parallel_loop3A_323, %parallel_loop3A_324] {strides = array<i32>} : memref<40x64xi32, #tpu.memory_space<vmem>>, vector<1x16xi32>,
      %parallel_loop3A_326 = vector.shape_cast %parallel_loop3A_325 : vector<1x16xi32> to vector<16xi32>
      %parallel_loop3A_327 = vector.shape_cast %parallel_loop3A_322 : vector<16xi32> to vector<1x16xi32>
      tpu.vector_store %arg9[%parallel_loop3A_323, %parallel_loop3A_324], %parallel_loop3A_327 {strides = array<i32>} : memref<40x64xi32, #tpu.memory_space<vmem>>, vector<1x16xi32>,
      %parallel_loop3A_328 = arith.index_cast %parallel_loop3A_271 : i32 to index
      %parallel_loop3A_329 = arith.constant 16 : index
      %parallel_loop3A_330 = tpu.vector_load %arg11[%parallel_loop3A_328, %parallel_loop3A_329] {strides = array<i32>} : memref<40x64xi32, #tpu.memory_space<vmem>>, vector<1x16xi32>,
      %parallel_loop3A_331 = vector.shape_cast %parallel_loop3A_330 : vector<1x16xi32> to vector<16xi32>
      %parallel_loop3A_332 = arith.constant 2 : i32
      %parallel_loop3A_333 = vector.broadcast %parallel_loop3A_332 : i32 to vector<16xi32>
      %parallel_loop3A_334 = arith.muli %parallel_loop3A_331, %parallel_loop3A_333 : vector<16xi32>
      %parallel_loop3A_335 = vector.broadcast %arg0 : i32 to vector<16xi32>
      %parallel_loop3A_336 = arith.addi %parallel_loop3A_334, %parallel_loop3A_335 : vector<16xi32>
      %parallel_loop3A_337 = arith.constant 36 : i32
      %parallel_loop3A_338 = arith.muli %arg1, %parallel_loop3A_337 : i32
      %parallel_loop3A_339 = vector.broadcast %parallel_loop3A_338 : i32 to vector<16xi32>
      %parallel_loop3A_340 = arith.addi %parallel_loop3A_336, %parallel_loop3A_339 : vector<16xi32>
      %parallel_loop3A_341 = arith.constant 576 : i32
      %parallel_loop3A_342 = arith.muli %arg0, %parallel_loop3A_341 : i32
      %parallel_loop3A_343 = vector.broadcast %parallel_loop3A_342 : i32 to vector<16xi32>
      %parallel_loop3A_344 = arith.addi %parallel_loop3A_340, %parallel_loop3A_343 : vector<16xi32>
      %parallel_loop3A_345 = arith.constant 1 : i32
      %parallel_loop3A_346 = arith.andi %parallel_loop3A_271, %parallel_loop3A_345 : i32
      %parallel_loop3A_347 = arith.constant 1152 : i32
      %parallel_loop3A_348 = arith.muli %parallel_loop3A_346, %parallel_loop3A_347 : i32
      %parallel_loop3A_349 = vector.broadcast %parallel_loop3A_348 : i32 to vector<16xi32>
      %parallel_loop3A_350 = arith.addi %parallel_loop3A_344, %parallel_loop3A_349 : vector<16xi32>
      %parallel_loop3A_351 = arith.index_cast %parallel_loop3A_271 : i32 to index
      %parallel_loop3A_352 = arith.constant 16 : index
      %parallel_loop3A_353 = tpu.vector_load %arg11[%parallel_loop3A_351, %parallel_loop3A_352] {strides = array<i32>} : memref<40x64xi32, #tpu.memory_space<vmem>>, vector<1x16xi32>,
      %parallel_loop3A_354 = vector.shape_cast %parallel_loop3A_353 : vector<1x16xi32> to vector<16xi32>
      %parallel_loop3A_355 = vector.shape_cast %parallel_loop3A_350 : vector<16xi32> to vector<1x16xi32>
      tpu.vector_store %arg11[%parallel_loop3A_351, %parallel_loop3A_352], %parallel_loop3A_355 {strides = array<i32>} : memref<40x64xi32, #tpu.memory_space<vmem>>, vector<1x16xi32>,
      %parallel_loop3A_356 = arith.index_cast %parallel_loop3A_271 : i32 to index
      %parallel_loop3A_357 = arith.constant 32 : index
      %parallel_loop3A_358 = tpu.vector_load %arg9[%parallel_loop3A_356, %parallel_loop3A_357] {strides = array<i32>} : memref<40x64xi32, #tpu.memory_space<vmem>>, vector<1x16xi32>,
      %parallel_loop3A_359 = vector.shape_cast %parallel_loop3A_358 : vector<1x16xi32> to vector<16xi32>
      %parallel_loop3A_360 = arith.constant 2 : i32
      %parallel_loop3A_361 = vector.broadcast %parallel_loop3A_360 : i32 to vector<16xi32>
      %parallel_loop3A_362 = arith.muli %parallel_loop3A_359, %parallel_loop3A_361 : vector<16xi32>
      %parallel_loop3A_363 = vector.broadcast %arg0 : i32 to vector<16xi32>
      %parallel_loop3A_364 = arith.addi %parallel_loop3A_362, %parallel_loop3A_363 : vector<16xi32>
      %parallel_loop3A_365 = arith.index_cast %parallel_loop3A_271 : i32 to index
      %parallel_loop3A_366 = arith.constant 32 : index
      %parallel_loop3A_367 = tpu.vector_load %arg9[%parallel_loop3A_365, %parallel_loop3A_366] {strides = array<i32>} : memref<40x64xi32, #tpu.memory_space<vmem>>, vector<1x16xi32>,
      %parallel_loop3A_368 = vector.shape_cast %parallel_loop3A_367 : vector<1x16xi32> to vector<16xi32>
      %parallel_loop3A_369 = vector.shape_cast %parallel_loop3A_364 : vector<16xi32> to vector<1x16xi32>
      tpu.vector_store %arg9[%parallel_loop3A_365, %parallel_loop3A_366], %parallel_loop3A_369 {strides = array<i32>} : memref<40x64xi32, #tpu.memory_space<vmem>>, vector<1x16xi32>,
      %parallel_loop3A_370 = arith.index_cast %parallel_loop3A_271 : i32 to index
      %parallel_loop3A_371 = arith.constant 32 : index
      %parallel_loop3A_372 = tpu.vector_load %arg11[%parallel_loop3A_370, %parallel_loop3A_371] {strides = array<i32>} : memref<40x64xi32, #tpu.memory_space<vmem>>, vector<1x16xi32>,
      %parallel_loop3A_373 = vector.shape_cast %parallel_loop3A_372 : vector<1x16xi32> to vector<16xi32>
      %parallel_loop3A_374 = arith.constant 2 : i32
      %parallel_loop3A_375 = vector.broadcast %parallel_loop3A_374 : i32 to vector<16xi32>
      %parallel_loop3A_376 = arith.muli %parallel_loop3A_373, %parallel_loop3A_375 : vector<16xi32>
      %parallel_loop3A_377 = vector.broadcast %arg0 : i32 to vector<16xi32>
      %parallel_loop3A_378 = arith.addi %parallel_loop3A_376, %parallel_loop3A_377 : vector<16xi32>
      %parallel_loop3A_379 = arith.constant 36 : i32
      %parallel_loop3A_380 = arith.muli %arg1, %parallel_loop3A_379 : i32
      %parallel_loop3A_381 = vector.broadcast %parallel_loop3A_380 : i32 to vector<16xi32>
      %parallel_loop3A_382 = arith.addi %parallel_loop3A_378, %parallel_loop3A_381 : vector<16xi32>
      %parallel_loop3A_383 = arith.constant 576 : i32
      %parallel_loop3A_384 = arith.muli %arg0, %parallel_loop3A_383 : i32
      %parallel_loop3A_385 = vector.broadcast %parallel_loop3A_384 : i32 to vector<16xi32>
      %parallel_loop3A_386 = arith.addi %parallel_loop3A_382, %parallel_loop3A_385 : vector<16xi32>
      %parallel_loop3A_387 = arith.constant 1 : i32
      %parallel_loop3A_388 = arith.andi %parallel_loop3A_271, %parallel_loop3A_387 : i32
      %parallel_loop3A_389 = arith.constant 1152 : i32
      %parallel_loop3A_390 = arith.muli %parallel_loop3A_388, %parallel_loop3A_389 : i32
      %parallel_loop3A_391 = vector.broadcast %parallel_loop3A_390 : i32 to vector<16xi32>
      %parallel_loop3A_392 = arith.addi %parallel_loop3A_386, %parallel_loop3A_391 : vector<16xi32>
      %parallel_loop3A_393 = arith.index_cast %parallel_loop3A_271 : i32 to index
      %parallel_loop3A_394 = arith.constant 32 : index
      %parallel_loop3A_395 = tpu.vector_load %arg11[%parallel_loop3A_393, %parallel_loop3A_394] {strides = array<i32>} : memref<40x64xi32, #tpu.memory_space<vmem>>, vector<1x16xi32>,
      %parallel_loop3A_396 = vector.shape_cast %parallel_loop3A_395 : vector<1x16xi32> to vector<16xi32>
      %parallel_loop3A_397 = vector.shape_cast %parallel_loop3A_392 : vector<16xi32> to vector<1x16xi32>
      tpu.vector_store %arg11[%parallel_loop3A_393, %parallel_loop3A_394], %parallel_loop3A_397 {strides = array<i32>} : memref<40x64xi32, #tpu.memory_space<vmem>>, vector<1x16xi32>,
      %parallel_loop3A_398 = arith.index_cast %parallel_loop3A_271 : i32 to index
      %parallel_loop3A_399 = arith.constant 48 : index
      %parallel_loop3A_400 = tpu.vector_load %arg9[%parallel_loop3A_398, %parallel_loop3A_399] {strides = array<i32>} : memref<40x64xi32, #tpu.memory_space<vmem>>, vector<1x16xi32>,
      %parallel_loop3A_401 = vector.shape_cast %parallel_loop3A_400 : vector<1x16xi32> to vector<16xi32>
      %parallel_loop3A_402 = arith.constant 2 : i32
      %parallel_loop3A_403 = vector.broadcast %parallel_loop3A_402 : i32 to vector<16xi32>
      %parallel_loop3A_404 = arith.muli %parallel_loop3A_401, %parallel_loop3A_403 : vector<16xi32>
      %parallel_loop3A_405 = vector.broadcast %arg0 : i32 to vector<16xi32>
      %parallel_loop3A_406 = arith.addi %parallel_loop3A_404, %parallel_loop3A_405 : vector<16xi32>
      %parallel_loop3A_407 = arith.index_cast %parallel_loop3A_271 : i32 to index
      %parallel_loop3A_408 = arith.constant 48 : index
      %parallel_loop3A_409 = tpu.vector_load %arg9[%parallel_loop3A_407, %parallel_loop3A_408] {strides = array<i32>} : memref<40x64xi32, #tpu.memory_space<vmem>>, vector<1x16xi32>,
      %parallel_loop3A_410 = vector.shape_cast %parallel_loop3A_409 : vector<1x16xi32> to vector<16xi32>
      %parallel_loop3A_411 = vector.shape_cast %parallel_loop3A_406 : vector<16xi32> to vector<1x16xi32>
      tpu.vector_store %arg9[%parallel_loop3A_407, %parallel_loop3A_408], %parallel_loop3A_411 {strides = array<i32>} : memref<40x64xi32, #tpu.memory_space<vmem>>, vector<1x16xi32>,
      %parallel_loop3A_412 = arith.index_cast %parallel_loop3A_271 : i32 to index
      %parallel_loop3A_413 = arith.constant 48 : index
      %parallel_loop3A_414 = tpu.vector_load %arg11[%parallel_loop3A_412, %parallel_loop3A_413] {strides = array<i32>} : memref<40x64xi32, #tpu.memory_space<vmem>>, vector<1x16xi32>,
      %parallel_loop3A_415 = vector.shape_cast %parallel_loop3A_414 : vector<1x16xi32> to vector<16xi32>
      %parallel_loop3A_416 = arith.constant 2 : i32
      %parallel_loop3A_417 = vector.broadcast %parallel_loop3A_416 : i32 to vector<16xi32>
      %parallel_loop3A_418 = arith.muli %parallel_loop3A_415, %parallel_loop3A_417 : vector<16xi32>
      %parallel_loop3A_419 = vector.broadcast %arg0 : i32 to vector<16xi32>
      %parallel_loop3A_420 = arith.addi %parallel_loop3A_418, %parallel_loop3A_419 : vector<16xi32>
      %parallel_loop3A_421 = arith.constant 36 : i32
      %parallel_loop3A_422 = arith.muli %arg1, %parallel_loop3A_421 : i32
      %parallel_loop3A_423 = vector.broadcast %parallel_loop3A_422 : i32 to vector<16xi32>
      %parallel_loop3A_424 = arith.addi %parallel_loop3A_420, %parallel_loop3A_423 : vector<16xi32>
      %parallel_loop3A_425 = arith.constant 576 : i32
      %parallel_loop3A_426 = arith.muli %arg0, %parallel_loop3A_425 : i32
      %parallel_loop3A_427 = vector.broadcast %parallel_loop3A_426 : i32 to vector<16xi32>
      %parallel_loop3A_428 = arith.addi %parallel_loop3A_424, %parallel_loop3A_427 : vector<16xi32>
      %parallel_loop3A_429 = arith.constant 1 : i32
      %parallel_loop3A_430 = arith.andi %parallel_loop3A_271, %parallel_loop3A_429 : i32
      %parallel_loop3A_431 = arith.constant 1152 : i32
      %parallel_loop3A_432 = arith.muli %parallel_loop3A_430, %parallel_loop3A_431 : i32
      %parallel_loop3A_433 = vector.broadcast %parallel_loop3A_432 : i32 to vector<16xi32>
      %parallel_loop3A_434 = arith.addi %parallel_loop3A_428, %parallel_loop3A_433 : vector<16xi32>
      %parallel_loop3A_435 = arith.index_cast %parallel_loop3A_271 : i32 to index
      %parallel_loop3A_436 = arith.constant 48 : index
      %parallel_loop3A_437 = tpu.vector_load %arg11[%parallel_loop3A_435, %parallel_loop3A_436] {strides = array<i32>} : memref<40x64xi32, #tpu.memory_space<vmem>>, vector<1x16xi32>,
      %parallel_loop3A_438 = vector.shape_cast %parallel_loop3A_437 : vector<1x16xi32> to vector<16xi32>
      %parallel_loop3A_439 = vector.shape_cast %parallel_loop3A_434 : vector<16xi32> to vector<1x16xi32>
      tpu.vector_store %arg11[%parallel_loop3A_435, %parallel_loop3A_436], %parallel_loop3A_439 {strides = array<i32>} : memref<40x64xi32, #tpu.memory_space<vmem>>, vector<1x16xi32>,
    } {sc.loop_unroll_factor = 4 : i64, sc.parallel_access}
    %dma_start3A_158 = arith.constant 0 : i32
    %dma_start3A_159 = arith.constant 0 : i32
    %dma_start3A_160 = tpu.memref_slice %arg9[%dma_start3A_158, %dma_start3A_159] : memref<40x64xi32, #tpu.memory_space<vmem>> -> memref<1x64xi32, #tpu.memory_space<vmem>>
    %dma_start3A_161 = tpu.memref_squeeze %dma_start3A_160 : memref<1x64xi32, #tpu.memory_space<vmem>> -> memref<64xi32, #tpu.memory_space<vmem>>
    %dma_start3A_162 = arith.constant 0 : i32
    %dma_start3A_163 = arith.constant 0 : i32
    %dma_start3A_164 = tpu.memref_slice %arg2[%dma_start3A_162, %dma_start3A_163] : memref<20000x128xf32, #tpu.memory_space<hbm>> -> memref<20000x128xf32, #tpu.memory_space<hbm>>
    tpu.enqueue_indirect_dma source(%dma_start3A_164 : memref<20000x128xf32, #tpu.memory_space<hbm>>) target(%arg12 : memref<64x128xf32, #tpu.memory_space<vmem>>) offsets(%dma_start3A_161 : memref<64xi32, #tpu.memory_space<vmem>>) semaphore(%arg16 : memref<!tpu.dma_semaphore, #tpu.memory_space<semaphore_mem>>)
    %dma_start3A_165 = arith.constant 0 : i32
    %dma_start3A_166 = arith.constant 0 : i32
    %dma_start3A_167 = tpu.memref_slice %arg11[%dma_start3A_165, %dma_start3A_166] : memref<40x64xi32, #tpu.memory_space<vmem>> -> memref<1x64xi32, #tpu.memory_space<vmem>>
    %dma_start3A_168 = tpu.memref_squeeze %dma_start3A_167 : memref<1x64xi32, #tpu.memory_space<vmem>> -> memref<64xi32, #tpu.memory_space<vmem>>
    %dma_start3A_169 = arith.constant 0 : i32
    %dma_start3A_170 = arith.constant 0 : i32
    %dma_start3A_171 = tpu.memref_slice %arg6[%dma_start3A_169, %dma_start3A_170] : memref<2304x128xf32, #tpu.memory_space<hbm>> -> memref<2304x128xf32, #tpu.memory_space<hbm>>
    tpu.enqueue_indirect_dma source(%dma_start3A_171 : memref<2304x128xf32, #tpu.memory_space<hbm>>) target(%arg14 : memref<64x128xf32, #tpu.memory_space<vmem>>) offsets(%dma_start3A_168 : memref<64xi32, #tpu.memory_space<vmem>>) semaphore(%arg16 : memref<!tpu.dma_semaphore, #tpu.memory_space<semaphore_mem>>)
    %dma_start3A_172 = arith.constant 1 : i32
    %dma_start3A_173 = arith.constant 0 : i32
    %dma_start3A_174 = tpu.memref_slice %arg9[%dma_start3A_172, %dma_start3A_173] : memref<40x64xi32, #tpu.memory_space<vmem>> -> memref<1x64xi32, #tpu.memory_space<vmem>>
    %dma_start3A_175 = tpu.memref_squeeze %dma_start3A_174 : memref<1x64xi32, #tpu.memory_space<vmem>> -> memref<64xi32, #tpu.memory_space<vmem>>
    %dma_start3A_176 = arith.constant 0 : i32
    %dma_start3A_177 = arith.constant 0 : i32
    %dma_start3A_178 = tpu.memref_slice %arg2[%dma_start3A_176, %dma_start3A_177] : memref<20000x128xf32, #tpu.memory_space<hbm>> -> memref<20000x128xf32, #tpu.memory_space<hbm>>
    tpu.enqueue_indirect_dma source(%dma_start3A_178 : memref<20000x128xf32, #tpu.memory_space<hbm>>) target(%arg13 : memref<64x128xf32, #tpu.memory_space<vmem>>) offsets(%dma_start3A_175 : memref<64xi32, #tpu.memory_space<vmem>>) semaphore(%arg17 : memref<!tpu.dma_semaphore, #tpu.memory_space<semaphore_mem>>)
    %dma_start3A_179 = arith.constant 1 : i32
    %dma_start3A_180 = arith.constant 0 : i32
    %dma_start3A_181 = tpu.memref_slice %arg11[%dma_start3A_179, %dma_start3A_180] : memref<40x64xi32, #tpu.memory_space<vmem>> -> memref<1x64xi32, #tpu.memory_space<vmem>>
    %dma_start3A_182 = tpu.memref_squeeze %dma_start3A_181 : memref<1x64xi32, #tpu.memory_space<vmem>> -> memref<64xi32, #tpu.memory_space<vmem>>
    %dma_start3A_183 = arith.constant 0 : i32
    %dma_start3A_184 = arith.constant 0 : i32
    %dma_start3A_185 = tpu.memref_slice %arg6[%dma_start3A_183, %dma_start3A_184] : memref<2304x128xf32, #tpu.memory_space<hbm>> -> memref<2304x128xf32, #tpu.memory_space<hbm>>
    tpu.enqueue_indirect_dma source(%dma_start3A_185 : memref<2304x128xf32, #tpu.memory_space<hbm>>) target(%arg15 : memref<64x128xf32, #tpu.memory_space<vmem>>) offsets(%dma_start3A_182 : memref<64xi32, #tpu.memory_space<vmem>>) semaphore(%arg17 : memref<!tpu.dma_semaphore, #tpu.memory_space<semaphore_mem>>)
    %scan3A_186 = arith.constant 0 : i32
    %scan3A_187 = arith.constant 0 : i32
    %scan3A_188 = arith.constant 20 : i32
    %scan3A_189 = arith.addi %scan3A_187, %scan3A_188 : i32
    %scan3A_190 = arith.constant 1 : i32
    scf.for %scan3A_271 = %scan3A_187 to %scan3A_189 step %scan3A_190  : i32 {
      %mul3A_272 = arith.constant 2 : i32
      %mul3A_273 = arith.muli %scan3A_271, %mul3A_272 : i32
      %add3A_274 = arith.constant 0 : i32
      %add3A_275 = arith.addi %mul3A_273, %add3A_274 : i32
      %dma_wait3A_276 = arith.constant 0 : i32
      %dma_wait3A_277 = tpu.memref_slice %arg9[%add3A_275, %dma_wait3A_276] : memref<40x64xi32, #tpu.memory_space<vmem>> -> memref<1x64xi32, #tpu.memory_space<vmem>>
      %dma_wait3A_278 = tpu.memref_squeeze %dma_wait3A_277 : memref<1x64xi32, #tpu.memory_space<vmem>> -> memref<64xi32, #tpu.memory_space<vmem>>
      %dma_wait3A_279 = arith.constant 0 : i32
      %dma_wait3A_280 = arith.constant 0 : i32
      %dma_wait3A_281 = tpu.memref_slice %arg2[%dma_wait3A_279, %dma_wait3A_280] : memref<20000x128xf32, #tpu.memory_space<hbm>> -> memref<20000x128xf32, #tpu.memory_space<hbm>>
      tpu.wait_indirect_dma semaphore(%arg16 : memref<!tpu.dma_semaphore, #tpu.memory_space<semaphore_mem>>) src(%dma_wait3A_281 : memref<20000x128xf32, #tpu.memory_space<hbm>>) dst(%arg12 : memref<64x128xf32, #tpu.memory_space<vmem>>)
      %dma_wait3A_282 = arith.constant 0 : i32
      %dma_wait3A_283 = tpu.memref_slice %arg9[%add3A_275, %dma_wait3A_282] : memref<40x64xi32, #tpu.memory_space<vmem>> -> memref<1x64xi32, #tpu.memory_space<vmem>>
      %dma_wait3A_284 = tpu.memref_squeeze %dma_wait3A_283 : memref<1x64xi32, #tpu.memory_space<vmem>> -> memref<64xi32, #tpu.memory_space<vmem>>
      %dma_wait3A_285 = arith.constant 0 : i32
      %dma_wait3A_286 = arith.constant 0 : i32
      %dma_wait3A_287 = tpu.memref_slice %arg2[%dma_wait3A_285, %dma_wait3A_286] : memref<20000x128xf32, #tpu.memory_space<hbm>> -> memref<20000x128xf32, #tpu.memory_space<hbm>>
      tpu.wait_indirect_dma semaphore(%arg16 : memref<!tpu.dma_semaphore, #tpu.memory_space<semaphore_mem>>) src(%dma_wait3A_287 : memref<20000x128xf32, #tpu.memory_space<hbm>>) dst(%arg14 : memref<64x128xf32, #tpu.memory_space<vmem>>)
      %parallel_loop3A_288 = arith.constant 0 : i32
      %parallel_loop3A_289 = arith.constant 64 : i32
      %parallel_loop3A_290 = arith.constant 1 : i32
      scf.for %parallel_loop3A_321 = %parallel_loop3A_288 to %parallel_loop3A_289 step %parallel_loop3A_290  : i32 {
        %parallel_loop3A_322 = arith.index_cast %parallel_loop3A_321 : i32 to index
        %parallel_loop3A_323 = arith.constant 0 : index
        %parallel_loop3A_324 = tpu.vector_load %arg12[%parallel_loop3A_322, %parallel_loop3A_323] {strides = array<i32>} : memref<64x128xf32, #tpu.memory_space<vmem>>, vector<1x16xf32>,
        %parallel_loop3A_325 = vector.shape_cast %parallel_loop3A_324 : vector<1x16xf32> to vector<16xf32>
        %parallel_loop3A_326 = arith.index_cast %parallel_loop3A_321 : i32 to index
        %parallel_loop3A_327 = arith.constant 0 : index
        %parallel_loop3A_328 = tpu.vector_load %arg14[%parallel_loop3A_326, %parallel_loop3A_327] {strides = array<i32>} : memref<64x128xf32, #tpu.memory_space<vmem>>, vector<1x16xf32>,
        %parallel_loop3A_329 = vector.shape_cast %parallel_loop3A_328 : vector<1x16xf32> to vector<16xf32>
        %parallel_loop3A_330 = arith.mulf %parallel_loop3A_325, %parallel_loop3A_329 : vector<16xf32>
        %parallel_loop3A_331 = arith.index_cast %parallel_loop3A_321 : i32 to index
        %parallel_loop3A_332 = arith.constant 0 : index
        %parallel_loop3A_333 = tpu.vector_load %arg12[%parallel_loop3A_331, %parallel_loop3A_332] {strides = array<i32>} : memref<64x128xf32, #tpu.memory_space<vmem>>, vector<1x16xf32>,
        %parallel_loop3A_334 = vector.shape_cast %parallel_loop3A_333 : vector<1x16xf32> to vector<16xf32>
        %parallel_loop3A_335 = vector.shape_cast %parallel_loop3A_330 : vector<16xf32> to vector<1x16xf32>
        tpu.vector_store %arg12[%parallel_loop3A_331, %parallel_loop3A_332], %parallel_loop3A_335 {strides = array<i32>} : memref<64x128xf32, #tpu.memory_space<vmem>>, vector<1x16xf32>,
        %parallel_loop3A_336 = arith.index_cast %parallel_loop3A_321 : i32 to index
        %parallel_loop3A_337 = arith.constant 16 : index
        %parallel_loop3A_338 = tpu.vector_load %arg12[%parallel_loop3A_336, %parallel_loop3A_337] {strides = array<i32>} : memref<64x128xf32, #tpu.memory_space<vmem>>, vector<1x16xf32>,
        %parallel_loop3A_339 = vector.shape_cast %parallel_loop3A_338 : vector<1x16xf32> to vector<16xf32>
        %parallel_loop3A_340 = arith.index_cast %parallel_loop3A_321 : i32 to index
        %parallel_loop3A_341 = arith.constant 16 : index
        %parallel_loop3A_342 = tpu.vector_load %arg14[%parallel_loop3A_340, %parallel_loop3A_341] {strides = array<i32>} : memref<64x128xf32, #tpu.memory_space<vmem>>, vector<1x16xf32>,
        %parallel_loop3A_343 = vector.shape_cast %parallel_loop3A_342 : vector<1x16xf32> to vector<16xf32>
        %parallel_loop3A_344 = arith.mulf %parallel_loop3A_339, %parallel_loop3A_343 : vector<16xf32>
        %parallel_loop3A_345 = arith.index_cast %parallel_loop3A_321 : i32 to index
        %parallel_loop3A_346 = arith.constant 16 : index
        %parallel_loop3A_347 = tpu.vector_load %arg12[%parallel_loop3A_345, %parallel_loop3A_346] {strides = array<i32>} : memref<64x128xf32, #tpu.memory_space<vmem>>, vector<1x16xf32>,
        %parallel_loop3A_348 = vector.shape_cast %parallel_loop3A_347 : vector<1x16xf32> to vector<16xf32>
        %parallel_loop3A_349 = vector.shape_cast %parallel_loop3A_344 : vector<16xf32> to vector<1x16xf32>
        tpu.vector_store %arg12[%parallel_loop3A_345, %parallel_loop3A_346], %parallel_loop3A_349 {strides = array<i32>} : memref<64x128xf32, #tpu.memory_space<vmem>>, vector<1x16xf32>,
        %parallel_loop3A_350 = arith.index_cast %parallel_loop3A_321 : i32 to index
        %parallel_loop3A_351 = arith.constant 32 : index
        %parallel_loop3A_352 = tpu.vector_load %arg12[%parallel_loop3A_350, %parallel_loop3A_351] {strides = array<i32>} : memref<64x128xf32, #tpu.memory_space<vmem>>, vector<1x16xf32>,
        %parallel_loop3A_353 = vector.shape_cast %parallel_loop3A_352 : vector<1x16xf32> to vector<16xf32>
        %parallel_loop3A_354 = arith.index_cast %parallel_loop3A_321 : i32 to index
        %parallel_loop3A_355 = arith.constant 32 : index
        %parallel_loop3A_356 = tpu.vector_load %arg14[%parallel_loop3A_354, %parallel_loop3A_355] {strides = array<i32>} : memref<64x128xf32, #tpu.memory_space<vmem>>, vector<1x16xf32>,
        %parallel_loop3A_357 = vector.shape_cast %parallel_loop3A_356 : vector<1x16xf32> to vector<16xf32>
        %parallel_loop3A_358 = arith.mulf %parallel_loop3A_353, %parallel_loop3A_357 : vector<16xf32>
        %parallel_loop3A_359 = arith.index_cast %parallel_loop3A_321 : i32 to index
        %parallel_loop3A_360 = arith.constant 32 : index
        %parallel_loop3A_361 = tpu.vector_load %arg12[%parallel_loop3A_359, %parallel_loop3A_360] {strides = array<i32>} : memref<64x128xf32, #tpu.memory_space<vmem>>, vector<1x16xf32>,
        %parallel_loop3A_362 = vector.shape_cast %parallel_loop3A_361 : vector<1x16xf32> to vector<16xf32>
        %parallel_loop3A_363 = vector.shape_cast %parallel_loop3A_358 : vector<16xf32> to vector<1x16xf32>
        tpu.vector_store %arg12[%parallel_loop3A_359, %parallel_loop3A_360], %parallel_loop3A_363 {strides = array<i32>} : memref<64x128xf32, #tpu.memory_space<vmem>>, vector<1x16xf32>,
        %parallel_loop3A_364 = arith.index_cast %parallel_loop3A_321 : i32 to index
        %parallel_loop3A_365 = arith.constant 48 : index
        %parallel_loop3A_366 = tpu.vector_load %arg12[%parallel_loop3A_364, %parallel_loop3A_365] {strides = array<i32>} : memref<64x128xf32, #tpu.memory_space<vmem>>, vector<1x16xf32>,
        %parallel_loop3A_367 = vector.shape_cast %parallel_loop3A_366 : vector<1x16xf32> to vector<16xf32>
        %parallel_loop3A_368 = arith.index_cast %parallel_loop3A_321 : i32 to index
        %parallel_loop3A_369 = arith.constant 48 : index
        %parallel_loop3A_370 = tpu.vector_load %arg14[%parallel_loop3A_368, %parallel_loop3A_369] {strides = array<i32>} : memref<64x128xf32, #tpu.memory_space<vmem>>, vector<1x16xf32>,
        %parallel_loop3A_371 = vector.shape_cast %parallel_loop3A_370 : vector<1x16xf32> to vector<16xf32>
        %parallel_loop3A_372 = arith.mulf %parallel_loop3A_367, %parallel_loop3A_371 : vector<16xf32>
        %parallel_loop3A_373 = arith.index_cast %parallel_loop3A_321 : i32 to index
        %parallel_loop3A_374 = arith.constant 48 : index
        %parallel_loop3A_375 = tpu.vector_load %arg12[%parallel_loop3A_373, %parallel_loop3A_374] {strides = array<i32>} : memref<64x128xf32, #tpu.memory_space<vmem>>, vector<1x16xf32>,
        %parallel_loop3A_376 = vector.shape_cast %parallel_loop3A_375 : vector<1x16xf32> to vector<16xf32>
        %parallel_loop3A_377 = vector.shape_cast %parallel_loop3A_372 : vector<16xf32> to vector<1x16xf32>
        tpu.vector_store %arg12[%parallel_loop3A_373, %parallel_loop3A_374], %parallel_loop3A_377 {strides = array<i32>} : memref<64x128xf32, #tpu.memory_space<vmem>>, vector<1x16xf32>,
        %parallel_loop3A_378 = arith.index_cast %parallel_loop3A_321 : i32 to index
        %parallel_loop3A_379 = arith.constant 64 : index
        %parallel_loop3A_380 = tpu.vector_load %arg12[%parallel_loop3A_378, %parallel_loop3A_379] {strides = array<i32>} : memref<64x128xf32, #tpu.memory_space<vmem>>, vector<1x16xf32>,
        %parallel_loop3A_381 = vector.shape_cast %parallel_loop3A_380 : vector<1x16xf32> to vector<16xf32>
        %parallel_loop3A_382 = arith.index_cast %parallel_loop3A_321 : i32 to index
        %parallel_loop3A_383 = arith.constant 64 : index
        %parallel_loop3A_384 = tpu.vector_load %arg14[%parallel_loop3A_382, %parallel_loop3A_383] {strides = array<i32>} : memref<64x128xf32, #tpu.memory_space<vmem>>, vector<1x16xf32>,
        %parallel_loop3A_385 = vector.shape_cast %parallel_loop3A_384 : vector<1x16xf32> to vector<16xf32>
        %parallel_loop3A_386 = arith.mulf %parallel_loop3A_381, %parallel_loop3A_385 : vector<16xf32>
        %parallel_loop3A_387 = arith.index_cast %parallel_loop3A_321 : i32 to index
        %parallel_loop3A_388 = arith.constant 64 : index
        %parallel_loop3A_389 = tpu.vector_load %arg12[%parallel_loop3A_387, %parallel_loop3A_388] {strides = array<i32>} : memref<64x128xf32, #tpu.memory_space<vmem>>, vector<1x16xf32>,
        %parallel_loop3A_390 = vector.shape_cast %parallel_loop3A_389 : vector<1x16xf32> to vector<16xf32>
        %parallel_loop3A_391 = vector.shape_cast %parallel_loop3A_386 : vector<16xf32> to vector<1x16xf32>
        tpu.vector_store %arg12[%parallel_loop3A_387, %parallel_loop3A_388], %parallel_loop3A_391 {strides = array<i32>} : memref<64x128xf32, #tpu.memory_space<vmem>>, vector<1x16xf32>,
        %parallel_loop3A_392 = arith.index_cast %parallel_loop3A_321 : i32 to index
        %parallel_loop3A_393 = arith.constant 80 : index
        %parallel_loop3A_394 = tpu.vector_load %arg12[%parallel_loop3A_392, %parallel_loop3A_393] {strides = array<i32>} : memref<64x128xf32, #tpu.memory_space<vmem>>, vector<1x16xf32>,
        %parallel_loop3A_395 = vector.shape_cast %parallel_loop3A_394 : vector<1x16xf32> to vector<16xf32>
        %parallel_loop3A_396 = arith.index_cast %parallel_loop3A_321 : i32 to index
        %parallel_loop3A_397 = arith.constant 80 : index
        %parallel_loop3A_398 = tpu.vector_load %arg14[%parallel_loop3A_396, %parallel_loop3A_397] {strides = array<i32>} : memref<64x128xf32, #tpu.memory_space<vmem>>, vector<1x16xf32>,
        %parallel_loop3A_399 = vector.shape_cast %parallel_loop3A_398 : vector<1x16xf32> to vector<16xf32>
        %parallel_loop3A_400 = arith.mulf %parallel_loop3A_395, %parallel_loop3A_399 : vector<16xf32>
        %parallel_loop3A_401 = arith.index_cast %parallel_loop3A_321 : i32 to index
        %parallel_loop3A_402 = arith.constant 80 : index
        %parallel_loop3A_403 = tpu.vector_load %arg12[%parallel_loop3A_401, %parallel_loop3A_402] {strides = array<i32>} : memref<64x128xf32, #tpu.memory_space<vmem>>, vector<1x16xf32>,
        %parallel_loop3A_404 = vector.shape_cast %parallel_loop3A_403 : vector<1x16xf32> to vector<16xf32>
        %parallel_loop3A_405 = vector.shape_cast %parallel_loop3A_400 : vector<16xf32> to vector<1x16xf32>
        tpu.vector_store %arg12[%parallel_loop3A_401, %parallel_loop3A_402], %parallel_loop3A_405 {strides = array<i32>} : memref<64x128xf32, #tpu.memory_space<vmem>>, vector<1x16xf32>,
        %parallel_loop3A_406 = arith.index_cast %parallel_loop3A_321 : i32 to index
        %parallel_loop3A_407 = arith.constant 96 : index
        %parallel_loop3A_408 = tpu.vector_load %arg12[%parallel_loop3A_406, %parallel_loop3A_407] {strides = array<i32>} : memref<64x128xf32, #tpu.memory_space<vmem>>, vector<1x16xf32>,
        %parallel_loop3A_409 = vector.shape_cast %parallel_loop3A_408 : vector<1x16xf32> to vector<16xf32>
        %parallel_loop3A_410 = arith.index_cast %parallel_loop3A_321 : i32 to index
        %parallel_loop3A_411 = arith.constant 96 : index
        %parallel_loop3A_412 = tpu.vector_load %arg14[%parallel_loop3A_410, %parallel_loop3A_411] {strides = array<i32>} : memref<64x128xf32, #tpu.memory_space<vmem>>, vector<1x16xf32>,
        %parallel_loop3A_413 = vector.shape_cast %parallel_loop3A_412 : vector<1x16xf32> to vector<16xf32>
        %parallel_loop3A_414 = arith.mulf %parallel_loop3A_409, %parallel_loop3A_413 : vector<16xf32>
        %parallel_loop3A_415 = arith.index_cast %parallel_loop3A_321 : i32 to index
        %parallel_loop3A_416 = arith.constant 96 : index
        %parallel_loop3A_417 = tpu.vector_load %arg12[%parallel_loop3A_415, %parallel_loop3A_416] {strides = array<i32>} : memref<64x128xf32, #tpu.memory_space<vmem>>, vector<1x16xf32>,
        %parallel_loop3A_418 = vector.shape_cast %parallel_loop3A_417 : vector<1x16xf32> to vector<16xf32>
        %parallel_loop3A_419 = vector.shape_cast %parallel_loop3A_414 : vector<16xf32> to vector<1x16xf32>
        tpu.vector_store %arg12[%parallel_loop3A_415, %parallel_loop3A_416], %parallel_loop3A_419 {strides = array<i32>} : memref<64x128xf32, #tpu.memory_space<vmem>>, vector<1x16xf32>,
        %parallel_loop3A_420 = arith.index_cast %parallel_loop3A_321 : i32 to index
        %parallel_loop3A_421 = arith.constant 112 : index
        %parallel_loop3A_422 = tpu.vector_load %arg12[%parallel_loop3A_420, %parallel_loop3A_421] {strides = array<i32>} : memref<64x128xf32, #tpu.memory_space<vmem>>, vector<1x16xf32>,
        %parallel_loop3A_423 = vector.shape_cast %parallel_loop3A_422 : vector<1x16xf32> to vector<16xf32>
        %parallel_loop3A_424 = arith.index_cast %parallel_loop3A_321 : i32 to index
        %parallel_loop3A_425 = arith.constant 112 : index
        %parallel_loop3A_426 = tpu.vector_load %arg14[%parallel_loop3A_424, %parallel_loop3A_425] {strides = array<i32>} : memref<64x128xf32, #tpu.memory_space<vmem>>, vector<1x16xf32>,
        %parallel_loop3A_427 = vector.shape_cast %parallel_loop3A_426 : vector<1x16xf32> to vector<16xf32>
        %parallel_loop3A_428 = arith.mulf %parallel_loop3A_423, %parallel_loop3A_427 : vector<16xf32>
        %parallel_loop3A_429 = arith.index_cast %parallel_loop3A_321 : i32 to index
        %parallel_loop3A_430 = arith.constant 112 : index
        %parallel_loop3A_431 = tpu.vector_load %arg12[%parallel_loop3A_429, %parallel_loop3A_430] {strides = array<i32>} : memref<64x128xf32, #tpu.memory_space<vmem>>, vector<1x16xf32>,
        %parallel_loop3A_432 = vector.shape_cast %parallel_loop3A_431 : vector<1x16xf32> to vector<16xf32>
        %parallel_loop3A_433 = vector.shape_cast %parallel_loop3A_428 : vector<16xf32> to vector<1x16xf32>
        tpu.vector_store %arg12[%parallel_loop3A_429, %parallel_loop3A_430], %parallel_loop3A_433 {strides = array<i32>} : memref<64x128xf32, #tpu.memory_space<vmem>>, vector<1x16xf32>,
      } {sc.loop_unroll_factor = 4 : i64, sc.parallel_access}
      "tpu.region"() ({
        %run_scoped3A = tpu.sem_alloc : memref<!tpu.dma_semaphore, #tpu.memory_space<semaphore_mem>>
        %dma_start3A_321 = arith.constant 0 : i32
        %dma_start3A_322 = tpu.memref_slice %arg10[%add3A_275, %dma_start3A_321] : memref<40x64xi32, #tpu.memory_space<vmem>> -> memref<1x64xi32, #tpu.memory_space<vmem>>
        %dma_start3A_323 = tpu.memref_squeeze %dma_start3A_322 : memref<1x64xi32, #tpu.memory_space<vmem>> -> memref<64xi32, #tpu.memory_space<vmem>>
        %dma_start3A_324 = arith.constant 0 : i32
        %dma_start3A_325 = arith.constant 0 : i32
        %dma_start3A_326 = tpu.memref_slice %arg8[%dma_start3A_324, %dma_start3A_325] : memref<10240x128xf32, #tpu.memory_space<vmem_shared>> -> memref<10240x128xf32, #tpu.memory_space<vmem_shared>>
        tpu.enqueue_indirect_dma source(%arg12 : memref<64x128xf32, #tpu.memory_space<vmem>>) target(%dma_start3A_326 : memref<10240x128xf32, #tpu.memory_space<vmem_shared>>) offsets(%dma_start3A_323 : memref<64xi32, #tpu.memory_space<vmem>>) semaphore(%run_scoped3A : memref<!tpu.dma_semaphore, #tpu.memory_space<semaphore_mem>>) {add = true}
        %dma_wait3A_327 = arith.constant 0 : i32
        %dma_wait3A_328 = tpu.memref_slice %arg10[%add3A_275, %dma_wait3A_327] : memref<40x64xi32, #tpu.memory_space<vmem>> -> memref<1x64xi32, #tpu.memory_space<vmem>>
        %dma_wait3A_329 = tpu.memref_squeeze %dma_wait3A_328 : memref<1x64xi32, #tpu.memory_space<vmem>> -> memref<64xi32, #tpu.memory_space<vmem>>
        %dma_wait3A_330 = arith.constant 0 : i32
        %dma_wait3A_331 = arith.constant 0 : i32
        %dma_wait3A_332 = tpu.memref_slice %arg8[%dma_wait3A_330, %dma_wait3A_331] : memref<10240x128xf32, #tpu.memory_space<vmem_shared>> -> memref<10240x128xf32, #tpu.memory_space<vmem_shared>>
        tpu.wait_indirect_dma semaphore(%run_scoped3A : memref<!tpu.dma_semaphore, #tpu.memory_space<semaphore_mem>>) src(%arg12 : memref<64x128xf32, #tpu.memory_space<vmem>>) dst(%dma_wait3A_332 : memref<10240x128xf32, #tpu.memory_space<vmem_shared>>)
        tpu.yield
      }) : () -> ()
      %add3A_291 = arith.constant 2 : i32
      %add3A_292 = arith.addi %add3A_275, %add3A_291 : i32
      %lt3A = arith.constant 40 : i32
      %lt3A_293 = arith.cmpi slt, %add3A_292, %lt3A : i32
      %convert_element_type3A = arith.extui %lt3A_293 : i1 to i32
      %cond3A = arith.constant 0 : i32
      %cond3A_294 = arith.cmpi ne, %convert_element_type3A, %cond3A : i32
      scf.if %cond3A_294 {
        %add3A_321 = arith.constant 2 : i32
        %add3A_322 = arith.addi %add3A_275, %add3A_321 : i32
        %dma_start3A_323 = arith.constant 0 : i32
        %dma_start3A_324 = tpu.memref_slice %arg9[%add3A_322, %dma_start3A_323] : memref<40x64xi32, #tpu.memory_space<vmem>> -> memref<1x64xi32, #tpu.memory_space<vmem>>
        %dma_start3A_325 = tpu.memref_squeeze %dma_start3A_324 : memref<1x64xi32, #tpu.memory_space<vmem>> -> memref<64xi32, #tpu.memory_space<vmem>>
        %dma_start3A_326 = arith.constant 0 : i32
        %dma_start3A_327 = arith.constant 0 : i32
        %dma_start3A_328 = tpu.memref_slice %arg2[%dma_start3A_326, %dma_start3A_327] : memref<20000x128xf32, #tpu.memory_space<hbm>> -> memref<20000x128xf32, #tpu.memory_space<hbm>>
        tpu.enqueue_indirect_dma source(%dma_start3A_328 : memref<20000x128xf32, #tpu.memory_space<hbm>>) target(%arg12 : memref<64x128xf32, #tpu.memory_space<vmem>>) offsets(%dma_start3A_325 : memref<64xi32, #tpu.memory_space<vmem>>) semaphore(%arg16 : memref<!tpu.dma_semaphore, #tpu.memory_space<semaphore_mem>>)
        %add3A_329 = arith.constant 2 : i32
        %add3A_330 = arith.addi %add3A_275, %add3A_329 : i32
        %dma_start3A_331 = arith.constant 0 : i32
        %dma_start3A_332 = tpu.memref_slice %arg11[%add3A_330, %dma_start3A_331] : memref<40x64xi32, #tpu.memory_space<vmem>> -> memref<1x64xi32, #tpu.memory_space<vmem>>
        %dma_start3A_333 = tpu.memref_squeeze %dma_start3A_332 : memref<1x64xi32, #tpu.memory_space<vmem>> -> memref<64xi32, #tpu.memory_space<vmem>>
        %dma_start3A_334 = arith.constant 0 : i32
        %dma_start3A_335 = arith.constant 0 : i32
        %dma_start3A_336 = tpu.memref_slice %arg6[%dma_start3A_334, %dma_start3A_335] : memref<2304x128xf32, #tpu.memory_space<hbm>> -> memref<2304x128xf32, #tpu.memory_space<hbm>>
        tpu.enqueue_indirect_dma source(%dma_start3A_336 : memref<2304x128xf32, #tpu.memory_space<hbm>>) target(%arg14 : memref<64x128xf32, #tpu.memory_space<vmem>>) offsets(%dma_start3A_333 : memref<64xi32, #tpu.memory_space<vmem>>) semaphore(%arg16 : memref<!tpu.dma_semaphore, #tpu.memory_space<semaphore_mem>>)
      } else {
      }
      %mul3A_295 = arith.constant 2 : i32
      %mul3A_296 = arith.muli %scan3A_271, %mul3A_295 : i32
      %add3A_297 = arith.constant 1 : i32
      %add3A_298 = arith.addi %mul3A_296, %add3A_297 : i32
      %dma_wait3A_299 = arith.constant 0 : i32
      %dma_wait3A_300 = tpu.memref_slice %arg9[%add3A_298, %dma_wait3A_299] : memref<40x64xi32, #tpu.memory_space<vmem>> -> memref<1x64xi32, #tpu.memory_space<vmem>>
      %dma_wait3A_301 = tpu.memref_squeeze %dma_wait3A_300 : memref<1x64xi32, #tpu.memory_space<vmem>> -> memref<64xi32, #tpu.memory_space<vmem>>
      %dma_wait3A_302 = arith.constant 0 : i32
      %dma_wait3A_303 = arith.constant 0 : i32
      %dma_wait3A_304 = tpu.memref_slice %arg2[%dma_wait3A_302, %dma_wait3A_303] : memref<20000x128xf32, #tpu.memory_space<hbm>> -> memref<20000x128xf32, #tpu.memory_space<hbm>>
      tpu.wait_indirect_dma semaphore(%arg17 : memref<!tpu.dma_semaphore, #tpu.memory_space<semaphore_mem>>) src(%dma_wait3A_304 : memref<20000x128xf32, #tpu.memory_space<hbm>>) dst(%arg13 : memref<64x128xf32, #tpu.memory_space<vmem>>)
      %dma_wait3A_305 = arith.constant 0 : i32
      %dma_wait3A_306 = tpu.memref_slice %arg9[%add3A_298, %dma_wait3A_305] : memref<40x64xi32, #tpu.memory_space<vmem>> -> memref<1x64xi32, #tpu.memory_space<vmem>>
      %dma_wait3A_307 = tpu.memref_squeeze %dma_wait3A_306 : memref<1x64xi32, #tpu.memory_space<vmem>> -> memref<64xi32, #tpu.memory_space<vmem>>
      %dma_wait3A_308 = arith.constant 0 : i32
      %dma_wait3A_309 = arith.constant 0 : i32
      %dma_wait3A_310 = tpu.memref_slice %arg2[%dma_wait3A_308, %dma_wait3A_309] : memref<20000x128xf32, #tpu.memory_space<hbm>> -> memref<20000x128xf32, #tpu.memory_space<hbm>>
      tpu.wait_indirect_dma semaphore(%arg17 : memref<!tpu.dma_semaphore, #tpu.memory_space<semaphore_mem>>) src(%dma_wait3A_310 : memref<20000x128xf32, #tpu.memory_space<hbm>>) dst(%arg15 : memref<64x128xf32, #tpu.memory_space<vmem>>)
      %parallel_loop3A_311 = arith.constant 0 : i32
      %parallel_loop3A_312 = arith.constant 64 : i32
      %parallel_loop3A_313 = arith.constant 1 : i32
      scf.for %parallel_loop3A_321 = %parallel_loop3A_311 to %parallel_loop3A_312 step %parallel_loop3A_313  : i32 {
        %parallel_loop3A_322 = arith.index_cast %parallel_loop3A_321 : i32 to index
        %parallel_loop3A_323 = arith.constant 0 : index
        %parallel_loop3A_324 = tpu.vector_load %arg13[%parallel_loop3A_322, %parallel_loop3A_323] {strides = array<i32>} : memref<64x128xf32, #tpu.memory_space<vmem>>, vector<1x16xf32>,
        %parallel_loop3A_325 = vector.shape_cast %parallel_loop3A_324 : vector<1x16xf32> to vector<16xf32>
        %parallel_loop3A_326 = arith.index_cast %parallel_loop3A_321 : i32 to index
        %parallel_loop3A_327 = arith.constant 0 : index
        %parallel_loop3A_328 = tpu.vector_load %arg15[%parallel_loop3A_326, %parallel_loop3A_327] {strides = array<i32>} : memref<64x128xf32, #tpu.memory_space<vmem>>, vector<1x16xf32>,
        %parallel_loop3A_329 = vector.shape_cast %parallel_loop3A_328 : vector<1x16xf32> to vector<16xf32>
        %parallel_loop3A_330 = arith.mulf %parallel_loop3A_325, %parallel_loop3A_329 : vector<16xf32>
        %parallel_loop3A_331 = arith.index_cast %parallel_loop3A_321 : i32 to index
        %parallel_loop3A_332 = arith.constant 0 : index
        %parallel_loop3A_333 = tpu.vector_load %arg13[%parallel_loop3A_331, %parallel_loop3A_332] {strides = array<i32>} : memref<64x128xf32, #tpu.memory_space<vmem>>, vector<1x16xf32>,
        %parallel_loop3A_334 = vector.shape_cast %parallel_loop3A_333 : vector<1x16xf32> to vector<16xf32>
        %parallel_loop3A_335 = vector.shape_cast %parallel_loop3A_330 : vector<16xf32> to vector<1x16xf32>
        tpu.vector_store %arg13[%parallel_loop3A_331, %parallel_loop3A_332], %parallel_loop3A_335 {strides = array<i32>} : memref<64x128xf32, #tpu.memory_space<vmem>>, vector<1x16xf32>,
        %parallel_loop3A_336 = arith.index_cast %parallel_loop3A_321 : i32 to index
        %parallel_loop3A_337 = arith.constant 16 : index
        %parallel_loop3A_338 = tpu.vector_load %arg13[%parallel_loop3A_336, %parallel_loop3A_337] {strides = array<i32>} : memref<64x128xf32, #tpu.memory_space<vmem>>, vector<1x16xf32>,
        %parallel_loop3A_339 = vector.shape_cast %parallel_loop3A_338 : vector<1x16xf32> to vector<16xf32>
        %parallel_loop3A_340 = arith.index_cast %parallel_loop3A_321 : i32 to index
        %parallel_loop3A_341 = arith.constant 16 : index
        %parallel_loop3A_342 = tpu.vector_load %arg15[%parallel_loop3A_340, %parallel_loop3A_341] {strides = array<i32>} : memref<64x128xf32, #tpu.memory_space<vmem>>, vector<1x16xf32>,
        %parallel_loop3A_343 = vector.shape_cast %parallel_loop3A_342 : vector<1x16xf32> to vector<16xf32>
        %parallel_loop3A_344 = arith.mulf %parallel_loop3A_339, %parallel_loop3A_343 : vector<16xf32>
        %parallel_loop3A_345 = arith.index_cast %parallel_loop3A_321 : i32 to index
        %parallel_loop3A_346 = arith.constant 16 : index
        %parallel_loop3A_347 = tpu.vector_load %arg13[%parallel_loop3A_345, %parallel_loop3A_346] {strides = array<i32>} : memref<64x128xf32, #tpu.memory_space<vmem>>, vector<1x16xf32>,
        %parallel_loop3A_348 = vector.shape_cast %parallel_loop3A_347 : vector<1x16xf32> to vector<16xf32>
        %parallel_loop3A_349 = vector.shape_cast %parallel_loop3A_344 : vector<16xf32> to vector<1x16xf32>
        tpu.vector_store %arg13[%parallel_loop3A_345, %parallel_loop3A_346], %parallel_loop3A_349 {strides = array<i32>} : memref<64x128xf32, #tpu.memory_space<vmem>>, vector<1x16xf32>,
        %parallel_loop3A_350 = arith.index_cast %parallel_loop3A_321 : i32 to index
        %parallel_loop3A_351 = arith.constant 32 : index
        %parallel_loop3A_352 = tpu.vector_load %arg13[%parallel_loop3A_350, %parallel_loop3A_351] {strides = array<i32>} : memref<64x128xf32, #tpu.memory_space<vmem>>, vector<1x16xf32>,
        %parallel_loop3A_353 = vector.shape_cast %parallel_loop3A_352 : vector<1x16xf32> to vector<16xf32>
        %parallel_loop3A_354 = arith.index_cast %parallel_loop3A_321 : i32 to index
        %parallel_loop3A_355 = arith.constant 32 : index
        %parallel_loop3A_356 = tpu.vector_load %arg15[%parallel_loop3A_354, %parallel_loop3A_355] {strides = array<i32>} : memref<64x128xf32, #tpu.memory_space<vmem>>, vector<1x16xf32>,
        %parallel_loop3A_357 = vector.shape_cast %parallel_loop3A_356 : vector<1x16xf32> to vector<16xf32>
        %parallel_loop3A_358 = arith.mulf %parallel_loop3A_353, %parallel_loop3A_357 : vector<16xf32>
        %parallel_loop3A_359 = arith.index_cast %parallel_loop3A_321 : i32 to index
        %parallel_loop3A_360 = arith.constant 32 : index
        %parallel_loop3A_361 = tpu.vector_load %arg13[%parallel_loop3A_359, %parallel_loop3A_360] {strides = array<i32>} : memref<64x128xf32, #tpu.memory_space<vmem>>, vector<1x16xf32>,
        %parallel_loop3A_362 = vector.shape_cast %parallel_loop3A_361 : vector<1x16xf32> to vector<16xf32>
        %parallel_loop3A_363 = vector.shape_cast %parallel_loop3A_358 : vector<16xf32> to vector<1x16xf32>
        tpu.vector_store %arg13[%parallel_loop3A_359, %parallel_loop3A_360], %parallel_loop3A_363 {strides = array<i32>} : memref<64x128xf32, #tpu.memory_space<vmem>>, vector<1x16xf32>,
        %parallel_loop3A_364 = arith.index_cast %parallel_loop3A_321 : i32 to index
        %parallel_loop3A_365 = arith.constant 48 : index
        %parallel_loop3A_366 = tpu.vector_load %arg13[%parallel_loop3A_364, %parallel_loop3A_365] {strides = array<i32>} : memref<64x128xf32, #tpu.memory_space<vmem>>, vector<1x16xf32>,
        %parallel_loop3A_367 = vector.shape_cast %parallel_loop3A_366 : vector<1x16xf32> to vector<16xf32>
        %parallel_loop3A_368 = arith.index_cast %parallel_loop3A_321 : i32 to index
        %parallel_loop3A_369 = arith.constant 48 : index
        %parallel_loop3A_370 = tpu.vector_load %arg15[%parallel_loop3A_368, %parallel_loop3A_369] {strides = array<i32>} : memref<64x128xf32, #tpu.memory_space<vmem>>, vector<1x16xf32>,
        %parallel_loop3A_371 = vector.shape_cast %parallel_loop3A_370 : vector<1x16xf32> to vector<16xf32>
        %parallel_loop3A_372 = arith.mulf %parallel_loop3A_367, %parallel_loop3A_371 : vector<16xf32>
        %parallel_loop3A_373 = arith.index_cast %parallel_loop3A_321 : i32 to index
        %parallel_loop3A_374 = arith.constant 48 : index
        %parallel_loop3A_375 = tpu.vector_load %arg13[%parallel_loop3A_373, %parallel_loop3A_374] {strides = array<i32>} : memref<64x128xf32, #tpu.memory_space<vmem>>, vector<1x16xf32>,
        %parallel_loop3A_376 = vector.shape_cast %parallel_loop3A_375 : vector<1x16xf32> to vector<16xf32>
        %parallel_loop3A_377 = vector.shape_cast %parallel_loop3A_372 : vector<16xf32> to vector<1x16xf32>
        tpu.vector_store %arg13[%parallel_loop3A_373, %parallel_loop3A_374], %parallel_loop3A_377 {strides = array<i32>} : memref<64x128xf32, #tpu.memory_space<vmem>>, vector<1x16xf32>,
        %parallel_loop3A_378 = arith.index_cast %parallel_loop3A_321 : i32 to index
        %parallel_loop3A_379 = arith.constant 64 : index
        %parallel_loop3A_380 = tpu.vector_load %arg13[%parallel_loop3A_378, %parallel_loop3A_379] {strides = array<i32>} : memref<64x128xf32, #tpu.memory_space<vmem>>, vector<1x16xf32>,
        %parallel_loop3A_381 = vector.shape_cast %parallel_loop3A_380 : vector<1x16xf32> to vector<16xf32>
        %parallel_loop3A_382 = arith.index_cast %parallel_loop3A_321 : i32 to index
        %parallel_loop3A_383 = arith.constant 64 : index
        %parallel_loop3A_384 = tpu.vector_load %arg15[%parallel_loop3A_382, %parallel_loop3A_383] {strides = array<i32>} : memref<64x128xf32, #tpu.memory_space<vmem>>, vector<1x16xf32>,
        %parallel_loop3A_385 = vector.shape_cast %parallel_loop3A_384 : vector<1x16xf32> to vector<16xf32>
        %parallel_loop3A_386 = arith.mulf %parallel_loop3A_381, %parallel_loop3A_385 : vector<16xf32>
        %parallel_loop3A_387 = arith.index_cast %parallel_loop3A_321 : i32 to index
        %parallel_loop3A_388 = arith.constant 64 : index
        %parallel_loop3A_389 = tpu.vector_load %arg13[%parallel_loop3A_387, %parallel_loop3A_388] {strides = array<i32>} : memref<64x128xf32, #tpu.memory_space<vmem>>, vector<1x16xf32>,
        %parallel_loop3A_390 = vector.shape_cast %parallel_loop3A_389 : vector<1x16xf32> to vector<16xf32>
        %parallel_loop3A_391 = vector.shape_cast %parallel_loop3A_386 : vector<16xf32> to vector<1x16xf32>
        tpu.vector_store %arg13[%parallel_loop3A_387, %parallel_loop3A_388], %parallel_loop3A_391 {strides = array<i32>} : memref<64x128xf32, #tpu.memory_space<vmem>>, vector<1x16xf32>,
        %parallel_loop3A_392 = arith.index_cast %parallel_loop3A_321 : i32 to index
        %parallel_loop3A_393 = arith.constant 80 : index
        %parallel_loop3A_394 = tpu.vector_load %arg13[%parallel_loop3A_392, %parallel_loop3A_393] {strides = array<i32>} : memref<64x128xf32, #tpu.memory_space<vmem>>, vector<1x16xf32>,
        %parallel_loop3A_395 = vector.shape_cast %parallel_loop3A_394 : vector<1x16xf32> to vector<16xf32>
        %parallel_loop3A_396 = arith.index_cast %parallel_loop3A_321 : i32 to index
        %parallel_loop3A_397 = arith.constant 80 : index
        %parallel_loop3A_398 = tpu.vector_load %arg15[%parallel_loop3A_396, %parallel_loop3A_397] {strides = array<i32>} : memref<64x128xf32, #tpu.memory_space<vmem>>, vector<1x16xf32>,
        %parallel_loop3A_399 = vector.shape_cast %parallel_loop3A_398 : vector<1x16xf32> to vector<16xf32>
        %parallel_loop3A_400 = arith.mulf %parallel_loop3A_395, %parallel_loop3A_399 : vector<16xf32>
        %parallel_loop3A_401 = arith.index_cast %parallel_loop3A_321 : i32 to index
        %parallel_loop3A_402 = arith.constant 80 : index
        %parallel_loop3A_403 = tpu.vector_load %arg13[%parallel_loop3A_401, %parallel_loop3A_402] {strides = array<i32>} : memref<64x128xf32, #tpu.memory_space<vmem>>, vector<1x16xf32>,
        %parallel_loop3A_404 = vector.shape_cast %parallel_loop3A_403 : vector<1x16xf32> to vector<16xf32>
        %parallel_loop3A_405 = vector.shape_cast %parallel_loop3A_400 : vector<16xf32> to vector<1x16xf32>
        tpu.vector_store %arg13[%parallel_loop3A_401, %parallel_loop3A_402], %parallel_loop3A_405 {strides = array<i32>} : memref<64x128xf32, #tpu.memory_space<vmem>>, vector<1x16xf32>,
        %parallel_loop3A_406 = arith.index_cast %parallel_loop3A_321 : i32 to index
        %parallel_loop3A_407 = arith.constant 96 : index
        %parallel_loop3A_408 = tpu.vector_load %arg13[%parallel_loop3A_406, %parallel_loop3A_407] {strides = array<i32>} : memref<64x128xf32, #tpu.memory_space<vmem>>, vector<1x16xf32>,
        %parallel_loop3A_409 = vector.shape_cast %parallel_loop3A_408 : vector<1x16xf32> to vector<16xf32>
        %parallel_loop3A_410 = arith.index_cast %parallel_loop3A_321 : i32 to index
        %parallel_loop3A_411 = arith.constant 96 : index
        %parallel_loop3A_412 = tpu.vector_load %arg15[%parallel_loop3A_410, %parallel_loop3A_411] {strides = array<i32>} : memref<64x128xf32, #tpu.memory_space<vmem>>, vector<1x16xf32>,
        %parallel_loop3A_413 = vector.shape_cast %parallel_loop3A_412 : vector<1x16xf32> to vector<16xf32>
        %parallel_loop3A_414 = arith.mulf %parallel_loop3A_409, %parallel_loop3A_413 : vector<16xf32>
        %parallel_loop3A_415 = arith.index_cast %parallel_loop3A_321 : i32 to index
        %parallel_loop3A_416 = arith.constant 96 : index
        %parallel_loop3A_417 = tpu.vector_load %arg13[%parallel_loop3A_415, %parallel_loop3A_416] {strides = array<i32>} : memref<64x128xf32, #tpu.memory_space<vmem>>, vector<1x16xf32>,
        %parallel_loop3A_418 = vector.shape_cast %parallel_loop3A_417 : vector<1x16xf32> to vector<16xf32>
        %parallel_loop3A_419 = vector.shape_cast %parallel_loop3A_414 : vector<16xf32> to vector<1x16xf32>
        tpu.vector_store %arg13[%parallel_loop3A_415, %parallel_loop3A_416], %parallel_loop3A_419 {strides = array<i32>} : memref<64x128xf32, #tpu.memory_space<vmem>>, vector<1x16xf32>,
        %parallel_loop3A_420 = arith.index_cast %parallel_loop3A_321 : i32 to index
        %parallel_loop3A_421 = arith.constant 112 : index
        %parallel_loop3A_422 = tpu.vector_load %arg13[%parallel_loop3A_420, %parallel_loop3A_421] {strides = array<i32>} : memref<64x128xf32, #tpu.memory_space<vmem>>, vector<1x16xf32>,
        %parallel_loop3A_423 = vector.shape_cast %parallel_loop3A_422 : vector<1x16xf32> to vector<16xf32>
        %parallel_loop3A_424 = arith.index_cast %parallel_loop3A_321 : i32 to index
        %parallel_loop3A_425 = arith.constant 112 : index
        %parallel_loop3A_426 = tpu.vector_load %arg15[%parallel_loop3A_424, %parallel_loop3A_425] {strides = array<i32>} : memref<64x128xf32, #tpu.memory_space<vmem>>, vector<1x16xf32>,
        %parallel_loop3A_427 = vector.shape_cast %parallel_loop3A_426 : vector<1x16xf32> to vector<16xf32>
        %parallel_loop3A_428 = arith.mulf %parallel_loop3A_423, %parallel_loop3A_427 : vector<16xf32>
        %parallel_loop3A_429 = arith.index_cast %parallel_loop3A_321 : i32 to index
        %parallel_loop3A_430 = arith.constant 112 : index
        %parallel_loop3A_431 = tpu.vector_load %arg13[%parallel_loop3A_429, %parallel_loop3A_430] {strides = array<i32>} : memref<64x128xf32, #tpu.memory_space<vmem>>, vector<1x16xf32>,
        %parallel_loop3A_432 = vector.shape_cast %parallel_loop3A_431 : vector<1x16xf32> to vector<16xf32>
        %parallel_loop3A_433 = vector.shape_cast %parallel_loop3A_428 : vector<16xf32> to vector<1x16xf32>
        tpu.vector_store %arg13[%parallel_loop3A_429, %parallel_loop3A_430], %parallel_loop3A_433 {strides = array<i32>} : memref<64x128xf32, #tpu.memory_space<vmem>>, vector<1x16xf32>,
      } {sc.loop_unroll_factor = 4 : i64, sc.parallel_access}
      "tpu.region"() ({
        %run_scoped3A = tpu.sem_alloc : memref<!tpu.dma_semaphore, #tpu.memory_space<semaphore_mem>>
        %dma_start3A_321 = arith.constant 0 : i32
        %dma_start3A_322 = tpu.memref_slice %arg10[%add3A_298, %dma_start3A_321] : memref<40x64xi32, #tpu.memory_space<vmem>> -> memref<1x64xi32, #tpu.memory_space<vmem>>
        %dma_start3A_323 = tpu.memref_squeeze %dma_start3A_322 : memref<1x64xi32, #tpu.memory_space<vmem>> -> memref<64xi32, #tpu.memory_space<vmem>>
        %dma_start3A_324 = arith.constant 0 : i32
        %dma_start3A_325 = arith.constant 0 : i32
        %dma_start3A_326 = tpu.memref_slice %arg8[%dma_start3A_324, %dma_start3A_325] : memref<10240x128xf32, #tpu.memory_space<vmem_shared>> -> memref<10240x128xf32, #tpu.memory_space<vmem_shared>>
        tpu.enqueue_indirect_dma source(%arg13 : memref<64x128xf32, #tpu.memory_space<vmem>>) target(%dma_start3A_326 : memref<10240x128xf32, #tpu.memory_space<vmem_shared>>) offsets(%dma_start3A_323 : memref<64xi32, #tpu.memory_space<vmem>>) semaphore(%run_scoped3A : memref<!tpu.dma_semaphore, #tpu.memory_space<semaphore_mem>>) {add = true}
        %dma_wait3A_327 = arith.constant 0 : i32
        %dma_wait3A_328 = tpu.memref_slice %arg10[%add3A_298, %dma_wait3A_327] : memref<40x64xi32, #tpu.memory_space<vmem>> -> memref<1x64xi32, #tpu.memory_space<vmem>>
        %dma_wait3A_329 = tpu.memref_squeeze %dma_wait3A_328 : memref<1x64xi32, #tpu.memory_space<vmem>> -> memref<64xi32, #tpu.memory_space<vmem>>
        %dma_wait3A_330 = arith.constant 0 : i32
        %dma_wait3A_331 = arith.constant 0 : i32
        %dma_wait3A_332 = tpu.memref_slice %arg8[%dma_wait3A_330, %dma_wait3A_331] : memref<10240x128xf32, #tpu.memory_space<vmem_shared>> -> memref<10240x128xf32, #tpu.memory_space<vmem_shared>>
        tpu.wait_indirect_dma semaphore(%run_scoped3A : memref<!tpu.dma_semaphore, #tpu.memory_space<semaphore_mem>>) src(%arg13 : memref<64x128xf32, #tpu.memory_space<vmem>>) dst(%dma_wait3A_332 : memref<10240x128xf32, #tpu.memory_space<vmem_shared>>)
        tpu.yield
      }) : () -> ()
      %add3A_314 = arith.constant 2 : i32
      %add3A_315 = arith.addi %add3A_298, %add3A_314 : i32
      %lt3A_316 = arith.constant 40 : i32
      %lt3A_317 = arith.cmpi slt, %add3A_315, %lt3A_316 : i32
      %convert_element_type3A_318 = arith.extui %lt3A_317 : i1 to i32
      %cond3A_319 = arith.constant 0 : i32
      %cond3A_320 = arith.cmpi ne, %convert_element_type3A_318, %cond3A_319 : i32
      scf.if %cond3A_320 {
        %add3A_321 = arith.constant 2 : i32
        %add3A_322 = arith.addi %add3A_298, %add3A_321 : i32
        %dma_start3A_323 = arith.constant 0 : i32
        %dma_start3A_324 = tpu.memref_slice %arg9[%add3A_322, %dma_start3A_323] : memref<40x64xi32, #tpu.memory_space<vmem>> -> memref<1x64xi32, #tpu.memory_space<vmem>>
        %dma_start3A_325 = tpu.memref_squeeze %dma_start3A_324 : memref<1x64xi32, #tpu.memory_space<vmem>> -> memref<64xi32, #tpu.memory_space<vmem>>
        %dma_start3A_326 = arith.constant 0 : i32
        %dma_start3A_327 = arith.constant 0 : i32
        %dma_start3A_328 = tpu.memref_slice %arg2[%dma_start3A_326, %dma_start3A_327] : memref<20000x128xf32, #tpu.memory_space<hbm>> -> memref<20000x128xf32, #tpu.memory_space<hbm>>
        tpu.enqueue_indirect_dma source(%dma_start3A_328 : memref<20000x128xf32, #tpu.memory_space<hbm>>) target(%arg13 : memref<64x128xf32, #tpu.memory_space<vmem>>) offsets(%dma_start3A_325 : memref<64xi32, #tpu.memory_space<vmem>>) semaphore(%arg17 : memref<!tpu.dma_semaphore, #tpu.memory_space<semaphore_mem>>)
        %add3A_329 = arith.constant 2 : i32
        %add3A_330 = arith.addi %add3A_298, %add3A_329 : i32
        %dma_start3A_331 = arith.constant 0 : i32
        %dma_start3A_332 = tpu.memref_slice %arg11[%add3A_330, %dma_start3A_331] : memref<40x64xi32, #tpu.memory_space<vmem>> -> memref<1x64xi32, #tpu.memory_space<vmem>>
        %dma_start3A_333 = tpu.memref_squeeze %dma_start3A_332 : memref<1x64xi32, #tpu.memory_space<vmem>> -> memref<64xi32, #tpu.memory_space<vmem>>
        %dma_start3A_334 = arith.constant 0 : i32
        %dma_start3A_335 = arith.constant 0 : i32
        %dma_start3A_336 = tpu.memref_slice %arg6[%dma_start3A_334, %dma_start3A_335] : memref<2304x128xf32, #tpu.memory_space<hbm>> -> memref<2304x128xf32, #tpu.memory_space<hbm>>
        tpu.enqueue_indirect_dma source(%dma_start3A_336 : memref<2304x128xf32, #tpu.memory_space<hbm>>) target(%arg15 : memref<64x128xf32, #tpu.memory_space<vmem>>) offsets(%dma_start3A_333 : memref<64xi32, #tpu.memory_space<vmem>>) semaphore(%arg17 : memref<!tpu.dma_semaphore, #tpu.memory_space<semaphore_mem>>)
      } else {
      }
    }
    %scan3A_191 = arith.constant 20 : i32
    "tpu.region"() ({
      %run_scoped3A = tpu.sem_alloc : memref<!tpu.dma_semaphore, #tpu.memory_space<semaphore_mem>>
      %dma_start3A_271 = arith.constant 80 : i32
      %dma_start3A_272 = arith.constant 0 : i32
      %dma_start3A_273 = tpu.memref_slice %arg3[%arg1, %dma_start3A_271, %dma_start3A_272] : memref<16x160x64xi32, #tpu.memory_space<hbm>> -> memref<1x40x64xi32, #tpu.memory_space<hbm>>
      %dma_start3A_274 = tpu.memref_squeeze %dma_start3A_273 : memref<1x40x64xi32, #tpu.memory_space<hbm>> -> memref<40x64xi32, #tpu.memory_space<hbm>>
      %dma_start3A_275 = arith.constant 80 : i32
      %dma_start3A_276 = arith.constant 0 : i32
      %dma_start3A_277 = tpu.memref_slice %arg3[%arg1, %dma_start3A_275, %dma_start3A_276] : memref<16x160x64xi32, #tpu.memory_space<hbm>> -> memref<1x40x64xi32, #tpu.memory_space<hbm>>
      %dma_start3A_278 = tpu.memref_squeeze %dma_start3A_277 : memref<1x40x64xi32, #tpu.memory_space<hbm>> -> memref<40x64xi32, #tpu.memory_space<hbm>>
      tpu.enqueue_dma source(%dma_start3A_278 : memref<40x64xi32, #tpu.memory_space<hbm>>) target(%arg9 : memref<40x64xi32, #tpu.memory_space<vmem>>) target_semaphore(%run_scoped3A : memref<!tpu.dma_semaphore, #tpu.memory_space<semaphore_mem>>)
      %dma_wait3A_279 = arith.constant 80 : i32
      %dma_wait3A_280 = arith.constant 0 : i32
      %dma_wait3A_281 = tpu.memref_slice %arg3[%arg1, %dma_wait3A_279, %dma_wait3A_280] : memref<16x160x64xi32, #tpu.memory_space<hbm>> -> memref<1x40x64xi32, #tpu.memory_space<hbm>>
      %dma_wait3A_282 = tpu.memref_squeeze %dma_wait3A_281 : memref<1x40x64xi32, #tpu.memory_space<hbm>> -> memref<40x64xi32, #tpu.memory_space<hbm>>
      %dma_wait3A_283 = arith.constant 80 : i32
      %dma_wait3A_284 = arith.constant 0 : i32
      %dma_wait3A_285 = tpu.memref_slice %arg3[%arg1, %dma_wait3A_283, %dma_wait3A_284] : memref<16x160x64xi32, #tpu.memory_space<hbm>> -> memref<1x40x64xi32, #tpu.memory_space<hbm>>
      %dma_wait3A_286 = tpu.memref_squeeze %dma_wait3A_285 : memref<1x40x64xi32, #tpu.memory_space<hbm>> -> memref<40x64xi32, #tpu.memory_space<hbm>>
      tpu.wait_dma2 semaphore(%run_scoped3A : memref<!tpu.dma_semaphore, #tpu.memory_space<semaphore_mem>>) src(%dma_wait3A_286 : memref<40x64xi32, #tpu.memory_space<hbm>>) dst(%arg9 : memref<40x64xi32, #tpu.memory_space<vmem>>)
      tpu.yield
    }) : () -> ()
    "tpu.region"() ({
      %run_scoped3A = tpu.sem_alloc : memref<!tpu.dma_semaphore, #tpu.memory_space<semaphore_mem>>
      %dma_start3A_271 = arith.constant 80 : i32
      %dma_start3A_272 = arith.constant 0 : i32
      %dma_start3A_273 = tpu.memref_slice %arg4[%arg1, %dma_start3A_271, %dma_start3A_272] : memref<16x160x64xi32, #tpu.memory_space<hbm>> -> memref<1x40x64xi32, #tpu.memory_space<hbm>>
      %dma_start3A_274 = tpu.memref_squeeze %dma_start3A_273 : memref<1x40x64xi32, #tpu.memory_space<hbm>> -> memref<40x64xi32, #tpu.memory_space<hbm>>
      %dma_start3A_275 = arith.constant 80 : i32
      %dma_start3A_276 = arith.constant 0 : i32
      %dma_start3A_277 = tpu.memref_slice %arg4[%arg1, %dma_start3A_275, %dma_start3A_276] : memref<16x160x64xi32, #tpu.memory_space<hbm>> -> memref<1x40x64xi32, #tpu.memory_space<hbm>>
      %dma_start3A_278 = tpu.memref_squeeze %dma_start3A_277 : memref<1x40x64xi32, #tpu.memory_space<hbm>> -> memref<40x64xi32, #tpu.memory_space<hbm>>
      tpu.enqueue_dma source(%dma_start3A_278 : memref<40x64xi32, #tpu.memory_space<hbm>>) target(%arg10 : memref<40x64xi32, #tpu.memory_space<vmem>>) target_semaphore(%run_scoped3A : memref<!tpu.dma_semaphore, #tpu.memory_space<semaphore_mem>>)
      %dma_wait3A_279 = arith.constant 80 : i32
      %dma_wait3A_280 = arith.constant 0 : i32
      %dma_wait3A_281 = tpu.memref_slice %arg4[%arg1, %dma_wait3A_279, %dma_wait3A_280] : memref<16x160x64xi32, #tpu.memory_space<hbm>> -> memref<1x40x64xi32, #tpu.memory_space<hbm>>
      %dma_wait3A_282 = tpu.memref_squeeze %dma_wait3A_281 : memref<1x40x64xi32, #tpu.memory_space<hbm>> -> memref<40x64xi32, #tpu.memory_space<hbm>>
      %dma_wait3A_283 = arith.constant 80 : i32
      %dma_wait3A_284 = arith.constant 0 : i32
      %dma_wait3A_285 = tpu.memref_slice %arg4[%arg1, %dma_wait3A_283, %dma_wait3A_284] : memref<16x160x64xi32, #tpu.memory_space<hbm>> -> memref<1x40x64xi32, #tpu.memory_space<hbm>>
      %dma_wait3A_286 = tpu.memref_squeeze %dma_wait3A_285 : memref<1x40x64xi32, #tpu.memory_space<hbm>> -> memref<40x64xi32, #tpu.memory_space<hbm>>
      tpu.wait_dma2 semaphore(%run_scoped3A : memref<!tpu.dma_semaphore, #tpu.memory_space<semaphore_mem>>) src(%dma_wait3A_286 : memref<40x64xi32, #tpu.memory_space<hbm>>) dst(%arg10 : memref<40x64xi32, #tpu.memory_space<vmem>>)
      tpu.yield
    }) : () -> ()
    "tpu.region"() ({
      %run_scoped3A = tpu.sem_alloc : memref<!tpu.dma_semaphore, #tpu.memory_space<semaphore_mem>>
      %dma_start3A_271 = arith.constant 80 : i32
      %dma_start3A_272 = arith.constant 0 : i32
      %dma_start3A_273 = tpu.memref_slice %arg5[%arg1, %dma_start3A_271, %dma_start3A_272] : memref<16x160x64xi32, #tpu.memory_space<hbm>> -> memref<1x40x64xi32, #tpu.memory_space<hbm>>
      %dma_start3A_274 = tpu.memref_squeeze %dma_start3A_273 : memref<1x40x64xi32, #tpu.memory_space<hbm>> -> memref<40x64xi32, #tpu.memory_space<hbm>>
      %dma_start3A_275 = arith.constant 80 : i32
      %dma_start3A_276 = arith.constant 0 : i32
      %dma_start3A_277 = tpu.memref_slice %arg5[%arg1, %dma_start3A_275, %dma_start3A_276] : memref<16x160x64xi32, #tpu.memory_space<hbm>> -> memref<1x40x64xi32, #tpu.memory_space<hbm>>
      %dma_start3A_278 = tpu.memref_squeeze %dma_start3A_277 : memref<1x40x64xi32, #tpu.memory_space<hbm>> -> memref<40x64xi32, #tpu.memory_space<hbm>>
      tpu.enqueue_dma source(%dma_start3A_278 : memref<40x64xi32, #tpu.memory_space<hbm>>) target(%arg11 : memref<40x64xi32, #tpu.memory_space<vmem>>) target_semaphore(%run_scoped3A : memref<!tpu.dma_semaphore, #tpu.memory_space<semaphore_mem>>)
      %dma_wait3A_279 = arith.constant 80 : i32
      %dma_wait3A_280 = arith.constant 0 : i32
      %dma_wait3A_281 = tpu.memref_slice %arg5[%arg1, %dma_wait3A_279, %dma_wait3A_280] : memref<16x160x64xi32, #tpu.memory_space<hbm>> -> memref<1x40x64xi32, #tpu.memory_space<hbm>>
      %dma_wait3A_282 = tpu.memref_squeeze %dma_wait3A_281 : memref<1x40x64xi32, #tpu.memory_space<hbm>> -> memref<40x64xi32, #tpu.memory_space<hbm>>
      %dma_wait3A_283 = arith.constant 80 : i32
      %dma_wait3A_284 = arith.constant 0 : i32
      %dma_wait3A_285 = tpu.memref_slice %arg5[%arg1, %dma_wait3A_283, %dma_wait3A_284] : memref<16x160x64xi32, #tpu.memory_space<hbm>> -> memref<1x40x64xi32, #tpu.memory_space<hbm>>
      %dma_wait3A_286 = tpu.memref_squeeze %dma_wait3A_285 : memref<1x40x64xi32, #tpu.memory_space<hbm>> -> memref<40x64xi32, #tpu.memory_space<hbm>>
      tpu.wait_dma2 semaphore(%run_scoped3A : memref<!tpu.dma_semaphore, #tpu.memory_space<semaphore_mem>>) src(%dma_wait3A_286 : memref<40x64xi32, #tpu.memory_space<hbm>>) dst(%arg11 : memref<40x64xi32, #tpu.memory_space<vmem>>)
      tpu.yield
    }) : () -> ()
    %parallel_loop3A_192 = arith.constant 0 : i32
    %parallel_loop3A_193 = arith.constant 40 : i32
    %parallel_loop3A_194 = arith.constant 1 : i32
    scf.for %parallel_loop3A_271 = %parallel_loop3A_192 to %parallel_loop3A_193 step %parallel_loop3A_194  : i32 {
      %parallel_loop3A_272 = arith.index_cast %parallel_loop3A_271 : i32 to index
      %parallel_loop3A_273 = arith.constant 0 : index
      %parallel_loop3A_274 = tpu.vector_load %arg9[%parallel_loop3A_272, %parallel_loop3A_273] {strides = array<i32>} : memref<40x64xi32, #tpu.memory_space<vmem>>, vector<1x16xi32>,
      %parallel_loop3A_275 = vector.shape_cast %parallel_loop3A_274 : vector<1x16xi32> to vector<16xi32>
      %parallel_loop3A_276 = arith.constant 2 : i32
      %parallel_loop3A_277 = vector.broadcast %parallel_loop3A_276 : i32 to vector<16xi32>
      %parallel_loop3A_278 = arith.muli %parallel_loop3A_275, %parallel_loop3A_277 : vector<16xi32>
      %parallel_loop3A_279 = vector.broadcast %arg0 : i32 to vector<16xi32>
      %parallel_loop3A_280 = arith.addi %parallel_loop3A_278, %parallel_loop3A_279 : vector<16xi32>
      %parallel_loop3A_281 = arith.index_cast %parallel_loop3A_271 : i32 to index
      %parallel_loop3A_282 = arith.constant 0 : index
      %parallel_loop3A_283 = tpu.vector_load %arg9[%parallel_loop3A_281, %parallel_loop3A_282] {strides = array<i32>} : memref<40x64xi32, #tpu.memory_space<vmem>>, vector<1x16xi32>,
      %parallel_loop3A_284 = vector.shape_cast %parallel_loop3A_283 : vector<1x16xi32> to vector<16xi32>
      %parallel_loop3A_285 = vector.shape_cast %parallel_loop3A_280 : vector<16xi32> to vector<1x16xi32>
      tpu.vector_store %arg9[%parallel_loop3A_281, %parallel_loop3A_282], %parallel_loop3A_285 {strides = array<i32>} : memref<40x64xi32, #tpu.memory_space<vmem>>, vector<1x16xi32>,
      %parallel_loop3A_286 = arith.index_cast %parallel_loop3A_271 : i32 to index
      %parallel_loop3A_287 = arith.constant 0 : index
      %parallel_loop3A_288 = tpu.vector_load %arg11[%parallel_loop3A_286, %parallel_loop3A_287] {strides = array<i32>} : memref<40x64xi32, #tpu.memory_space<vmem>>, vector<1x16xi32>,
      %parallel_loop3A_289 = vector.shape_cast %parallel_loop3A_288 : vector<1x16xi32> to vector<16xi32>
      %parallel_loop3A_290 = arith.constant 2 : i32
      %parallel_loop3A_291 = vector.broadcast %parallel_loop3A_290 : i32 to vector<16xi32>
      %parallel_loop3A_292 = arith.muli %parallel_loop3A_289, %parallel_loop3A_291 : vector<16xi32>
      %parallel_loop3A_293 = vector.broadcast %arg0 : i32 to vector<16xi32>
      %parallel_loop3A_294 = arith.addi %parallel_loop3A_292, %parallel_loop3A_293 : vector<16xi32>
      %parallel_loop3A_295 = arith.constant 36 : i32
      %parallel_loop3A_296 = arith.muli %arg1, %parallel_loop3A_295 : i32
      %parallel_loop3A_297 = vector.broadcast %parallel_loop3A_296 : i32 to vector<16xi32>
      %parallel_loop3A_298 = arith.addi %parallel_loop3A_294, %parallel_loop3A_297 : vector<16xi32>
      %parallel_loop3A_299 = arith.constant 576 : i32
      %parallel_loop3A_300 = arith.muli %arg0, %parallel_loop3A_299 : i32
      %parallel_loop3A_301 = vector.broadcast %parallel_loop3A_300 : i32 to vector<16xi32>
      %parallel_loop3A_302 = arith.addi %parallel_loop3A_298, %parallel_loop3A_301 : vector<16xi32>
      %parallel_loop3A_303 = arith.constant 1 : i32
      %parallel_loop3A_304 = arith.andi %parallel_loop3A_271, %parallel_loop3A_303 : i32
      %parallel_loop3A_305 = arith.constant 1152 : i32
      %parallel_loop3A_306 = arith.muli %parallel_loop3A_304, %parallel_loop3A_305 : i32
      %parallel_loop3A_307 = vector.broadcast %parallel_loop3A_306 : i32 to vector<16xi32>
      %parallel_loop3A_308 = arith.addi %parallel_loop3A_302, %parallel_loop3A_307 : vector<16xi32>
      %parallel_loop3A_309 = arith.index_cast %parallel_loop3A_271 : i32 to index
      %parallel_loop3A_310 = arith.constant 0 : index
      %parallel_loop3A_311 = tpu.vector_load %arg11[%parallel_loop3A_309, %parallel_loop3A_310] {strides = array<i32>} : memref<40x64xi32, #tpu.memory_space<vmem>>, vector<1x16xi32>,
      %parallel_loop3A_312 = vector.shape_cast %parallel_loop3A_311 : vector<1x16xi32> to vector<16xi32>
      %parallel_loop3A_313 = vector.shape_cast %parallel_loop3A_308 : vector<16xi32> to vector<1x16xi32>
      tpu.vector_store %arg11[%parallel_loop3A_309, %parallel_loop3A_310], %parallel_loop3A_313 {strides = array<i32>} : memref<40x64xi32, #tpu.memory_space<vmem>>, vector<1x16xi32>,
      %parallel_loop3A_314 = arith.index_cast %parallel_loop3A_271 : i32 to index
      %parallel_loop3A_315 = arith.constant 16 : index
      %parallel_loop3A_316 = tpu.vector_load %arg9[%parallel_loop3A_314, %parallel_loop3A_315] {strides = array<i32>} : memref<40x64xi32, #tpu.memory_space<vmem>>, vector<1x16xi32>,
      %parallel_loop3A_317 = vector.shape_cast %parallel_loop3A_316 : vector<1x16xi32> to vector<16xi32>
      %parallel_loop3A_318 = arith.constant 2 : i32
      %parallel_loop3A_319 = vector.broadcast %parallel_loop3A_318 : i32 to vector<16xi32>
      %parallel_loop3A_320 = arith.muli %parallel_loop3A_317, %parallel_loop3A_319 : vector<16xi32>
      %parallel_loop3A_321 = vector.broadcast %arg0 : i32 to vector<16xi32>
      %parallel_loop3A_322 = arith.addi %parallel_loop3A_320, %parallel_loop3A_321 : vector<16xi32>
      %parallel_loop3A_323 = arith.index_cast %parallel_loop3A_271 : i32 to index
      %parallel_loop3A_324 = arith.constant 16 : index
      %parallel_loop3A_325 = tpu.vector_load %arg9[%parallel_loop3A_323, %parallel_loop3A_324] {strides = array<i32>} : memref<40x64xi32, #tpu.memory_space<vmem>>, vector<1x16xi32>,
      %parallel_loop3A_326 = vector.shape_cast %parallel_loop3A_325 : vector<1x16xi32> to vector<16xi32>
      %parallel_loop3A_327 = vector.shape_cast %parallel_loop3A_322 : vector<16xi32> to vector<1x16xi32>
      tpu.vector_store %arg9[%parallel_loop3A_323, %parallel_loop3A_324], %parallel_loop3A_327 {strides = array<i32>} : memref<40x64xi32, #tpu.memory_space<vmem>>, vector<1x16xi32>,
      %parallel_loop3A_328 = arith.index_cast %parallel_loop3A_271 : i32 to index
      %parallel_loop3A_329 = arith.constant 16 : index
      %parallel_loop3A_330 = tpu.vector_load %arg11[%parallel_loop3A_328, %parallel_loop3A_329] {strides = array<i32>} : memref<40x64xi32, #tpu.memory_space<vmem>>, vector<1x16xi32>,
      %parallel_loop3A_331 = vector.shape_cast %parallel_loop3A_330 : vector<1x16xi32> to vector<16xi32>
      %parallel_loop3A_332 = arith.constant 2 : i32
      %parallel_loop3A_333 = vector.broadcast %parallel_loop3A_332 : i32 to vector<16xi32>
      %parallel_loop3A_334 = arith.muli %parallel_loop3A_331, %parallel_loop3A_333 : vector<16xi32>
      %parallel_loop3A_335 = vector.broadcast %arg0 : i32 to vector<16xi32>
      %parallel_loop3A_336 = arith.addi %parallel_loop3A_334, %parallel_loop3A_335 : vector<16xi32>
      %parallel_loop3A_337 = arith.constant 36 : i32
      %parallel_loop3A_338 = arith.muli %arg1, %parallel_loop3A_337 : i32
      %parallel_loop3A_339 = vector.broadcast %parallel_loop3A_338 : i32 to vector<16xi32>
      %parallel_loop3A_340 = arith.addi %parallel_loop3A_336, %parallel_loop3A_339 : vector<16xi32>
      %parallel_loop3A_341 = arith.constant 576 : i32
      %parallel_loop3A_342 = arith.muli %arg0, %parallel_loop3A_341 : i32
      %parallel_loop3A_343 = vector.broadcast %parallel_loop3A_342 : i32 to vector<16xi32>
      %parallel_loop3A_344 = arith.addi %parallel_loop3A_340, %parallel_loop3A_343 : vector<16xi32>
      %parallel_loop3A_345 = arith.constant 1 : i32
      %parallel_loop3A_346 = arith.andi %parallel_loop3A_271, %parallel_loop3A_345 : i32
      %parallel_loop3A_347 = arith.constant 1152 : i32
      %parallel_loop3A_348 = arith.muli %parallel_loop3A_346, %parallel_loop3A_347 : i32
      %parallel_loop3A_349 = vector.broadcast %parallel_loop3A_348 : i32 to vector<16xi32>
      %parallel_loop3A_350 = arith.addi %parallel_loop3A_344, %parallel_loop3A_349 : vector<16xi32>
      %parallel_loop3A_351 = arith.index_cast %parallel_loop3A_271 : i32 to index
      %parallel_loop3A_352 = arith.constant 16 : index
      %parallel_loop3A_353 = tpu.vector_load %arg11[%parallel_loop3A_351, %parallel_loop3A_352] {strides = array<i32>} : memref<40x64xi32, #tpu.memory_space<vmem>>, vector<1x16xi32>,
      %parallel_loop3A_354 = vector.shape_cast %parallel_loop3A_353 : vector<1x16xi32> to vector<16xi32>
      %parallel_loop3A_355 = vector.shape_cast %parallel_loop3A_350 : vector<16xi32> to vector<1x16xi32>
      tpu.vector_store %arg11[%parallel_loop3A_351, %parallel_loop3A_352], %parallel_loop3A_355 {strides = array<i32>} : memref<40x64xi32, #tpu.memory_space<vmem>>, vector<1x16xi32>,
      %parallel_loop3A_356 = arith.index_cast %parallel_loop3A_271 : i32 to index
      %parallel_loop3A_357 = arith.constant 32 : index
      %parallel_loop3A_358 = tpu.vector_load %arg9[%parallel_loop3A_356, %parallel_loop3A_357] {strides = array<i32>} : memref<40x64xi32, #tpu.memory_space<vmem>>, vector<1x16xi32>,
      %parallel_loop3A_359 = vector.shape_cast %parallel_loop3A_358 : vector<1x16xi32> to vector<16xi32>
      %parallel_loop3A_360 = arith.constant 2 : i32
      %parallel_loop3A_361 = vector.broadcast %parallel_loop3A_360 : i32 to vector<16xi32>
      %parallel_loop3A_362 = arith.muli %parallel_loop3A_359, %parallel_loop3A_361 : vector<16xi32>
      %parallel_loop3A_363 = vector.broadcast %arg0 : i32 to vector<16xi32>
      %parallel_loop3A_364 = arith.addi %parallel_loop3A_362, %parallel_loop3A_363 : vector<16xi32>
      %parallel_loop3A_365 = arith.index_cast %parallel_loop3A_271 : i32 to index
      %parallel_loop3A_366 = arith.constant 32 : index
      %parallel_loop3A_367 = tpu.vector_load %arg9[%parallel_loop3A_365, %parallel_loop3A_366] {strides = array<i32>} : memref<40x64xi32, #tpu.memory_space<vmem>>, vector<1x16xi32>,
      %parallel_loop3A_368 = vector.shape_cast %parallel_loop3A_367 : vector<1x16xi32> to vector<16xi32>
      %parallel_loop3A_369 = vector.shape_cast %parallel_loop3A_364 : vector<16xi32> to vector<1x16xi32>
      tpu.vector_store %arg9[%parallel_loop3A_365, %parallel_loop3A_366], %parallel_loop3A_369 {strides = array<i32>} : memref<40x64xi32, #tpu.memory_space<vmem>>, vector<1x16xi32>,
      %parallel_loop3A_370 = arith.index_cast %parallel_loop3A_271 : i32 to index
      %parallel_loop3A_371 = arith.constant 32 : index
      %parallel_loop3A_372 = tpu.vector_load %arg11[%parallel_loop3A_370, %parallel_loop3A_371] {strides = array<i32>} : memref<40x64xi32, #tpu.memory_space<vmem>>, vector<1x16xi32>,
      %parallel_loop3A_373 = vector.shape_cast %parallel_loop3A_372 : vector<1x16xi32> to vector<16xi32>
      %parallel_loop3A_374 = arith.constant 2 : i32
      %parallel_loop3A_375 = vector.broadcast %parallel_loop3A_374 : i32 to vector<16xi32>
      %parallel_loop3A_376 = arith.muli %parallel_loop3A_373, %parallel_loop3A_375 : vector<16xi32>
      %parallel_loop3A_377 = vector.broadcast %arg0 : i32 to vector<16xi32>
      %parallel_loop3A_378 = arith.addi %parallel_loop3A_376, %parallel_loop3A_377 : vector<16xi32>
      %parallel_loop3A_379 = arith.constant 36 : i32
      %parallel_loop3A_380 = arith.muli %arg1, %parallel_loop3A_379 : i32
      %parallel_loop3A_381 = vector.broadcast %parallel_loop3A_380 : i32 to vector<16xi32>
      %parallel_loop3A_382 = arith.addi %parallel_loop3A_378, %parallel_loop3A_381 : vector<16xi32>
      %parallel_loop3A_383 = arith.constant 576 : i32
      %parallel_loop3A_384 = arith.muli %arg0, %parallel_loop3A_383 : i32
      %parallel_loop3A_385 = vector.broadcast %parallel_loop3A_384 : i32 to vector<16xi32>
      %parallel_loop3A_386 = arith.addi %parallel_loop3A_382, %parallel_loop3A_385 : vector<16xi32>
      %parallel_loop3A_387 = arith.constant 1 : i32
      %parallel_loop3A_388 = arith.andi %parallel_loop3A_271, %parallel_loop3A_387 : i32
      %parallel_loop3A_389 = arith.constant 1152 : i32
      %parallel_loop3A_390 = arith.muli %parallel_loop3A_388, %parallel_loop3A_389 : i32
      %parallel_loop3A_391 = vector.broadcast %parallel_loop3A_390 : i32 to vector<16xi32>
      %parallel_loop3A_392 = arith.addi %parallel_loop3A_386, %parallel_loop3A_391 : vector<16xi32>
      %parallel_loop3A_393 = arith.index_cast %parallel_loop3A_271 : i32 to index
      %parallel_loop3A_394 = arith.constant 32 : index
      %parallel_loop3A_395 = tpu.vector_load %arg11[%parallel_loop3A_393, %parallel_loop3A_394] {strides = array<i32>} : memref<40x64xi32, #tpu.memory_space<vmem>>, vector<1x16xi32>,
      %parallel_loop3A_396 = vector.shape_cast %parallel_loop3A_395 : vector<1x16xi32> to vector<16xi32>
      %parallel_loop3A_397 = vector.shape_cast %parallel_loop3A_392 : vector<16xi32> to vector<1x16xi32>
      tpu.vector_store %arg11[%parallel_loop3A_393, %parallel_loop3A_394], %parallel_loop3A_397 {strides = array<i32>} : memref<40x64xi32, #tpu.memory_space<vmem>>, vector<1x16xi32>,
      %parallel_loop3A_398 = arith.index_cast %parallel_loop3A_271 : i32 to index
      %parallel_loop3A_399 = arith.constant 48 : index
      %parallel_loop3A_400 = tpu.vector_load %arg9[%parallel_loop3A_398, %parallel_loop3A_399] {strides = array<i32>} : memref<40x64xi32, #tpu.memory_space<vmem>>, vector<1x16xi32>,
      %parallel_loop3A_401 = vector.shape_cast %parallel_loop3A_400 : vector<1x16xi32> to vector<16xi32>
      %parallel_loop3A_402 = arith.constant 2 : i32
      %parallel_loop3A_403 = vector.broadcast %parallel_loop3A_402 : i32 to vector<16xi32>
      %parallel_loop3A_404 = arith.muli %parallel_loop3A_401, %parallel_loop3A_403 : vector<16xi32>
      %parallel_loop3A_405 = vector.broadcast %arg0 : i32 to vector<16xi32>
      %parallel_loop3A_406 = arith.addi %parallel_loop3A_404, %parallel_loop3A_405 : vector<16xi32>
      %parallel_loop3A_407 = arith.index_cast %parallel_loop3A_271 : i32 to index
      %parallel_loop3A_408 = arith.constant 48 : index
      %parallel_loop3A_409 = tpu.vector_load %arg9[%parallel_loop3A_407, %parallel_loop3A_408] {strides = array<i32>} : memref<40x64xi32, #tpu.memory_space<vmem>>, vector<1x16xi32>,
      %parallel_loop3A_410 = vector.shape_cast %parallel_loop3A_409 : vector<1x16xi32> to vector<16xi32>
      %parallel_loop3A_411 = vector.shape_cast %parallel_loop3A_406 : vector<16xi32> to vector<1x16xi32>
      tpu.vector_store %arg9[%parallel_loop3A_407, %parallel_loop3A_408], %parallel_loop3A_411 {strides = array<i32>} : memref<40x64xi32, #tpu.memory_space<vmem>>, vector<1x16xi32>,
      %parallel_loop3A_412 = arith.index_cast %parallel_loop3A_271 : i32 to index
      %parallel_loop3A_413 = arith.constant 48 : index
      %parallel_loop3A_414 = tpu.vector_load %arg11[%parallel_loop3A_412, %parallel_loop3A_413] {strides = array<i32>} : memref<40x64xi32, #tpu.memory_space<vmem>>, vector<1x16xi32>,
      %parallel_loop3A_415 = vector.shape_cast %parallel_loop3A_414 : vector<1x16xi32> to vector<16xi32>
      %parallel_loop3A_416 = arith.constant 2 : i32
      %parallel_loop3A_417 = vector.broadcast %parallel_loop3A_416 : i32 to vector<16xi32>
      %parallel_loop3A_418 = arith.muli %parallel_loop3A_415, %parallel_loop3A_417 : vector<16xi32>
      %parallel_loop3A_419 = vector.broadcast %arg0 : i32 to vector<16xi32>
      %parallel_loop3A_420 = arith.addi %parallel_loop3A_418, %parallel_loop3A_419 : vector<16xi32>
      %parallel_loop3A_421 = arith.constant 36 : i32
      %parallel_loop3A_422 = arith.muli %arg1, %parallel_loop3A_421 : i32
      %parallel_loop3A_423 = vector.broadcast %parallel_loop3A_422 : i32 to vector<16xi32>
      %parallel_loop3A_424 = arith.addi %parallel_loop3A_420, %parallel_loop3A_423 : vector<16xi32>
      %parallel_loop3A_425 = arith.constant 576 : i32
      %parallel_loop3A_426 = arith.muli %arg0, %parallel_loop3A_425 : i32
      %parallel_loop3A_427 = vector.broadcast %parallel_loop3A_426 : i32 to vector<16xi32>
      %parallel_loop3A_428 = arith.addi %parallel_loop3A_424, %parallel_loop3A_427 : vector<16xi32>
      %parallel_loop3A_429 = arith.constant 1 : i32
      %parallel_loop3A_430 = arith.andi %parallel_loop3A_271, %parallel_loop3A_429 : i32
      %parallel_loop3A_431 = arith.constant 1152 : i32
      %parallel_loop3A_432 = arith.muli %parallel_loop3A_430, %parallel_loop3A_431 : i32
      %parallel_loop3A_433 = vector.broadcast %parallel_loop3A_432 : i32 to vector<16xi32>
      %parallel_loop3A_434 = arith.addi %parallel_loop3A_428, %parallel_loop3A_433 : vector<16xi32>
      %parallel_loop3A_435 = arith.index_cast %parallel_loop3A_271 : i32 to index
      %parallel_loop3A_436 = arith.constant 48 : index
      %parallel_loop3A_437 = tpu.vector_load %arg11[%parallel_loop3A_435, %parallel_loop3A_436] {strides = array<i32>} : memref<40x64xi32, #tpu.memory_space<vmem>>, vector<1x16xi32>,
      %parallel_loop3A_438 = vector.shape_cast %parallel_loop3A_437 : vector<1x16xi32> to vector<16xi32>
      %parallel_loop3A_439 = vector.shape_cast %parallel_loop3A_434 : vector<16xi32> to vector<1x16xi32>
      tpu.vector_store %arg11[%parallel_loop3A_435, %parallel_loop3A_436], %parallel_loop3A_439 {strides = array<i32>} : memref<40x64xi32, #tpu.memory_space<vmem>>, vector<1x16xi32>,
    } {sc.loop_unroll_factor = 4 : i64, sc.parallel_access}
    %dma_start3A_195 = arith.constant 0 : i32
    %dma_start3A_196 = arith.constant 0 : i32
    %dma_start3A_197 = tpu.memref_slice %arg9[%dma_start3A_195, %dma_start3A_196] : memref<40x64xi32, #tpu.memory_space<vmem>> -> memref<1x64xi32, #tpu.memory_space<vmem>>
    %dma_start3A_198 = tpu.memref_squeeze %dma_start3A_197 : memref<1x64xi32, #tpu.memory_space<vmem>> -> memref<64xi32, #tpu.memory_space<vmem>>
    %dma_start3A_199 = arith.constant 0 : i32
    %dma_start3A_200 = arith.constant 0 : i32
    %dma_start3A_201 = tpu.memref_slice %arg2[%dma_start3A_199, %dma_start3A_200] : memref<20000x128xf32, #tpu.memory_space<hbm>> -> memref<20000x128xf32, #tpu.memory_space<hbm>>
    tpu.enqueue_indirect_dma source(%dma_start3A_201 : memref<20000x128xf32, #tpu.memory_space<hbm>>) target(%arg12 : memref<64x128xf32, #tpu.memory_space<vmem>>) offsets(%dma_start3A_198 : memref<64xi32, #tpu.memory_space<vmem>>) semaphore(%arg16 : memref<!tpu.dma_semaphore, #tpu.memory_space<semaphore_mem>>)
    %dma_start3A_202 = arith.constant 0 : i32
    %dma_start3A_203 = arith.constant 0 : i32
    %dma_start3A_204 = tpu.memref_slice %arg11[%dma_start3A_202, %dma_start3A_203] : memref<40x64xi32, #tpu.memory_space<vmem>> -> memref<1x64xi32, #tpu.memory_space<vmem>>
    %dma_start3A_205 = tpu.memref_squeeze %dma_start3A_204 : memref<1x64xi32, #tpu.memory_space<vmem>> -> memref<64xi32, #tpu.memory_space<vmem>>
    %dma_start3A_206 = arith.constant 0 : i32
    %dma_start3A_207 = arith.constant 0 : i32
    %dma_start3A_208 = tpu.memref_slice %arg6[%dma_start3A_206, %dma_start3A_207] : memref<2304x128xf32, #tpu.memory_space<hbm>> -> memref<2304x128xf32, #tpu.memory_space<hbm>>
    tpu.enqueue_indirect_dma source(%dma_start3A_208 : memref<2304x128xf32, #tpu.memory_space<hbm>>) target(%arg14 : memref<64x128xf32, #tpu.memory_space<vmem>>) offsets(%dma_start3A_205 : memref<64xi32, #tpu.memory_space<vmem>>) semaphore(%arg16 : memref<!tpu.dma_semaphore, #tpu.memory_space<semaphore_mem>>)
    %dma_start3A_209 = arith.constant 1 : i32
    %dma_start3A_210 = arith.constant 0 : i32
    %dma_start3A_211 = tpu.memref_slice %arg9[%dma_start3A_209, %dma_start3A_210] : memref<40x64xi32, #tpu.memory_space<vmem>> -> memref<1x64xi32, #tpu.memory_space<vmem>>
    %dma_start3A_212 = tpu.memref_squeeze %dma_start3A_211 : memref<1x64xi32, #tpu.memory_space<vmem>> -> memref<64xi32, #tpu.memory_space<vmem>>
    %dma_start3A_213 = arith.constant 0 : i32
    %dma_start3A_214 = arith.constant 0 : i32
    %dma_start3A_215 = tpu.memref_slice %arg2[%dma_start3A_213, %dma_start3A_214] : memref<20000x128xf32, #tpu.memory_space<hbm>> -> memref<20000x128xf32, #tpu.memory_space<hbm>>
    tpu.enqueue_indirect_dma source(%dma_start3A_215 : memref<20000x128xf32, #tpu.memory_space<hbm>>) target(%arg13 : memref<64x128xf32, #tpu.memory_space<vmem>>) offsets(%dma_start3A_212 : memref<64xi32, #tpu.memory_space<vmem>>) semaphore(%arg17 : memref<!tpu.dma_semaphore, #tpu.memory_space<semaphore_mem>>)
    %dma_start3A_216 = arith.constant 1 : i32
    %dma_start3A_217 = arith.constant 0 : i32
    %dma_start3A_218 = tpu.memref_slice %arg11[%dma_start3A_216, %dma_start3A_217] : memref<40x64xi32, #tpu.memory_space<vmem>> -> memref<1x64xi32, #tpu.memory_space<vmem>>
    %dma_start3A_219 = tpu.memref_squeeze %dma_start3A_218 : memref<1x64xi32, #tpu.memory_space<vmem>> -> memref<64xi32, #tpu.memory_space<vmem>>
    %dma_start3A_220 = arith.constant 0 : i32
    %dma_start3A_221 = arith.constant 0 : i32
    %dma_start3A_222 = tpu.memref_slice %arg6[%dma_start3A_220, %dma_start3A_221] : memref<2304x128xf32, #tpu.memory_space<hbm>> -> memref<2304x128xf32, #tpu.memory_space<hbm>>
    tpu.enqueue_indirect_dma source(%dma_start3A_222 : memref<2304x128xf32, #tpu.memory_space<hbm>>) target(%arg15 : memref<64x128xf32, #tpu.memory_space<vmem>>) offsets(%dma_start3A_219 : memref<64xi32, #tpu.memory_space<vmem>>) semaphore(%arg17 : memref<!tpu.dma_semaphore, #tpu.memory_space<semaphore_mem>>)
    %scan3A_223 = arith.constant 0 : i32
    %scan3A_224 = arith.constant 0 : i32
    %scan3A_225 = arith.constant 20 : i32
    %scan3A_226 = arith.addi %scan3A_224, %scan3A_225 : i32
    %scan3A_227 = arith.constant 1 : i32
    scf.for %scan3A_271 = %scan3A_224 to %scan3A_226 step %scan3A_227  : i32 {
      %mul3A_272 = arith.constant 2 : i32
      %mul3A_273 = arith.muli %scan3A_271, %mul3A_272 : i32
      %add3A_274 = arith.constant 0 : i32
      %add3A_275 = arith.addi %mul3A_273, %add3A_274 : i32
      %dma_wait3A_276 = arith.constant 0 : i32
      %dma_wait3A_277 = tpu.memref_slice %arg9[%add3A_275, %dma_wait3A_276] : memref<40x64xi32, #tpu.memory_space<vmem>> -> memref<1x64xi32, #tpu.memory_space<vmem>>
      %dma_wait3A_278 = tpu.memref_squeeze %dma_wait3A_277 : memref<1x64xi32, #tpu.memory_space<vmem>> -> memref<64xi32, #tpu.memory_space<vmem>>
      %dma_wait3A_279 = arith.constant 0 : i32
      %dma_wait3A_280 = arith.constant 0 : i32
      %dma_wait3A_281 = tpu.memref_slice %arg2[%dma_wait3A_279, %dma_wait3A_280] : memref<20000x128xf32, #tpu.memory_space<hbm>> -> memref<20000x128xf32, #tpu.memory_space<hbm>>
      tpu.wait_indirect_dma semaphore(%arg16 : memref<!tpu.dma_semaphore, #tpu.memory_space<semaphore_mem>>) src(%dma_wait3A_281 : memref<20000x128xf32, #tpu.memory_space<hbm>>) dst(%arg12 : memref<64x128xf32, #tpu.memory_space<vmem>>)
      %dma_wait3A_282 = arith.constant 0 : i32
      %dma_wait3A_283 = tpu.memref_slice %arg9[%add3A_275, %dma_wait3A_282] : memref<40x64xi32, #tpu.memory_space<vmem>> -> memref<1x64xi32, #tpu.memory_space<vmem>>
      %dma_wait3A_284 = tpu.memref_squeeze %dma_wait3A_283 : memref<1x64xi32, #tpu.memory_space<vmem>> -> memref<64xi32, #tpu.memory_space<vmem>>
      %dma_wait3A_285 = arith.constant 0 : i32
      %dma_wait3A_286 = arith.constant 0 : i32
      %dma_wait3A_287 = tpu.memref_slice %arg2[%dma_wait3A_285, %dma_wait3A_286] : memref<20000x128xf32, #tpu.memory_space<hbm>> -> memref<20000x128xf32, #tpu.memory_space<hbm>>
      tpu.wait_indirect_dma semaphore(%arg16 : memref<!tpu.dma_semaphore, #tpu.memory_space<semaphore_mem>>) src(%dma_wait3A_287 : memref<20000x128xf32, #tpu.memory_space<hbm>>) dst(%arg14 : memref<64x128xf32, #tpu.memory_space<vmem>>)
      %parallel_loop3A_288 = arith.constant 0 : i32
      %parallel_loop3A_289 = arith.constant 64 : i32
      %parallel_loop3A_290 = arith.constant 1 : i32
      scf.for %parallel_loop3A_321 = %parallel_loop3A_288 to %parallel_loop3A_289 step %parallel_loop3A_290  : i32 {
        %parallel_loop3A_322 = arith.index_cast %parallel_loop3A_321 : i32 to index
        %parallel_loop3A_323 = arith.constant 0 : index
        %parallel_loop3A_324 = tpu.vector_load %arg12[%parallel_loop3A_322, %parallel_loop3A_323] {strides = array<i32>} : memref<64x128xf32, #tpu.memory_space<vmem>>, vector<1x16xf32>,
        %parallel_loop3A_325 = vector.shape_cast %parallel_loop3A_324 : vector<1x16xf32> to vector<16xf32>
        %parallel_loop3A_326 = arith.index_cast %parallel_loop3A_321 : i32 to index
        %parallel_loop3A_327 = arith.constant 0 : index
        %parallel_loop3A_328 = tpu.vector_load %arg14[%parallel_loop3A_326, %parallel_loop3A_327] {strides = array<i32>} : memref<64x128xf32, #tpu.memory_space<vmem>>, vector<1x16xf32>,
        %parallel_loop3A_329 = vector.shape_cast %parallel_loop3A_328 : vector<1x16xf32> to vector<16xf32>
        %parallel_loop3A_330 = arith.mulf %parallel_loop3A_325, %parallel_loop3A_329 : vector<16xf32>
        %parallel_loop3A_331 = arith.index_cast %parallel_loop3A_321 : i32 to index
        %parallel_loop3A_332 = arith.constant 0 : index
        %parallel_loop3A_333 = tpu.vector_load %arg12[%parallel_loop3A_331, %parallel_loop3A_332] {strides = array<i32>} : memref<64x128xf32, #tpu.memory_space<vmem>>, vector<1x16xf32>,
        %parallel_loop3A_334 = vector.shape_cast %parallel_loop3A_333 : vector<1x16xf32> to vector<16xf32>
        %parallel_loop3A_335 = vector.shape_cast %parallel_loop3A_330 : vector<16xf32> to vector<1x16xf32>
        tpu.vector_store %arg12[%parallel_loop3A_331, %parallel_loop3A_332], %parallel_loop3A_335 {strides = array<i32>} : memref<64x128xf32, #tpu.memory_space<vmem>>, vector<1x16xf32>,
        %parallel_loop3A_336 = arith.index_cast %parallel_loop3A_321 : i32 to index
        %parallel_loop3A_337 = arith.constant 16 : index
        %parallel_loop3A_338 = tpu.vector_load %arg12[%parallel_loop3A_336, %parallel_loop3A_337] {strides = array<i32>} : memref<64x128xf32, #tpu.memory_space<vmem>>, vector<1x16xf32>,
        %parallel_loop3A_339 = vector.shape_cast %parallel_loop3A_338 : vector<1x16xf32> to vector<16xf32>
        %parallel_loop3A_340 = arith.index_cast %parallel_loop3A_321 : i32 to index
        %parallel_loop3A_341 = arith.constant 16 : index
        %parallel_loop3A_342 = tpu.vector_load %arg14[%parallel_loop3A_340, %parallel_loop3A_341] {strides = array<i32>} : memref<64x128xf32, #tpu.memory_space<vmem>>, vector<1x16xf32>,
        %parallel_loop3A_343 = vector.shape_cast %parallel_loop3A_342 : vector<1x16xf32> to vector<16xf32>
        %parallel_loop3A_344 = arith.mulf %parallel_loop3A_339, %parallel_loop3A_343 : vector<16xf32>
        %parallel_loop3A_345 = arith.index_cast %parallel_loop3A_321 : i32 to index
        %parallel_loop3A_346 = arith.constant 16 : index
        %parallel_loop3A_347 = tpu.vector_load %arg12[%parallel_loop3A_345, %parallel_loop3A_346] {strides = array<i32>} : memref<64x128xf32, #tpu.memory_space<vmem>>, vector<1x16xf32>,
        %parallel_loop3A_348 = vector.shape_cast %parallel_loop3A_347 : vector<1x16xf32> to vector<16xf32>
        %parallel_loop3A_349 = vector.shape_cast %parallel_loop3A_344 : vector<16xf32> to vector<1x16xf32>
        tpu.vector_store %arg12[%parallel_loop3A_345, %parallel_loop3A_346], %parallel_loop3A_349 {strides = array<i32>} : memref<64x128xf32, #tpu.memory_space<vmem>>, vector<1x16xf32>,
        %parallel_loop3A_350 = arith.index_cast %parallel_loop3A_321 : i32 to index
        %parallel_loop3A_351 = arith.constant 32 : index
        %parallel_loop3A_352 = tpu.vector_load %arg12[%parallel_loop3A_350, %parallel_loop3A_351] {strides = array<i32>} : memref<64x128xf32, #tpu.memory_space<vmem>>, vector<1x16xf32>,
        %parallel_loop3A_353 = vector.shape_cast %parallel_loop3A_352 : vector<1x16xf32> to vector<16xf32>
        %parallel_loop3A_354 = arith.index_cast %parallel_loop3A_321 : i32 to index
        %parallel_loop3A_355 = arith.constant 32 : index
        %parallel_loop3A_356 = tpu.vector_load %arg14[%parallel_loop3A_354, %parallel_loop3A_355] {strides = array<i32>} : memref<64x128xf32, #tpu.memory_space<vmem>>, vector<1x16xf32>,
        %parallel_loop3A_357 = vector.shape_cast %parallel_loop3A_356 : vector<1x16xf32> to vector<16xf32>
        %parallel_loop3A_358 = arith.mulf %parallel_loop3A_353, %parallel_loop3A_357 : vector<16xf32>
        %parallel_loop3A_359 = arith.index_cast %parallel_loop3A_321 : i32 to index
        %parallel_loop3A_360 = arith.constant 32 : index
        %parallel_loop3A_361 = tpu.vector_load %arg12[%parallel_loop3A_359, %parallel_loop3A_360] {strides = array<i32>} : memref<64x128xf32, #tpu.memory_space<vmem>>, vector<1x16xf32>,
        %parallel_loop3A_362 = vector.shape_cast %parallel_loop3A_361 : vector<1x16xf32> to vector<16xf32>
        %parallel_loop3A_363 = vector.shape_cast %parallel_loop3A_358 : vector<16xf32> to vector<1x16xf32>
        tpu.vector_store %arg12[%parallel_loop3A_359, %parallel_loop3A_360], %parallel_loop3A_363 {strides = array<i32>} : memref<64x128xf32, #tpu.memory_space<vmem>>, vector<1x16xf32>,
        %parallel_loop3A_364 = arith.index_cast %parallel_loop3A_321 : i32 to index
        %parallel_loop3A_365 = arith.constant 48 : index
        %parallel_loop3A_366 = tpu.vector_load %arg12[%parallel_loop3A_364, %parallel_loop3A_365] {strides = array<i32>} : memref<64x128xf32, #tpu.memory_space<vmem>>, vector<1x16xf32>,
        %parallel_loop3A_367 = vector.shape_cast %parallel_loop3A_366 : vector<1x16xf32> to vector<16xf32>
        %parallel_loop3A_368 = arith.index_cast %parallel_loop3A_321 : i32 to index
        %parallel_loop3A_369 = arith.constant 48 : index
        %parallel_loop3A_370 = tpu.vector_load %arg14[%parallel_loop3A_368, %parallel_loop3A_369] {strides = array<i32>} : memref<64x128xf32, #tpu.memory_space<vmem>>, vector<1x16xf32>,
        %parallel_loop3A_371 = vector.shape_cast %parallel_loop3A_370 : vector<1x16xf32> to vector<16xf32>
        %parallel_loop3A_372 = arith.mulf %parallel_loop3A_367, %parallel_loop3A_371 : vector<16xf32>
        %parallel_loop3A_373 = arith.index_cast %parallel_loop3A_321 : i32 to index
        %parallel_loop3A_374 = arith.constant 48 : index
        %parallel_loop3A_375 = tpu.vector_load %arg12[%parallel_loop3A_373, %parallel_loop3A_374] {strides = array<i32>} : memref<64x128xf32, #tpu.memory_space<vmem>>, vector<1x16xf32>,
        %parallel_loop3A_376 = vector.shape_cast %parallel_loop3A_375 : vector<1x16xf32> to vector<16xf32>
        %parallel_loop3A_377 = vector.shape_cast %parallel_loop3A_372 : vector<16xf32> to vector<1x16xf32>
        tpu.vector_store %arg12[%parallel_loop3A_373, %parallel_loop3A_374], %parallel_loop3A_377 {strides = array<i32>} : memref<64x128xf32, #tpu.memory_space<vmem>>, vector<1x16xf32>,
        %parallel_loop3A_378 = arith.index_cast %parallel_loop3A_321 : i32 to index
        %parallel_loop3A_379 = arith.constant 64 : index
        %parallel_loop3A_380 = tpu.vector_load %arg12[%parallel_loop3A_378, %parallel_loop3A_379] {strides = array<i32>} : memref<64x128xf32, #tpu.memory_space<vmem>>, vector<1x16xf32>,
        %parallel_loop3A_381 = vector.shape_cast %parallel_loop3A_380 : vector<1x16xf32> to vector<16xf32>
        %parallel_loop3A_382 = arith.index_cast %parallel_loop3A_321 : i32 to index
        %parallel_loop3A_383 = arith.constant 64 : index
        %parallel_loop3A_384 = tpu.vector_load %arg14[%parallel_loop3A_382, %parallel_loop3A_383] {strides = array<i32>} : memref<64x128xf32, #tpu.memory_space<vmem>>, vector<1x16xf32>,
        %parallel_loop3A_385 = vector.shape_cast %parallel_loop3A_384 : vector<1x16xf32> to vector<16xf32>
        %parallel_loop3A_386 = arith.mulf %parallel_loop3A_381, %parallel_loop3A_385 : vector<16xf32>
        %parallel_loop3A_387 = arith.index_cast %parallel_loop3A_321 : i32 to index
        %parallel_loop3A_388 = arith.constant 64 : index
        %parallel_loop3A_389 = tpu.vector_load %arg12[%parallel_loop3A_387, %parallel_loop3A_388] {strides = array<i32>} : memref<64x128xf32, #tpu.memory_space<vmem>>, vector<1x16xf32>,
        %parallel_loop3A_390 = vector.shape_cast %parallel_loop3A_389 : vector<1x16xf32> to vector<16xf32>
        %parallel_loop3A_391 = vector.shape_cast %parallel_loop3A_386 : vector<16xf32> to vector<1x16xf32>
        tpu.vector_store %arg12[%parallel_loop3A_387, %parallel_loop3A_388], %parallel_loop3A_391 {strides = array<i32>} : memref<64x128xf32, #tpu.memory_space<vmem>>, vector<1x16xf32>,
        %parallel_loop3A_392 = arith.index_cast %parallel_loop3A_321 : i32 to index
        %parallel_loop3A_393 = arith.constant 80 : index
        %parallel_loop3A_394 = tpu.vector_load %arg12[%parallel_loop3A_392, %parallel_loop3A_393] {strides = array<i32>} : memref<64x128xf32, #tpu.memory_space<vmem>>, vector<1x16xf32>,
        %parallel_loop3A_395 = vector.shape_cast %parallel_loop3A_394 : vector<1x16xf32> to vector<16xf32>
        %parallel_loop3A_396 = arith.index_cast %parallel_loop3A_321 : i32 to index
        %parallel_loop3A_397 = arith.constant 80 : index
        %parallel_loop3A_398 = tpu.vector_load %arg14[%parallel_loop3A_396, %parallel_loop3A_397] {strides = array<i32>} : memref<64x128xf32, #tpu.memory_space<vmem>>, vector<1x16xf32>,
        %parallel_loop3A_399 = vector.shape_cast %parallel_loop3A_398 : vector<1x16xf32> to vector<16xf32>
        %parallel_loop3A_400 = arith.mulf %parallel_loop3A_395, %parallel_loop3A_399 : vector<16xf32>
        %parallel_loop3A_401 = arith.index_cast %parallel_loop3A_321 : i32 to index
        %parallel_loop3A_402 = arith.constant 80 : index
        %parallel_loop3A_403 = tpu.vector_load %arg12[%parallel_loop3A_401, %parallel_loop3A_402] {strides = array<i32>} : memref<64x128xf32, #tpu.memory_space<vmem>>, vector<1x16xf32>,
        %parallel_loop3A_404 = vector.shape_cast %parallel_loop3A_403 : vector<1x16xf32> to vector<16xf32>
        %parallel_loop3A_405 = vector.shape_cast %parallel_loop3A_400 : vector<16xf32> to vector<1x16xf32>
        tpu.vector_store %arg12[%parallel_loop3A_401, %parallel_loop3A_402], %parallel_loop3A_405 {strides = array<i32>} : memref<64x128xf32, #tpu.memory_space<vmem>>, vector<1x16xf32>,
        %parallel_loop3A_406 = arith.index_cast %parallel_loop3A_321 : i32 to index
        %parallel_loop3A_407 = arith.constant 96 : index
        %parallel_loop3A_408 = tpu.vector_load %arg12[%parallel_loop3A_406, %parallel_loop3A_407] {strides = array<i32>} : memref<64x128xf32, #tpu.memory_space<vmem>>, vector<1x16xf32>,
        %parallel_loop3A_409 = vector.shape_cast %parallel_loop3A_408 : vector<1x16xf32> to vector<16xf32>
        %parallel_loop3A_410 = arith.index_cast %parallel_loop3A_321 : i32 to index
        %parallel_loop3A_411 = arith.constant 96 : index
        %parallel_loop3A_412 = tpu.vector_load %arg14[%parallel_loop3A_410, %parallel_loop3A_411] {strides = array<i32>} : memref<64x128xf32, #tpu.memory_space<vmem>>, vector<1x16xf32>,
        %parallel_loop3A_413 = vector.shape_cast %parallel_loop3A_412 : vector<1x16xf32> to vector<16xf32>
        %parallel_loop3A_414 = arith.mulf %parallel_loop3A_409, %parallel_loop3A_413 : vector<16xf32>
        %parallel_loop3A_415 = arith.index_cast %parallel_loop3A_321 : i32 to index
        %parallel_loop3A_416 = arith.constant 96 : index
        %parallel_loop3A_417 = tpu.vector_load %arg12[%parallel_loop3A_415, %parallel_loop3A_416] {strides = array<i32>} : memref<64x128xf32, #tpu.memory_space<vmem>>, vector<1x16xf32>,
        %parallel_loop3A_418 = vector.shape_cast %parallel_loop3A_417 : vector<1x16xf32> to vector<16xf32>
        %parallel_loop3A_419 = vector.shape_cast %parallel_loop3A_414 : vector<16xf32> to vector<1x16xf32>
        tpu.vector_store %arg12[%parallel_loop3A_415, %parallel_loop3A_416], %parallel_loop3A_419 {strides = array<i32>} : memref<64x128xf32, #tpu.memory_space<vmem>>, vector<1x16xf32>,
        %parallel_loop3A_420 = arith.index_cast %parallel_loop3A_321 : i32 to index
        %parallel_loop3A_421 = arith.constant 112 : index
        %parallel_loop3A_422 = tpu.vector_load %arg12[%parallel_loop3A_420, %parallel_loop3A_421] {strides = array<i32>} : memref<64x128xf32, #tpu.memory_space<vmem>>, vector<1x16xf32>,
        %parallel_loop3A_423 = vector.shape_cast %parallel_loop3A_422 : vector<1x16xf32> to vector<16xf32>
        %parallel_loop3A_424 = arith.index_cast %parallel_loop3A_321 : i32 to index
        %parallel_loop3A_425 = arith.constant 112 : index
        %parallel_loop3A_426 = tpu.vector_load %arg14[%parallel_loop3A_424, %parallel_loop3A_425] {strides = array<i32>} : memref<64x128xf32, #tpu.memory_space<vmem>>, vector<1x16xf32>,
        %parallel_loop3A_427 = vector.shape_cast %parallel_loop3A_426 : vector<1x16xf32> to vector<16xf32>
        %parallel_loop3A_428 = arith.mulf %parallel_loop3A_423, %parallel_loop3A_427 : vector<16xf32>
        %parallel_loop3A_429 = arith.index_cast %parallel_loop3A_321 : i32 to index
        %parallel_loop3A_430 = arith.constant 112 : index
        %parallel_loop3A_431 = tpu.vector_load %arg12[%parallel_loop3A_429, %parallel_loop3A_430] {strides = array<i32>} : memref<64x128xf32, #tpu.memory_space<vmem>>, vector<1x16xf32>,
        %parallel_loop3A_432 = vector.shape_cast %parallel_loop3A_431 : vector<1x16xf32> to vector<16xf32>
        %parallel_loop3A_433 = vector.shape_cast %parallel_loop3A_428 : vector<16xf32> to vector<1x16xf32>
        tpu.vector_store %arg12[%parallel_loop3A_429, %parallel_loop3A_430], %parallel_loop3A_433 {strides = array<i32>} : memref<64x128xf32, #tpu.memory_space<vmem>>, vector<1x16xf32>,
      } {sc.loop_unroll_factor = 4 : i64, sc.parallel_access}
      "tpu.region"() ({
        %run_scoped3A = tpu.sem_alloc : memref<!tpu.dma_semaphore, #tpu.memory_space<semaphore_mem>>
        %dma_start3A_321 = arith.constant 0 : i32
        %dma_start3A_322 = tpu.memref_slice %arg10[%add3A_275, %dma_start3A_321] : memref<40x64xi32, #tpu.memory_space<vmem>> -> memref<1x64xi32, #tpu.memory_space<vmem>>
        %dma_start3A_323 = tpu.memref_squeeze %dma_start3A_322 : memref<1x64xi32, #tpu.memory_space<vmem>> -> memref<64xi32, #tpu.memory_space<vmem>>
        %dma_start3A_324 = arith.constant 0 : i32
        %dma_start3A_325 = arith.constant 0 : i32
        %dma_start3A_326 = tpu.memref_slice %arg8[%dma_start3A_324, %dma_start3A_325] : memref<10240x128xf32, #tpu.memory_space<vmem_shared>> -> memref<10240x128xf32, #tpu.memory_space<vmem_shared>>
        tpu.enqueue_indirect_dma source(%arg12 : memref<64x128xf32, #tpu.memory_space<vmem>>) target(%dma_start3A_326 : memref<10240x128xf32, #tpu.memory_space<vmem_shared>>) offsets(%dma_start3A_323 : memref<64xi32, #tpu.memory_space<vmem>>) semaphore(%run_scoped3A : memref<!tpu.dma_semaphore, #tpu.memory_space<semaphore_mem>>) {add = true}
        %dma_wait3A_327 = arith.constant 0 : i32
        %dma_wait3A_328 = tpu.memref_slice %arg10[%add3A_275, %dma_wait3A_327] : memref<40x64xi32, #tpu.memory_space<vmem>> -> memref<1x64xi32, #tpu.memory_space<vmem>>
        %dma_wait3A_329 = tpu.memref_squeeze %dma_wait3A_328 : memref<1x64xi32, #tpu.memory_space<vmem>> -> memref<64xi32, #tpu.memory_space<vmem>>
        %dma_wait3A_330 = arith.constant 0 : i32
        %dma_wait3A_331 = arith.constant 0 : i32
        %dma_wait3A_332 = tpu.memref_slice %arg8[%dma_wait3A_330, %dma_wait3A_331] : memref<10240x128xf32, #tpu.memory_space<vmem_shared>> -> memref<10240x128xf32, #tpu.memory_space<vmem_shared>>
        tpu.wait_indirect_dma semaphore(%run_scoped3A : memref<!tpu.dma_semaphore, #tpu.memory_space<semaphore_mem>>) src(%arg12 : memref<64x128xf32, #tpu.memory_space<vmem>>) dst(%dma_wait3A_332 : memref<10240x128xf32, #tpu.memory_space<vmem_shared>>)
        tpu.yield
      }) : () -> ()
      %add3A_291 = arith.constant 2 : i32
      %add3A_292 = arith.addi %add3A_275, %add3A_291 : i32
      %lt3A = arith.constant 40 : i32
      %lt3A_293 = arith.cmpi slt, %add3A_292, %lt3A : i32
      %convert_element_type3A = arith.extui %lt3A_293 : i1 to i32
      %cond3A = arith.constant 0 : i32
      %cond3A_294 = arith.cmpi ne, %convert_element_type3A, %cond3A : i32
      scf.if %cond3A_294 {
        %add3A_321 = arith.constant 2 : i32
        %add3A_322 = arith.addi %add3A_275, %add3A_321 : i32
        %dma_start3A_323 = arith.constant 0 : i32
        %dma_start3A_324 = tpu.memref_slice %arg9[%add3A_322, %dma_start3A_323] : memref<40x64xi32, #tpu.memory_space<vmem>> -> memref<1x64xi32, #tpu.memory_space<vmem>>
        %dma_start3A_325 = tpu.memref_squeeze %dma_start3A_324 : memref<1x64xi32, #tpu.memory_space<vmem>> -> memref<64xi32, #tpu.memory_space<vmem>>
        %dma_start3A_326 = arith.constant 0 : i32
        %dma_start3A_327 = arith.constant 0 : i32
        %dma_start3A_328 = tpu.memref_slice %arg2[%dma_start3A_326, %dma_start3A_327] : memref<20000x128xf32, #tpu.memory_space<hbm>> -> memref<20000x128xf32, #tpu.memory_space<hbm>>
        tpu.enqueue_indirect_dma source(%dma_start3A_328 : memref<20000x128xf32, #tpu.memory_space<hbm>>) target(%arg12 : memref<64x128xf32, #tpu.memory_space<vmem>>) offsets(%dma_start3A_325 : memref<64xi32, #tpu.memory_space<vmem>>) semaphore(%arg16 : memref<!tpu.dma_semaphore, #tpu.memory_space<semaphore_mem>>)
        %add3A_329 = arith.constant 2 : i32
        %add3A_330 = arith.addi %add3A_275, %add3A_329 : i32
        %dma_start3A_331 = arith.constant 0 : i32
        %dma_start3A_332 = tpu.memref_slice %arg11[%add3A_330, %dma_start3A_331] : memref<40x64xi32, #tpu.memory_space<vmem>> -> memref<1x64xi32, #tpu.memory_space<vmem>>
        %dma_start3A_333 = tpu.memref_squeeze %dma_start3A_332 : memref<1x64xi32, #tpu.memory_space<vmem>> -> memref<64xi32, #tpu.memory_space<vmem>>
        %dma_start3A_334 = arith.constant 0 : i32
        %dma_start3A_335 = arith.constant 0 : i32
        %dma_start3A_336 = tpu.memref_slice %arg6[%dma_start3A_334, %dma_start3A_335] : memref<2304x128xf32, #tpu.memory_space<hbm>> -> memref<2304x128xf32, #tpu.memory_space<hbm>>
        tpu.enqueue_indirect_dma source(%dma_start3A_336 : memref<2304x128xf32, #tpu.memory_space<hbm>>) target(%arg14 : memref<64x128xf32, #tpu.memory_space<vmem>>) offsets(%dma_start3A_333 : memref<64xi32, #tpu.memory_space<vmem>>) semaphore(%arg16 : memref<!tpu.dma_semaphore, #tpu.memory_space<semaphore_mem>>)
      } else {
      }
      %mul3A_295 = arith.constant 2 : i32
      %mul3A_296 = arith.muli %scan3A_271, %mul3A_295 : i32
      %add3A_297 = arith.constant 1 : i32
      %add3A_298 = arith.addi %mul3A_296, %add3A_297 : i32
      %dma_wait3A_299 = arith.constant 0 : i32
      %dma_wait3A_300 = tpu.memref_slice %arg9[%add3A_298, %dma_wait3A_299] : memref<40x64xi32, #tpu.memory_space<vmem>> -> memref<1x64xi32, #tpu.memory_space<vmem>>
      %dma_wait3A_301 = tpu.memref_squeeze %dma_wait3A_300 : memref<1x64xi32, #tpu.memory_space<vmem>> -> memref<64xi32, #tpu.memory_space<vmem>>
      %dma_wait3A_302 = arith.constant 0 : i32
      %dma_wait3A_303 = arith.constant 0 : i32
      %dma_wait3A_304 = tpu.memref_slice %arg2[%dma_wait3A_302, %dma_wait3A_303] : memref<20000x128xf32, #tpu.memory_space<hbm>> -> memref<20000x128xf32, #tpu.memory_space<hbm>>
      tpu.wait_indirect_dma semaphore(%arg17 : memref<!tpu.dma_semaphore, #tpu.memory_space<semaphore_mem>>) src(%dma_wait3A_304 : memref<20000x128xf32, #tpu.memory_space<hbm>>) dst(%arg13 : memref<64x128xf32, #tpu.memory_space<vmem>>)
      %dma_wait3A_305 = arith.constant 0 : i32
      %dma_wait3A_306 = tpu.memref_slice %arg9[%add3A_298, %dma_wait3A_305] : memref<40x64xi32, #tpu.memory_space<vmem>> -> memref<1x64xi32, #tpu.memory_space<vmem>>
      %dma_wait3A_307 = tpu.memref_squeeze %dma_wait3A_306 : memref<1x64xi32, #tpu.memory_space<vmem>> -> memref<64xi32, #tpu.memory_space<vmem>>
      %dma_wait3A_308 = arith.constant 0 : i32
      %dma_wait3A_309 = arith.constant 0 : i32
      %dma_wait3A_310 = tpu.memref_slice %arg2[%dma_wait3A_308, %dma_wait3A_309] : memref<20000x128xf32, #tpu.memory_space<hbm>> -> memref<20000x128xf32, #tpu.memory_space<hbm>>
      tpu.wait_indirect_dma semaphore(%arg17 : memref<!tpu.dma_semaphore, #tpu.memory_space<semaphore_mem>>) src(%dma_wait3A_310 : memref<20000x128xf32, #tpu.memory_space<hbm>>) dst(%arg15 : memref<64x128xf32, #tpu.memory_space<vmem>>)
      %parallel_loop3A_311 = arith.constant 0 : i32
      %parallel_loop3A_312 = arith.constant 64 : i32
      %parallel_loop3A_313 = arith.constant 1 : i32
      scf.for %parallel_loop3A_321 = %parallel_loop3A_311 to %parallel_loop3A_312 step %parallel_loop3A_313  : i32 {
        %parallel_loop3A_322 = arith.index_cast %parallel_loop3A_321 : i32 to index
        %parallel_loop3A_323 = arith.constant 0 : index
        %parallel_loop3A_324 = tpu.vector_load %arg13[%parallel_loop3A_322, %parallel_loop3A_323] {strides = array<i32>} : memref<64x128xf32, #tpu.memory_space<vmem>>, vector<1x16xf32>,
        %parallel_loop3A_325 = vector.shape_cast %parallel_loop3A_324 : vector<1x16xf32> to vector<16xf32>
        %parallel_loop3A_326 = arith.index_cast %parallel_loop3A_321 : i32 to index
        %parallel_loop3A_327 = arith.constant 0 : index
        %parallel_loop3A_328 = tpu.vector_load %arg15[%parallel_loop3A_326, %parallel_loop3A_327] {strides = array<i32>} : memref<64x128xf32, #tpu.memory_space<vmem>>, vector<1x16xf32>,
        %parallel_loop3A_329 = vector.shape_cast %parallel_loop3A_328 : vector<1x16xf32> to vector<16xf32>
        %parallel_loop3A_330 = arith.mulf %parallel_loop3A_325, %parallel_loop3A_329 : vector<16xf32>
        %parallel_loop3A_331 = arith.index_cast %parallel_loop3A_321 : i32 to index
        %parallel_loop3A_332 = arith.constant 0 : index
        %parallel_loop3A_333 = tpu.vector_load %arg13[%parallel_loop3A_331, %parallel_loop3A_332] {strides = array<i32>} : memref<64x128xf32, #tpu.memory_space<vmem>>, vector<1x16xf32>,
        %parallel_loop3A_334 = vector.shape_cast %parallel_loop3A_333 : vector<1x16xf32> to vector<16xf32>
        %parallel_loop3A_335 = vector.shape_cast %parallel_loop3A_330 : vector<16xf32> to vector<1x16xf32>
        tpu.vector_store %arg13[%parallel_loop3A_331, %parallel_loop3A_332], %parallel_loop3A_335 {strides = array<i32>} : memref<64x128xf32, #tpu.memory_space<vmem>>, vector<1x16xf32>,
        %parallel_loop3A_336 = arith.index_cast %parallel_loop3A_321 : i32 to index
        %parallel_loop3A_337 = arith.constant 16 : index
        %parallel_loop3A_338 = tpu.vector_load %arg13[%parallel_loop3A_336, %parallel_loop3A_337] {strides = array<i32>} : memref<64x128xf32, #tpu.memory_space<vmem>>, vector<1x16xf32>,
        %parallel_loop3A_339 = vector.shape_cast %parallel_loop3A_338 : vector<1x16xf32> to vector<16xf32>
        %parallel_loop3A_340 = arith.index_cast %parallel_loop3A_321 : i32 to index
        %parallel_loop3A_341 = arith.constant 16 : index
        %parallel_loop3A_342 = tpu.vector_load %arg15[%parallel_loop3A_340, %parallel_loop3A_341] {strides = array<i32>} : memref<64x128xf32, #tpu.memory_space<vmem>>, vector<1x16xf32>,
        %parallel_loop3A_343 = vector.shape_cast %parallel_loop3A_342 : vector<1x16xf32> to vector<16xf32>
        %parallel_loop3A_344 = arith.mulf %parallel_loop3A_339, %parallel_loop3A_343 : vector<16xf32>
        %parallel_loop3A_345 = arith.index_cast %parallel_loop3A_321 : i32 to index
        %parallel_loop3A_346 = arith.constant 16 : index
        %parallel_loop3A_347 = tpu.vector_load %arg13[%parallel_loop3A_345, %parallel_loop3A_346] {strides = array<i32>} : memref<64x128xf32, #tpu.memory_space<vmem>>, vector<1x16xf32>,
        %parallel_loop3A_348 = vector.shape_cast %parallel_loop3A_347 : vector<1x16xf32> to vector<16xf32>
        %parallel_loop3A_349 = vector.shape_cast %parallel_loop3A_344 : vector<16xf32> to vector<1x16xf32>
        tpu.vector_store %arg13[%parallel_loop3A_345, %parallel_loop3A_346], %parallel_loop3A_349 {strides = array<i32>} : memref<64x128xf32, #tpu.memory_space<vmem>>, vector<1x16xf32>,
        %parallel_loop3A_350 = arith.index_cast %parallel_loop3A_321 : i32 to index
        %parallel_loop3A_351 = arith.constant 32 : index
        %parallel_loop3A_352 = tpu.vector_load %arg13[%parallel_loop3A_350, %parallel_loop3A_351] {strides = array<i32>} : memref<64x128xf32, #tpu.memory_space<vmem>>, vector<1x16xf32>,
        %parallel_loop3A_353 = vector.shape_cast %parallel_loop3A_352 : vector<1x16xf32> to vector<16xf32>
        %parallel_loop3A_354 = arith.index_cast %parallel_loop3A_321 : i32 to index
        %parallel_loop3A_355 = arith.constant 32 : index
        %parallel_loop3A_356 = tpu.vector_load %arg15[%parallel_loop3A_354, %parallel_loop3A_355] {strides = array<i32>} : memref<64x128xf32, #tpu.memory_space<vmem>>, vector<1x16xf32>,
        %parallel_loop3A_357 = vector.shape_cast %parallel_loop3A_356 : vector<1x16xf32> to vector<16xf32>
        %parallel_loop3A_358 = arith.mulf %parallel_loop3A_353, %parallel_loop3A_357 : vector<16xf32>
        %parallel_loop3A_359 = arith.index_cast %parallel_loop3A_321 : i32 to index
        %parallel_loop3A_360 = arith.constant 32 : index
        %parallel_loop3A_361 = tpu.vector_load %arg13[%parallel_loop3A_359, %parallel_loop3A_360] {strides = array<i32>} : memref<64x128xf32, #tpu.memory_space<vmem>>, vector<1x16xf32>,
        %parallel_loop3A_362 = vector.shape_cast %parallel_loop3A_361 : vector<1x16xf32> to vector<16xf32>
        %parallel_loop3A_363 = vector.shape_cast %parallel_loop3A_358 : vector<16xf32> to vector<1x16xf32>
        tpu.vector_store %arg13[%parallel_loop3A_359, %parallel_loop3A_360], %parallel_loop3A_363 {strides = array<i32>} : memref<64x128xf32, #tpu.memory_space<vmem>>, vector<1x16xf32>,
        %parallel_loop3A_364 = arith.index_cast %parallel_loop3A_321 : i32 to index
        %parallel_loop3A_365 = arith.constant 48 : index
        %parallel_loop3A_366 = tpu.vector_load %arg13[%parallel_loop3A_364, %parallel_loop3A_365] {strides = array<i32>} : memref<64x128xf32, #tpu.memory_space<vmem>>, vector<1x16xf32>,
        %parallel_loop3A_367 = vector.shape_cast %parallel_loop3A_366 : vector<1x16xf32> to vector<16xf32>
        %parallel_loop3A_368 = arith.index_cast %parallel_loop3A_321 : i32 to index
        %parallel_loop3A_369 = arith.constant 48 : index
        %parallel_loop3A_370 = tpu.vector_load %arg15[%parallel_loop3A_368, %parallel_loop3A_369] {strides = array<i32>} : memref<64x128xf32, #tpu.memory_space<vmem>>, vector<1x16xf32>,
        %parallel_loop3A_371 = vector.shape_cast %parallel_loop3A_370 : vector<1x16xf32> to vector<16xf32>
        %parallel_loop3A_372 = arith.mulf %parallel_loop3A_367, %parallel_loop3A_371 : vector<16xf32>
        %parallel_loop3A_373 = arith.index_cast %parallel_loop3A_321 : i32 to index
        %parallel_loop3A_374 = arith.constant 48 : index
        %parallel_loop3A_375 = tpu.vector_load %arg13[%parallel_loop3A_373, %parallel_loop3A_374] {strides = array<i32>} : memref<64x128xf32, #tpu.memory_space<vmem>>, vector<1x16xf32>,
        %parallel_loop3A_376 = vector.shape_cast %parallel_loop3A_375 : vector<1x16xf32> to vector<16xf32>
        %parallel_loop3A_377 = vector.shape_cast %parallel_loop3A_372 : vector<16xf32> to vector<1x16xf32>
        tpu.vector_store %arg13[%parallel_loop3A_373, %parallel_loop3A_374], %parallel_loop3A_377 {strides = array<i32>} : memref<64x128xf32, #tpu.memory_space<vmem>>, vector<1x16xf32>,
        %parallel_loop3A_378 = arith.index_cast %parallel_loop3A_321 : i32 to index
        %parallel_loop3A_379 = arith.constant 64 : index
        %parallel_loop3A_380 = tpu.vector_load %arg13[%parallel_loop3A_378, %parallel_loop3A_379] {strides = array<i32>} : memref<64x128xf32, #tpu.memory_space<vmem>>, vector<1x16xf32>,
        %parallel_loop3A_381 = vector.shape_cast %parallel_loop3A_380 : vector<1x16xf32> to vector<16xf32>
        %parallel_loop3A_382 = arith.index_cast %parallel_loop3A_321 : i32 to index
        %parallel_loop3A_383 = arith.constant 64 : index
        %parallel_loop3A_384 = tpu.vector_load %arg15[%parallel_loop3A_382, %parallel_loop3A_383] {strides = array<i32>} : memref<64x128xf32, #tpu.memory_space<vmem>>, vector<1x16xf32>,
        %parallel_loop3A_385 = vector.shape_cast %parallel_loop3A_384 : vector<1x16xf32> to vector<16xf32>
        %parallel_loop3A_386 = arith.mulf %parallel_loop3A_381, %parallel_loop3A_385 : vector<16xf32>
        %parallel_loop3A_387 = arith.index_cast %parallel_loop3A_321 : i32 to index
        %parallel_loop3A_388 = arith.constant 64 : index
        %parallel_loop3A_389 = tpu.vector_load %arg13[%parallel_loop3A_387, %parallel_loop3A_388] {strides = array<i32>} : memref<64x128xf32, #tpu.memory_space<vmem>>, vector<1x16xf32>,
        %parallel_loop3A_390 = vector.shape_cast %parallel_loop3A_389 : vector<1x16xf32> to vector<16xf32>
        %parallel_loop3A_391 = vector.shape_cast %parallel_loop3A_386 : vector<16xf32> to vector<1x16xf32>
        tpu.vector_store %arg13[%parallel_loop3A_387, %parallel_loop3A_388], %parallel_loop3A_391 {strides = array<i32>} : memref<64x128xf32, #tpu.memory_space<vmem>>, vector<1x16xf32>,
        %parallel_loop3A_392 = arith.index_cast %parallel_loop3A_321 : i32 to index
        %parallel_loop3A_393 = arith.constant 80 : index
        %parallel_loop3A_394 = tpu.vector_load %arg13[%parallel_loop3A_392, %parallel_loop3A_393] {strides = array<i32>} : memref<64x128xf32, #tpu.memory_space<vmem>>, vector<1x16xf32>,
        %parallel_loop3A_395 = vector.shape_cast %parallel_loop3A_394 : vector<1x16xf32> to vector<16xf32>
        %parallel_loop3A_396 = arith.index_cast %parallel_loop3A_321 : i32 to index
        %parallel_loop3A_397 = arith.constant 80 : index
        %parallel_loop3A_398 = tpu.vector_load %arg15[%parallel_loop3A_396, %parallel_loop3A_397] {strides = array<i32>} : memref<64x128xf32, #tpu.memory_space<vmem>>, vector<1x16xf32>,
        %parallel_loop3A_399 = vector.shape_cast %parallel_loop3A_398 : vector<1x16xf32> to vector<16xf32>
        %parallel_loop3A_400 = arith.mulf %parallel_loop3A_395, %parallel_loop3A_399 : vector<16xf32>
        %parallel_loop3A_401 = arith.index_cast %parallel_loop3A_321 : i32 to index
        %parallel_loop3A_402 = arith.constant 80 : index
        %parallel_loop3A_403 = tpu.vector_load %arg13[%parallel_loop3A_401, %parallel_loop3A_402] {strides = array<i32>} : memref<64x128xf32, #tpu.memory_space<vmem>>, vector<1x16xf32>,
        %parallel_loop3A_404 = vector.shape_cast %parallel_loop3A_403 : vector<1x16xf32> to vector<16xf32>
        %parallel_loop3A_405 = vector.shape_cast %parallel_loop3A_400 : vector<16xf32> to vector<1x16xf32>
        tpu.vector_store %arg13[%parallel_loop3A_401, %parallel_loop3A_402], %parallel_loop3A_405 {strides = array<i32>} : memref<64x128xf32, #tpu.memory_space<vmem>>, vector<1x16xf32>,
        %parallel_loop3A_406 = arith.index_cast %parallel_loop3A_321 : i32 to index
        %parallel_loop3A_407 = arith.constant 96 : index
        %parallel_loop3A_408 = tpu.vector_load %arg13[%parallel_loop3A_406, %parallel_loop3A_407] {strides = array<i32>} : memref<64x128xf32, #tpu.memory_space<vmem>>, vector<1x16xf32>,
        %parallel_loop3A_409 = vector.shape_cast %parallel_loop3A_408 : vector<1x16xf32> to vector<16xf32>
        %parallel_loop3A_410 = arith.index_cast %parallel_loop3A_321 : i32 to index
        %parallel_loop3A_411 = arith.constant 96 : index
        %parallel_loop3A_412 = tpu.vector_load %arg15[%parallel_loop3A_410, %parallel_loop3A_411] {strides = array<i32>} : memref<64x128xf32, #tpu.memory_space<vmem>>, vector<1x16xf32>,
        %parallel_loop3A_413 = vector.shape_cast %parallel_loop3A_412 : vector<1x16xf32> to vector<16xf32>
        %parallel_loop3A_414 = arith.mulf %parallel_loop3A_409, %parallel_loop3A_413 : vector<16xf32>
        %parallel_loop3A_415 = arith.index_cast %parallel_loop3A_321 : i32 to index
        %parallel_loop3A_416 = arith.constant 96 : index
        %parallel_loop3A_417 = tpu.vector_load %arg13[%parallel_loop3A_415, %parallel_loop3A_416] {strides = array<i32>} : memref<64x128xf32, #tpu.memory_space<vmem>>, vector<1x16xf32>,
        %parallel_loop3A_418 = vector.shape_cast %parallel_loop3A_417 : vector<1x16xf32> to vector<16xf32>
        %parallel_loop3A_419 = vector.shape_cast %parallel_loop3A_414 : vector<16xf32> to vector<1x16xf32>
        tpu.vector_store %arg13[%parallel_loop3A_415, %parallel_loop3A_416], %parallel_loop3A_419 {strides = array<i32>} : memref<64x128xf32, #tpu.memory_space<vmem>>, vector<1x16xf32>,
        %parallel_loop3A_420 = arith.index_cast %parallel_loop3A_321 : i32 to index
        %parallel_loop3A_421 = arith.constant 112 : index
        %parallel_loop3A_422 = tpu.vector_load %arg13[%parallel_loop3A_420, %parallel_loop3A_421] {strides = array<i32>} : memref<64x128xf32, #tpu.memory_space<vmem>>, vector<1x16xf32>,
        %parallel_loop3A_423 = vector.shape_cast %parallel_loop3A_422 : vector<1x16xf32> to vector<16xf32>
        %parallel_loop3A_424 = arith.index_cast %parallel_loop3A_321 : i32 to index
        %parallel_loop3A_425 = arith.constant 112 : index
        %parallel_loop3A_426 = tpu.vector_load %arg15[%parallel_loop3A_424, %parallel_loop3A_425] {strides = array<i32>} : memref<64x128xf32, #tpu.memory_space<vmem>>, vector<1x16xf32>,
        %parallel_loop3A_427 = vector.shape_cast %parallel_loop3A_426 : vector<1x16xf32> to vector<16xf32>
        %parallel_loop3A_428 = arith.mulf %parallel_loop3A_423, %parallel_loop3A_427 : vector<16xf32>
        %parallel_loop3A_429 = arith.index_cast %parallel_loop3A_321 : i32 to index
        %parallel_loop3A_430 = arith.constant 112 : index
        %parallel_loop3A_431 = tpu.vector_load %arg13[%parallel_loop3A_429, %parallel_loop3A_430] {strides = array<i32>} : memref<64x128xf32, #tpu.memory_space<vmem>>, vector<1x16xf32>,
        %parallel_loop3A_432 = vector.shape_cast %parallel_loop3A_431 : vector<1x16xf32> to vector<16xf32>
        %parallel_loop3A_433 = vector.shape_cast %parallel_loop3A_428 : vector<16xf32> to vector<1x16xf32>
        tpu.vector_store %arg13[%parallel_loop3A_429, %parallel_loop3A_430], %parallel_loop3A_433 {strides = array<i32>} : memref<64x128xf32, #tpu.memory_space<vmem>>, vector<1x16xf32>,
      } {sc.loop_unroll_factor = 4 : i64, sc.parallel_access}
      "tpu.region"() ({
        %run_scoped3A = tpu.sem_alloc : memref<!tpu.dma_semaphore, #tpu.memory_space<semaphore_mem>>
        %dma_start3A_321 = arith.constant 0 : i32
        %dma_start3A_322 = tpu.memref_slice %arg10[%add3A_298, %dma_start3A_321] : memref<40x64xi32, #tpu.memory_space<vmem>> -> memref<1x64xi32, #tpu.memory_space<vmem>>
        %dma_start3A_323 = tpu.memref_squeeze %dma_start3A_322 : memref<1x64xi32, #tpu.memory_space<vmem>> -> memref<64xi32, #tpu.memory_space<vmem>>
        %dma_start3A_324 = arith.constant 0 : i32
        %dma_start3A_325 = arith.constant 0 : i32
        %dma_start3A_326 = tpu.memref_slice %arg8[%dma_start3A_324, %dma_start3A_325] : memref<10240x128xf32, #tpu.memory_space<vmem_shared>> -> memref<10240x128xf32, #tpu.memory_space<vmem_shared>>
        tpu.enqueue_indirect_dma source(%arg13 : memref<64x128xf32, #tpu.memory_space<vmem>>) target(%dma_start3A_326 : memref<10240x128xf32, #tpu.memory_space<vmem_shared>>) offsets(%dma_start3A_323 : memref<64xi32, #tpu.memory_space<vmem>>) semaphore(%run_scoped3A : memref<!tpu.dma_semaphore, #tpu.memory_space<semaphore_mem>>) {add = true}
        %dma_wait3A_327 = arith.constant 0 : i32
        %dma_wait3A_328 = tpu.memref_slice %arg10[%add3A_298, %dma_wait3A_327] : memref<40x64xi32, #tpu.memory_space<vmem>> -> memref<1x64xi32, #tpu.memory_space<vmem>>
        %dma_wait3A_329 = tpu.memref_squeeze %dma_wait3A_328 : memref<1x64xi32, #tpu.memory_space<vmem>> -> memref<64xi32, #tpu.memory_space<vmem>>
        %dma_wait3A_330 = arith.constant 0 : i32
        %dma_wait3A_331 = arith.constant 0 : i32
        %dma_wait3A_332 = tpu.memref_slice %arg8[%dma_wait3A_330, %dma_wait3A_331] : memref<10240x128xf32, #tpu.memory_space<vmem_shared>> -> memref<10240x128xf32, #tpu.memory_space<vmem_shared>>
        tpu.wait_indirect_dma semaphore(%run_scoped3A : memref<!tpu.dma_semaphore, #tpu.memory_space<semaphore_mem>>) src(%arg13 : memref<64x128xf32, #tpu.memory_space<vmem>>) dst(%dma_wait3A_332 : memref<10240x128xf32, #tpu.memory_space<vmem_shared>>)
        tpu.yield
      }) : () -> ()
      %add3A_314 = arith.constant 2 : i32
      %add3A_315 = arith.addi %add3A_298, %add3A_314 : i32
      %lt3A_316 = arith.constant 40 : i32
      %lt3A_317 = arith.cmpi slt, %add3A_315, %lt3A_316 : i32
      %convert_element_type3A_318 = arith.extui %lt3A_317 : i1 to i32
      %cond3A_319 = arith.constant 0 : i32
      %cond3A_320 = arith.cmpi ne, %convert_element_type3A_318, %cond3A_319 : i32
      scf.if %cond3A_320 {
        %add3A_321 = arith.constant 2 : i32
        %add3A_322 = arith.addi %add3A_298, %add3A_321 : i32
        %dma_start3A_323 = arith.constant 0 : i32
        %dma_start3A_324 = tpu.memref_slice %arg9[%add3A_322, %dma_start3A_323] : memref<40x64xi32, #tpu.memory_space<vmem>> -> memref<1x64xi32, #tpu.memory_space<vmem>>
        %dma_start3A_325 = tpu.memref_squeeze %dma_start3A_324 : memref<1x64xi32, #tpu.memory_space<vmem>> -> memref<64xi32, #tpu.memory_space<vmem>>
        %dma_start3A_326 = arith.constant 0 : i32
        %dma_start3A_327 = arith.constant 0 : i32
        %dma_start3A_328 = tpu.memref_slice %arg2[%dma_start3A_326, %dma_start3A_327] : memref<20000x128xf32, #tpu.memory_space<hbm>> -> memref<20000x128xf32, #tpu.memory_space<hbm>>
        tpu.enqueue_indirect_dma source(%dma_start3A_328 : memref<20000x128xf32, #tpu.memory_space<hbm>>) target(%arg13 : memref<64x128xf32, #tpu.memory_space<vmem>>) offsets(%dma_start3A_325 : memref<64xi32, #tpu.memory_space<vmem>>) semaphore(%arg17 : memref<!tpu.dma_semaphore, #tpu.memory_space<semaphore_mem>>)
        %add3A_329 = arith.constant 2 : i32
        %add3A_330 = arith.addi %add3A_298, %add3A_329 : i32
        %dma_start3A_331 = arith.constant 0 : i32
        %dma_start3A_332 = tpu.memref_slice %arg11[%add3A_330, %dma_start3A_331] : memref<40x64xi32, #tpu.memory_space<vmem>> -> memref<1x64xi32, #tpu.memory_space<vmem>>
        %dma_start3A_333 = tpu.memref_squeeze %dma_start3A_332 : memref<1x64xi32, #tpu.memory_space<vmem>> -> memref<64xi32, #tpu.memory_space<vmem>>
        %dma_start3A_334 = arith.constant 0 : i32
        %dma_start3A_335 = arith.constant 0 : i32
        %dma_start3A_336 = tpu.memref_slice %arg6[%dma_start3A_334, %dma_start3A_335] : memref<2304x128xf32, #tpu.memory_space<hbm>> -> memref<2304x128xf32, #tpu.memory_space<hbm>>
        tpu.enqueue_indirect_dma source(%dma_start3A_336 : memref<2304x128xf32, #tpu.memory_space<hbm>>) target(%arg15 : memref<64x128xf32, #tpu.memory_space<vmem>>) offsets(%dma_start3A_333 : memref<64xi32, #tpu.memory_space<vmem>>) semaphore(%arg17 : memref<!tpu.dma_semaphore, #tpu.memory_space<semaphore_mem>>)
      } else {
      }
    }
    %scan3A_228 = arith.constant 20 : i32
    "tpu.region"() ({
      %run_scoped3A = tpu.sem_alloc : memref<!tpu.dma_semaphore, #tpu.memory_space<semaphore_mem>>
      %dma_start3A_271 = arith.constant 120 : i32
      %dma_start3A_272 = arith.constant 0 : i32
      %dma_start3A_273 = tpu.memref_slice %arg3[%arg1, %dma_start3A_271, %dma_start3A_272] : memref<16x160x64xi32, #tpu.memory_space<hbm>> -> memref<1x40x64xi32, #tpu.memory_space<hbm>>
      %dma_start3A_274 = tpu.memref_squeeze %dma_start3A_273 : memref<1x40x64xi32, #tpu.memory_space<hbm>> -> memref<40x64xi32, #tpu.memory_space<hbm>>
      %dma_start3A_275 = arith.constant 120 : i32
      %dma_start3A_276 = arith.constant 0 : i32
      %dma_start3A_277 = tpu.memref_slice %arg3[%arg1, %dma_start3A_275, %dma_start3A_276] : memref<16x160x64xi32, #tpu.memory_space<hbm>> -> memref<1x40x64xi32, #tpu.memory_space<hbm>>
      %dma_start3A_278 = tpu.memref_squeeze %dma_start3A_277 : memref<1x40x64xi32, #tpu.memory_space<hbm>> -> memref<40x64xi32, #tpu.memory_space<hbm>>
      tpu.enqueue_dma source(%dma_start3A_278 : memref<40x64xi32, #tpu.memory_space<hbm>>) target(%arg9 : memref<40x64xi32, #tpu.memory_space<vmem>>) target_semaphore(%run_scoped3A : memref<!tpu.dma_semaphore, #tpu.memory_space<semaphore_mem>>)
      %dma_wait3A_279 = arith.constant 120 : i32
      %dma_wait3A_280 = arith.constant 0 : i32
      %dma_wait3A_281 = tpu.memref_slice %arg3[%arg1, %dma_wait3A_279, %dma_wait3A_280] : memref<16x160x64xi32, #tpu.memory_space<hbm>> -> memref<1x40x64xi32, #tpu.memory_space<hbm>>
      %dma_wait3A_282 = tpu.memref_squeeze %dma_wait3A_281 : memref<1x40x64xi32, #tpu.memory_space<hbm>> -> memref<40x64xi32, #tpu.memory_space<hbm>>
      %dma_wait3A_283 = arith.constant 120 : i32
      %dma_wait3A_284 = arith.constant 0 : i32
      %dma_wait3A_285 = tpu.memref_slice %arg3[%arg1, %dma_wait3A_283, %dma_wait3A_284] : memref<16x160x64xi32, #tpu.memory_space<hbm>> -> memref<1x40x64xi32, #tpu.memory_space<hbm>>
      %dma_wait3A_286 = tpu.memref_squeeze %dma_wait3A_285 : memref<1x40x64xi32, #tpu.memory_space<hbm>> -> memref<40x64xi32, #tpu.memory_space<hbm>>
      tpu.wait_dma2 semaphore(%run_scoped3A : memref<!tpu.dma_semaphore, #tpu.memory_space<semaphore_mem>>) src(%dma_wait3A_286 : memref<40x64xi32, #tpu.memory_space<hbm>>) dst(%arg9 : memref<40x64xi32, #tpu.memory_space<vmem>>)
      tpu.yield
    }) : () -> ()
    "tpu.region"() ({
      %run_scoped3A = tpu.sem_alloc : memref<!tpu.dma_semaphore, #tpu.memory_space<semaphore_mem>>
      %dma_start3A_271 = arith.constant 120 : i32
      %dma_start3A_272 = arith.constant 0 : i32
      %dma_start3A_273 = tpu.memref_slice %arg4[%arg1, %dma_start3A_271, %dma_start3A_272] : memref<16x160x64xi32, #tpu.memory_space<hbm>> -> memref<1x40x64xi32, #tpu.memory_space<hbm>>
      %dma_start3A_274 = tpu.memref_squeeze %dma_start3A_273 : memref<1x40x64xi32, #tpu.memory_space<hbm>> -> memref<40x64xi32, #tpu.memory_space<hbm>>
      %dma_start3A_275 = arith.constant 120 : i32
      %dma_start3A_276 = arith.constant 0 : i32
      %dma_start3A_277 = tpu.memref_slice %arg4[%arg1, %dma_start3A_275, %dma_start3A_276] : memref<16x160x64xi32, #tpu.memory_space<hbm>> -> memref<1x40x64xi32, #tpu.memory_space<hbm>>
      %dma_start3A_278 = tpu.memref_squeeze %dma_start3A_277 : memref<1x40x64xi32, #tpu.memory_space<hbm>> -> memref<40x64xi32, #tpu.memory_space<hbm>>
      tpu.enqueue_dma source(%dma_start3A_278 : memref<40x64xi32, #tpu.memory_space<hbm>>) target(%arg10 : memref<40x64xi32, #tpu.memory_space<vmem>>) target_semaphore(%run_scoped3A : memref<!tpu.dma_semaphore, #tpu.memory_space<semaphore_mem>>)
      %dma_wait3A_279 = arith.constant 120 : i32
      %dma_wait3A_280 = arith.constant 0 : i32
      %dma_wait3A_281 = tpu.memref_slice %arg4[%arg1, %dma_wait3A_279, %dma_wait3A_280] : memref<16x160x64xi32, #tpu.memory_space<hbm>> -> memref<1x40x64xi32, #tpu.memory_space<hbm>>
      %dma_wait3A_282 = tpu.memref_squeeze %dma_wait3A_281 : memref<1x40x64xi32, #tpu.memory_space<hbm>> -> memref<40x64xi32, #tpu.memory_space<hbm>>
      %dma_wait3A_283 = arith.constant 120 : i32
      %dma_wait3A_284 = arith.constant 0 : i32
      %dma_wait3A_285 = tpu.memref_slice %arg4[%arg1, %dma_wait3A_283, %dma_wait3A_284] : memref<16x160x64xi32, #tpu.memory_space<hbm>> -> memref<1x40x64xi32, #tpu.memory_space<hbm>>
      %dma_wait3A_286 = tpu.memref_squeeze %dma_wait3A_285 : memref<1x40x64xi32, #tpu.memory_space<hbm>> -> memref<40x64xi32, #tpu.memory_space<hbm>>
      tpu.wait_dma2 semaphore(%run_scoped3A : memref<!tpu.dma_semaphore, #tpu.memory_space<semaphore_mem>>) src(%dma_wait3A_286 : memref<40x64xi32, #tpu.memory_space<hbm>>) dst(%arg10 : memref<40x64xi32, #tpu.memory_space<vmem>>)
      tpu.yield
    }) : () -> ()
    "tpu.region"() ({
      %run_scoped3A = tpu.sem_alloc : memref<!tpu.dma_semaphore, #tpu.memory_space<semaphore_mem>>
      %dma_start3A_271 = arith.constant 120 : i32
      %dma_start3A_272 = arith.constant 0 : i32
      %dma_start3A_273 = tpu.memref_slice %arg5[%arg1, %dma_start3A_271, %dma_start3A_272] : memref<16x160x64xi32, #tpu.memory_space<hbm>> -> memref<1x40x64xi32, #tpu.memory_space<hbm>>
      %dma_start3A_274 = tpu.memref_squeeze %dma_start3A_273 : memref<1x40x64xi32, #tpu.memory_space<hbm>> -> memref<40x64xi32, #tpu.memory_space<hbm>>
      %dma_start3A_275 = arith.constant 120 : i32
      %dma_start3A_276 = arith.constant 0 : i32
      %dma_start3A_277 = tpu.memref_slice %arg5[%arg1, %dma_start3A_275, %dma_start3A_276] : memref<16x160x64xi32, #tpu.memory_space<hbm>> -> memref<1x40x64xi32, #tpu.memory_space<hbm>>
      %dma_start3A_278 = tpu.memref_squeeze %dma_start3A_277 : memref<1x40x64xi32, #tpu.memory_space<hbm>> -> memref<40x64xi32, #tpu.memory_space<hbm>>
      tpu.enqueue_dma source(%dma_start3A_278 : memref<40x64xi32, #tpu.memory_space<hbm>>) target(%arg11 : memref<40x64xi32, #tpu.memory_space<vmem>>) target_semaphore(%run_scoped3A : memref<!tpu.dma_semaphore, #tpu.memory_space<semaphore_mem>>)
      %dma_wait3A_279 = arith.constant 120 : i32
      %dma_wait3A_280 = arith.constant 0 : i32
      %dma_wait3A_281 = tpu.memref_slice %arg5[%arg1, %dma_wait3A_279, %dma_wait3A_280] : memref<16x160x64xi32, #tpu.memory_space<hbm>> -> memref<1x40x64xi32, #tpu.memory_space<hbm>>
      %dma_wait3A_282 = tpu.memref_squeeze %dma_wait3A_281 : memref<1x40x64xi32, #tpu.memory_space<hbm>> -> memref<40x64xi32, #tpu.memory_space<hbm>>
      %dma_wait3A_283 = arith.constant 120 : i32
      %dma_wait3A_284 = arith.constant 0 : i32
      %dma_wait3A_285 = tpu.memref_slice %arg5[%arg1, %dma_wait3A_283, %dma_wait3A_284] : memref<16x160x64xi32, #tpu.memory_space<hbm>> -> memref<1x40x64xi32, #tpu.memory_space<hbm>>
      %dma_wait3A_286 = tpu.memref_squeeze %dma_wait3A_285 : memref<1x40x64xi32, #tpu.memory_space<hbm>> -> memref<40x64xi32, #tpu.memory_space<hbm>>
      tpu.wait_dma2 semaphore(%run_scoped3A : memref<!tpu.dma_semaphore, #tpu.memory_space<semaphore_mem>>) src(%dma_wait3A_286 : memref<40x64xi32, #tpu.memory_space<hbm>>) dst(%arg11 : memref<40x64xi32, #tpu.memory_space<vmem>>)
      tpu.yield
    }) : () -> ()
    %parallel_loop3A_229 = arith.constant 0 : i32
    %parallel_loop3A_230 = arith.constant 40 : i32
    %parallel_loop3A_231 = arith.constant 1 : i32
    scf.for %parallel_loop3A_271 = %parallel_loop3A_229 to %parallel_loop3A_230 step %parallel_loop3A_231  : i32 {
      %parallel_loop3A_272 = arith.index_cast %parallel_loop3A_271 : i32 to index
      %parallel_loop3A_273 = arith.constant 0 : index
      %parallel_loop3A_274 = tpu.vector_load %arg9[%parallel_loop3A_272, %parallel_loop3A_273] {strides = array<i32>} : memref<40x64xi32, #tpu.memory_space<vmem>>, vector<1x16xi32>,
      %parallel_loop3A_275 = vector.shape_cast %parallel_loop3A_274 : vector<1x16xi32> to vector<16xi32>
      %parallel_loop3A_276 = arith.constant 2 : i32
      %parallel_loop3A_277 = vector.broadcast %parallel_loop3A_276 : i32 to vector<16xi32>
      %parallel_loop3A_278 = arith.muli %parallel_loop3A_275, %parallel_loop3A_277 : vector<16xi32>
      %parallel_loop3A_279 = vector.broadcast %arg0 : i32 to vector<16xi32>
      %parallel_loop3A_280 = arith.addi %parallel_loop3A_278, %parallel_loop3A_279 : vector<16xi32>
      %parallel_loop3A_281 = arith.index_cast %parallel_loop3A_271 : i32 to index
      %parallel_loop3A_282 = arith.constant 0 : index
      %parallel_loop3A_283 = tpu.vector_load %arg9[%parallel_loop3A_281, %parallel_loop3A_282] {strides = array<i32>} : memref<40x64xi32, #tpu.memory_space<vmem>>, vector<1x16xi32>,
      %parallel_loop3A_284 = vector.shape_cast %parallel_loop3A_283 : vector<1x16xi32> to vector<16xi32>
      %parallel_loop3A_285 = vector.shape_cast %parallel_loop3A_280 : vector<16xi32> to vector<1x16xi32>
      tpu.vector_store %arg9[%parallel_loop3A_281, %parallel_loop3A_282], %parallel_loop3A_285 {strides = array<i32>} : memref<40x64xi32, #tpu.memory_space<vmem>>, vector<1x16xi32>,
      %parallel_loop3A_286 = arith.index_cast %parallel_loop3A_271 : i32 to index
      %parallel_loop3A_287 = arith.constant 0 : index
      %parallel_loop3A_288 = tpu.vector_load %arg11[%parallel_loop3A_286, %parallel_loop3A_287] {strides = array<i32>} : memref<40x64xi32, #tpu.memory_space<vmem>>, vector<1x16xi32>,
      %parallel_loop3A_289 = vector.shape_cast %parallel_loop3A_288 : vector<1x16xi32> to vector<16xi32>
      %parallel_loop3A_290 = arith.constant 2 : i32
      %parallel_loop3A_291 = vector.broadcast %parallel_loop3A_290 : i32 to vector<16xi32>
      %parallel_loop3A_292 = arith.muli %parallel_loop3A_289, %parallel_loop3A_291 : vector<16xi32>
      %parallel_loop3A_293 = vector.broadcast %arg0 : i32 to vector<16xi32>
      %parallel_loop3A_294 = arith.addi %parallel_loop3A_292, %parallel_loop3A_293 : vector<16xi32>
      %parallel_loop3A_295 = arith.constant 36 : i32
      %parallel_loop3A_296 = arith.muli %arg1, %parallel_loop3A_295 : i32
      %parallel_loop3A_297 = vector.broadcast %parallel_loop3A_296 : i32 to vector<16xi32>
      %parallel_loop3A_298 = arith.addi %parallel_loop3A_294, %parallel_loop3A_297 : vector<16xi32>
      %parallel_loop3A_299 = arith.constant 576 : i32
      %parallel_loop3A_300 = arith.muli %arg0, %parallel_loop3A_299 : i32
      %parallel_loop3A_301 = vector.broadcast %parallel_loop3A_300 : i32 to vector<16xi32>
      %parallel_loop3A_302 = arith.addi %parallel_loop3A_298, %parallel_loop3A_301 : vector<16xi32>
      %parallel_loop3A_303 = arith.constant 1 : i32
      %parallel_loop3A_304 = arith.andi %parallel_loop3A_271, %parallel_loop3A_303 : i32
      %parallel_loop3A_305 = arith.constant 1152 : i32
      %parallel_loop3A_306 = arith.muli %parallel_loop3A_304, %parallel_loop3A_305 : i32
      %parallel_loop3A_307 = vector.broadcast %parallel_loop3A_306 : i32 to vector<16xi32>
      %parallel_loop3A_308 = arith.addi %parallel_loop3A_302, %parallel_loop3A_307 : vector<16xi32>
      %parallel_loop3A_309 = arith.index_cast %parallel_loop3A_271 : i32 to index
      %parallel_loop3A_310 = arith.constant 0 : index
      %parallel_loop3A_311 = tpu.vector_load %arg11[%parallel_loop3A_309, %parallel_loop3A_310] {strides = array<i32>} : memref<40x64xi32, #tpu.memory_space<vmem>>, vector<1x16xi32>,
      %parallel_loop3A_312 = vector.shape_cast %parallel_loop3A_311 : vector<1x16xi32> to vector<16xi32>
      %parallel_loop3A_313 = vector.shape_cast %parallel_loop3A_308 : vector<16xi32> to vector<1x16xi32>
      tpu.vector_store %arg11[%parallel_loop3A_309, %parallel_loop3A_310], %parallel_loop3A_313 {strides = array<i32>} : memref<40x64xi32, #tpu.memory_space<vmem>>, vector<1x16xi32>,
      %parallel_loop3A_314 = arith.index_cast %parallel_loop3A_271 : i32 to index
      %parallel_loop3A_315 = arith.constant 16 : index
      %parallel_loop3A_316 = tpu.vector_load %arg9[%parallel_loop3A_314, %parallel_loop3A_315] {strides = array<i32>} : memref<40x64xi32, #tpu.memory_space<vmem>>, vector<1x16xi32>,
      %parallel_loop3A_317 = vector.shape_cast %parallel_loop3A_316 : vector<1x16xi32> to vector<16xi32>
      %parallel_loop3A_318 = arith.constant 2 : i32
      %parallel_loop3A_319 = vector.broadcast %parallel_loop3A_318 : i32 to vector<16xi32>
      %parallel_loop3A_320 = arith.muli %parallel_loop3A_317, %parallel_loop3A_319 : vector<16xi32>
      %parallel_loop3A_321 = vector.broadcast %arg0 : i32 to vector<16xi32>
      %parallel_loop3A_322 = arith.addi %parallel_loop3A_320, %parallel_loop3A_321 : vector<16xi32>
      %parallel_loop3A_323 = arith.index_cast %parallel_loop3A_271 : i32 to index
      %parallel_loop3A_324 = arith.constant 16 : index
      %parallel_loop3A_325 = tpu.vector_load %arg9[%parallel_loop3A_323, %parallel_loop3A_324] {strides = array<i32>} : memref<40x64xi32, #tpu.memory_space<vmem>>, vector<1x16xi32>,
      %parallel_loop3A_326 = vector.shape_cast %parallel_loop3A_325 : vector<1x16xi32> to vector<16xi32>
      %parallel_loop3A_327 = vector.shape_cast %parallel_loop3A_322 : vector<16xi32> to vector<1x16xi32>
      tpu.vector_store %arg9[%parallel_loop3A_323, %parallel_loop3A_324], %parallel_loop3A_327 {strides = array<i32>} : memref<40x64xi32, #tpu.memory_space<vmem>>, vector<1x16xi32>,
      %parallel_loop3A_328 = arith.index_cast %parallel_loop3A_271 : i32 to index
      %parallel_loop3A_329 = arith.constant 16 : index
      %parallel_loop3A_330 = tpu.vector_load %arg11[%parallel_loop3A_328, %parallel_loop3A_329] {strides = array<i32>} : memref<40x64xi32, #tpu.memory_space<vmem>>, vector<1x16xi32>,
      %parallel_loop3A_331 = vector.shape_cast %parallel_loop3A_330 : vector<1x16xi32> to vector<16xi32>
      %parallel_loop3A_332 = arith.constant 2 : i32
      %parallel_loop3A_333 = vector.broadcast %parallel_loop3A_332 : i32 to vector<16xi32>
      %parallel_loop3A_334 = arith.muli %parallel_loop3A_331, %parallel_loop3A_333 : vector<16xi32>
      %parallel_loop3A_335 = vector.broadcast %arg0 : i32 to vector<16xi32>
      %parallel_loop3A_336 = arith.addi %parallel_loop3A_334, %parallel_loop3A_335 : vector<16xi32>
      %parallel_loop3A_337 = arith.constant 36 : i32
      %parallel_loop3A_338 = arith.muli %arg1, %parallel_loop3A_337 : i32
      %parallel_loop3A_339 = vector.broadcast %parallel_loop3A_338 : i32 to vector<16xi32>
      %parallel_loop3A_340 = arith.addi %parallel_loop3A_336, %parallel_loop3A_339 : vector<16xi32>
      %parallel_loop3A_341 = arith.constant 576 : i32
      %parallel_loop3A_342 = arith.muli %arg0, %parallel_loop3A_341 : i32
      %parallel_loop3A_343 = vector.broadcast %parallel_loop3A_342 : i32 to vector<16xi32>
      %parallel_loop3A_344 = arith.addi %parallel_loop3A_340, %parallel_loop3A_343 : vector<16xi32>
      %parallel_loop3A_345 = arith.constant 1 : i32
      %parallel_loop3A_346 = arith.andi %parallel_loop3A_271, %parallel_loop3A_345 : i32
      %parallel_loop3A_347 = arith.constant 1152 : i32
      %parallel_loop3A_348 = arith.muli %parallel_loop3A_346, %parallel_loop3A_347 : i32
      %parallel_loop3A_349 = vector.broadcast %parallel_loop3A_348 : i32 to vector<16xi32>
      %parallel_loop3A_350 = arith.addi %parallel_loop3A_344, %parallel_loop3A_349 : vector<16xi32>
      %parallel_loop3A_351 = arith.index_cast %parallel_loop3A_271 : i32 to index
      %parallel_loop3A_352 = arith.constant 16 : index
      %parallel_loop3A_353 = tpu.vector_load %arg11[%parallel_loop3A_351, %parallel_loop3A_352] {strides = array<i32>} : memref<40x64xi32, #tpu.memory_space<vmem>>, vector<1x16xi32>,
      %parallel_loop3A_354 = vector.shape_cast %parallel_loop3A_353 : vector<1x16xi32> to vector<16xi32>
      %parallel_loop3A_355 = vector.shape_cast %parallel_loop3A_350 : vector<16xi32> to vector<1x16xi32>
      tpu.vector_store %arg11[%parallel_loop3A_351, %parallel_loop3A_352], %parallel_loop3A_355 {strides = array<i32>} : memref<40x64xi32, #tpu.memory_space<vmem>>, vector<1x16xi32>,
      %parallel_loop3A_356 = arith.index_cast %parallel_loop3A_271 : i32 to index
      %parallel_loop3A_357 = arith.constant 32 : index
      %parallel_loop3A_358 = tpu.vector_load %arg9[%parallel_loop3A_356, %parallel_loop3A_357] {strides = array<i32>} : memref<40x64xi32, #tpu.memory_space<vmem>>, vector<1x16xi32>,
      %parallel_loop3A_359 = vector.shape_cast %parallel_loop3A_358 : vector<1x16xi32> to vector<16xi32>
      %parallel_loop3A_360 = arith.constant 2 : i32
      %parallel_loop3A_361 = vector.broadcast %parallel_loop3A_360 : i32 to vector<16xi32>
      %parallel_loop3A_362 = arith.muli %parallel_loop3A_359, %parallel_loop3A_361 : vector<16xi32>
      %parallel_loop3A_363 = vector.broadcast %arg0 : i32 to vector<16xi32>
      %parallel_loop3A_364 = arith.addi %parallel_loop3A_362, %parallel_loop3A_363 : vector<16xi32>
      %parallel_loop3A_365 = arith.index_cast %parallel_loop3A_271 : i32 to index
      %parallel_loop3A_366 = arith.constant 32 : index
      %parallel_loop3A_367 = tpu.vector_load %arg9[%parallel_loop3A_365, %parallel_loop3A_366] {strides = array<i32>} : memref<40x64xi32, #tpu.memory_space<vmem>>, vector<1x16xi32>,
      %parallel_loop3A_368 = vector.shape_cast %parallel_loop3A_367 : vector<1x16xi32> to vector<16xi32>
      %parallel_loop3A_369 = vector.shape_cast %parallel_loop3A_364 : vector<16xi32> to vector<1x16xi32>
      tpu.vector_store %arg9[%parallel_loop3A_365, %parallel_loop3A_366], %parallel_loop3A_369 {strides = array<i32>} : memref<40x64xi32, #tpu.memory_space<vmem>>, vector<1x16xi32>,
      %parallel_loop3A_370 = arith.index_cast %parallel_loop3A_271 : i32 to index
      %parallel_loop3A_371 = arith.constant 32 : index
      %parallel_loop3A_372 = tpu.vector_load %arg11[%parallel_loop3A_370, %parallel_loop3A_371] {strides = array<i32>} : memref<40x64xi32, #tpu.memory_space<vmem>>, vector<1x16xi32>,
      %parallel_loop3A_373 = vector.shape_cast %parallel_loop3A_372 : vector<1x16xi32> to vector<16xi32>
      %parallel_loop3A_374 = arith.constant 2 : i32
      %parallel_loop3A_375 = vector.broadcast %parallel_loop3A_374 : i32 to vector<16xi32>
      %parallel_loop3A_376 = arith.muli %parallel_loop3A_373, %parallel_loop3A_375 : vector<16xi32>
      %parallel_loop3A_377 = vector.broadcast %arg0 : i32 to vector<16xi32>
      %parallel_loop3A_378 = arith.addi %parallel_loop3A_376, %parallel_loop3A_377 : vector<16xi32>
      %parallel_loop3A_379 = arith.constant 36 : i32
      %parallel_loop3A_380 = arith.muli %arg1, %parallel_loop3A_379 : i32
      %parallel_loop3A_381 = vector.broadcast %parallel_loop3A_380 : i32 to vector<16xi32>
      %parallel_loop3A_382 = arith.addi %parallel_loop3A_378, %parallel_loop3A_381 : vector<16xi32>
      %parallel_loop3A_383 = arith.constant 576 : i32
      %parallel_loop3A_384 = arith.muli %arg0, %parallel_loop3A_383 : i32
      %parallel_loop3A_385 = vector.broadcast %parallel_loop3A_384 : i32 to vector<16xi32>
      %parallel_loop3A_386 = arith.addi %parallel_loop3A_382, %parallel_loop3A_385 : vector<16xi32>
      %parallel_loop3A_387 = arith.constant 1 : i32
      %parallel_loop3A_388 = arith.andi %parallel_loop3A_271, %parallel_loop3A_387 : i32
      %parallel_loop3A_389 = arith.constant 1152 : i32
      %parallel_loop3A_390 = arith.muli %parallel_loop3A_388, %parallel_loop3A_389 : i32
      %parallel_loop3A_391 = vector.broadcast %parallel_loop3A_390 : i32 to vector<16xi32>
      %parallel_loop3A_392 = arith.addi %parallel_loop3A_386, %parallel_loop3A_391 : vector<16xi32>
      %parallel_loop3A_393 = arith.index_cast %parallel_loop3A_271 : i32 to index
      %parallel_loop3A_394 = arith.constant 32 : index
      %parallel_loop3A_395 = tpu.vector_load %arg11[%parallel_loop3A_393, %parallel_loop3A_394] {strides = array<i32>} : memref<40x64xi32, #tpu.memory_space<vmem>>, vector<1x16xi32>,
      %parallel_loop3A_396 = vector.shape_cast %parallel_loop3A_395 : vector<1x16xi32> to vector<16xi32>
      %parallel_loop3A_397 = vector.shape_cast %parallel_loop3A_392 : vector<16xi32> to vector<1x16xi32>
      tpu.vector_store %arg11[%parallel_loop3A_393, %parallel_loop3A_394], %parallel_loop3A_397 {strides = array<i32>} : memref<40x64xi32, #tpu.memory_space<vmem>>, vector<1x16xi32>,
      %parallel_loop3A_398 = arith.index_cast %parallel_loop3A_271 : i32 to index
      %parallel_loop3A_399 = arith.constant 48 : index
      %parallel_loop3A_400 = tpu.vector_load %arg9[%parallel_loop3A_398, %parallel_loop3A_399] {strides = array<i32>} : memref<40x64xi32, #tpu.memory_space<vmem>>, vector<1x16xi32>,
      %parallel_loop3A_401 = vector.shape_cast %parallel_loop3A_400 : vector<1x16xi32> to vector<16xi32>
      %parallel_loop3A_402 = arith.constant 2 : i32
      %parallel_loop3A_403 = vector.broadcast %parallel_loop3A_402 : i32 to vector<16xi32>
      %parallel_loop3A_404 = arith.muli %parallel_loop3A_401, %parallel_loop3A_403 : vector<16xi32>
      %parallel_loop3A_405 = vector.broadcast %arg0 : i32 to vector<16xi32>
      %parallel_loop3A_406 = arith.addi %parallel_loop3A_404, %parallel_loop3A_405 : vector<16xi32>
      %parallel_loop3A_407 = arith.index_cast %parallel_loop3A_271 : i32 to index
      %parallel_loop3A_408 = arith.constant 48 : index
      %parallel_loop3A_409 = tpu.vector_load %arg9[%parallel_loop3A_407, %parallel_loop3A_408] {strides = array<i32>} : memref<40x64xi32, #tpu.memory_space<vmem>>, vector<1x16xi32>,
      %parallel_loop3A_410 = vector.shape_cast %parallel_loop3A_409 : vector<1x16xi32> to vector<16xi32>
      %parallel_loop3A_411 = vector.shape_cast %parallel_loop3A_406 : vector<16xi32> to vector<1x16xi32>
      tpu.vector_store %arg9[%parallel_loop3A_407, %parallel_loop3A_408], %parallel_loop3A_411 {strides = array<i32>} : memref<40x64xi32, #tpu.memory_space<vmem>>, vector<1x16xi32>,
      %parallel_loop3A_412 = arith.index_cast %parallel_loop3A_271 : i32 to index
      %parallel_loop3A_413 = arith.constant 48 : index
      %parallel_loop3A_414 = tpu.vector_load %arg11[%parallel_loop3A_412, %parallel_loop3A_413] {strides = array<i32>} : memref<40x64xi32, #tpu.memory_space<vmem>>, vector<1x16xi32>,
      %parallel_loop3A_415 = vector.shape_cast %parallel_loop3A_414 : vector<1x16xi32> to vector<16xi32>
      %parallel_loop3A_416 = arith.constant 2 : i32
      %parallel_loop3A_417 = vector.broadcast %parallel_loop3A_416 : i32 to vector<16xi32>
      %parallel_loop3A_418 = arith.muli %parallel_loop3A_415, %parallel_loop3A_417 : vector<16xi32>
      %parallel_loop3A_419 = vector.broadcast %arg0 : i32 to vector<16xi32>
      %parallel_loop3A_420 = arith.addi %parallel_loop3A_418, %parallel_loop3A_419 : vector<16xi32>
      %parallel_loop3A_421 = arith.constant 36 : i32
      %parallel_loop3A_422 = arith.muli %arg1, %parallel_loop3A_421 : i32
      %parallel_loop3A_423 = vector.broadcast %parallel_loop3A_422 : i32 to vector<16xi32>
      %parallel_loop3A_424 = arith.addi %parallel_loop3A_420, %parallel_loop3A_423 : vector<16xi32>
      %parallel_loop3A_425 = arith.constant 576 : i32
      %parallel_loop3A_426 = arith.muli %arg0, %parallel_loop3A_425 : i32
      %parallel_loop3A_427 = vector.broadcast %parallel_loop3A_426 : i32 to vector<16xi32>
      %parallel_loop3A_428 = arith.addi %parallel_loop3A_424, %parallel_loop3A_427 : vector<16xi32>
      %parallel_loop3A_429 = arith.constant 1 : i32
      %parallel_loop3A_430 = arith.andi %parallel_loop3A_271, %parallel_loop3A_429 : i32
      %parallel_loop3A_431 = arith.constant 1152 : i32
      %parallel_loop3A_432 = arith.muli %parallel_loop3A_430, %parallel_loop3A_431 : i32
      %parallel_loop3A_433 = vector.broadcast %parallel_loop3A_432 : i32 to vector<16xi32>
      %parallel_loop3A_434 = arith.addi %parallel_loop3A_428, %parallel_loop3A_433 : vector<16xi32>
      %parallel_loop3A_435 = arith.index_cast %parallel_loop3A_271 : i32 to index
      %parallel_loop3A_436 = arith.constant 48 : index
      %parallel_loop3A_437 = tpu.vector_load %arg11[%parallel_loop3A_435, %parallel_loop3A_436] {strides = array<i32>} : memref<40x64xi32, #tpu.memory_space<vmem>>, vector<1x16xi32>,
      %parallel_loop3A_438 = vector.shape_cast %parallel_loop3A_437 : vector<1x16xi32> to vector<16xi32>
      %parallel_loop3A_439 = vector.shape_cast %parallel_loop3A_434 : vector<16xi32> to vector<1x16xi32>
      tpu.vector_store %arg11[%parallel_loop3A_435, %parallel_loop3A_436], %parallel_loop3A_439 {strides = array<i32>} : memref<40x64xi32, #tpu.memory_space<vmem>>, vector<1x16xi32>,
    } {sc.loop_unroll_factor = 4 : i64, sc.parallel_access}
    %dma_start3A_232 = arith.constant 0 : i32
    %dma_start3A_233 = arith.constant 0 : i32
    %dma_start3A_234 = tpu.memref_slice %arg9[%dma_start3A_232, %dma_start3A_233] : memref<40x64xi32, #tpu.memory_space<vmem>> -> memref<1x64xi32, #tpu.memory_space<vmem>>
    %dma_start3A_235 = tpu.memref_squeeze %dma_start3A_234 : memref<1x64xi32, #tpu.memory_space<vmem>> -> memref<64xi32, #tpu.memory_space<vmem>>
    %dma_start3A_236 = arith.constant 0 : i32
    %dma_start3A_237 = arith.constant 0 : i32
    %dma_start3A_238 = tpu.memref_slice %arg2[%dma_start3A_236, %dma_start3A_237] : memref<20000x128xf32, #tpu.memory_space<hbm>> -> memref<20000x128xf32, #tpu.memory_space<hbm>>
    tpu.enqueue_indirect_dma source(%dma_start3A_238 : memref<20000x128xf32, #tpu.memory_space<hbm>>) target(%arg12 : memref<64x128xf32, #tpu.memory_space<vmem>>) offsets(%dma_start3A_235 : memref<64xi32, #tpu.memory_space<vmem>>) semaphore(%arg16 : memref<!tpu.dma_semaphore, #tpu.memory_space<semaphore_mem>>)
    %dma_start3A_239 = arith.constant 0 : i32
    %dma_start3A_240 = arith.constant 0 : i32
    %dma_start3A_241 = tpu.memref_slice %arg11[%dma_start3A_239, %dma_start3A_240] : memref<40x64xi32, #tpu.memory_space<vmem>> -> memref<1x64xi32, #tpu.memory_space<vmem>>
    %dma_start3A_242 = tpu.memref_squeeze %dma_start3A_241 : memref<1x64xi32, #tpu.memory_space<vmem>> -> memref<64xi32, #tpu.memory_space<vmem>>
    %dma_start3A_243 = arith.constant 0 : i32
    %dma_start3A_244 = arith.constant 0 : i32
    %dma_start3A_245 = tpu.memref_slice %arg6[%dma_start3A_243, %dma_start3A_244] : memref<2304x128xf32, #tpu.memory_space<hbm>> -> memref<2304x128xf32, #tpu.memory_space<hbm>>
    tpu.enqueue_indirect_dma source(%dma_start3A_245 : memref<2304x128xf32, #tpu.memory_space<hbm>>) target(%arg14 : memref<64x128xf32, #tpu.memory_space<vmem>>) offsets(%dma_start3A_242 : memref<64xi32, #tpu.memory_space<vmem>>) semaphore(%arg16 : memref<!tpu.dma_semaphore, #tpu.memory_space<semaphore_mem>>)
    %dma_start3A_246 = arith.constant 1 : i32
    %dma_start3A_247 = arith.constant 0 : i32
    %dma_start3A_248 = tpu.memref_slice %arg9[%dma_start3A_246, %dma_start3A_247] : memref<40x64xi32, #tpu.memory_space<vmem>> -> memref<1x64xi32, #tpu.memory_space<vmem>>
    %dma_start3A_249 = tpu.memref_squeeze %dma_start3A_248 : memref<1x64xi32, #tpu.memory_space<vmem>> -> memref<64xi32, #tpu.memory_space<vmem>>
    %dma_start3A_250 = arith.constant 0 : i32
    %dma_start3A_251 = arith.constant 0 : i32
    %dma_start3A_252 = tpu.memref_slice %arg2[%dma_start3A_250, %dma_start3A_251] : memref<20000x128xf32, #tpu.memory_space<hbm>> -> memref<20000x128xf32, #tpu.memory_space<hbm>>
    tpu.enqueue_indirect_dma source(%dma_start3A_252 : memref<20000x128xf32, #tpu.memory_space<hbm>>) target(%arg13 : memref<64x128xf32, #tpu.memory_space<vmem>>) offsets(%dma_start3A_249 : memref<64xi32, #tpu.memory_space<vmem>>) semaphore(%arg17 : memref<!tpu.dma_semaphore, #tpu.memory_space<semaphore_mem>>)
    %dma_start3A_253 = arith.constant 1 : i32
    %dma_start3A_254 = arith.constant 0 : i32
    %dma_start3A_255 = tpu.memref_slice %arg11[%dma_start3A_253, %dma_start3A_254] : memref<40x64xi32, #tpu.memory_space<vmem>> -> memref<1x64xi32, #tpu.memory_space<vmem>>
    %dma_start3A_256 = tpu.memref_squeeze %dma_start3A_255 : memref<1x64xi32, #tpu.memory_space<vmem>> -> memref<64xi32, #tpu.memory_space<vmem>>
    %dma_start3A_257 = arith.constant 0 : i32
    %dma_start3A_258 = arith.constant 0 : i32
    %dma_start3A_259 = tpu.memref_slice %arg6[%dma_start3A_257, %dma_start3A_258] : memref<2304x128xf32, #tpu.memory_space<hbm>> -> memref<2304x128xf32, #tpu.memory_space<hbm>>
    tpu.enqueue_indirect_dma source(%dma_start3A_259 : memref<2304x128xf32, #tpu.memory_space<hbm>>) target(%arg15 : memref<64x128xf32, #tpu.memory_space<vmem>>) offsets(%dma_start3A_256 : memref<64xi32, #tpu.memory_space<vmem>>) semaphore(%arg17 : memref<!tpu.dma_semaphore, #tpu.memory_space<semaphore_mem>>)
    %scan3A_260 = arith.constant 0 : i32
    %scan3A_261 = arith.constant 0 : i32
    %scan3A_262 = arith.constant 20 : i32
    %scan3A_263 = arith.addi %scan3A_261, %scan3A_262 : i32
    %scan3A_264 = arith.constant 1 : i32
    scf.for %scan3A_271 = %scan3A_261 to %scan3A_263 step %scan3A_264  : i32 {
      %mul3A_272 = arith.constant 2 : i32
      %mul3A_273 = arith.muli %scan3A_271, %mul3A_272 : i32
      %add3A_274 = arith.constant 0 : i32
      %add3A_275 = arith.addi %mul3A_273, %add3A_274 : i32
      %dma_wait3A_276 = arith.constant 0 : i32
      %dma_wait3A_277 = tpu.memref_slice %arg9[%add3A_275, %dma_wait3A_276] : memref<40x64xi32, #tpu.memory_space<vmem>> -> memref<1x64xi32, #tpu.memory_space<vmem>>
      %dma_wait3A_278 = tpu.memref_squeeze %dma_wait3A_277 : memref<1x64xi32, #tpu.memory_space<vmem>> -> memref<64xi32, #tpu.memory_space<vmem>>
      %dma_wait3A_279 = arith.constant 0 : i32
      %dma_wait3A_280 = arith.constant 0 : i32
      %dma_wait3A_281 = tpu.memref_slice %arg2[%dma_wait3A_279, %dma_wait3A_280] : memref<20000x128xf32, #tpu.memory_space<hbm>> -> memref<20000x128xf32, #tpu.memory_space<hbm>>
      tpu.wait_indirect_dma semaphore(%arg16 : memref<!tpu.dma_semaphore, #tpu.memory_space<semaphore_mem>>) src(%dma_wait3A_281 : memref<20000x128xf32, #tpu.memory_space<hbm>>) dst(%arg12 : memref<64x128xf32, #tpu.memory_space<vmem>>)
      %dma_wait3A_282 = arith.constant 0 : i32
      %dma_wait3A_283 = tpu.memref_slice %arg9[%add3A_275, %dma_wait3A_282] : memref<40x64xi32, #tpu.memory_space<vmem>> -> memref<1x64xi32, #tpu.memory_space<vmem>>
      %dma_wait3A_284 = tpu.memref_squeeze %dma_wait3A_283 : memref<1x64xi32, #tpu.memory_space<vmem>> -> memref<64xi32, #tpu.memory_space<vmem>>
      %dma_wait3A_285 = arith.constant 0 : i32
      %dma_wait3A_286 = arith.constant 0 : i32
      %dma_wait3A_287 = tpu.memref_slice %arg2[%dma_wait3A_285, %dma_wait3A_286] : memref<20000x128xf32, #tpu.memory_space<hbm>> -> memref<20000x128xf32, #tpu.memory_space<hbm>>
      tpu.wait_indirect_dma semaphore(%arg16 : memref<!tpu.dma_semaphore, #tpu.memory_space<semaphore_mem>>) src(%dma_wait3A_287 : memref<20000x128xf32, #tpu.memory_space<hbm>>) dst(%arg14 : memref<64x128xf32, #tpu.memory_space<vmem>>)
      %parallel_loop3A_288 = arith.constant 0 : i32
      %parallel_loop3A_289 = arith.constant 64 : i32
      %parallel_loop3A_290 = arith.constant 1 : i32
      scf.for %parallel_loop3A_321 = %parallel_loop3A_288 to %parallel_loop3A_289 step %parallel_loop3A_290  : i32 {
        %parallel_loop3A_322 = arith.index_cast %parallel_loop3A_321 : i32 to index
        %parallel_loop3A_323 = arith.constant 0 : index
        %parallel_loop3A_324 = tpu.vector_load %arg12[%parallel_loop3A_322, %parallel_loop3A_323] {strides = array<i32>} : memref<64x128xf32, #tpu.memory_space<vmem>>, vector<1x16xf32>,
        %parallel_loop3A_325 = vector.shape_cast %parallel_loop3A_324 : vector<1x16xf32> to vector<16xf32>
        %parallel_loop3A_326 = arith.index_cast %parallel_loop3A_321 : i32 to index
        %parallel_loop3A_327 = arith.constant 0 : index
        %parallel_loop3A_328 = tpu.vector_load %arg14[%parallel_loop3A_326, %parallel_loop3A_327] {strides = array<i32>} : memref<64x128xf32, #tpu.memory_space<vmem>>, vector<1x16xf32>,
        %parallel_loop3A_329 = vector.shape_cast %parallel_loop3A_328 : vector<1x16xf32> to vector<16xf32>
        %parallel_loop3A_330 = arith.mulf %parallel_loop3A_325, %parallel_loop3A_329 : vector<16xf32>
        %parallel_loop3A_331 = arith.index_cast %parallel_loop3A_321 : i32 to index
        %parallel_loop3A_332 = arith.constant 0 : index
        %parallel_loop3A_333 = tpu.vector_load %arg12[%parallel_loop3A_331, %parallel_loop3A_332] {strides = array<i32>} : memref<64x128xf32, #tpu.memory_space<vmem>>, vector<1x16xf32>,
        %parallel_loop3A_334 = vector.shape_cast %parallel_loop3A_333 : vector<1x16xf32> to vector<16xf32>
        %parallel_loop3A_335 = vector.shape_cast %parallel_loop3A_330 : vector<16xf32> to vector<1x16xf32>
        tpu.vector_store %arg12[%parallel_loop3A_331, %parallel_loop3A_332], %parallel_loop3A_335 {strides = array<i32>} : memref<64x128xf32, #tpu.memory_space<vmem>>, vector<1x16xf32>,
        %parallel_loop3A_336 = arith.index_cast %parallel_loop3A_321 : i32 to index
        %parallel_loop3A_337 = arith.constant 16 : index
        %parallel_loop3A_338 = tpu.vector_load %arg12[%parallel_loop3A_336, %parallel_loop3A_337] {strides = array<i32>} : memref<64x128xf32, #tpu.memory_space<vmem>>, vector<1x16xf32>,
        %parallel_loop3A_339 = vector.shape_cast %parallel_loop3A_338 : vector<1x16xf32> to vector<16xf32>
        %parallel_loop3A_340 = arith.index_cast %parallel_loop3A_321 : i32 to index
        %parallel_loop3A_341 = arith.constant 16 : index
        %parallel_loop3A_342 = tpu.vector_load %arg14[%parallel_loop3A_340, %parallel_loop3A_341] {strides = array<i32>} : memref<64x128xf32, #tpu.memory_space<vmem>>, vector<1x16xf32>,
        %parallel_loop3A_343 = vector.shape_cast %parallel_loop3A_342 : vector<1x16xf32> to vector<16xf32>
        %parallel_loop3A_344 = arith.mulf %parallel_loop3A_339, %parallel_loop3A_343 : vector<16xf32>
        %parallel_loop3A_345 = arith.index_cast %parallel_loop3A_321 : i32 to index
        %parallel_loop3A_346 = arith.constant 16 : index
        %parallel_loop3A_347 = tpu.vector_load %arg12[%parallel_loop3A_345, %parallel_loop3A_346] {strides = array<i32>} : memref<64x128xf32, #tpu.memory_space<vmem>>, vector<1x16xf32>,
        %parallel_loop3A_348 = vector.shape_cast %parallel_loop3A_347 : vector<1x16xf32> to vector<16xf32>
        %parallel_loop3A_349 = vector.shape_cast %parallel_loop3A_344 : vector<16xf32> to vector<1x16xf32>
        tpu.vector_store %arg12[%parallel_loop3A_345, %parallel_loop3A_346], %parallel_loop3A_349 {strides = array<i32>} : memref<64x128xf32, #tpu.memory_space<vmem>>, vector<1x16xf32>,
        %parallel_loop3A_350 = arith.index_cast %parallel_loop3A_321 : i32 to index
        %parallel_loop3A_351 = arith.constant 32 : index
        %parallel_loop3A_352 = tpu.vector_load %arg12[%parallel_loop3A_350, %parallel_loop3A_351] {strides = array<i32>} : memref<64x128xf32, #tpu.memory_space<vmem>>, vector<1x16xf32>,
        %parallel_loop3A_353 = vector.shape_cast %parallel_loop3A_352 : vector<1x16xf32> to vector<16xf32>
        %parallel_loop3A_354 = arith.index_cast %parallel_loop3A_321 : i32 to index
        %parallel_loop3A_355 = arith.constant 32 : index
        %parallel_loop3A_356 = tpu.vector_load %arg14[%parallel_loop3A_354, %parallel_loop3A_355] {strides = array<i32>} : memref<64x128xf32, #tpu.memory_space<vmem>>, vector<1x16xf32>,
        %parallel_loop3A_357 = vector.shape_cast %parallel_loop3A_356 : vector<1x16xf32> to vector<16xf32>
        %parallel_loop3A_358 = arith.mulf %parallel_loop3A_353, %parallel_loop3A_357 : vector<16xf32>
        %parallel_loop3A_359 = arith.index_cast %parallel_loop3A_321 : i32 to index
        %parallel_loop3A_360 = arith.constant 32 : index
        %parallel_loop3A_361 = tpu.vector_load %arg12[%parallel_loop3A_359, %parallel_loop3A_360] {strides = array<i32>} : memref<64x128xf32, #tpu.memory_space<vmem>>, vector<1x16xf32>,
        %parallel_loop3A_362 = vector.shape_cast %parallel_loop3A_361 : vector<1x16xf32> to vector<16xf32>
        %parallel_loop3A_363 = vector.shape_cast %parallel_loop3A_358 : vector<16xf32> to vector<1x16xf32>
        tpu.vector_store %arg12[%parallel_loop3A_359, %parallel_loop3A_360], %parallel_loop3A_363 {strides = array<i32>} : memref<64x128xf32, #tpu.memory_space<vmem>>, vector<1x16xf32>,
        %parallel_loop3A_364 = arith.index_cast %parallel_loop3A_321 : i32 to index
        %parallel_loop3A_365 = arith.constant 48 : index
        %parallel_loop3A_366 = tpu.vector_load %arg12[%parallel_loop3A_364, %parallel_loop3A_365] {strides = array<i32>} : memref<64x128xf32, #tpu.memory_space<vmem>>, vector<1x16xf32>,
        %parallel_loop3A_367 = vector.shape_cast %parallel_loop3A_366 : vector<1x16xf32> to vector<16xf32>
        %parallel_loop3A_368 = arith.index_cast %parallel_loop3A_321 : i32 to index
        %parallel_loop3A_369 = arith.constant 48 : index
        %parallel_loop3A_370 = tpu.vector_load %arg14[%parallel_loop3A_368, %parallel_loop3A_369] {strides = array<i32>} : memref<64x128xf32, #tpu.memory_space<vmem>>, vector<1x16xf32>,
        %parallel_loop3A_371 = vector.shape_cast %parallel_loop3A_370 : vector<1x16xf32> to vector<16xf32>
        %parallel_loop3A_372 = arith.mulf %parallel_loop3A_367, %parallel_loop3A_371 : vector<16xf32>
        %parallel_loop3A_373 = arith.index_cast %parallel_loop3A_321 : i32 to index
        %parallel_loop3A_374 = arith.constant 48 : index
        %parallel_loop3A_375 = tpu.vector_load %arg12[%parallel_loop3A_373, %parallel_loop3A_374] {strides = array<i32>} : memref<64x128xf32, #tpu.memory_space<vmem>>, vector<1x16xf32>,
        %parallel_loop3A_376 = vector.shape_cast %parallel_loop3A_375 : vector<1x16xf32> to vector<16xf32>
        %parallel_loop3A_377 = vector.shape_cast %parallel_loop3A_372 : vector<16xf32> to vector<1x16xf32>
        tpu.vector_store %arg12[%parallel_loop3A_373, %parallel_loop3A_374], %parallel_loop3A_377 {strides = array<i32>} : memref<64x128xf32, #tpu.memory_space<vmem>>, vector<1x16xf32>,
        %parallel_loop3A_378 = arith.index_cast %parallel_loop3A_321 : i32 to index
        %parallel_loop3A_379 = arith.constant 64 : index
        %parallel_loop3A_380 = tpu.vector_load %arg12[%parallel_loop3A_378, %parallel_loop3A_379] {strides = array<i32>} : memref<64x128xf32, #tpu.memory_space<vmem>>, vector<1x16xf32>,
        %parallel_loop3A_381 = vector.shape_cast %parallel_loop3A_380 : vector<1x16xf32> to vector<16xf32>
        %parallel_loop3A_382 = arith.index_cast %parallel_loop3A_321 : i32 to index
        %parallel_loop3A_383 = arith.constant 64 : index
        %parallel_loop3A_384 = tpu.vector_load %arg14[%parallel_loop3A_382, %parallel_loop3A_383] {strides = array<i32>} : memref<64x128xf32, #tpu.memory_space<vmem>>, vector<1x16xf32>,
        %parallel_loop3A_385 = vector.shape_cast %parallel_loop3A_384 : vector<1x16xf32> to vector<16xf32>
        %parallel_loop3A_386 = arith.mulf %parallel_loop3A_381, %parallel_loop3A_385 : vector<16xf32>
        %parallel_loop3A_387 = arith.index_cast %parallel_loop3A_321 : i32 to index
        %parallel_loop3A_388 = arith.constant 64 : index
        %parallel_loop3A_389 = tpu.vector_load %arg12[%parallel_loop3A_387, %parallel_loop3A_388] {strides = array<i32>} : memref<64x128xf32, #tpu.memory_space<vmem>>, vector<1x16xf32>,
        %parallel_loop3A_390 = vector.shape_cast %parallel_loop3A_389 : vector<1x16xf32> to vector<16xf32>
        %parallel_loop3A_391 = vector.shape_cast %parallel_loop3A_386 : vector<16xf32> to vector<1x16xf32>
        tpu.vector_store %arg12[%parallel_loop3A_387, %parallel_loop3A_388], %parallel_loop3A_391 {strides = array<i32>} : memref<64x128xf32, #tpu.memory_space<vmem>>, vector<1x16xf32>,
        %parallel_loop3A_392 = arith.index_cast %parallel_loop3A_321 : i32 to index
        %parallel_loop3A_393 = arith.constant 80 : index
        %parallel_loop3A_394 = tpu.vector_load %arg12[%parallel_loop3A_392, %parallel_loop3A_393] {strides = array<i32>} : memref<64x128xf32, #tpu.memory_space<vmem>>, vector<1x16xf32>,
        %parallel_loop3A_395 = vector.shape_cast %parallel_loop3A_394 : vector<1x16xf32> to vector<16xf32>
        %parallel_loop3A_396 = arith.index_cast %parallel_loop3A_321 : i32 to index
        %parallel_loop3A_397 = arith.constant 80 : index
        %parallel_loop3A_398 = tpu.vector_load %arg14[%parallel_loop3A_396, %parallel_loop3A_397] {strides = array<i32>} : memref<64x128xf32, #tpu.memory_space<vmem>>, vector<1x16xf32>,
        %parallel_loop3A_399 = vector.shape_cast %parallel_loop3A_398 : vector<1x16xf32> to vector<16xf32>
        %parallel_loop3A_400 = arith.mulf %parallel_loop3A_395, %parallel_loop3A_399 : vector<16xf32>
        %parallel_loop3A_401 = arith.index_cast %parallel_loop3A_321 : i32 to index
        %parallel_loop3A_402 = arith.constant 80 : index
        %parallel_loop3A_403 = tpu.vector_load %arg12[%parallel_loop3A_401, %parallel_loop3A_402] {strides = array<i32>} : memref<64x128xf32, #tpu.memory_space<vmem>>, vector<1x16xf32>,
        %parallel_loop3A_404 = vector.shape_cast %parallel_loop3A_403 : vector<1x16xf32> to vector<16xf32>
        %parallel_loop3A_405 = vector.shape_cast %parallel_loop3A_400 : vector<16xf32> to vector<1x16xf32>
        tpu.vector_store %arg12[%parallel_loop3A_401, %parallel_loop3A_402], %parallel_loop3A_405 {strides = array<i32>} : memref<64x128xf32, #tpu.memory_space<vmem>>, vector<1x16xf32>,
        %parallel_loop3A_406 = arith.index_cast %parallel_loop3A_321 : i32 to index
        %parallel_loop3A_407 = arith.constant 96 : index
        %parallel_loop3A_408 = tpu.vector_load %arg12[%parallel_loop3A_406, %parallel_loop3A_407] {strides = array<i32>} : memref<64x128xf32, #tpu.memory_space<vmem>>, vector<1x16xf32>,
        %parallel_loop3A_409 = vector.shape_cast %parallel_loop3A_408 : vector<1x16xf32> to vector<16xf32>
        %parallel_loop3A_410 = arith.index_cast %parallel_loop3A_321 : i32 to index
        %parallel_loop3A_411 = arith.constant 96 : index
        %parallel_loop3A_412 = tpu.vector_load %arg14[%parallel_loop3A_410, %parallel_loop3A_411] {strides = array<i32>} : memref<64x128xf32, #tpu.memory_space<vmem>>, vector<1x16xf32>,
        %parallel_loop3A_413 = vector.shape_cast %parallel_loop3A_412 : vector<1x16xf32> to vector<16xf32>
        %parallel_loop3A_414 = arith.mulf %parallel_loop3A_409, %parallel_loop3A_413 : vector<16xf32>
        %parallel_loop3A_415 = arith.index_cast %parallel_loop3A_321 : i32 to index
        %parallel_loop3A_416 = arith.constant 96 : index
        %parallel_loop3A_417 = tpu.vector_load %arg12[%parallel_loop3A_415, %parallel_loop3A_416] {strides = array<i32>} : memref<64x128xf32, #tpu.memory_space<vmem>>, vector<1x16xf32>,
        %parallel_loop3A_418 = vector.shape_cast %parallel_loop3A_417 : vector<1x16xf32> to vector<16xf32>
        %parallel_loop3A_419 = vector.shape_cast %parallel_loop3A_414 : vector<16xf32> to vector<1x16xf32>
        tpu.vector_store %arg12[%parallel_loop3A_415, %parallel_loop3A_416], %parallel_loop3A_419 {strides = array<i32>} : memref<64x128xf32, #tpu.memory_space<vmem>>, vector<1x16xf32>,
        %parallel_loop3A_420 = arith.index_cast %parallel_loop3A_321 : i32 to index
        %parallel_loop3A_421 = arith.constant 112 : index
        %parallel_loop3A_422 = tpu.vector_load %arg12[%parallel_loop3A_420, %parallel_loop3A_421] {strides = array<i32>} : memref<64x128xf32, #tpu.memory_space<vmem>>, vector<1x16xf32>,
        %parallel_loop3A_423 = vector.shape_cast %parallel_loop3A_422 : vector<1x16xf32> to vector<16xf32>
        %parallel_loop3A_424 = arith.index_cast %parallel_loop3A_321 : i32 to index
        %parallel_loop3A_425 = arith.constant 112 : index
        %parallel_loop3A_426 = tpu.vector_load %arg14[%parallel_loop3A_424, %parallel_loop3A_425] {strides = array<i32>} : memref<64x128xf32, #tpu.memory_space<vmem>>, vector<1x16xf32>,
        %parallel_loop3A_427 = vector.shape_cast %parallel_loop3A_426 : vector<1x16xf32> to vector<16xf32>
        %parallel_loop3A_428 = arith.mulf %parallel_loop3A_423, %parallel_loop3A_427 : vector<16xf32>
        %parallel_loop3A_429 = arith.index_cast %parallel_loop3A_321 : i32 to index
        %parallel_loop3A_430 = arith.constant 112 : index
        %parallel_loop3A_431 = tpu.vector_load %arg12[%parallel_loop3A_429, %parallel_loop3A_430] {strides = array<i32>} : memref<64x128xf32, #tpu.memory_space<vmem>>, vector<1x16xf32>,
        %parallel_loop3A_432 = vector.shape_cast %parallel_loop3A_431 : vector<1x16xf32> to vector<16xf32>
        %parallel_loop3A_433 = vector.shape_cast %parallel_loop3A_428 : vector<16xf32> to vector<1x16xf32>
        tpu.vector_store %arg12[%parallel_loop3A_429, %parallel_loop3A_430], %parallel_loop3A_433 {strides = array<i32>} : memref<64x128xf32, #tpu.memory_space<vmem>>, vector<1x16xf32>,
      } {sc.loop_unroll_factor = 4 : i64, sc.parallel_access}
      "tpu.region"() ({
        %run_scoped3A = tpu.sem_alloc : memref<!tpu.dma_semaphore, #tpu.memory_space<semaphore_mem>>
        %dma_start3A_321 = arith.constant 0 : i32
        %dma_start3A_322 = tpu.memref_slice %arg10[%add3A_275, %dma_start3A_321] : memref<40x64xi32, #tpu.memory_space<vmem>> -> memref<1x64xi32, #tpu.memory_space<vmem>>
        %dma_start3A_323 = tpu.memref_squeeze %dma_start3A_322 : memref<1x64xi32, #tpu.memory_space<vmem>> -> memref<64xi32, #tpu.memory_space<vmem>>
        %dma_start3A_324 = arith.constant 0 : i32
        %dma_start3A_325 = arith.constant 0 : i32
        %dma_start3A_326 = tpu.memref_slice %arg8[%dma_start3A_324, %dma_start3A_325] : memref<10240x128xf32, #tpu.memory_space<vmem_shared>> -> memref<10240x128xf32, #tpu.memory_space<vmem_shared>>
        tpu.enqueue_indirect_dma source(%arg12 : memref<64x128xf32, #tpu.memory_space<vmem>>) target(%dma_start3A_326 : memref<10240x128xf32, #tpu.memory_space<vmem_shared>>) offsets(%dma_start3A_323 : memref<64xi32, #tpu.memory_space<vmem>>) semaphore(%run_scoped3A : memref<!tpu.dma_semaphore, #tpu.memory_space<semaphore_mem>>) {add = true}
        %dma_wait3A_327 = arith.constant 0 : i32
        %dma_wait3A_328 = tpu.memref_slice %arg10[%add3A_275, %dma_wait3A_327] : memref<40x64xi32, #tpu.memory_space<vmem>> -> memref<1x64xi32, #tpu.memory_space<vmem>>
        %dma_wait3A_329 = tpu.memref_squeeze %dma_wait3A_328 : memref<1x64xi32, #tpu.memory_space<vmem>> -> memref<64xi32, #tpu.memory_space<vmem>>
        %dma_wait3A_330 = arith.constant 0 : i32
        %dma_wait3A_331 = arith.constant 0 : i32
        %dma_wait3A_332 = tpu.memref_slice %arg8[%dma_wait3A_330, %dma_wait3A_331] : memref<10240x128xf32, #tpu.memory_space<vmem_shared>> -> memref<10240x128xf32, #tpu.memory_space<vmem_shared>>
        tpu.wait_indirect_dma semaphore(%run_scoped3A : memref<!tpu.dma_semaphore, #tpu.memory_space<semaphore_mem>>) src(%arg12 : memref<64x128xf32, #tpu.memory_space<vmem>>) dst(%dma_wait3A_332 : memref<10240x128xf32, #tpu.memory_space<vmem_shared>>)
        tpu.yield
      }) : () -> ()
      %add3A_291 = arith.constant 2 : i32
      %add3A_292 = arith.addi %add3A_275, %add3A_291 : i32
      %lt3A = arith.constant 40 : i32
      %lt3A_293 = arith.cmpi slt, %add3A_292, %lt3A : i32
      %convert_element_type3A = arith.extui %lt3A_293 : i1 to i32
      %cond3A = arith.constant 0 : i32
      %cond3A_294 = arith.cmpi ne, %convert_element_type3A, %cond3A : i32
      scf.if %cond3A_294 {
        %add3A_321 = arith.constant 2 : i32
        %add3A_322 = arith.addi %add3A_275, %add3A_321 : i32
        %dma_start3A_323 = arith.constant 0 : i32
        %dma_start3A_324 = tpu.memref_slice %arg9[%add3A_322, %dma_start3A_323] : memref<40x64xi32, #tpu.memory_space<vmem>> -> memref<1x64xi32, #tpu.memory_space<vmem>>
        %dma_start3A_325 = tpu.memref_squeeze %dma_start3A_324 : memref<1x64xi32, #tpu.memory_space<vmem>> -> memref<64xi32, #tpu.memory_space<vmem>>
        %dma_start3A_326 = arith.constant 0 : i32
        %dma_start3A_327 = arith.constant 0 : i32
        %dma_start3A_328 = tpu.memref_slice %arg2[%dma_start3A_326, %dma_start3A_327] : memref<20000x128xf32, #tpu.memory_space<hbm>> -> memref<20000x128xf32, #tpu.memory_space<hbm>>
        tpu.enqueue_indirect_dma source(%dma_start3A_328 : memref<20000x128xf32, #tpu.memory_space<hbm>>) target(%arg12 : memref<64x128xf32, #tpu.memory_space<vmem>>) offsets(%dma_start3A_325 : memref<64xi32, #tpu.memory_space<vmem>>) semaphore(%arg16 : memref<!tpu.dma_semaphore, #tpu.memory_space<semaphore_mem>>)
        %add3A_329 = arith.constant 2 : i32
        %add3A_330 = arith.addi %add3A_275, %add3A_329 : i32
        %dma_start3A_331 = arith.constant 0 : i32
        %dma_start3A_332 = tpu.memref_slice %arg11[%add3A_330, %dma_start3A_331] : memref<40x64xi32, #tpu.memory_space<vmem>> -> memref<1x64xi32, #tpu.memory_space<vmem>>
        %dma_start3A_333 = tpu.memref_squeeze %dma_start3A_332 : memref<1x64xi32, #tpu.memory_space<vmem>> -> memref<64xi32, #tpu.memory_space<vmem>>
        %dma_start3A_334 = arith.constant 0 : i32
        %dma_start3A_335 = arith.constant 0 : i32
        %dma_start3A_336 = tpu.memref_slice %arg6[%dma_start3A_334, %dma_start3A_335] : memref<2304x128xf32, #tpu.memory_space<hbm>> -> memref<2304x128xf32, #tpu.memory_space<hbm>>
        tpu.enqueue_indirect_dma source(%dma_start3A_336 : memref<2304x128xf32, #tpu.memory_space<hbm>>) target(%arg14 : memref<64x128xf32, #tpu.memory_space<vmem>>) offsets(%dma_start3A_333 : memref<64xi32, #tpu.memory_space<vmem>>) semaphore(%arg16 : memref<!tpu.dma_semaphore, #tpu.memory_space<semaphore_mem>>)
      } else {
      }
      %mul3A_295 = arith.constant 2 : i32
      %mul3A_296 = arith.muli %scan3A_271, %mul3A_295 : i32
      %add3A_297 = arith.constant 1 : i32
      %add3A_298 = arith.addi %mul3A_296, %add3A_297 : i32
      %dma_wait3A_299 = arith.constant 0 : i32
      %dma_wait3A_300 = tpu.memref_slice %arg9[%add3A_298, %dma_wait3A_299] : memref<40x64xi32, #tpu.memory_space<vmem>> -> memref<1x64xi32, #tpu.memory_space<vmem>>
      %dma_wait3A_301 = tpu.memref_squeeze %dma_wait3A_300 : memref<1x64xi32, #tpu.memory_space<vmem>> -> memref<64xi32, #tpu.memory_space<vmem>>
      %dma_wait3A_302 = arith.constant 0 : i32
      %dma_wait3A_303 = arith.constant 0 : i32
      %dma_wait3A_304 = tpu.memref_slice %arg2[%dma_wait3A_302, %dma_wait3A_303] : memref<20000x128xf32, #tpu.memory_space<hbm>> -> memref<20000x128xf32, #tpu.memory_space<hbm>>
      tpu.wait_indirect_dma semaphore(%arg17 : memref<!tpu.dma_semaphore, #tpu.memory_space<semaphore_mem>>) src(%dma_wait3A_304 : memref<20000x128xf32, #tpu.memory_space<hbm>>) dst(%arg13 : memref<64x128xf32, #tpu.memory_space<vmem>>)
      %dma_wait3A_305 = arith.constant 0 : i32
      %dma_wait3A_306 = tpu.memref_slice %arg9[%add3A_298, %dma_wait3A_305] : memref<40x64xi32, #tpu.memory_space<vmem>> -> memref<1x64xi32, #tpu.memory_space<vmem>>
      %dma_wait3A_307 = tpu.memref_squeeze %dma_wait3A_306 : memref<1x64xi32, #tpu.memory_space<vmem>> -> memref<64xi32, #tpu.memory_space<vmem>>
      %dma_wait3A_308 = arith.constant 0 : i32
      %dma_wait3A_309 = arith.constant 0 : i32
      %dma_wait3A_310 = tpu.memref_slice %arg2[%dma_wait3A_308, %dma_wait3A_309] : memref<20000x128xf32, #tpu.memory_space<hbm>> -> memref<20000x128xf32, #tpu.memory_space<hbm>>
      tpu.wait_indirect_dma semaphore(%arg17 : memref<!tpu.dma_semaphore, #tpu.memory_space<semaphore_mem>>) src(%dma_wait3A_310 : memref<20000x128xf32, #tpu.memory_space<hbm>>) dst(%arg15 : memref<64x128xf32, #tpu.memory_space<vmem>>)
      %parallel_loop3A_311 = arith.constant 0 : i32
      %parallel_loop3A_312 = arith.constant 64 : i32
      %parallel_loop3A_313 = arith.constant 1 : i32
      scf.for %parallel_loop3A_321 = %parallel_loop3A_311 to %parallel_loop3A_312 step %parallel_loop3A_313  : i32 {
        %parallel_loop3A_322 = arith.index_cast %parallel_loop3A_321 : i32 to index
        %parallel_loop3A_323 = arith.constant 0 : index
        %parallel_loop3A_324 = tpu.vector_load %arg13[%parallel_loop3A_322, %parallel_loop3A_323] {strides = array<i32>} : memref<64x128xf32, #tpu.memory_space<vmem>>, vector<1x16xf32>,
        %parallel_loop3A_325 = vector.shape_cast %parallel_loop3A_324 : vector<1x16xf32> to vector<16xf32>
        %parallel_loop3A_326 = arith.index_cast %parallel_loop3A_321 : i32 to index
        %parallel_loop3A_327 = arith.constant 0 : index
        %parallel_loop3A_328 = tpu.vector_load %arg15[%parallel_loop3A_326, %parallel_loop3A_327] {strides = array<i32>} : memref<64x128xf32, #tpu.memory_space<vmem>>, vector<1x16xf32>,
        %parallel_loop3A_329 = vector.shape_cast %parallel_loop3A_328 : vector<1x16xf32> to vector<16xf32>
        %parallel_loop3A_330 = arith.mulf %parallel_loop3A_325, %parallel_loop3A_329 : vector<16xf32>
        %parallel_loop3A_331 = arith.index_cast %parallel_loop3A_321 : i32 to index
        %parallel_loop3A_332 = arith.constant 0 : index
        %parallel_loop3A_333 = tpu.vector_load %arg13[%parallel_loop3A_331, %parallel_loop3A_332] {strides = array<i32>} : memref<64x128xf32, #tpu.memory_space<vmem>>, vector<1x16xf32>,
        %parallel_loop3A_334 = vector.shape_cast %parallel_loop3A_333 : vector<1x16xf32> to vector<16xf32>
        %parallel_loop3A_335 = vector.shape_cast %parallel_loop3A_330 : vector<16xf32> to vector<1x16xf32>
        tpu.vector_store %arg13[%parallel_loop3A_331, %parallel_loop3A_332], %parallel_loop3A_335 {strides = array<i32>} : memref<64x128xf32, #tpu.memory_space<vmem>>, vector<1x16xf32>,
        %parallel_loop3A_336 = arith.index_cast %parallel_loop3A_321 : i32 to index
        %parallel_loop3A_337 = arith.constant 16 : index
        %parallel_loop3A_338 = tpu.vector_load %arg13[%parallel_loop3A_336, %parallel_loop3A_337] {strides = array<i32>} : memref<64x128xf32, #tpu.memory_space<vmem>>, vector<1x16xf32>,
        %parallel_loop3A_339 = vector.shape_cast %parallel_loop3A_338 : vector<1x16xf32> to vector<16xf32>
        %parallel_loop3A_340 = arith.index_cast %parallel_loop3A_321 : i32 to index
        %parallel_loop3A_341 = arith.constant 16 : index
        %parallel_loop3A_342 = tpu.vector_load %arg15[%parallel_loop3A_340, %parallel_loop3A_341] {strides = array<i32>} : memref<64x128xf32, #tpu.memory_space<vmem>>, vector<1x16xf32>,
        %parallel_loop3A_343 = vector.shape_cast %parallel_loop3A_342 : vector<1x16xf32> to vector<16xf32>
        %parallel_loop3A_344 = arith.mulf %parallel_loop3A_339, %parallel_loop3A_343 : vector<16xf32>
        %parallel_loop3A_345 = arith.index_cast %parallel_loop3A_321 : i32 to index
        %parallel_loop3A_346 = arith.constant 16 : index
        %parallel_loop3A_347 = tpu.vector_load %arg13[%parallel_loop3A_345, %parallel_loop3A_346] {strides = array<i32>} : memref<64x128xf32, #tpu.memory_space<vmem>>, vector<1x16xf32>,
        %parallel_loop3A_348 = vector.shape_cast %parallel_loop3A_347 : vector<1x16xf32> to vector<16xf32>
        %parallel_loop3A_349 = vector.shape_cast %parallel_loop3A_344 : vector<16xf32> to vector<1x16xf32>
        tpu.vector_store %arg13[%parallel_loop3A_345, %parallel_loop3A_346], %parallel_loop3A_349 {strides = array<i32>} : memref<64x128xf32, #tpu.memory_space<vmem>>, vector<1x16xf32>,
        %parallel_loop3A_350 = arith.index_cast %parallel_loop3A_321 : i32 to index
        %parallel_loop3A_351 = arith.constant 32 : index
        %parallel_loop3A_352 = tpu.vector_load %arg13[%parallel_loop3A_350, %parallel_loop3A_351] {strides = array<i32>} : memref<64x128xf32, #tpu.memory_space<vmem>>, vector<1x16xf32>,
        %parallel_loop3A_353 = vector.shape_cast %parallel_loop3A_352 : vector<1x16xf32> to vector<16xf32>
        %parallel_loop3A_354 = arith.index_cast %parallel_loop3A_321 : i32 to index
        %parallel_loop3A_355 = arith.constant 32 : index
        %parallel_loop3A_356 = tpu.vector_load %arg15[%parallel_loop3A_354, %parallel_loop3A_355] {strides = array<i32>} : memref<64x128xf32, #tpu.memory_space<vmem>>, vector<1x16xf32>,
        %parallel_loop3A_357 = vector.shape_cast %parallel_loop3A_356 : vector<1x16xf32> to vector<16xf32>
        %parallel_loop3A_358 = arith.mulf %parallel_loop3A_353, %parallel_loop3A_357 : vector<16xf32>
        %parallel_loop3A_359 = arith.index_cast %parallel_loop3A_321 : i32 to index
        %parallel_loop3A_360 = arith.constant 32 : index
        %parallel_loop3A_361 = tpu.vector_load %arg13[%parallel_loop3A_359, %parallel_loop3A_360] {strides = array<i32>} : memref<64x128xf32, #tpu.memory_space<vmem>>, vector<1x16xf32>,
        %parallel_loop3A_362 = vector.shape_cast %parallel_loop3A_361 : vector<1x16xf32> to vector<16xf32>
        %parallel_loop3A_363 = vector.shape_cast %parallel_loop3A_358 : vector<16xf32> to vector<1x16xf32>
        tpu.vector_store %arg13[%parallel_loop3A_359, %parallel_loop3A_360], %parallel_loop3A_363 {strides = array<i32>} : memref<64x128xf32, #tpu.memory_space<vmem>>, vector<1x16xf32>,
        %parallel_loop3A_364 = arith.index_cast %parallel_loop3A_321 : i32 to index
        %parallel_loop3A_365 = arith.constant 48 : index
        %parallel_loop3A_366 = tpu.vector_load %arg13[%parallel_loop3A_364, %parallel_loop3A_365] {strides = array<i32>} : memref<64x128xf32, #tpu.memory_space<vmem>>, vector<1x16xf32>,
        %parallel_loop3A_367 = vector.shape_cast %parallel_loop3A_366 : vector<1x16xf32> to vector<16xf32>
        %parallel_loop3A_368 = arith.index_cast %parallel_loop3A_321 : i32 to index
        %parallel_loop3A_369 = arith.constant 48 : index
        %parallel_loop3A_370 = tpu.vector_load %arg15[%parallel_loop3A_368, %parallel_loop3A_369] {strides = array<i32>} : memref<64x128xf32, #tpu.memory_space<vmem>>, vector<1x16xf32>,
        %parallel_loop3A_371 = vector.shape_cast %parallel_loop3A_370 : vector<1x16xf32> to vector<16xf32>
        %parallel_loop3A_372 = arith.mulf %parallel_loop3A_367, %parallel_loop3A_371 : vector<16xf32>
        %parallel_loop3A_373 = arith.index_cast %parallel_loop3A_321 : i32 to index
        %parallel_loop3A_374 = arith.constant 48 : index
        %parallel_loop3A_375 = tpu.vector_load %arg13[%parallel_loop3A_373, %parallel_loop3A_374] {strides = array<i32>} : memref<64x128xf32, #tpu.memory_space<vmem>>, vector<1x16xf32>,
        %parallel_loop3A_376 = vector.shape_cast %parallel_loop3A_375 : vector<1x16xf32> to vector<16xf32>
        %parallel_loop3A_377 = vector.shape_cast %parallel_loop3A_372 : vector<16xf32> to vector<1x16xf32>
        tpu.vector_store %arg13[%parallel_loop3A_373, %parallel_loop3A_374], %parallel_loop3A_377 {strides = array<i32>} : memref<64x128xf32, #tpu.memory_space<vmem>>, vector<1x16xf32>,
        %parallel_loop3A_378 = arith.index_cast %parallel_loop3A_321 : i32 to index
        %parallel_loop3A_379 = arith.constant 64 : index
        %parallel_loop3A_380 = tpu.vector_load %arg13[%parallel_loop3A_378, %parallel_loop3A_379] {strides = array<i32>} : memref<64x128xf32, #tpu.memory_space<vmem>>, vector<1x16xf32>,
        %parallel_loop3A_381 = vector.shape_cast %parallel_loop3A_380 : vector<1x16xf32> to vector<16xf32>
        %parallel_loop3A_382 = arith.index_cast %parallel_loop3A_321 : i32 to index
        %parallel_loop3A_383 = arith.constant 64 : index
        %parallel_loop3A_384 = tpu.vector_load %arg15[%parallel_loop3A_382, %parallel_loop3A_383] {strides = array<i32>} : memref<64x128xf32, #tpu.memory_space<vmem>>, vector<1x16xf32>,
        %parallel_loop3A_385 = vector.shape_cast %parallel_loop3A_384 : vector<1x16xf32> to vector<16xf32>
        %parallel_loop3A_386 = arith.mulf %parallel_loop3A_381, %parallel_loop3A_385 : vector<16xf32>
        %parallel_loop3A_387 = arith.index_cast %parallel_loop3A_321 : i32 to index
        %parallel_loop3A_388 = arith.constant 64 : index
        %parallel_loop3A_389 = tpu.vector_load %arg13[%parallel_loop3A_387, %parallel_loop3A_388] {strides = array<i32>} : memref<64x128xf32, #tpu.memory_space<vmem>>, vector<1x16xf32>,
        %parallel_loop3A_390 = vector.shape_cast %parallel_loop3A_389 : vector<1x16xf32> to vector<16xf32>
        %parallel_loop3A_391 = vector.shape_cast %parallel_loop3A_386 : vector<16xf32> to vector<1x16xf32>
        tpu.vector_store %arg13[%parallel_loop3A_387, %parallel_loop3A_388], %parallel_loop3A_391 {strides = array<i32>} : memref<64x128xf32, #tpu.memory_space<vmem>>, vector<1x16xf32>,
        %parallel_loop3A_392 = arith.index_cast %parallel_loop3A_321 : i32 to index
        %parallel_loop3A_393 = arith.constant 80 : index
        %parallel_loop3A_394 = tpu.vector_load %arg13[%parallel_loop3A_392, %parallel_loop3A_393] {strides = array<i32>} : memref<64x128xf32, #tpu.memory_space<vmem>>, vector<1x16xf32>,
        %parallel_loop3A_395 = vector.shape_cast %parallel_loop3A_394 : vector<1x16xf32> to vector<16xf32>
        %parallel_loop3A_396 = arith.index_cast %parallel_loop3A_321 : i32 to index
        %parallel_loop3A_397 = arith.constant 80 : index
        %parallel_loop3A_398 = tpu.vector_load %arg15[%parallel_loop3A_396, %parallel_loop3A_397] {strides = array<i32>} : memref<64x128xf32, #tpu.memory_space<vmem>>, vector<1x16xf32>,
        %parallel_loop3A_399 = vector.shape_cast %parallel_loop3A_398 : vector<1x16xf32> to vector<16xf32>
        %parallel_loop3A_400 = arith.mulf %parallel_loop3A_395, %parallel_loop3A_399 : vector<16xf32>
        %parallel_loop3A_401 = arith.index_cast %parallel_loop3A_321 : i32 to index
        %parallel_loop3A_402 = arith.constant 80 : index
        %parallel_loop3A_403 = tpu.vector_load %arg13[%parallel_loop3A_401, %parallel_loop3A_402] {strides = array<i32>} : memref<64x128xf32, #tpu.memory_space<vmem>>, vector<1x16xf32>,
        %parallel_loop3A_404 = vector.shape_cast %parallel_loop3A_403 : vector<1x16xf32> to vector<16xf32>
        %parallel_loop3A_405 = vector.shape_cast %parallel_loop3A_400 : vector<16xf32> to vector<1x16xf32>
        tpu.vector_store %arg13[%parallel_loop3A_401, %parallel_loop3A_402], %parallel_loop3A_405 {strides = array<i32>} : memref<64x128xf32, #tpu.memory_space<vmem>>, vector<1x16xf32>,
        %parallel_loop3A_406 = arith.index_cast %parallel_loop3A_321 : i32 to index
        %parallel_loop3A_407 = arith.constant 96 : index
        %parallel_loop3A_408 = tpu.vector_load %arg13[%parallel_loop3A_406, %parallel_loop3A_407] {strides = array<i32>} : memref<64x128xf32, #tpu.memory_space<vmem>>, vector<1x16xf32>,
        %parallel_loop3A_409 = vector.shape_cast %parallel_loop3A_408 : vector<1x16xf32> to vector<16xf32>
        %parallel_loop3A_410 = arith.index_cast %parallel_loop3A_321 : i32 to index
        %parallel_loop3A_411 = arith.constant 96 : index
        %parallel_loop3A_412 = tpu.vector_load %arg15[%parallel_loop3A_410, %parallel_loop3A_411] {strides = array<i32>} : memref<64x128xf32, #tpu.memory_space<vmem>>, vector<1x16xf32>,
        %parallel_loop3A_413 = vector.shape_cast %parallel_loop3A_412 : vector<1x16xf32> to vector<16xf32>
        %parallel_loop3A_414 = arith.mulf %parallel_loop3A_409, %parallel_loop3A_413 : vector<16xf32>
        %parallel_loop3A_415 = arith.index_cast %parallel_loop3A_321 : i32 to index
        %parallel_loop3A_416 = arith.constant 96 : index
        %parallel_loop3A_417 = tpu.vector_load %arg13[%parallel_loop3A_415, %parallel_loop3A_416] {strides = array<i32>} : memref<64x128xf32, #tpu.memory_space<vmem>>, vector<1x16xf32>,
        %parallel_loop3A_418 = vector.shape_cast %parallel_loop3A_417 : vector<1x16xf32> to vector<16xf32>
        %parallel_loop3A_419 = vector.shape_cast %parallel_loop3A_414 : vector<16xf32> to vector<1x16xf32>
        tpu.vector_store %arg13[%parallel_loop3A_415, %parallel_loop3A_416], %parallel_loop3A_419 {strides = array<i32>} : memref<64x128xf32, #tpu.memory_space<vmem>>, vector<1x16xf32>,
        %parallel_loop3A_420 = arith.index_cast %parallel_loop3A_321 : i32 to index
        %parallel_loop3A_421 = arith.constant 112 : index
        %parallel_loop3A_422 = tpu.vector_load %arg13[%parallel_loop3A_420, %parallel_loop3A_421] {strides = array<i32>} : memref<64x128xf32, #tpu.memory_space<vmem>>, vector<1x16xf32>,
        %parallel_loop3A_423 = vector.shape_cast %parallel_loop3A_422 : vector<1x16xf32> to vector<16xf32>
        %parallel_loop3A_424 = arith.index_cast %parallel_loop3A_321 : i32 to index
        %parallel_loop3A_425 = arith.constant 112 : index
        %parallel_loop3A_426 = tpu.vector_load %arg15[%parallel_loop3A_424, %parallel_loop3A_425] {strides = array<i32>} : memref<64x128xf32, #tpu.memory_space<vmem>>, vector<1x16xf32>,
        %parallel_loop3A_427 = vector.shape_cast %parallel_loop3A_426 : vector<1x16xf32> to vector<16xf32>
        %parallel_loop3A_428 = arith.mulf %parallel_loop3A_423, %parallel_loop3A_427 : vector<16xf32>
        %parallel_loop3A_429 = arith.index_cast %parallel_loop3A_321 : i32 to index
        %parallel_loop3A_430 = arith.constant 112 : index
        %parallel_loop3A_431 = tpu.vector_load %arg13[%parallel_loop3A_429, %parallel_loop3A_430] {strides = array<i32>} : memref<64x128xf32, #tpu.memory_space<vmem>>, vector<1x16xf32>,
        %parallel_loop3A_432 = vector.shape_cast %parallel_loop3A_431 : vector<1x16xf32> to vector<16xf32>
        %parallel_loop3A_433 = vector.shape_cast %parallel_loop3A_428 : vector<16xf32> to vector<1x16xf32>
        tpu.vector_store %arg13[%parallel_loop3A_429, %parallel_loop3A_430], %parallel_loop3A_433 {strides = array<i32>} : memref<64x128xf32, #tpu.memory_space<vmem>>, vector<1x16xf32>,
      } {sc.loop_unroll_factor = 4 : i64, sc.parallel_access}
      "tpu.region"() ({
        %run_scoped3A = tpu.sem_alloc : memref<!tpu.dma_semaphore, #tpu.memory_space<semaphore_mem>>
        %dma_start3A_321 = arith.constant 0 : i32
        %dma_start3A_322 = tpu.memref_slice %arg10[%add3A_298, %dma_start3A_321] : memref<40x64xi32, #tpu.memory_space<vmem>> -> memref<1x64xi32, #tpu.memory_space<vmem>>
        %dma_start3A_323 = tpu.memref_squeeze %dma_start3A_322 : memref<1x64xi32, #tpu.memory_space<vmem>> -> memref<64xi32, #tpu.memory_space<vmem>>
        %dma_start3A_324 = arith.constant 0 : i32
        %dma_start3A_325 = arith.constant 0 : i32
        %dma_start3A_326 = tpu.memref_slice %arg8[%dma_start3A_324, %dma_start3A_325] : memref<10240x128xf32, #tpu.memory_space<vmem_shared>> -> memref<10240x128xf32, #tpu.memory_space<vmem_shared>>
        tpu.enqueue_indirect_dma source(%arg13 : memref<64x128xf32, #tpu.memory_space<vmem>>) target(%dma_start3A_326 : memref<10240x128xf32, #tpu.memory_space<vmem_shared>>) offsets(%dma_start3A_323 : memref<64xi32, #tpu.memory_space<vmem>>) semaphore(%run_scoped3A : memref<!tpu.dma_semaphore, #tpu.memory_space<semaphore_mem>>) {add = true}
        %dma_wait3A_327 = arith.constant 0 : i32
        %dma_wait3A_328 = tpu.memref_slice %arg10[%add3A_298, %dma_wait3A_327] : memref<40x64xi32, #tpu.memory_space<vmem>> -> memref<1x64xi32, #tpu.memory_space<vmem>>
        %dma_wait3A_329 = tpu.memref_squeeze %dma_wait3A_328 : memref<1x64xi32, #tpu.memory_space<vmem>> -> memref<64xi32, #tpu.memory_space<vmem>>
        %dma_wait3A_330 = arith.constant 0 : i32
        %dma_wait3A_331 = arith.constant 0 : i32
        %dma_wait3A_332 = tpu.memref_slice %arg8[%dma_wait3A_330, %dma_wait3A_331] : memref<10240x128xf32, #tpu.memory_space<vmem_shared>> -> memref<10240x128xf32, #tpu.memory_space<vmem_shared>>
        tpu.wait_indirect_dma semaphore(%run_scoped3A : memref<!tpu.dma_semaphore, #tpu.memory_space<semaphore_mem>>) src(%arg13 : memref<64x128xf32, #tpu.memory_space<vmem>>) dst(%dma_wait3A_332 : memref<10240x128xf32, #tpu.memory_space<vmem_shared>>)
        tpu.yield
      }) : () -> ()
      %add3A_314 = arith.constant 2 : i32
      %add3A_315 = arith.addi %add3A_298, %add3A_314 : i32
      %lt3A_316 = arith.constant 40 : i32
      %lt3A_317 = arith.cmpi slt, %add3A_315, %lt3A_316 : i32
      %convert_element_type3A_318 = arith.extui %lt3A_317 : i1 to i32
      %cond3A_319 = arith.constant 0 : i32
      %cond3A_320 = arith.cmpi ne, %convert_element_type3A_318, %cond3A_319 : i32
      scf.if %cond3A_320 {
        %add3A_321 = arith.constant 2 : i32
        %add3A_322 = arith.addi %add3A_298, %add3A_321 : i32
        %dma_start3A_323 = arith.constant 0 : i32
        %dma_start3A_324 = tpu.memref_slice %arg9[%add3A_322, %dma_start3A_323] : memref<40x64xi32, #tpu.memory_space<vmem>> -> memref<1x64xi32, #tpu.memory_space<vmem>>
        %dma_start3A_325 = tpu.memref_squeeze %dma_start3A_324 : memref<1x64xi32, #tpu.memory_space<vmem>> -> memref<64xi32, #tpu.memory_space<vmem>>
        %dma_start3A_326 = arith.constant 0 : i32
        %dma_start3A_327 = arith.constant 0 : i32
        %dma_start3A_328 = tpu.memref_slice %arg2[%dma_start3A_326, %dma_start3A_327] : memref<20000x128xf32, #tpu.memory_space<hbm>> -> memref<20000x128xf32, #tpu.memory_space<hbm>>
        tpu.enqueue_indirect_dma source(%dma_start3A_328 : memref<20000x128xf32, #tpu.memory_space<hbm>>) target(%arg13 : memref<64x128xf32, #tpu.memory_space<vmem>>) offsets(%dma_start3A_325 : memref<64xi32, #tpu.memory_space<vmem>>) semaphore(%arg17 : memref<!tpu.dma_semaphore, #tpu.memory_space<semaphore_mem>>)
        %add3A_329 = arith.constant 2 : i32
        %add3A_330 = arith.addi %add3A_298, %add3A_329 : i32
        %dma_start3A_331 = arith.constant 0 : i32
        %dma_start3A_332 = tpu.memref_slice %arg11[%add3A_330, %dma_start3A_331] : memref<40x64xi32, #tpu.memory_space<vmem>> -> memref<1x64xi32, #tpu.memory_space<vmem>>
        %dma_start3A_333 = tpu.memref_squeeze %dma_start3A_332 : memref<1x64xi32, #tpu.memory_space<vmem>> -> memref<64xi32, #tpu.memory_space<vmem>>
        %dma_start3A_334 = arith.constant 0 : i32
        %dma_start3A_335 = arith.constant 0 : i32
        %dma_start3A_336 = tpu.memref_slice %arg6[%dma_start3A_334, %dma_start3A_335] : memref<2304x128xf32, #tpu.memory_space<hbm>> -> memref<2304x128xf32, #tpu.memory_space<hbm>>
        tpu.enqueue_indirect_dma source(%dma_start3A_336 : memref<2304x128xf32, #tpu.memory_space<hbm>>) target(%arg15 : memref<64x128xf32, #tpu.memory_space<vmem>>) offsets(%dma_start3A_333 : memref<64xi32, #tpu.memory_space<vmem>>) semaphore(%arg17 : memref<!tpu.dma_semaphore, #tpu.memory_space<semaphore_mem>>)
      } else {
      }
    }
    %scan3A_265 = arith.constant 20 : i32
    %barrier3A_266 = arith.constant 0 : index
    tpu.barrier barrier_id(%barrier3A_266)
    %mul3A_267 = arith.constant 640 : i32
    %mul3A_268 = arith.muli %arg1, %mul3A_267 : i32
    %mul3A_269 = arith.constant 640 : i32
    %mul3A_270 = arith.muli %arg1, %mul3A_269 : i32
    "tpu.region"() ({
      %run_scoped3A = tpu.sem_alloc : memref<!tpu.dma_semaphore, #tpu.memory_space<semaphore_mem>>
      %dma_start3A_271 = arith.constant 0 : i32
      %dma_start3A_272 = tpu.memref_slice %arg7[%arg0, %mul3A_270, %dma_start3A_271] : memref<2x10240x128xf32, #tpu.memory_space<hbm>> -> memref<1x640x128xf32, #tpu.memory_space<hbm>>
      %dma_start3A_273 = tpu.memref_squeeze %dma_start3A_272 : memref<1x640x128xf32, #tpu.memory_space<hbm>> -> memref<640x128xf32, #tpu.memory_space<hbm>>
      %dma_start3A_274 = arith.constant 0 : i32
      %dma_start3A_275 = tpu.memref_slice %arg8[%mul3A_268, %dma_start3A_274] : memref<10240x128xf32, #tpu.memory_space<vmem_shared>> -> memref<640x128xf32, #tpu.memory_space<vmem_shared>>
      tpu.enqueue_dma source(%dma_start3A_275 : memref<640x128xf32, #tpu.memory_space<vmem_shared>>) target(%dma_start3A_273 : memref<640x128xf32, #tpu.memory_space<hbm>>) target_semaphore(%run_scoped3A : memref<!tpu.dma_semaphore, #tpu.memory_space<semaphore_mem>>)
      %dma_wait3A_276 = arith.constant 0 : i32
      %dma_wait3A_277 = tpu.memref_slice %arg7[%arg0, %mul3A_270, %dma_wait3A_276] : memref<2x10240x128xf32, #tpu.memory_space<hbm>> -> memref<1x640x128xf32, #tpu.memory_space<hbm>>
      %dma_wait3A_278 = tpu.memref_squeeze %dma_wait3A_277 : memref<1x640x128xf32, #tpu.memory_space<hbm>> -> memref<640x128xf32, #tpu.memory_space<hbm>>
      %dma_wait3A_279 = arith.constant 0 : i32
      %dma_wait3A_280 = tpu.memref_slice %arg8[%mul3A_268, %dma_wait3A_279] : memref<10240x128xf32, #tpu.memory_space<vmem_shared>> -> memref<640x128xf32, #tpu.memory_space<vmem_shared>>
      tpu.wait_dma2 semaphore(%run_scoped3A : memref<!tpu.dma_semaphore, #tpu.memory_space<semaphore_mem>>) src(%dma_wait3A_280 : memref<640x128xf32, #tpu.memory_space<vmem_shared>>) dst(%dma_wait3A_278 : memref<640x128xf32, #tpu.memory_space<hbm>>)
      tpu.yield
    }) : () -> ()
    return
  }
}

module attributes {stable_mosaic.version = 14 : i64} {
  func.func @_mlp_body(%arg0: i32, %arg1: memref<2x1000x128xf32, #tpu.memory_space<vmem>>, %arg2: memref<1000x256xf32, #tpu.memory_space<vmem>>, %arg3: memref<1x256xf32, #tpu.memory_space<vmem>>, %arg4: memref<256x512xf32, #tpu.memory_space<vmem>>, %arg5: memref<1x512xf32, #tpu.memory_space<vmem>>, %arg6: memref<512x256xf32, #tpu.memory_space<vmem>>, %arg7: memref<1x256xf32, #tpu.memory_space<vmem>>, %arg8: memref<1000x256xf32, #tpu.memory_space<vmem>>) attributes {dimension_semantics = [#tpu.dimension_semantics<arbitrary>], iteration_bounds = array<i64: 10>, scalar_prefetch = 0 : i64, scratch_operands = 0 : i64, tpu.core_type = #tpu.core_type<tc>, window_params = [{transform_indices = @transform_0, window_bounds = array<i64: 2, 1000, 128>}, {transform_indices = @transform_1, window_bounds = array<i64: 1000, 256>}, {pipeline_mode = #tpu.pipeline_mode<synchronous>, transform_indices = @transform_2, window_bounds = array<i64: 1, 256>}, {pipeline_mode = #tpu.pipeline_mode<synchronous>, transform_indices = @transform_3, window_bounds = array<i64: 256, 512>}, {pipeline_mode = #tpu.pipeline_mode<synchronous>, transform_indices = @transform_4, window_bounds = array<i64: 1, 512>}, {pipeline_mode = #tpu.pipeline_mode<synchronous>, transform_indices = @transform_5, window_bounds = array<i64: 512, 256>}, {pipeline_mode = #tpu.pipeline_mode<synchronous>, transform_indices = @transform_6, window_bounds = array<i64: 1, 256>}, {transform_indices = @transform_7, window_bounds = array<i64: 1000, 256>}]} {
    %get3A = arith.constant 0 : index
    %get3A_0 = arith.constant 0 : index
    %get3A_1 = arith.constant 0 : index
    %get3A_2 = vector.load %arg1[%get3A, %get3A_0, %get3A_1] : memref<2x1000x128xf32, #tpu.memory_space<vmem>>, vector<1x1000x128xf32>
    %get3A_3 = vector.shape_cast %get3A_2 : vector<1x1000x128xf32> to vector<1000x128xf32>
    %get3A_4 = arith.constant 1 : index
    %get3A_5 = arith.constant 0 : index
    %get3A_6 = arith.constant 0 : index
    %get3A_7 = vector.load %arg1[%get3A_4, %get3A_5, %get3A_6] : memref<2x1000x128xf32, #tpu.memory_space<vmem>>, vector<1x1000x128xf32>
    %get3A_8 = vector.shape_cast %get3A_7 : vector<1x1000x128xf32> to vector<1000x128xf32>
    %concatenate3A = tpu.concatenate %get3A_3, %get3A_8 in 1 : vector<1000x128xf32>, vector<1000x128xf32> -> vector<1000x256xf32>
    %get3A_9 = arith.constant 0 : index
    %get3A_10 = arith.constant 0 : index
    %get3A_11 = vector.load %arg2[%get3A_9, %get3A_10] : memref<1000x256xf32, #tpu.memory_space<vmem>>, vector<1000x256xf32>
    %get3A_12 = arith.constant 0 : index
    %get3A_13 = arith.constant 0 : index
    %get3A_14 = vector.load %arg3[%get3A_12, %get3A_13] : memref<1x256xf32, #tpu.memory_space<vmem>>, vector<1x256xf32>
    %mul3A = vector.broadcast %get3A_14 : vector<1x256xf32> to vector<1000x256xf32>
    %mul3A_15 = arith.mulf %get3A_11, %mul3A : vector<1000x256xf32>
    %add3A = arith.addf %concatenate3A, %mul3A_15 : vector<1000x256xf32>
    %get3A_16 = arith.constant 0 : index
    %get3A_17 = arith.constant 0 : index
    %get3A_18 = vector.load %arg4[%get3A_16, %get3A_17] : memref<256x512xf32, #tpu.memory_space<vmem>>, vector<256x512xf32>
    %dot_general3A = arith.constant dense<0.000000e+00> : vector<1000x512xf32>
    %dot_general3A_19 = tpu.matmul %add3A, %get3A_18, %dot_general3A {dimension_numbers = #tpu.dot_dimension_numbers<[1], [0], [0], [1], [0, 0, 1, 1], [], []>, transpose_lhs_hint = false} : vector<1000x256xf32>, vector<256x512xf32>, vector<1000x512xf32> -> vector<1000x512xf32>
    %get3A_20 = arith.constant 0 : index
    %get3A_21 = arith.constant 0 : index
    %get3A_22 = vector.load %arg5[%get3A_20, %get3A_21] : memref<1x512xf32, #tpu.memory_space<vmem>>, vector<1x512xf32>
    %add3A_23 = vector.broadcast %get3A_22 : vector<1x512xf32> to vector<1000x512xf32>
    %add3A_24 = arith.addf %dot_general3A_19, %add3A_23 : vector<1000x512xf32>
    %max3A = arith.constant 0.000000e+00 : f32
    %max3A_25 = vector.broadcast %max3A : f32 to vector<1000x512xf32>
    %max3A_26 = arith.maximumf %add3A_24, %max3A_25 : vector<1000x512xf32>
    %get3A_27 = arith.constant 0 : index
    %get3A_28 = arith.constant 0 : index
    %get3A_29 = vector.load %arg6[%get3A_27, %get3A_28] : memref<512x256xf32, #tpu.memory_space<vmem>>, vector<512x256xf32>
    %dot_general3A_30 = arith.constant dense<0.000000e+00> : vector<1000x256xf32>
    %dot_general3A_31 = tpu.matmul %max3A_26, %get3A_29, %dot_general3A_30 {dimension_numbers = #tpu.dot_dimension_numbers<[1], [0], [0], [1], [0, 0, 1, 1], [], []>, transpose_lhs_hint = false} : vector<1000x512xf32>, vector<512x256xf32>, vector<1000x256xf32> -> vector<1000x256xf32>
    %get3A_32 = arith.constant 0 : index
    %get3A_33 = arith.constant 0 : index
    %get3A_34 = vector.load %arg7[%get3A_32, %get3A_33] : memref<1x256xf32, #tpu.memory_space<vmem>>, vector<1x256xf32>
    %add3A_35 = vector.broadcast %get3A_34 : vector<1x256xf32> to vector<1000x256xf32>
    %add3A_36 = arith.addf %dot_general3A_31, %add3A_35 : vector<1000x256xf32>
    %swap3A = arith.constant 0 : index
    %swap3A_37 = arith.constant 0 : index
    %swap3A_38 = vector.load %arg8[%swap3A, %swap3A_37] : memref<1000x256xf32, #tpu.memory_space<vmem>>, vector<1000x256xf32>
    tpu.vector_store %arg8[%swap3A, %swap3A_37], %add3A_36 {strides = array<i32>} : memref<1000x256xf32, #tpu.memory_space<vmem>>, vector<1000x256xf32>,
    return
  }
  func.func @transform_0(%arg0: i32) -> (i32, i32, i32) {
    %c0_i32 = arith.constant 0 : i32
    %c0_i32_0 = arith.constant 0 : i32
    %c0_i32_1 = arith.constant 0 : i32
    return %c0_i32, %arg0, %c0_i32_0 : i32, i32, i32
  }
  func.func @transform_1(%arg0: i32) -> (i32, i32) {
    %c0_i32 = arith.constant 0 : i32
    %c0_i32_0 = arith.constant 0 : i32
    return %arg0, %c0_i32 : i32, i32
  }
  func.func @transform_2(%arg0: i32) -> (i32, i32) {
    %c0_i32 = arith.constant 0 : i32
    %c0_i32_0 = arith.constant 0 : i32
    %c0_i32_1 = arith.constant 0 : i32
    return %c0_i32, %c0_i32_0 : i32, i32
  }
  func.func @transform_3(%arg0: i32) -> (i32, i32) {
    %c0_i32 = arith.constant 0 : i32
    %c0_i32_0 = arith.constant 0 : i32
    %c0_i32_1 = arith.constant 0 : i32
    return %c0_i32, %c0_i32_0 : i32, i32
  }
  func.func @transform_4(%arg0: i32) -> (i32, i32) {
    %c0_i32 = arith.constant 0 : i32
    %c0_i32_0 = arith.constant 0 : i32
    %c0_i32_1 = arith.constant 0 : i32
    return %c0_i32, %c0_i32_0 : i32, i32
  }
  func.func @transform_5(%arg0: i32) -> (i32, i32) {
    %c0_i32 = arith.constant 0 : i32
    %c0_i32_0 = arith.constant 0 : i32
    %c0_i32_1 = arith.constant 0 : i32
    return %c0_i32, %c0_i32_0 : i32, i32
  }
  func.func @transform_6(%arg0: i32) -> (i32, i32) {
    %c0_i32 = arith.constant 0 : i32
    %c0_i32_0 = arith.constant 0 : i32
    %c0_i32_1 = arith.constant 0 : i32
    return %c0_i32, %c0_i32_0 : i32, i32
  }
  func.func @transform_7(%arg0: i32) -> (i32, i32) {
    %c0_i32 = arith.constant 0 : i32
    %c0_i32_0 = arith.constant 0 : i32
    return %arg0, %c0_i32 : i32, i32
  }
}

</mosaic_0001>

<sc_bundles>
// kernel: kernel.4.cloned.1.call-start
scs
__scs_entry_jumppad:
0x0: {  	(pc) =	sbr.rel $0x88, $3  }
0x1: {  	(tag) =	ssettag $0x0;
	lr =	simm.s32 $0x1  }
0x2: {  	[smem:$0x3F98] =	sst lr;
	_ =	strace $0xD0000000  }
0x3: {  	_ = 	snop  }
0x4: {  	_ = 	snop  }
0x5: {  	_ = 	snop  }
0x6: {  	_ = 	snop  }
0x7: {  	_ = 	snop  }
__scs_overlays_trampoline_lowered:
0x8: {  	[smem:$0x3FA7] =	sst s0  }
0x9: {  	[smem:$0x3FA8] =	sst s1  }
0xa: {  	[smem:$0x3FA9] =	sst s2  }
0xb: {  	[smem:$0x3FAA] =	sst s3  }
0xc: {  	[smem:$0x3FAB] =	sst s4  }
0xd: {  	[smem:$0x3FAC] =	sst s5  }
0xe: {  	[smem:$0x3FAD] =	sst s6  }
0xf: {  	[smem:$0x3FAE] =	sst s7  }
0x10: {  	[smem:$0x3FAF] =	sst s8  }
0x11: {  	[smem:$0x3FB0] =	sst s9;
	s0 =	simm.s32 @!p0 $0x0  }
0x12: {  	s1 =	sld [smem:$0x3F96];
	s0 =	simm.s32 @p0 $0x1  }
0x13: {  	[smem:$0x3FB1] =	sst s0;
	s0 =	simm.s32 @!p1 $0x0  }
0x14: {  	s2 =	sld [smem:$0x3F95];
	s0 =	simm.s32 @p1 $0x1  }
0x15: {  	[smem:$0x3FB2] =	sst s0;
	s0 =	simm.s32 @!p2 $0x0  }
0x16: {  	s3 =	sld [smem:$0x3FDB];
	s0 =	simm.s32 @p2 $0x1  }
0x17: {  	s4 =	simm.s32 $0x1BF5;
	[smem:$0x3FB4] =	sst s0  }
0x18: {  	s0 =	sld [smem:$0x3F97];
	_ =	swait.ge [sflag:s4], $0x0  }
0x19: {  	s7 =	sld [smem:$0x3F98]  }
0x1a: {  	s8 =	sadd.s32 $0xFFFFE003, lr  }
0x1b: {  	s9 =	sadd.s32 $0xFFFFFEF7, lr;
	s5 =	simm.s32 $0xFFFFFFFF;
	p2 =	slt.u32 s8, $0xFFFFF086  }
0x1c: {  	p1 =	slt.u32 s9, $0xF7A;
	s5 =	simm.s32 @!p2 $0x0  }
0x1d: {  	s5 =	simm.s32 @p1 $0x1;
	p0 =	seq.s32 s7, s2  }
0x1e: {  	s7 =	smul.u32 @!p0 $0xF7A, s2;
	p2 =	seq.s32 @!p0 s5, $0x0  }
0x1f: {  	s9 =	smul.u32 $0xF7A, s1;
	s8 =	simm.s32 @!p0 $0x1BF5;
	p2 =	por !p2, p0  }
0x20: {  	[sflag:s8] =	ssyncset.s32 @!p0 $0xFFFFF086;
	s6 =	sadd.s32 @!p0 s3, s7;
	s7 =	simm.s32 @!p0 $0x108  }
0x21: {  	s3 =	sadd.s32 s3, s9;
	s6 =	sadd.s32 @!p0 $0x88, s6;
	s7 =	simm.s32 @p2 $0x1082  }
0x22: {  	[simem:s7], [sflag:s8] =	dma.local @!p0 [hbm:s6], $0xF7A  }
0x23: {  	s9 =	sor.u32 $0xD0000000, s2;
	s6 =	simm.s32 $0x108;
	_ =	swait.ge @!p0 [sflag:s8], $0x0  }
0x24: {  	s3 =	sadd.s32 $0x88, s3;
	s6 =	simm.s32 @!p1 $0x1082;
	[sflag:s4] =	ssyncset.s32 $0xFFFFF086  }
0x25: {  	[simem:s6], [sflag:s4] =	dma.local [hbm:s3], $0xF7A  }
0x26: {  	[smem:$0x3F98] =	sst s1;
	(tag) =	ssettag s2;
	_ =	strace s9  }
0x27: {  	s1 =	sld [smem:$0x3FA8]  }
0x28: {  	s2 =	sld [smem:$0x3FA9]  }
0x29: {  	s4 =	sld [smem:$0x3FAB]  }
0x2a: {  	p0 =	seq.s32 s5, $0x0;
	s5 =	sld [smem:$0x3FAC]  }
0x2b: {  	s6 =	sld [smem:$0x3FAD]  }
0x2c: {  	s7 =	sld [smem:$0x3FAE]  }
0x2d: {  	s3 =	simm.s32 $0x108;
	s8 =	sld [smem:$0x3FAF]  }
0x2e: {  	s3 =	simm.s32 @!p0 $0x1082;
	s9 =	sld [smem:$0x3FB0]  }
0x2f: {  	lr =	sadd.s32 s0, s3;
	s0 =	sld [smem:$0x3FA7]  }
0x30: {  	s3 =	sld [smem:$0x3FAA]  }
0x31: {  	[smem:$0x3FB3] =	sst s10  }
0x32: {  	s10 =	sld [smem:$0x3FB1];
	_ =	sdelay $0x3  }
0x33: {  	p0 =	seq.s32 s10, $0x1;
	s10 =	sld [smem:$0x3FB3];
	_ =	sdelay $0x3  }
0x34: {  	[smem:$0x3FB3] =	sst s10  }
0x35: {  	s10 =	sld [smem:$0x3FB2];
	_ =	sdelay $0x3  }
0x36: {  	p1 =	seq.s32 s10, $0x1;
	s10 =	sld [smem:$0x3FB3];
	_ =	sdelay $0x3  }
0x37: {  	[smem:$0x3FB3] =	sst s10  }
0x38: {  	s10 =	sld [smem:$0x3FB4]  }
0x39: {  	_ = 	snop;
	(pc) =	sbr.ind lr, $3  }
0x3a: {  	_ = 	snop  }
0x3b: {  	_ = 	snop  }
0x3c: {  	p2 =	seq.s32 s10, $0x1;
	s10 =	sld [smem:$0x3FB3]  }
0x3d: {  	_ =	shalt  }
0x3e: {  	_ =	shalt  }
0x3f: {  	_ =	shalt  }
0x40: {  	_ =	shalt  }
0x41: {  	_ =	shalt  }
0x42: {  	_ =	shalt  }
0x43: {  	_ =	shalt  }
0x44: {  	_ =	shalt  }
0x45: {  	_ =	shalt  }
0x46: {  	_ =	shalt  }
0x47: {  	_ =	shalt  }
0x48: {  	_ =	shalt  }
0x49: {  	_ =	shalt  }
0x4a: {  	_ =	shalt  }
0x4b: {  	_ =	shalt  }
0x4c: {  	_ =	shalt  }
0x4d: {  	_ =	shalt  }
0x4e: {  	_ =	shalt  }
0x4f: {  	_ =	shalt  }
0x50: {  	_ =	shalt  }
0x51: {  	_ =	shalt  }
0x52: {  	_ =	shalt  }
0x53: {  	_ =	shalt  }
0x54: {  	_ =	shalt  }
0x55: {  	_ =	shalt  }
0x56: {  	_ =	shalt  }
0x57: {  	_ =	shalt  }
0x58: {  	_ =	shalt  }
0x59: {  	_ =	shalt  }
0x5a: {  	_ =	shalt  }
0x5b: {  	_ =	shalt  }
0x5c: {  	_ =	shalt  }
0x5d: {  	_ =	shalt  }
0x5e: {  	_ =	shalt  }
0x5f: {  	_ =	shalt  }
0x60: {  	_ =	shalt  }
0x61: {  	_ =	shalt  }
0x62: {  	_ =	shalt  }
0x63: {  	_ =	shalt  }
0x64: {  	_ =	shalt  }
0x65: {  	_ =	shalt  }
0x66: {  	_ =	shalt  }
0x67: {  	_ =	shalt  }
0x68: {  	_ =	shalt  }
0x69: {  	_ =	shalt  }
0x6a: {  	_ =	shalt  }
0x6b: {  	_ =	shalt  }
0x6c: {  	_ =	shalt  }
0x6d: {  	_ =	shalt  }
0x6e: {  	_ =	shalt  }
0x6f: {  	_ =	shalt  }
0x70: {  	_ =	shalt  }
0x71: {  	_ =	shalt  }
0x72: {  	_ =	shalt  }
0x73: {  	_ =	shalt  }
0x74: {  	_ =	shalt  }
0x75: {  	_ =	shalt  }
0x76: {  	_ =	shalt  }
0x77: {  	_ =	shalt  }
0x78: {  	_ =	shalt  }
0x79: {  	_ =	shalt  }
0x7a: {  	_ =	shalt  }
0x7b: {  	_ =	shalt  }
0x7c: {  	_ =	shalt  }
0x7d: {  	_ =	shalt  }
0x7e: {  	_ =	shalt  }
0x7f: {  	_ =	shalt  }
0x80: {  	_ =	shalt  }
0x81: {  	_ =	shalt  }
0x82: {  	_ =	shalt  }
0x83: {  	_ =	shalt  }
0x84: {  	_ =	shalt  }
0x85: {  	_ =	shalt  }
0x86: {  	_ =	shalt  }
0x87: {  	_ =	shalt  }
.Lfunc_end0:
.L_simem_size_0:
called_computation_lowered:
.L_overlay_start_0:
0x88: {  	s2 =	sld [smem:$0x3FD9]  }
0x89: {  	s3 =	sld [smem:$0x3FFE];
	_ =	sdelay $0x1  }
0x8a: {  	s1 =	srdreg.scid  }
0x8b: {  	s0 =	sand.u32 $0x1, s1  }
0x8c: {  	s17 =	sshll.u32 s0, $0xA;
	s2 =	sadd.s32 s3, s2  }
0x8d: {  	s2 =	sadd.s32 s2, s17  }
0x8e: {  	[smem:$0x3FBF] =	sst s2  }
0x8f: {  	_ = 	snop  }
0x90: {  	s2 =	sld [smem:$0x3FD0];
	(tm) =	ssettm $0x1  }
0x91: {  	s18 =	sld [smem:$0x3FFB];
	_ =	sdelay $0x3  }
0x92: {  	_ =	strace s18  }
0x93: {  	s3 =	sld [smem:$0x3FFC];
	_ =	sdelay $0x3  }
0x94: {  	_ =	strace s3  }
0x95: {  	s3 =	sld [smem:$0x3FFD];
	_ =	sdelay $0x3  }
0x96: {  	_ =	strace s3  }
0x97: {  	_ =	strace $0x8FFFFFFF  }
0x98: {  	s19 =	sld [smem:$0x3FDB];
	_ =	sdelay $0x1  }
0x99: {  	s4 =	simm.s32 $_scs_section_size  }
0x9a: {  	s5 =	simm.s32 $_size__tile_overlayer_lowered;
	s6 =	simm.s32 $_tile_overlayer_lowered  }
0x9b: {  	s22 =	simm.s32 $0x1BFF;
	s21 =	sshll.u32 s6, $0x1;
	s3 =	sadd.s32 s4, s19  }
0x9c: {  	s7 =	simm.s32 $0x0;
	s20 =	sshll.u32 s5, $0x1;
	s5 =	sadd.s32 s21, s3  }
0x9d: {  	[timem:s7], [sflag:s22] =	dma.local [hbm:s5], s20  }
0x9e: {  	_ =	swait.ge [sflag:s22], s20  }
0x9f: {  	s4 =	ssub.s32 $0x0, s20;
	[sflag:s22] =	ssyncset.done $0x0  }
0xa0: {  	[sflag:s22] =	ssyncadd.s32 s4;
	_ =	sdelay $0x1  }
0xa1: {  	s23 =	simm.s32 $0x1B8B  }
0xa2: {  	_ =	swait.ge [sflag:s23], $0x1  }
0xa3: {  	[sflag:s23] =	ssyncset.done $0x0  }
0xa4: {  	s25 =	simm.s32 $0x1B8E;
	s24 =	sld [smem:$0x3FFE];
	[sflag:s23] =	ssyncadd.s32 $0xFFFFFFFF  }
0xa5: {  	s26 =	simm.s32 $execute0_lowered;
	[smem:$0x3FD2] =	sst s25  }
0xa6: {  	s5 =	sshll.u32 s26, $0x1;
	_ =	strace $0x80000046;
	[dreg:$0x1] =	wrdreg $0xFFFFFFFF  }
0xa7: {  	s28 =	simm.s32 $_size_execute0_lowered;
	s3 =	sadd.s32 s3, s5;
	[dreg:$0x0] =	wrdreg $0x0  }
0xa8: {  	s5 =	sshll.u32 s28, $0x1;
	[dreg:$0x2] =	wrdreg s3  }
0xa9: {  	[dreg:$0x3] =	wrdreg s5  }
0xaa: {  	[dreg:$0x4] =	wrdreg $0xC0  }
0xab: {  	_ =	task [dreg:s7], $0x5FFFF  }
0xac: {  	[dreg:$0x1] =	wrdreg $0xFFFFFFFF  }
0xad: {  	[dreg:$0x0] =	wrdreg $0x60  }
0xae: {  	[dreg:$0x2] =	wrdreg s2  }
0xaf: {  	[dreg:$0x3] =	wrdreg s24  }
0xb0: {  	[dreg:$0x4] =	wrdreg $0x0  }
0xb1: {  	[dreg:$0x5] =	wrdreg $0x9  }
0xb2: {  	_ =	task.clear_ibuf [dreg:s7], $0x6FFFF;
	_ =	strace $0x90000046  }
0xb3: {  	s29 =	simm.s32 $0x9;
	_ =	strace $0x80000048  }
0xb4: {  	_ =	swait.ge [sflag:s29], $0x1  }
0xb5: {  	[sflag:s29] =	ssyncadd.s32 $0xFFFFFFFF  }
0xb6: {  	_ =	strace $0x90000048  }
0xb7: {  	_ =	sfence  }
0xb8: {  	s30 =	sld [smem:$0x0];
	_ =	sdelay $0x2  }
0xb9: {  	s31 =	sshll.u32 s1, $0xD;
	s1 =	sshrl.u32 s1, $0x2  }
0xba: {  	s3 =	sand.u32 $0x4000, s31;
	s1 =	sadd.s32 s1, s30  }
0xbb: {  	s0 =	sor.u32 s3, s0;
	s1 =	sshll.u32 s1, $0x11  }
0xbc: {  	s0 =	sor.u32 s1, s0  }
0xbd: {  	s0 =	sadd.s32 $0x8F2B, s0  }
0xbe: {  	[sflag:s0] =	ssyncadd.remote.s32 $0x1  }
0xbf: {  	_ =	sfence.sel $0xFFFF  }
0xc0: {  	[dreg:$0x0] =	wrdreg $0xFFFFFFFF;
	(pc) =	sbr.abs _section_cstart, $3  }
0xc1: {  	[dreg:$0x1] =	wrdreg $0xFFFFFFFF  }
0xc2: {  	_ =	task.clear_ibuf [dreg:s7], $0x2FFFF;
	_ =	strace $0x9FFFFFFF  }
0xc3: {  	(tm) =	ssettm $0x7FFFFFFF  }
tec
execute0_lowered:
.L_overlay_start_1:
0x0: {  	(tag) =	ssettag $0x1  }
0x1: {  	s1 =	rddreg [dreg:$0x0]  }
0x2: {  	s0 =	rddreg [dreg:$0x1]  }
0x3: {  	s2 =	rddreg [dreg:$0x2];
	s13 =	stileid.u32  }
0x4: {  	s3 =	srdreg.scid;
	s5 =	smul.u32 $0x14000, s13  }
0x5: {  	s4 =	simm.s32 $0x0;
	s31 =	simm.s32 $0x17C00;
	s6 =	smul.u32 $0x50000, s13  }
0x6: {  	s16 =	sand.u32 $0x1, s3;
	[smem:$0x7FF] =	sst s4;
	s12 =	smul.u32 $0x5000, s13  }
0x7: {  	s7 =	sadd.s32 $0x1200, s0;
	s8 =	sadd.s32 $0xB200, s0;
	s22 =	smul.u32 $0x24, s13  }
0x8: {  	s9 =	sadd.s32 $0x15200, s0;
	s3 =	smul.u32 $0x140000, s16;
	s10 =	ssub.s32 $0x2, s16  }
0x9: {  	_ =	strace $0x80000047;
	s25 =	smul.u32 $0x240, s16;
	s11 =	sshrl.u32 s10, $0x1  }
0xa: {  	s6 =	sshrl.u32 s6, $0x2;
	s21 =	sshrl.u32 s12, $0x3;
	s3 =	sadd.s32 s5, s3  }
0xb: {  	s5 =	sadd.s32 $0x1F200, s0;
	s6 =	sadd.s32 s6, s2;
	s24 =	sadd.s32 s7, s21  }
0xc: {  	s26 =	sadd.s32 s8, s21;
	s14 =	sadd.s32 s9, s21;
	s15 =	sadd.s32 $0x280, s21  }
0xd: {  	s18 =	sadd.s32 $0x500, s21;
	s3 =	sshrl.u32 s3, $0x3;
	[dreg:$0x6] =	wrdreg s24  }
0xe: {  	s20 =	sadd.s32 $0x2000, s6;
	s23 =	sadd.s32 $0x4000, s6;
	[dreg:$0x7] =	wrdreg s26  }
0xf: {  	[dreg:$0x8] =	wrdreg s14;
	s17 =	sadd.s32 s7, s15;
	s14 =	sadd.s32 s8, s15  }
0x10: {  	s13 =	sadd.s32 s9, s15;
	s19 =	sadd.s32 s7, s18;
	[dreg:$0x4] =	wrdreg s20  }
0x11: {  	s12 =	sadd.s32 s9, s18;
	s26 =	sadd.s32 $0xA000, s6;
	[dreg:$0x5] =	wrdreg s23  }
0x12: {  	s28 =	sadd.s32 $0xE000, s6;
	s29 =	sadd.s32 $0x10000, s6;
	[dreg:$0x9] =	wrdreg s17  }
0x13: {  	s30 =	sadd.s32 $0x12000, s6;
	s15 =	simm.s32 $0x1DC00;
	[dreg:$0xa] =	wrdreg s14  }
0x14: {  	s0 =	sadd.s32 s3, s0;
	s3 =	ssub.s32 s10, s11;
	[dreg:$0xb] =	wrdreg s13  }
0x15: {  	s11 =	sadd.s32 s22, s25;
	[dreg:$0xc] =	wrdreg s19;
	s20 =	sadd.s32 s8, s18  }
0x16: {  	[dreg:$0xe] =	wrdreg s12;
	s10 =	sadd.s32 $0x780, s21;
	s23 =	sadd.s32 $0x6000, s6  }
0x17: {  	s25 =	sadd.s32 $0x8000, s6;
	[dreg:$0x16] =	wrdreg s26;
	s26 =	sadd.s32 $0xC000, s6  }
0x18: {  	s12 =	simm.s32 $0x14080;
	s13 =	simm.s32 $0x19C00;
	[dreg:$0xd] =	wrdreg s20  }
0x19: {  	s14 =	simm.s32 $0x16880;
	s17 =	simm.s32 $0x2;
	[dreg:$0x12] =	wrdreg s23  }
0x1a: {  	s18 =	simm.s32 $0x0;
	s7 =	sadd.s32 s7, s10;
	[dreg:$0x15] =	wrdreg s25  }
0x1b: {  	s21 =	sadd.s32 s8, s10;
	s22 =	sadd.s32 s9, s10;
	[dreg:$0xf] =	wrdreg s7  }
.Ltmp0:
0x1c: {  	s0 =	sadd.s32 $0x28200, s0;
	v0 =	vmov s11;
	[dreg:$0x10] =	wrdreg s21;
	(pc) =	sbr.rel .LBB2_1-.Ltmp0, $4  }
0x1d: {  	s24 =	smax.u32 s3, $0x1;
	s3 =	simm.s32 $0x14000;
	[dreg:$0x11] =	wrdreg s22;
	v0 =	vor.u32 s16, v0  }
0x1e: {  	s8 =	simm.s32 $0x15400;
	s9 =	simm.s32 $0x16800;
	[dreg:$0x13] =	wrdreg s0;
	v0 =	vbroadcast v0, $0x0  }
0x1f: {  	s10 =	simm.s32 $0x40;
	s11 =	simm.s32 $0x1BC00;
	[dreg:$0x14] =	wrdreg s24  }
0x20: {  	v3 =	vimm.f32 $0.0e+00;
	v1 =	vmov s16;
	s0 =	simm.s32 $0x3;
	s7 =	simm.s32 $0x4;
	s16 =	simm.s32 $0x1;
	v2 =	vadd.s32 $0x480, v0  }
.LBB2_39:
0x21: {  	s19 =	stileid.u32  }
0x22: {  	[bflag:$0x0] =	sbarrier.arrive $0xFFFF;
	s19 =	sshll.u32 s19, $0x6  }
0x23: {  	s20 =	sshrl.u32 s6, $0x3;
	s21 =	rddreg [dreg:$0x13];
	s19 =	sor.u32 $0x1C04, s19  }
0x24: {  	[hbm:s21], [sflag:s19] =	dma.local [spmem:s20], $0x2800  }
0x25: {  	_ =	swait.ge [sflag:s7], $0x2800  }
0x26: {  	s18 =	sadd.s32 $0x1, s18;
	s25 =	rddreg [dreg:$0x14]  }
0x27: {  	p0 =	sne.s32 s18, s25  }
.Ltmp1:
0x28: {  	_ = 	snop;
	(pc) =	sbr.rel @!p0 .LBB2_40-.Ltmp1, $3  }
0x29: {  	_ =	sdelay $0x1  }
0x2a: {  	[sflag:s7] =	ssyncset.done $0x0  }
0x2b: {  	[sflag:s7] =	ssyncadd.s32 $0xFFFFD800  }
.LBB2_1:
0x2c: {  	s19 =	simm.s32 $0x17D00  }
0x2d: {  	[tilespmem:s19+$0xFFFFFF00] =	vst v3  }
0x2e: {  	[tilespmem:s19+$0xF0] =	vst v3  }
0x2f: {  	[tilespmem:s19+$0xE0] =	vst v3  }
0x30: {  	[tilespmem:s19+$0xD0] =	vst v3  }
0x31: {  	[tilespmem:s19+$0xC0] =	vst v3  }
0x32: {  	[tilespmem:s19+$0xB0] =	vst v3  }
0x33: {  	[tilespmem:s19+$0xA0] =	vst v3  }
0x34: {  	[tilespmem:s19+$0x90] =	vst v3  }
0x35: {  	[tilespmem:s19+$0x80] =	vst v3  }
0x36: {  	[tilespmem:s19+$0x70] =	vst v3  }
0x37: {  	[tilespmem:s19+$0x60] =	vst v3  }
0x38: {  	[tilespmem:s19+$0x50] =	vst v3  }
0x39: {  	[tilespmem:s19+$0x40] =	vst v3  }
0x3a: {  	[tilespmem:s19+$0x30] =	vst v3  }
0x3b: {  	[tilespmem:s19+$0x20] =	vst v3  }
0x3c: {  	[tilespmem:s19+$0x10] =	vst v3  }
0x3d: {  	[tilespmem:s19+$0x0] =	vst v3  }
0x3e: {  	[tilespmem:s19+$0xFFFFFFF0] =	vst v3  }
0x3f: {  	[tilespmem:s19+$0xFFFFFFE0] =	vst v3  }
0x40: {  	[tilespmem:s19+$0xFFFFFFD0] =	vst v3  }
0x41: {  	[tilespmem:s19+$0xFFFFFFC0] =	vst v3  }
0x42: {  	[tilespmem:s19+$0xFFFFFFB0] =	vst v3  }
0x43: {  	[tilespmem:s19+$0xFFFFFFA0] =	vst v3  }
0x44: {  	[tilespmem:s19+$0xFFFFFF90] =	vst v3  }
0x45: {  	[tilespmem:s19+$0xFFFFFF80] =	vst v3  }
0x46: {  	[tilespmem:s19+$0xFFFFFF70] =	vst v3  }
0x47: {  	[tilespmem:s19+$0xFFFFFF60] =	vst v3  }
0x48: {  	[tilespmem:s19+$0xFFFFFF50] =	vst v3  }
0x49: {  	[tilespmem:s19+$0xFFFFFF40] =	vst v3  }
0x4a: {  	[tilespmem:s19+$0xFFFFFF30] =	vst v3  }
0x4b: {  	s20 =	simm.s32 $0x0;
	[tilespmem:s19+$0xFFFFFF20] =	vst v3  }
.LBB2_2:
0x4c: {  	s20 =	sadd.s32 $0x4, s20;
	[tilespmem:s19+$0xFFFFFF10] =	vst v3;
	s19 =	sadd.s32 $0x200, s19  }
0x4d: {  	[tilespmem:s19+$0xFFFFFF00] =	vst v3;
	p0 =	slt.u32 s20, $0x3C  }
0x4e: {  	[tilespmem:s19+$0xF0] =	vst v3  }
0x4f: {  	[tilespmem:s19+$0xE0] =	vst v3  }
0x50: {  	[tilespmem:s19+$0xD0] =	vst v3  }
0x51: {  	[tilespmem:s19+$0xC0] =	vst v3  }
0x52: {  	[tilespmem:s19+$0xB0] =	vst v3  }
0x53: {  	[tilespmem:s19+$0xA0] =	vst v3  }
0x54: {  	[tilespmem:s19+$0x90] =	vst v3  }
0x55: {  	[tilespmem:s19+$0x80] =	vst v3  }
0x56: {  	[tilespmem:s19+$0x70] =	vst v3  }
0x57: {  	[tilespmem:s19+$0x60] =	vst v3  }
0x58: {  	[tilespmem:s19+$0x50] =	vst v3  }
0x59: {  	[tilespmem:s19+$0x40] =	vst v3  }
0x5a: {  	[tilespmem:s19+$0x30] =	vst v3  }
0x5b: {  	[tilespmem:s19+$0x20] =	vst v3  }
0x5c: {  	[tilespmem:s19+$0x10] =	vst v3  }
0x5d: {  	[tilespmem:s19+$0x0] =	vst v3  }
0x5e: {  	[tilespmem:s19+$0xFFFFFFF0] =	vst v3  }
0x5f: {  	[tilespmem:s19+$0xFFFFFFE0] =	vst v3  }
0x60: {  	[tilespmem:s19+$0xFFFFFFD0] =	vst v3  }
0x61: {  	[tilespmem:s19+$0xFFFFFFC0] =	vst v3  }
0x62: {  	[tilespmem:s19+$0xFFFFFFB0] =	vst v3  }
0x63: {  	[tilespmem:s19+$0xFFFFFFA0] =	vst v3  }
0x64: {  	[tilespmem:s19+$0xFFFFFF90] =	vst v3  }
0x65: {  	[tilespmem:s19+$0xFFFFFF80] =	vst v3  }
0x66: {  	[tilespmem:s19+$0xFFFFFF70] =	vst v3  }
.Ltmp2:
0x67: {  	[tilespmem:s19+$0xFFFFFF60] =	vst v3;
	(pc) =	sbr.rel @p0 .LBB2_2-.Ltmp2, $4  }
0x68: {  	[tilespmem:s19+$0xFFFFFF50] =	vst v3  }
0x69: {  	[tilespmem:s19+$0xFFFFFF40] =	vst v3  }
0x6a: {  	[tilespmem:s19+$0xFFFFFF30] =	vst v3  }
0x6b: {  	[tilespmem:s19+$0xFFFFFF20] =	vst v3  }
0x6c: {  	[tilespmem:s19+$0xFFFFFF10] =	vst v3  }
0x6d: {  	[spmem:s6] =	stream.linear.scatter [tilespmem:s31], [sflag:$0x3], $0x2000, $0x38;
	[tilespmem:$0x1FC00] =	vst v63  }
0x6e: {  	s19 =	rddreg [dreg:$0x4]  }
0x6f: {  	[spmem:s19] =	stream.linear.scatter [tilespmem:s31], [sflag:$0x3], $0x2000, $0x38;
	[tilespmem:$0x1FC00] =	vst v63  }
0x70: {  	s25 =	rddreg [dreg:$0x5]  }
0x71: {  	[spmem:s25] =	stream.linear.scatter [tilespmem:s31], [sflag:$0x3], $0x2000, $0x38;
	[tilespmem:$0x1FC00] =	vst v63  }
0x72: {  	s20 =	rddreg [dreg:$0x12]  }
0x73: {  	[spmem:s20] =	stream.linear.scatter [tilespmem:s31], [sflag:$0x3], $0x2000, $0x38;
	[tilespmem:$0x1FC00] =	vst v63  }
0x74: {  	s21 =	rddreg [dreg:$0x15]  }
0x75: {  	[spmem:s21] =	stream.linear.scatter [tilespmem:s31], [sflag:$0x3], $0x2000, $0x38;
	[tilespmem:$0x1FC00] =	vst v63  }
0x76: {  	s22 =	rddreg [dreg:$0x16]  }
0x77: {  	[spmem:s22] =	stream.linear.scatter [tilespmem:s31], [sflag:$0x3], $0x2000, $0x38;
	[tilespmem:$0x1FC00] =	vst v63  }
0x78: {  	_ = 	snop  }
0x79: {  	[spmem:s26] =	stream.linear.scatter [tilespmem:s31], [sflag:$0x3], $0x2000, $0x38;
	[tilespmem:$0x1FC00] =	vst v63  }
0x7a: {  	_ = 	snop  }
0x7b: {  	[spmem:s28] =	stream.linear.scatter [tilespmem:s31], [sflag:$0x3], $0x2000, $0x38;
	[tilespmem:$0x1FC00] =	vst v63  }
0x7c: {  	_ = 	snop  }
0x7d: {  	[spmem:s29] =	stream.linear.scatter [tilespmem:s31], [sflag:$0x3], $0x2000, $0x38;
	[tilespmem:$0x1FC00] =	vst v63  }
0x7e: {  	_ = 	snop  }
0x7f: {  	[spmem:s30] =	stream.linear.scatter [tilespmem:s31], [sflag:$0x3], $0x2000, $0x38;
	[tilespmem:$0x1FC00] =	vst v63  }
0x80: {  	_ =	swait.ge [sflag:s0], $0x2000  }
0x81: {  	[sflag:s0] =	ssyncset.done $0x0  }
0x82: {  	[sflag:s0] =	ssyncadd.s32 $0xFFFFE000  }
0x83: {  	_ =	swait.ge [sflag:s0], $0x2000  }
0x84: {  	[sflag:s0] =	ssyncset.done $0x0  }
0x85: {  	[sflag:s0] =	ssyncadd.s32 $0xFFFFE000  }
0x86: {  	_ =	swait.ge [sflag:s0], $0x2000  }
0x87: {  	[sflag:s0] =	ssyncset.done $0x0  }
0x88: {  	[sflag:s0] =	ssyncadd.s32 $0xFFFFE000  }
0x89: {  	_ =	swait.ge [sflag:s0], $0x2000  }
0x8a: {  	[sflag:s0] =	ssyncset.done $0x0  }
0x8b: {  	[sflag:s0] =	ssyncadd.s32 $0xFFFFE000  }
0x8c: {  	_ =	swait.ge [sflag:s0], $0x2000  }
0x8d: {  	[sflag:s0] =	ssyncset.done $0x0  }
0x8e: {  	[sflag:s0] =	ssyncadd.s32 $0xFFFFE000  }
0x8f: {  	_ =	swait.ge [sflag:s0], $0x2000  }
0x90: {  	[sflag:s0] =	ssyncset.done $0x0  }
0x91: {  	[sflag:s0] =	ssyncadd.s32 $0xFFFFE000  }
0x92: {  	_ =	swait.ge [sflag:s0], $0x2000  }
0x93: {  	[sflag:s0] =	ssyncset.done $0x0  }
0x94: {  	[sflag:s0] =	ssyncadd.s32 $0xFFFFE000  }
0x95: {  	_ =	swait.ge [sflag:s0], $0x2000  }
0x96: {  	[sflag:s0] =	ssyncset.done $0x0  }
0x97: {  	[sflag:s0] =	ssyncadd.s32 $0xFFFFE000  }
0x98: {  	_ =	swait.ge [sflag:s0], $0x2000  }
0x99: {  	[sflag:s0] =	ssyncset.done $0x0  }
0x9a: {  	[sflag:s0] =	ssyncadd.s32 $0xFFFFE000  }
0x9b: {  	_ =	swait.ge [sflag:s0], $0x2000  }
0x9c: {  	[sflag:s0] =	ssyncset.done $0x0  }
0x9d: {  	[sflag:s0] =	ssyncadd.s32 $0xFFFFE000  }
0x9e: {  	[bflag:$0x0] =	sbarrier.arrive $0xFFFF  }
0x9f: {  	s23 =	rddreg [dreg:$0x6]  }
0xa0: {  	[tilespmem:s3], [sflag:$0x4] =	stream.linear.gather [hbm4b:s23+s4], $0x1400, $0x38;
	[tilespmem:$0x1FC00] =	vst v63  }
0xa1: {  	_ =	swait.ge [sflag:s7], $0x1400  }
0xa2: {  	[sflag:s7] =	ssyncset.done $0x0  }
0xa3: {  	s24 =	rddreg [dreg:$0x7];
	[sflag:s7] =	ssyncadd.s32 $0xFFFFEC00  }
0xa4: {  	[tilespmem:s8], [sflag:$0x4] =	stream.linear.gather [hbm4b:s24+s4], $0x1400, $0x38;
	[tilespmem:$0x1FC00] =	vst v63  }
0xa5: {  	_ =	swait.ge [sflag:s7], $0x1400  }
0xa6: {  	[sflag:s7] =	ssyncset.done $0x0  }
0xa7: {  	s25 =	rddreg [dreg:$0x8];
	[sflag:s7] =	ssyncadd.s32 $0xFFFFEC00  }
0xa8: {  	[tilespmem:s9], [sflag:$0x4] =	stream.linear.gather [hbm4b:s25+s4], $0x1400, $0x38;
	[tilespmem:$0x1FC00] =	vst v63  }
0xa9: {  	_ =	swait.ge [sflag:s7], $0x1400  }
0xaa: {  	[sflag:s7] =	ssyncset.done $0x0  }
0xab: {  	s22 =	simm.s32 $0x14100;
	[sflag:s7] =	ssyncadd.s32 $0xFFFFEC00  }
0xac: {  	v4 =	vld [tilespmem:s22+$0x80];
	_ =	sdelay $0x3  }
0xad: {  	v5 =	vld [tilespmem:s22+$0xFFFFFF00]  }
0xae: {  	v6 =	vld [tilespmem:s22+$0xFFFFFF80];
	v4 =	vshll.u32 v4, $0x1  }
0xaf: {  	v7 =	vld [tilespmem:s22+$0x0];
	v4 =	vor.u32 v1, v4  }
0xb0: {  	s19 =	simm.s32 $0x16900;
	[tilespmem:s22+$0x80] =	vst v4  }
0xb1: {  	v4 =	vld [tilespmem:s19+$0x80]  }
0xb2: {  	v5 =	vshll.u32 v5, $0x1  }
0xb3: {  	v6 =	vshll.u32 v6, $0x1;
	v5 =	vor.u32 v1, v5  }
0xb4: {  	v7 =	vshll.u32 v7, $0x1;
	v6 =	vor.u32 v1, v6;
	[tilespmem:s22+$0xFFFFFF00] =	vst v5  }
0xb5: {  	[tilespmem:s22+$0xFFFFFF80] =	vst v6;
	v5 =	vor.u32 v1, v7;
	v6 =	vld [tilespmem:s19+$0xFFFFFF00]  }
0xb6: {  	v7 =	vld [tilespmem:s19+$0xFFFFFF80];
	[tilespmem:s22+$0x0] =	vst v5;
	v4 =	vshll.u32 v4, $0x1  }
0xb7: {  	v5 =	vld [tilespmem:s19+$0x0];
	v4 =	vadd.s32 v4, v2  }
0xb8: {  	[tilespmem:s19+$0x80] =	vst v4  }
0xb9: {  	v4 =	vld [tilespmem:s22+$0x90]  }
0xba: {  	v6 =	vshll.u32 v6, $0x1  }
0xbb: {  	v7 =	vshll.u32 v7, $0x1;
	v6 =	vadd.s32 v6, v0  }
0xbc: {  	v7 =	vadd.s32 v7, v2;
	v5 =	vshll.u32 v5, $0x1;
	[tilespmem:s19+$0xFFFFFF00] =	vst v6  }
0xbd: {  	[tilespmem:s19+$0xFFFFFF80] =	vst v7;
	v5 =	vadd.s32 v5, v0;
	v6 =	vld [tilespmem:s22+$0xFFFFFF10]  }
0xbe: {  	v7 =	vld [tilespmem:s22+$0xFFFFFF90];
	[tilespmem:s19+$0x0] =	vst v5;
	v4 =	vshll.u32 v4, $0x1  }
0xbf: {  	v5 =	vld [tilespmem:s22+$0x10];
	v4 =	vor.u32 v1, v4  }
0xc0: {  	[tilespmem:s22+$0x90] =	vst v4  }
0xc1: {  	v4 =	vld [tilespmem:s19+$0x90]  }
0xc2: {  	v6 =	vshll.u32 v6, $0x1  }
0xc3: {  	v7 =	vshll.u32 v7, $0x1;
	v6 =	vor.u32 v1, v6  }
0xc4: {  	v7 =	vor.u32 v1, v7;
	v5 =	vshll.u32 v5, $0x1;
	[tilespmem:s22+$0xFFFFFF10] =	vst v6  }
0xc5: {  	[tilespmem:s22+$0xFFFFFF90] =	vst v7;
	v5 =	vor.u32 v1, v5;
	v6 =	vld [tilespmem:s19+$0xFFFFFF10]  }
0xc6: {  	v7 =	vld [tilespmem:s19+$0xFFFFFF90];
	[tilespmem:s22+$0x10] =	vst v5;
	v4 =	vshll.u32 v4, $0x1  }
0xc7: {  	s20 =	simm.s32 $0x14300;
	v5 =	vld [tilespmem:s19+$0x10];
	v4 =	vadd.s32 v4, v2  }
0xc8: {  	[tilespmem:s19+$0x90] =	vst v4;
	v4 =	vld [tilespmem:s20+$0x80]  }
0xc9: {  	v8 =	vld [tilespmem:s22+$0xA0]  }
0xca: {  	v9 =	vld [tilespmem:s20+$0xFFFFFF80];
	v6 =	vshll.u32 v6, $0x1  }
0xcb: {  	v10 =	vld [tilespmem:s20+$0x0];
	v7 =	vshll.u32 v7, $0x1;
	v6 =	vadd.s32 v6, v0  }
0xcc: {  	v7 =	vadd.s32 v7, v2;
	v5 =	vshll.u32 v5, $0x1;
	[tilespmem:s19+$0xFFFFFF10] =	vst v6;
	v6 =	vld [tilespmem:s20+$0xFFFFFF00]  }
0xcd: {  	[tilespmem:s19+$0xFFFFFF90] =	vst v7;
	v5 =	vadd.s32 v5, v0;
	v7 =	vld [tilespmem:s22+$0xFFFFFF20];
	v4 =	vshll.u32 v4, $0x1  }
0xce: {  	[tilespmem:s19+$0x10] =	vst v5;
	v5 =	vld [tilespmem:s22+$0xFFFFFFA0];
	v4 =	vor.u32 v1, v4;
	v8 =	vshll.u32 v8, $0x1  }
0xcf: {  	s21 =	simm.s32 $0x16B00;
	v9 =	vshll.u32 v9, $0x1;
	[tilespmem:s20+$0x80] =	vst v4;
	v4 =	vld [tilespmem:s22+$0x20];
	v8 =	vor.u32 v1, v8  }
0xd0: {  	v10 =	vshll.u32 v10, $0x1;
	v9 =	vor.u32 v1, v9;
	v11 =	vld [tilespmem:s21+$0x80];
	[tilespmem:s22+$0xA0] =	vst v8  }
0xd1: {  	[tilespmem:s20+$0xFFFFFF80] =	vst v9;
	v6 =	vshll.u32 v6, $0x1;
	v8 =	vor.u32 v1, v10;
	v9 =	vld [tilespmem:s19+$0xA0]  }
0xd2: {  	v6 =	vor.u32 v1, v6;
	v7 =	vshll.u32 v7, $0x1;
	v10 =	vld [tilespmem:s21+$0xFFFFFF80];
	[tilespmem:s20+$0x0] =	vst v8  }
0xd3: {  	v5 =	vshll.u32 v5, $0x1;
	[tilespmem:s20+$0xFFFFFF00] =	vst v6;
	v7 =	vor.u32 v1, v7;
	v6 =	vld [tilespmem:s21+$0x0]  }
0xd4: {  	v5 =	vor.u32 v1, v5;
	[tilespmem:s22+$0xFFFFFF20] =	vst v7;
	v8 =	vld [tilespmem:s21+$0xFFFFFF00];
	v4 =	vshll.u32 v4, $0x1  }
0xd5: {  	[tilespmem:s22+$0xFFFFFFA0] =	vst v5;
	v7 =	vshll.u32 v11, $0x1;
	v11 =	vld [tilespmem:s19+$0xFFFFFF20];
	v4 =	vor.u32 v1, v4  }
0xd6: {  	v5 =	vadd.s32 v7, v2;
	v7 =	vld [tilespmem:s19+$0xFFFFFFA0];
	[tilespmem:s22+$0x20] =	vst v4;
	v4 =	vshll.u32 v9, $0x1  }
0xd7: {  	v9 =	vshll.u32 v10, $0x1;
	[tilespmem:s21+$0x80] =	vst v5;
	v5 =	vld [tilespmem:s19+$0x20];
	v4 =	vadd.s32 v4, v2  }
0xd8: {  	v9 =	vadd.s32 v9, v2;
	v6 =	vshll.u32 v6, $0x1;
	v10 =	vld [tilespmem:s20+$0x90];
	[tilespmem:s19+$0xA0] =	vst v4  }
0xd9: {  	v4 =	vshll.u32 v8, $0x1;
	[tilespmem:s21+$0xFFFFFF80] =	vst v9;
	v6 =	vadd.s32 v6, v0;
	v8 =	vld [tilespmem:s22+$0xB0]  }
0xda: {  	v4 =	vadd.s32 v4, v0;
	v9 =	vld [tilespmem:s20+$0xFFFFFF90];
	[tilespmem:s21+$0x0] =	vst v6;
	v6 =	vshll.u32 v11, $0x1  }
0xdb: {  	[tilespmem:s21+$0xFFFFFF00] =	vst v4;
	v4 =	vld [tilespmem:s20+$0x10];
	v6 =	vadd.s32 v6, v0;
	v7 =	vshll.u32 v7, $0x1  }
0xdc: {  	v11 =	vld [tilespmem:s20+$0xFFFFFF10];
	[tilespmem:s19+$0xFFFFFF20] =	vst v6;
	v6 =	vadd.s32 v7, v2;
	v5 =	vshll.u32 v5, $0x1  }
0xdd: {  	v7 =	vshll.u32 v10, $0x1;
	v10 =	vld [tilespmem:s22+$0xFFFFFF30];
	[tilespmem:s19+$0xFFFFFFA0] =	vst v6;
	v5 =	vadd.s32 v5, v0  }
0xde: {  	v6 =	vor.u32 v1, v7;
	v7 =	vld [tilespmem:s22+$0xFFFFFFB0];
	[tilespmem:s19+$0x20] =	vst v5;
	v5 =	vshll.u32 v8, $0x1  }
0xdf: {  	v8 =	vshll.u32 v9, $0x1;
	[tilespmem:s20+$0x90] =	vst v6;
	v6 =	vld [tilespmem:s22+$0x30];
	v5 =	vor.u32 v1, v5  }
0xe0: {  	v8 =	vor.u32 v1, v8;
	v4 =	vshll.u32 v4, $0x1;
	v12 =	vld [tilespmem:s21+$0x90];
	[tilespmem:s22+$0xB0] =	vst v5  }
0xe1: {  	v5 =	vshll.u32 v11, $0x1;
	[tilespmem:s20+$0xFFFFFF90] =	vst v8;
	v4 =	vor.u32 v1, v4;
	v11 =	vld [tilespmem:s19+$0xB0]  }
0xe2: {  	v5 =	vor.u32 v1, v5;
	v13 =	vld [tilespmem:s21+$0xFFFFFF90];
	[tilespmem:s20+$0x10] =	vst v4;
	v4 =	vshll.u32 v10, $0x1  }
0xe3: {  	[tilespmem:s20+$0xFFFFFF10] =	vst v5;
	v8 =	vld [tilespmem:s21+$0x10];
	v4 =	vor.u32 v1, v4;
	v5 =	vshll.u32 v7, $0x1  }
0xe4: {  	v9 =	vld [tilespmem:s21+$0xFFFFFF10];
	[tilespmem:s22+$0xFFFFFF30] =	vst v4;
	v4 =	vor.u32 v1, v5;
	v6 =	vshll.u32 v6, $0x1  }
0xe5: {  	v7 =	vshll.u32 v12, $0x1;
	v5 =	vld [tilespmem:s19+$0xFFFFFF30];
	[tilespmem:s22+$0xFFFFFFB0] =	vst v4;
	v6 =	vor.u32 v1, v6  }
0xe6: {  	v7 =	vadd.s32 v7, v2;
	v4 =	vld [tilespmem:s19+$0xFFFFFFB0];
	[tilespmem:s22+$0x30] =	vst v6;
	v11 =	vshll.u32 v11, $0x1  }
0xe7: {  	s23 =	simm.s32 $0x14500;
	s22 =	simm.s32 $0x4;
	v10 =	vshll.u32 v13, $0x1;
	[tilespmem:s21+$0x90] =	vst v7;
	v6 =	vld [tilespmem:s19+$0x30];
	v7 =	vadd.s32 v11, v2  }
.LBB2_4:
0xe8: {  	v11 =	vld [tilespmem:s23+$0x80];
	v10 =	vadd.s32 v10, v2;
	v8 =	vshll.u32 v8, $0x1;
	[tilespmem:s19+$0xB0] =	vst v7  }
0xe9: {  	s22 =	sadd.s32 $0x4, s22;
	v7 =	vshll.u32 v9, $0x1;
	[tilespmem:s21+$0xFFFFFF90] =	vst v10;
	v8 =	vadd.s32 v8, v0;
	v9 =	vld [tilespmem:s20+$0xA0]  }
0xea: {  	p0 =	slt.u32 s22, $0x24;
	v10 =	vld [tilespmem:s23+$0xFFFFFF80];
	v7 =	vadd.s32 v7, v0;
	[tilespmem:s21+$0x10] =	vst v8;
	v5 =	vshll.u32 v5, $0x1  }
0xeb: {  	v8 =	vld [tilespmem:s23+$0x0];
	[tilespmem:s21+$0xFFFFFF10] =	vst v7;
	v5 =	vadd.s32 v5, v0;
	v4 =	vshll.u32 v4, $0x1  }
0xec: {  	v7 =	vld [tilespmem:s23+$0xFFFFFF00];
	[tilespmem:s19+$0xFFFFFF30] =	vst v5;
	v4 =	vadd.s32 v4, v2;
	v5 =	vshll.u32 v6, $0x1  }
0xed: {  	v6 =	vshll.u32 v11, $0x1;
	v11 =	vld [tilespmem:s20+$0xFFFFFF20];
	[tilespmem:s19+$0xFFFFFFB0] =	vst v4;
	v4 =	vadd.s32 v5, v0  }
0xee: {  	v5 =	vor.u32 v1, v6;
	v6 =	vld [tilespmem:s20+$0xFFFFFFA0];
	v9 =	vshll.u32 v9, $0x1;
	[tilespmem:s19+$0x30] =	vst v4;
	s19 =	smov.u32 s21  }
0xef: {  	s21 =	sadd.s32 $0x200, s21;
	v4 =	vshll.u32 v10, $0x1;
	[tilespmem:s23+$0x80] =	vst v5;
	v5 =	vld [tilespmem:s20+$0x20];
	v9 =	vor.u32 v1, v9  }
0xf0: {  	v4 =	vor.u32 v1, v4;
	v8 =	vshll.u32 v8, $0x1;
	v10 =	vld [tilespmem:s21+$0x80];
	[tilespmem:s20+$0xA0] =	vst v9  }
0xf1: {  	v7 =	vshll.u32 v7, $0x1;
	[tilespmem:s23+$0xFFFFFF80] =	vst v4;
	v4 =	vor.u32 v1, v8;
	v8 =	vld [tilespmem:s19+$0xA0]  }
0xf2: {  	v7 =	vor.u32 v1, v7;
	v9 =	vld [tilespmem:s21+$0xFFFFFF80];
	[tilespmem:s23+$0x0] =	vst v4;
	v4 =	vshll.u32 v11, $0x1  }
0xf3: {  	[tilespmem:s23+$0xFFFFFF00] =	vst v7;
	v7 =	vld [tilespmem:s21+$0x0];
	v4 =	vor.u32 v1, v4;
	v6 =	vshll.u32 v6, $0x1  }
0xf4: {  	v11 =	vld [tilespmem:s21+$0xFFFFFF00];
	[tilespmem:s20+$0xFFFFFF20] =	vst v4;
	v4 =	vor.u32 v1, v6;
	v5 =	vshll.u32 v5, $0x1  }
0xf5: {  	v6 =	vshll.u32 v10, $0x1;
	v10 =	vld [tilespmem:s19+$0xFFFFFF20];
	[tilespmem:s20+$0xFFFFFFA0] =	vst v4;
	v4 =	vor.u32 v1, v5  }
0xf6: {  	v5 =	vadd.s32 v6, v2;
	v6 =	vld [tilespmem:s19+$0xFFFFFFA0];
	[tilespmem:s20+$0x20] =	vst v4;
	v4 =	vshll.u32 v8, $0x1  }
0xf7: {  	v8 =	vshll.u32 v9, $0x1;
	[tilespmem:s21+$0x80] =	vst v5;
	v5 =	vld [tilespmem:s19+$0x20];
	v4 =	vadd.s32 v4, v2  }
0xf8: {  	v8 =	vadd.s32 v8, v2;
	v7 =	vshll.u32 v7, $0x1;
	v9 =	vld [tilespmem:s23+$0x90];
	[tilespmem:s19+$0xA0] =	vst v4  }
0xf9: {  	v4 =	vshll.u32 v11, $0x1;
	[tilespmem:s21+$0xFFFFFF80] =	vst v8;
	v7 =	vadd.s32 v7, v0;
	v8 =	vld [tilespmem:s20+$0xB0]  }
0xfa: {  	v4 =	vadd.s32 v4, v0;
	v11 =	vld [tilespmem:s23+$0xFFFFFF90];
	[tilespmem:s21+$0x0] =	vst v7;
	v7 =	vshll.u32 v10, $0x1  }
0xfb: {  	[tilespmem:s21+$0xFFFFFF00] =	vst v4;
	v4 =	vld [tilespmem:s23+$0x10];
	v7 =	vadd.s32 v7, v0;
	v6 =	vshll.u32 v6, $0x1  }
0xfc: {  	v10 =	vld [tilespmem:s23+$0xFFFFFF10];
	[tilespmem:s19+$0xFFFFFF20] =	vst v7;
	v6 =	vadd.s32 v6, v2;
	v5 =	vshll.u32 v5, $0x1  }
0xfd: {  	v7 =	vshll.u32 v9, $0x1;
	v9 =	vld [tilespmem:s20+$0xFFFFFF30];
	[tilespmem:s19+$0xFFFFFFA0] =	vst v6;
	v5 =	vadd.s32 v5, v0  }
0xfe: {  	v6 =	vor.u32 v1, v7;
	v7 =	vld [tilespmem:s20+$0xFFFFFFB0];
	[tilespmem:s19+$0x20] =	vst v5;
	v5 =	vshll.u32 v8, $0x1  }
0xff: {  	v8 =	vshll.u32 v11, $0x1;
	[tilespmem:s23+$0x90] =	vst v6;
	v6 =	vld [tilespmem:s20+$0x30];
	v5 =	vor.u32 v1, v5  }
0x100: {  	v8 =	vor.u32 v1, v8;
	v4 =	vshll.u32 v4, $0x1;
	v11 =	vld [tilespmem:s21+$0x90];
	[tilespmem:s20+$0xB0] =	vst v5  }
0x101: {  	v5 =	vshll.u32 v10, $0x1;
	[tilespmem:s23+$0xFFFFFF90] =	vst v8;
	v4 =	vor.u32 v1, v4;
	v10 =	vld [tilespmem:s19+$0xB0]  }
0x102: {  	v5 =	vor.u32 v1, v5;
	v12 =	vld [tilespmem:s21+$0xFFFFFF90];
	[tilespmem:s23+$0x10] =	vst v4;
	v4 =	vshll.u32 v9, $0x1  }
.Ltmp3:
0x103: {  	[tilespmem:s23+$0xFFFFFF10] =	vst v5;
	v8 =	vld [tilespmem:s21+$0x10];
	v4 =	vor.u32 v1, v4;
	v5 =	vshll.u32 v7, $0x1;
	(pc) =	sbr.rel @p0 .LBB2_4-.Ltmp3, $4  }
0x104: {  	v9 =	vld [tilespmem:s21+$0xFFFFFF10];
	[tilespmem:s20+$0xFFFFFF30] =	vst v4;
	v4 =	vor.u32 v1, v5;
	v6 =	vshll.u32 v6, $0x1  }
0x105: {  	v7 =	vshll.u32 v11, $0x1;
	v5 =	vld [tilespmem:s19+$0xFFFFFF30];
	[tilespmem:s20+$0xFFFFFFB0] =	vst v4;
	v6 =	vor.u32 v1, v6  }
0x106: {  	v7 =	vadd.s32 v7, v2;
	v4 =	vld [tilespmem:s19+$0xFFFFFFB0];
	[tilespmem:s20+$0x30] =	vst v6;
	v11 =	vshll.u32 v10, $0x1;
	s20 =	smov.u32 s23  }
0x107: {  	s23 =	sadd.s32 $0x200, s23;
	v10 =	vshll.u32 v12, $0x1;
	[tilespmem:s21+$0x90] =	vst v7;
	v6 =	vld [tilespmem:s19+$0x30];
	v7 =	vadd.s32 v11, v2  }
0x108: {  	_ = 	snop  }
0x109: {  	v9 =	vshll.u32 v9, $0x1  }
0x10a: {  	v9 =	vadd.s32 v9, v0  }
0x10b: {  	v10 =	vadd.s32 v10, v2;
	v8 =	vshll.u32 v8, $0x1;
	v11 =	vld [tilespmem:s20+$0xA0];
	[tilespmem:s21+$0xFFFFFF10] =	vst v9  }
0x10c: {  	[tilespmem:s21+$0xFFFFFF90] =	vst v10;
	v8 =	vadd.s32 v8, v0;
	v9 =	vld [tilespmem:s20+$0xFFFFFF20]  }
0x10d: {  	[tilespmem:s21+$0x10] =	vst v8;
	v54 =	vld [tilespmem:s20+$0xFFFFFFA0]  }
0x10e: {  	v55 =	vld [tilespmem:s20+$0x20];
	_ =	sdelay $0x1  }
0x10f: {  	v11 =	vshll.u32 v11, $0x1  }
0x110: {  	v11 =	vor.u32 v1, v11;
	v9 =	vshll.u32 v9, $0x1  }
0x111: {  	[tilespmem:s20+$0xA0] =	vst v11;
	v8 =	vshll.u32 v54, $0x1;
	v9 =	vor.u32 v1, v9  }
0x112: {  	v11 =	vld [tilespmem:s21+$0xA0];
	v8 =	vor.u32 v1, v8;
	v56 =	vshll.u32 v55, $0x1;
	[tilespmem:s20+$0xFFFFFF20] =	vst v9  }
0x113: {  	[tilespmem:s20+$0xFFFFFFA0] =	vst v8;
	v58 =	vor.u32 v1, v56;
	v57 =	vld [tilespmem:s21+$0xFFFFFF20]  }
0x114: {  	v59 =	vld [tilespmem:s21+$0xFFFFFFA0];
	[tilespmem:s20+$0x20] =	vst v58  }
0x115: {  	v8 =	vld [tilespmem:s21+$0x20];
	_ =	sdelay $0x1  }
0x116: {  	v11 =	vshll.u32 v11, $0x1  }
0x117: {  	v11 =	vadd.s32 v11, v2;
	v10 =	vshll.u32 v57, $0x1  }
0x118: {  	[tilespmem:s21+$0xA0] =	vst v11;
	v9 =	vshll.u32 v59, $0x1;
	v10 =	vadd.s32 v10, v0  }
0x119: {  	v11 =	vld [tilespmem:s20+$0xB0];
	v9 =	vadd.s32 v9, v2;
	v8 =	vshll.u32 v8, $0x1;
	[tilespmem:s21+$0xFFFFFF20] =	vst v10  }
0x11a: {  	[tilespmem:s21+$0xFFFFFFA0] =	vst v9;
	v8 =	vadd.s32 v8, v0;
	v10 =	vld [tilespmem:s20+$0xFFFFFF30]  }
0x11b: {  	v9 =	vld [tilespmem:s20+$0xFFFFFFB0];
	[tilespmem:s21+$0x20] =	vst v8  }
0x11c: {  	v8 =	vld [tilespmem:s20+$0x30];
	_ =	sdelay $0x1  }
0x11d: {  	v11 =	vshll.u32 v11, $0x1  }
0x11e: {  	v11 =	vor.u32 v1, v11;
	v10 =	vshll.u32 v10, $0x1  }
0x11f: {  	[tilespmem:s20+$0xB0] =	vst v11;
	v9 =	vshll.u32 v9, $0x1;
	v10 =	vor.u32 v1, v10  }
0x120: {  	v60 =	vld [tilespmem:s21+$0xB0];
	v9 =	vor.u32 v1, v9;
	v8 =	vshll.u32 v8, $0x1;
	[tilespmem:s20+$0xFFFFFF30] =	vst v10  }
0x121: {  	[tilespmem:s20+$0xFFFFFFB0] =	vst v9;
	v8 =	vor.u32 v1, v8;
	v61 =	vld [tilespmem:s21+$0xFFFFFF30]  }
0x122: {  	v5 =	vshll.u32 v5, $0x1;
	[tilespmem:s20+$0x30] =	vst v8;
	v62 =	vld [tilespmem:s21+$0xFFFFFFB0]  }
0x123: {  	[tilespmem:s19+$0xB0] =	vst v7;
	v5 =	vadd.s32 v5, v0;
	v4 =	vshll.u32 v4, $0x1;
	v63 =	vld [tilespmem:s21+$0x30]  }
0x124: {  	[tilespmem:s19+$0xFFFFFF30] =	vst v5;
	v4 =	vadd.s32 v4, v2;
	v5 =	vshll.u32 v6, $0x1  }
0x125: {  	[tilespmem:s19+$0xFFFFFFB0] =	vst v4;
	v4 =	vadd.s32 v5, v0;
	v5 =	vshll.u32 v60, $0x1  }
0x126: {  	[tilespmem:s19+$0x30] =	vst v4;
	v4 =	vadd.s32 v5, v2;
	v5 =	vshll.u32 v61, $0x1  }
0x127: {  	[tilespmem:s21+$0xB0] =	vst v4;
	v4 =	vadd.s32 v5, v0;
	v5 =	vshll.u32 v62, $0x1  }
0x128: {  	[tilespmem:s21+$0xFFFFFF30] =	vst v4;
	v4 =	vadd.s32 v5, v2;
	v5 =	vshll.u32 v63, $0x1  }
0x129: {  	[tilespmem:s21+$0xFFFFFFB0] =	vst v4;
	v4 =	vadd.s32 v5, v0  }
0x12a: {  	[tilespmem:s21+$0x30] =	vst v4  }
0x12b: {  	[tilespmem:s31], [sflag:$0x1] =	stream.indirect.gather [hbm4b:s1+s10], $0x80, s3, s10, $0xb8;
	[tilespmem:$0x1FC00] =	vst v63  }
0x12c: {  	_ = 	snop  }
0x12d: {  	[tilespmem:s11], [sflag:$0x1] =	stream.indirect.gather [hbm4b:s5+s10], $0x80, s9, s10, $0xb8;
	[tilespmem:$0x1FC00] =	vst v63  }
0x12e: {  	_ = 	snop  }
0x12f: {  	[tilespmem:s13], [sflag:$0x2] =	stream.indirect.gather [hbm4b:s1+s10], $0x80, s12, s10, $0xb8;
	[tilespmem:$0x1FC00] =	vst v63  }
0x130: {  	s19 =	simm.s32 $0x0  }
0x131: {  	[tilespmem:s15], [sflag:$0x2] =	stream.indirect.gather [hbm4b:s5+s10], $0x80, s14, s10, $0xb8;
	[tilespmem:$0x1FC00] =	vst v63  }
.LBB2_6:
0x132: {  	_ =	swait.ge [sflag:s16], $0x2000  }
0x133: {  	[sflag:s16] =	ssyncset.done $0x0  }
0x134: {  	[sflag:s16] =	ssyncadd.s32 $0xFFFFE000  }
0x135: {  	_ =	swait.ge [sflag:s16], $0x2000  }
0x136: {  	[sflag:s16] =	ssyncset.done $0x0  }
0x137: {  	s22 =	simm.s32 $0x17D00;
	[sflag:s16] =	ssyncadd.s32 $0xFFFFE000  }
0x138: {  	s20 =	simm.s32 $0x1BD00;
	v4 =	vld [tilespmem:s22+$0x80]  }
0x139: {  	v5 =	vld [tilespmem:s20+$0x80]  }
0x13a: {  	v6 =	vld [tilespmem:s22+$0xFFFFFF80]  }
0x13b: {  	v7 =	vld [tilespmem:s20+$0xFFFFFF80]  }
0x13c: {  	v8 =	vld [tilespmem:s22+$0x0]  }
0x13d: {  	v9 =	vld [tilespmem:s20+$0x0]  }
0x13e: {  	v10 =	vld [tilespmem:s22+$0xFFFFFF00];
	v4 =	vmul.f32 v5, v4  }
0x13f: {  	v5 =	vld [tilespmem:s20+$0xFFFFFF00]  }
0x140: {  	[tilespmem:s22+$0x80] =	vst v4;
	v4 =	vld [tilespmem:s22+$0x90]  }
0x141: {  	v6 =	vmul.f32 v7, v6;
	v7 =	vld [tilespmem:s20+$0x90]  }
0x142: {  	v11 =	vld [tilespmem:s22+$0xFFFFFF10]  }
0x143: {  	[tilespmem:s22+$0xFFFFFF80] =	vst v6;
	v6 =	vmul.f32 v9, v8;
	v8 =	vld [tilespmem:s22+$0xFFFFFF90]  }
0x144: {  	v9 =	vld [tilespmem:s20+$0xFFFFFF90];
	v5 =	vmul.f32 v5, v10  }
0x145: {  	[tilespmem:s22+$0x0] =	vst v6;
	v6 =	vld [tilespmem:s22+$0x10]  }
0x146: {  	v10 =	vld [tilespmem:s20+$0x10];
	[tilespmem:s22+$0xFFFFFF00] =	vst v5;
	v4 =	vmul.f32 v7, v4  }
0x147: {  	v5 =	vld [tilespmem:s20+$0xFFFFFF10]  }
0x148: {  	[tilespmem:s22+$0x90] =	vst v4;
	v4 =	vld [tilespmem:s22+$0xA0]  }
0x149: {  	v7 =	vmul.f32 v9, v8;
	v8 =	vld [tilespmem:s20+$0xA0]  }
0x14a: {  	v9 =	vld [tilespmem:s22+$0xFFFFFF20]  }
0x14b: {  	[tilespmem:s22+$0xFFFFFF90] =	vst v7;
	v6 =	vmul.f32 v10, v6;
	v7 =	vld [tilespmem:s22+$0xFFFFFFA0]  }
0x14c: {  	v10 =	vld [tilespmem:s20+$0xFFFFFFA0];
	v5 =	vmul.f32 v5, v11  }
0x14d: {  	[tilespmem:s22+$0x10] =	vst v6;
	v6 =	vld [tilespmem:s22+$0x20]  }
0x14e: {  	v11 =	vld [tilespmem:s20+$0x20];
	[tilespmem:s22+$0xFFFFFF10] =	vst v5;
	v4 =	vmul.f32 v8, v4  }
0x14f: {  	v5 =	vld [tilespmem:s20+$0xFFFFFF20]  }
0x150: {  	[tilespmem:s22+$0xA0] =	vst v4;
	v4 =	vld [tilespmem:s22+$0xB0]  }
0x151: {  	v7 =	vmul.f32 v10, v7;
	v8 =	vld [tilespmem:s20+$0xB0]  }
0x152: {  	v10 =	vld [tilespmem:s22+$0xFFFFFF30]  }
0x153: {  	[tilespmem:s22+$0xFFFFFFA0] =	vst v7;
	v6 =	vmul.f32 v11, v6;
	v7 =	vld [tilespmem:s22+$0xFFFFFFB0]  }
0x154: {  	v11 =	vld [tilespmem:s20+$0xFFFFFFB0];
	v5 =	vmul.f32 v5, v9  }
0x155: {  	[tilespmem:s22+$0x20] =	vst v6;
	v6 =	vld [tilespmem:s22+$0x30]  }
0x156: {  	v9 =	vld [tilespmem:s20+$0x30];
	[tilespmem:s22+$0xFFFFFF20] =	vst v5;
	v4 =	vmul.f32 v8, v4  }
0x157: {  	v5 =	vld [tilespmem:s20+$0xFFFFFF30]  }
0x158: {  	[tilespmem:s22+$0xB0] =	vst v4;
	v4 =	vld [tilespmem:s22+$0xC0]  }
0x159: {  	v7 =	vmul.f32 v11, v7;
	v8 =	vld [tilespmem:s20+$0xC0]  }
0x15a: {  	v11 =	vld [tilespmem:s22+$0xFFFFFF40]  }
0x15b: {  	[tilespmem:s22+$0xFFFFFFB0] =	vst v7;
	v6 =	vmul.f32 v9, v6;
	v7 =	vld [tilespmem:s22+$0xFFFFFFC0]  }
0x15c: {  	v9 =	vld [tilespmem:s20+$0xFFFFFFC0];
	v5 =	vmul.f32 v5, v10  }
0x15d: {  	[tilespmem:s22+$0x30] =	vst v6;
	v6 =	vld [tilespmem:s22+$0x40]  }
0x15e: {  	v10 =	vld [tilespmem:s20+$0x40];
	[tilespmem:s22+$0xFFFFFF30] =	vst v5;
	v4 =	vmul.f32 v8, v4  }
0x15f: {  	v5 =	vld [tilespmem:s20+$0xFFFFFF40]  }
0x160: {  	[tilespmem:s22+$0xC0] =	vst v4;
	v4 =	vld [tilespmem:s22+$0xD0]  }
0x161: {  	v7 =	vmul.f32 v9, v7;
	v8 =	vld [tilespmem:s20+$0xD0]  }
0x162: {  	v9 =	vld [tilespmem:s22+$0xFFFFFF50]  }
0x163: {  	[tilespmem:s22+$0xFFFFFFC0] =	vst v7;
	v6 =	vmul.f32 v10, v6;
	v7 =	vld [tilespmem:s22+$0xFFFFFFD0]  }
0x164: {  	v10 =	vld [tilespmem:s20+$0xFFFFFFD0];
	v5 =	vmul.f32 v5, v11  }
0x165: {  	[tilespmem:s22+$0x40] =	vst v6;
	v6 =	vld [tilespmem:s22+$0x50]  }
0x166: {  	v11 =	vld [tilespmem:s20+$0x50];
	[tilespmem:s22+$0xFFFFFF40] =	vst v5;
	v4 =	vmul.f32 v8, v4  }
0x167: {  	v5 =	vld [tilespmem:s20+$0xFFFFFF50]  }
0x168: {  	[tilespmem:s22+$0xD0] =	vst v4;
	v4 =	vld [tilespmem:s22+$0xE0]  }
0x169: {  	v7 =	vmul.f32 v10, v7;
	v8 =	vld [tilespmem:s20+$0xE0]  }
0x16a: {  	v10 =	vld [tilespmem:s22+$0xFFFFFF60]  }
0x16b: {  	[tilespmem:s22+$0xFFFFFFD0] =	vst v7;
	v6 =	vmul.f32 v11, v6;
	v7 =	vld [tilespmem:s22+$0xFFFFFFE0]  }
0x16c: {  	v11 =	vld [tilespmem:s20+$0xFFFFFFE0];
	v5 =	vmul.f32 v5, v9  }
0x16d: {  	[tilespmem:s22+$0x50] =	vst v6;
	v6 =	vld [tilespmem:s22+$0x60]  }
0x16e: {  	v9 =	vld [tilespmem:s20+$0x60];
	[tilespmem:s22+$0xFFFFFF50] =	vst v5;
	v4 =	vmul.f32 v8, v4  }
0x16f: {  	v8 =	vld [tilespmem:s20+$0xFFFFFF60]  }
0x170: {  	v12 =	vld [tilespmem:s22+$0xF0];
	[tilespmem:s22+$0xE0] =	vst v4  }
0x171: {  	v5 =	vmul.f32 v11, v7;
	v11 =	vld [tilespmem:s20+$0xF0]  }
0x172: {  	v4 =	vld [tilespmem:s22+$0xFFFFFF70]  }
0x173: {  	[tilespmem:s22+$0xFFFFFFE0] =	vst v5;
	v6 =	vmul.f32 v9, v6;
	v5 =	vld [tilespmem:s22+$0xFFFFFFF0]  }
0x174: {  	v7 =	vld [tilespmem:s20+$0xFFFFFFF0];
	v8 =	vmul.f32 v8, v10  }
0x175: {  	[tilespmem:s22+$0x60] =	vst v6;
	v6 =	vld [tilespmem:s22+$0x70]  }
0x176: {  	[tilespmem:s22+$0xFFFFFF60] =	vst v8;
	v8 =	vld [tilespmem:s20+$0x70];
	v10 =	vmul.f32 v11, v12  }
0x177: {  	s21 =	simm.s32 $0x0;
	s23 =	simm.s32 $0x17F00;
	v9 =	vld [tilespmem:s20+$0xFFFFFF70]  }
.LBB2_7:
0x178: {  	v11 =	vld [tilespmem:s23+$0x80];
	[tilespmem:s22+$0xF0] =	vst v10;
	s20 =	sadd.s32 $0x200, s20  }
0x179: {  	s21 =	sadd.s32 $0x4, s21;
	v10 =	vld [tilespmem:s20+$0x80];
	v5 =	vmul.f32 v7, v5  }
0x17a: {  	p0 =	slt.u32 s21, $0x3C;
	v7 =	vld [tilespmem:s20+$0xFFFFFF00]  }
0x17b: {  	v12 =	vld [tilespmem:s23+$0xFFFFFF80];
	[tilespmem:s22+$0xFFFFFFF0] =	vst v5;
	v5 =	vmul.f32 v8, v6  }
0x17c: {  	v6 =	vld [tilespmem:s20+$0xFFFFFF80];
	v4 =	vmul.f32 v9, v4  }
0x17d: {  	v8 =	vld [tilespmem:s23+$0x0];
	[tilespmem:s22+$0x70] =	vst v5  }
0x17e: {  	v5 =	vld [tilespmem:s20+$0x0];
	v9 =	vmul.f32 v10, v11;
	[tilespmem:s22+$0xFFFFFF70] =	vst v4;
	s22 =	smov.u32 s23  }
0x17f: {  	v4 =	vld [tilespmem:s23+$0xFFFFFF00]  }
0x180: {  	[tilespmem:s23+$0x80] =	vst v9;
	v9 =	vld [tilespmem:s23+$0x90]  }
0x181: {  	v6 =	vmul.f32 v6, v12;
	v10 =	vld [tilespmem:s20+$0x90]  }
0x182: {  	v11 =	vld [tilespmem:s23+$0xFFFFFF10]  }
0x183: {  	[tilespmem:s23+$0xFFFFFF80] =	vst v6;
	v6 =	vld [tilespmem:s23+$0xFFFFFF90];
	v5 =	vmul.f32 v5, v8  }
0x184: {  	v4 =	vmul.f32 v7, v4;
	v7 =	vld [tilespmem:s20+$0xFFFFFF90]  }
0x185: {  	[tilespmem:s23+$0x0] =	vst v5;
	v5 =	vld [tilespmem:s23+$0x10]  }
0x186: {  	[tilespmem:s23+$0xFFFFFF00] =	vst v4;
	v4 =	vld [tilespmem:s20+$0x10];
	v8 =	vmul.f32 v10, v9  }
0x187: {  	v9 =	vld [tilespmem:s20+$0xFFFFFF10]  }
0x188: {  	[tilespmem:s23+$0x90] =	vst v8;
	v8 =	vld [tilespmem:s23+$0xA0]  }
0x189: {  	v6 =	vmul.f32 v7, v6;
	v7 =	vld [tilespmem:s20+$0xA0]  }
0x18a: {  	v10 =	vld [tilespmem:s23+$0xFFFFFF20]  }
0x18b: {  	[tilespmem:s23+$0xFFFFFF90] =	vst v6;
	v6 =	vld [tilespmem:s23+$0xFFFFFFA0];
	v4 =	vmul.f32 v4, v5  }
0x18c: {  	v5 =	vmul.f32 v9, v11;
	v9 =	vld [tilespmem:s20+$0xFFFFFFA0]  }
0x18d: {  	[tilespmem:s23+$0x10] =	vst v4;
	v4 =	vld [tilespmem:s23+$0x20]  }
0x18e: {  	[tilespmem:s23+$0xFFFFFF10] =	vst v5;
	v5 =	vld [tilespmem:s20+$0x20];
	v7 =	vmul.f32 v7, v8  }
0x18f: {  	v8 =	vld [tilespmem:s20+$0xFFFFFF20]  }
0x190: {  	[tilespmem:s23+$0xA0] =	vst v7;
	v7 =	vld [tilespmem:s23+$0xB0]  }
0x191: {  	v6 =	vmul.f32 v9, v6;
	v9 =	vld [tilespmem:s20+$0xB0]  }
0x192: {  	v11 =	vld [tilespmem:s23+$0xFFFFFF30]  }
0x193: {  	[tilespmem:s23+$0xFFFFFFA0] =	vst v6;
	v6 =	vld [tilespmem:s23+$0xFFFFFFB0];
	v4 =	vmul.f32 v5, v4  }
0x194: {  	v5 =	vmul.f32 v8, v10;
	v8 =	vld [tilespmem:s20+$0xFFFFFFB0]  }
0x195: {  	[tilespmem:s23+$0x20] =	vst v4;
	v4 =	vld [tilespmem:s23+$0x30]  }
0x196: {  	[tilespmem:s23+$0xFFFFFF20] =	vst v5;
	v5 =	vld [tilespmem:s20+$0x30];
	v7 =	vmul.f32 v9, v7  }
0x197: {  	v9 =	vld [tilespmem:s20+$0xFFFFFF30]  }
0x198: {  	[tilespmem:s23+$0xB0] =	vst v7;
	v7 =	vld [tilespmem:s23+$0xC0]  }
0x199: {  	v6 =	vmul.f32 v8, v6;
	v8 =	vld [tilespmem:s20+$0xC0]  }
0x19a: {  	v10 =	vld [tilespmem:s23+$0xFFFFFF40]  }
0x19b: {  	[tilespmem:s23+$0xFFFFFFB0] =	vst v6;
	v6 =	vld [tilespmem:s23+$0xFFFFFFC0];
	v4 =	vmul.f32 v5, v4  }
0x19c: {  	v5 =	vmul.f32 v9, v11;
	v9 =	vld [tilespmem:s20+$0xFFFFFFC0]  }
0x19d: {  	[tilespmem:s23+$0x30] =	vst v4;
	v4 =	vld [tilespmem:s23+$0x40]  }
0x19e: {  	[tilespmem:s23+$0xFFFFFF30] =	vst v5;
	v5 =	vld [tilespmem:s20+$0x40];
	v7 =	vmul.f32 v8, v7  }
0x19f: {  	v8 =	vld [tilespmem:s20+$0xFFFFFF40]  }
0x1a0: {  	[tilespmem:s23+$0xC0] =	vst v7;
	v7 =	vld [tilespmem:s23+$0xD0]  }
0x1a1: {  	v6 =	vmul.f32 v9, v6;
	v9 =	vld [tilespmem:s20+$0xD0]  }
0x1a2: {  	v11 =	vld [tilespmem:s23+$0xFFFFFF50]  }
0x1a3: {  	[tilespmem:s23+$0xFFFFFFC0] =	vst v6;
	v6 =	vld [tilespmem:s23+$0xFFFFFFD0];
	v4 =	vmul.f32 v5, v4  }
0x1a4: {  	v5 =	vmul.f32 v8, v10;
	v8 =	vld [tilespmem:s20+$0xFFFFFFD0]  }
0x1a5: {  	[tilespmem:s23+$0x40] =	vst v4;
	v4 =	vld [tilespmem:s23+$0x50]  }
0x1a6: {  	[tilespmem:s23+$0xFFFFFF40] =	vst v5;
	v5 =	vld [tilespmem:s20+$0x50];
	v7 =	vmul.f32 v9, v7  }
0x1a7: {  	v9 =	vld [tilespmem:s20+$0xFFFFFF50]  }
0x1a8: {  	[tilespmem:s23+$0xD0] =	vst v7;
	v7 =	vld [tilespmem:s23+$0xE0]  }
0x1a9: {  	v6 =	vmul.f32 v8, v6;
	v8 =	vld [tilespmem:s20+$0xE0]  }
0x1aa: {  	v10 =	vld [tilespmem:s23+$0xFFFFFF60]  }
0x1ab: {  	[tilespmem:s23+$0xFFFFFFD0] =	vst v6;
	v6 =	vld [tilespmem:s23+$0xFFFFFFE0];
	v4 =	vmul.f32 v5, v4  }
0x1ac: {  	v5 =	vmul.f32 v9, v11;
	v9 =	vld [tilespmem:s20+$0xFFFFFFE0]  }
0x1ad: {  	[tilespmem:s23+$0x50] =	vst v4;
	v11 =	vld [tilespmem:s23+$0x60]  }
0x1ae: {  	[tilespmem:s23+$0xFFFFFF50] =	vst v5;
	v12 =	vld [tilespmem:s20+$0x60];
	v4 =	vmul.f32 v8, v7  }
0x1af: {  	v7 =	vld [tilespmem:s20+$0xFFFFFF60]  }
0x1b0: {  	[tilespmem:s23+$0xE0] =	vst v4;
	v13 =	vld [tilespmem:s23+$0xF0]  }
0x1b1: {  	v5 =	vmul.f32 v9, v6;
	v9 =	vld [tilespmem:s20+$0xF0]  }
0x1b2: {  	v4 =	vld [tilespmem:s23+$0xFFFFFF70]  }
.Ltmp4:
0x1b3: {  	[tilespmem:s23+$0xFFFFFFE0] =	vst v5;
	v5 =	vld [tilespmem:s23+$0xFFFFFFF0];
	v6 =	vmul.f32 v12, v11;
	(pc) =	sbr.rel @p0 .LBB2_7-.Ltmp4, $4  }
0x1b4: {  	v8 =	vmul.f32 v7, v10;
	v7 =	vld [tilespmem:s20+$0xFFFFFFF0]  }
0x1b5: {  	[tilespmem:s23+$0x60] =	vst v6;
	v6 =	vld [tilespmem:s23+$0x70]  }
0x1b6: {  	[tilespmem:s23+$0xFFFFFF60] =	vst v8;
	v8 =	vld [tilespmem:s20+$0x70];
	v10 =	vmul.f32 v9, v13  }
0x1b7: {  	s23 =	sadd.s32 $0x200, s23;
	v9 =	vld [tilespmem:s20+$0xFFFFFF70]  }
0x1b8: {  	_ =	sdelay $0x1  }
0x1b9: {  	v5 =	vmul.f32 v7, v5  }
0x1ba: {  	[tilespmem:s22+$0xF0] =	vst v10;
	v6 =	vmul.f32 v8, v6  }
0x1bb: {  	s20 =	sshll.u32 s19, $0x8;
	[tilespmem:s22+$0xFFFFFFF0] =	vst v5;
	v4 =	vmul.f32 v9, v4  }
0x1bc: {  	s21 =	sand.u32 $0x3FFFFF00, s20;
	[tilespmem:s22+$0x70] =	vst v6  }
0x1bd: {  	s25 =	sadd.s32 $0x15400, s21;
	[tilespmem:s22+$0xFFFFFF70] =	vst v4  }
0x1be: {  	[spmem:s2] =	stream.indirect.scatter.add.f32 [tilespmem:s31], [sflag:$0x4], $0x80, s25, s10, $0xb8;
	[tilespmem:$0x1FC00] =	vst v63  }
0x1bf: {  	p0 =	seq.s32 s19, $0x13;
	_ =	swait.ge [sflag:s7], $0x2000  }
0x1c0: {  	s23 =	simm.s32 @!p0 $0x40;
	[sflag:s7] =	ssyncset.done $0x0  }
0x1c1: {  	s24 =	simm.s32 @!p0 $0x17C00;
	s22 =	sadd.s32 @!p0 $0x14100, s20;
	[sflag:s7] =	ssyncadd.s32 $0xFFFFE000  }
0x1c2: {  	[tilespmem:s24], [sflag:$0x1] =	stream.indirect.gather @!p0 [hbm4b:s1+s23], $0x80, s22, s23, $0xb8;
	[tilespmem:$0x1FC00] =	vst v63  }
0x1c3: {  	s22 =	sadd.s32 @!p0 $0x16900, s20;
	s24 =	simm.s32 @!p0 $0x1BC00  }
0x1c4: {  	[tilespmem:s24], [sflag:$0x1] =	stream.indirect.gather @!p0 [hbm4b:s5+s23], $0x80, s22, s23, $0xb8;
	[tilespmem:$0x1FC00] =	vst v63  }
0x1c5: {  	_ =	swait.ge [sflag:s17], $0x2000  }
0x1c6: {  	[sflag:s17] =	ssyncset.done $0x0  }
0x1c7: {  	[sflag:s17] =	ssyncadd.s32 $0xFFFFE000  }
0x1c8: {  	_ =	swait.ge [sflag:s17], $0x2000  }
0x1c9: {  	[sflag:s17] =	ssyncset.done $0x0  }
0x1ca: {  	s22 =	simm.s32 $0x19D00;
	[sflag:s17] =	ssyncadd.s32 $0xFFFFE000  }
0x1cb: {  	s23 =	simm.s32 $0x1DD00;
	v4 =	vld [tilespmem:s22+$0x80]  }
0x1cc: {  	v5 =	vld [tilespmem:s23+$0x80]  }
0x1cd: {  	v6 =	vld [tilespmem:s22+$0xFFFFFF80]  }
0x1ce: {  	v7 =	vld [tilespmem:s23+$0xFFFFFF80]  }
0x1cf: {  	v8 =	vld [tilespmem:s22+$0x0]  }
0x1d0: {  	v9 =	vld [tilespmem:s23+$0x0]  }
0x1d1: {  	v10 =	vld [tilespmem:s22+$0xFFFFFF00];
	v4 =	vmul.f32 v5, v4  }
0x1d2: {  	v5 =	vld [tilespmem:s23+$0xFFFFFF00]  }
0x1d3: {  	[tilespmem:s22+$0x80] =	vst v4;
	v4 =	vld [tilespmem:s22+$0x90]  }
0x1d4: {  	v6 =	vmul.f32 v7, v6;
	v7 =	vld [tilespmem:s23+$0x90]  }
0x1d5: {  	v11 =	vld [tilespmem:s22+$0xFFFFFF10]  }
0x1d6: {  	[tilespmem:s22+$0xFFFFFF80] =	vst v6;
	v6 =	vmul.f32 v9, v8;
	v8 =	vld [tilespmem:s22+$0xFFFFFF90]  }
0x1d7: {  	v9 =	vld [tilespmem:s23+$0xFFFFFF90];
	v5 =	vmul.f32 v5, v10  }
0x1d8: {  	[tilespmem:s22+$0x0] =	vst v6;
	v6 =	vld [tilespmem:s22+$0x10]  }
0x1d9: {  	v10 =	vld [tilespmem:s23+$0x10];
	[tilespmem:s22+$0xFFFFFF00] =	vst v5;
	v4 =	vmul.f32 v7, v4  }
0x1da: {  	v5 =	vld [tilespmem:s23+$0xFFFFFF10]  }
0x1db: {  	[tilespmem:s22+$0x90] =	vst v4;
	v4 =	vld [tilespmem:s22+$0xA0]  }
0x1dc: {  	v7 =	vmul.f32 v9, v8;
	v8 =	vld [tilespmem:s23+$0xA0]  }
0x1dd: {  	v9 =	vld [tilespmem:s22+$0xFFFFFF20]  }
0x1de: {  	[tilespmem:s22+$0xFFFFFF90] =	vst v7;
	v6 =	vmul.f32 v10, v6;
	v7 =	vld [tilespmem:s22+$0xFFFFFFA0]  }
0x1df: {  	v10 =	vld [tilespmem:s23+$0xFFFFFFA0];
	v5 =	vmul.f32 v5, v11  }
0x1e0: {  	[tilespmem:s22+$0x10] =	vst v6;
	v6 =	vld [tilespmem:s22+$0x20]  }
0x1e1: {  	v11 =	vld [tilespmem:s23+$0x20];
	[tilespmem:s22+$0xFFFFFF10] =	vst v5;
	v4 =	vmul.f32 v8, v4  }
0x1e2: {  	v5 =	vld [tilespmem:s23+$0xFFFFFF20]  }
0x1e3: {  	[tilespmem:s22+$0xA0] =	vst v4;
	v4 =	vld [tilespmem:s22+$0xB0]  }
0x1e4: {  	v7 =	vmul.f32 v10, v7;
	v8 =	vld [tilespmem:s23+$0xB0]  }
0x1e5: {  	v10 =	vld [tilespmem:s22+$0xFFFFFF30]  }
0x1e6: {  	[tilespmem:s22+$0xFFFFFFA0] =	vst v7;
	v6 =	vmul.f32 v11, v6;
	v7 =	vld [tilespmem:s22+$0xFFFFFFB0]  }
0x1e7: {  	v11 =	vld [tilespmem:s23+$0xFFFFFFB0];
	v5 =	vmul.f32 v5, v9  }
0x1e8: {  	[tilespmem:s22+$0x20] =	vst v6;
	v6 =	vld [tilespmem:s22+$0x30]  }
0x1e9: {  	v9 =	vld [tilespmem:s23+$0x30];
	[tilespmem:s22+$0xFFFFFF20] =	vst v5;
	v4 =	vmul.f32 v8, v4  }
0x1ea: {  	v5 =	vld [tilespmem:s23+$0xFFFFFF30]  }
0x1eb: {  	[tilespmem:s22+$0xB0] =	vst v4;
	v4 =	vld [tilespmem:s22+$0xC0]  }
0x1ec: {  	v7 =	vmul.f32 v11, v7;
	v8 =	vld [tilespmem:s23+$0xC0]  }
0x1ed: {  	v11 =	vld [tilespmem:s22+$0xFFFFFF40]  }
0x1ee: {  	[tilespmem:s22+$0xFFFFFFB0] =	vst v7;
	v6 =	vmul.f32 v9, v6;
	v7 =	vld [tilespmem:s22+$0xFFFFFFC0]  }
0x1ef: {  	v9 =	vld [tilespmem:s23+$0xFFFFFFC0];
	v5 =	vmul.f32 v5, v10  }
0x1f0: {  	[tilespmem:s22+$0x30] =	vst v6;
	v6 =	vld [tilespmem:s22+$0x40]  }
0x1f1: {  	v10 =	vld [tilespmem:s23+$0x40];
	[tilespmem:s22+$0xFFFFFF30] =	vst v5;
	v4 =	vmul.f32 v8, v4  }
0x1f2: {  	v5 =	vld [tilespmem:s23+$0xFFFFFF40]  }
0x1f3: {  	[tilespmem:s22+$0xC0] =	vst v4;
	v4 =	vld [tilespmem:s22+$0xD0]  }
0x1f4: {  	v7 =	vmul.f32 v9, v7;
	v8 =	vld [tilespmem:s23+$0xD0]  }
0x1f5: {  	v9 =	vld [tilespmem:s22+$0xFFFFFF50]  }
0x1f6: {  	[tilespmem:s22+$0xFFFFFFC0] =	vst v7;
	v6 =	vmul.f32 v10, v6;
	v7 =	vld [tilespmem:s22+$0xFFFFFFD0]  }
0x1f7: {  	v10 =	vld [tilespmem:s23+$0xFFFFFFD0];
	v5 =	vmul.f32 v5, v11  }
0x1f8: {  	[tilespmem:s22+$0x40] =	vst v6;
	v6 =	vld [tilespmem:s22+$0x50]  }
0x1f9: {  	v11 =	vld [tilespmem:s23+$0x50];
	[tilespmem:s22+$0xFFFFFF40] =	vst v5;
	v4 =	vmul.f32 v8, v4  }
0x1fa: {  	v5 =	vld [tilespmem:s23+$0xFFFFFF50]  }
0x1fb: {  	[tilespmem:s22+$0xD0] =	vst v4;
	v4 =	vld [tilespmem:s22+$0xE0]  }
0x1fc: {  	v7 =	vmul.f32 v10, v7;
	v8 =	vld [tilespmem:s23+$0xE0]  }
0x1fd: {  	v10 =	vld [tilespmem:s22+$0xFFFFFF60]  }
0x1fe: {  	[tilespmem:s22+$0xFFFFFFD0] =	vst v7;
	v6 =	vmul.f32 v11, v6;
	v7 =	vld [tilespmem:s22+$0xFFFFFFE0]  }
0x1ff: {  	v11 =	vld [tilespmem:s23+$0xFFFFFFE0];
	v5 =	vmul.f32 v5, v9  }
0x200: {  	[tilespmem:s22+$0x50] =	vst v6;
	v6 =	vld [tilespmem:s22+$0x60]  }
0x201: {  	v9 =	vld [tilespmem:s23+$0x60];
	[tilespmem:s22+$0xFFFFFF50] =	vst v5;
	v4 =	vmul.f32 v8, v4  }
0x202: {  	v8 =	vld [tilespmem:s23+$0xFFFFFF60]  }
0x203: {  	v12 =	vld [tilespmem:s22+$0xF0];
	[tilespmem:s22+$0xE0] =	vst v4  }
0x204: {  	v5 =	vmul.f32 v11, v7;
	v11 =	vld [tilespmem:s23+$0xF0]  }
0x205: {  	v4 =	vld [tilespmem:s22+$0xFFFFFF70]  }
0x206: {  	[tilespmem:s22+$0xFFFFFFE0] =	vst v5;
	v6 =	vmul.f32 v9, v6;
	v5 =	vld [tilespmem:s22+$0xFFFFFFF0]  }
0x207: {  	v7 =	vld [tilespmem:s23+$0xFFFFFFF0];
	v8 =	vmul.f32 v8, v10  }
0x208: {  	[tilespmem:s22+$0x60] =	vst v6;
	v6 =	vld [tilespmem:s22+$0x70]  }
0x209: {  	[tilespmem:s22+$0xFFFFFF60] =	vst v8;
	v8 =	vld [tilespmem:s23+$0x70];
	v10 =	vmul.f32 v11, v12  }
0x20a: {  	s25 =	simm.s32 $0x19F00;
	s24 =	simm.s32 $0x0;
	v9 =	vld [tilespmem:s23+$0xFFFFFF70]  }
.LBB2_9:
0x20b: {  	v11 =	vld [tilespmem:s25+$0x80];
	[tilespmem:s22+$0xF0] =	vst v10;
	s23 =	sadd.s32 $0x200, s23  }
0x20c: {  	s24 =	sadd.s32 $0x4, s24;
	v10 =	vld [tilespmem:s23+$0x80];
	v5 =	vmul.f32 v7, v5  }
0x20d: {  	p1 =	slt.u32 s24, $0x3C;
	v7 =	vld [tilespmem:s23+$0xFFFFFF00]  }
0x20e: {  	v12 =	vld [tilespmem:s25+$0xFFFFFF80];
	[tilespmem:s22+$0xFFFFFFF0] =	vst v5;
	v5 =	vmul.f32 v8, v6  }
0x20f: {  	v6 =	vld [tilespmem:s23+$0xFFFFFF80];
	v4 =	vmul.f32 v9, v4  }
0x210: {  	v8 =	vld [tilespmem:s25+$0x0];
	[tilespmem:s22+$0x70] =	vst v5  }
0x211: {  	v5 =	vld [tilespmem:s23+$0x0];
	v9 =	vmul.f32 v10, v11;
	[tilespmem:s22+$0xFFFFFF70] =	vst v4;
	s22 =	smov.u32 s25  }
0x212: {  	v4 =	vld [tilespmem:s25+$0xFFFFFF00]  }
0x213: {  	[tilespmem:s25+$0x80] =	vst v9;
	v9 =	vld [tilespmem:s25+$0x90]  }
0x214: {  	v6 =	vmul.f32 v6, v12;
	v10 =	vld [tilespmem:s23+$0x90]  }
0x215: {  	v11 =	vld [tilespmem:s25+$0xFFFFFF10]  }
0x216: {  	[tilespmem:s25+$0xFFFFFF80] =	vst v6;
	v6 =	vld [tilespmem:s25+$0xFFFFFF90];
	v5 =	vmul.f32 v5, v8  }
0x217: {  	v4 =	vmul.f32 v7, v4;
	v7 =	vld [tilespmem:s23+$0xFFFFFF90]  }
0x218: {  	[tilespmem:s25+$0x0] =	vst v5;
	v5 =	vld [tilespmem:s25+$0x10]  }
0x219: {  	[tilespmem:s25+$0xFFFFFF00] =	vst v4;
	v4 =	vld [tilespmem:s23+$0x10];
	v8 =	vmul.f32 v10, v9  }
0x21a: {  	v9 =	vld [tilespmem:s23+$0xFFFFFF10]  }
0x21b: {  	[tilespmem:s25+$0x90] =	vst v8;
	v8 =	vld [tilespmem:s25+$0xA0]  }
0x21c: {  	v6 =	vmul.f32 v7, v6;
	v7 =	vld [tilespmem:s23+$0xA0]  }
0x21d: {  	v10 =	vld [tilespmem:s25+$0xFFFFFF20]  }
0x21e: {  	[tilespmem:s25+$0xFFFFFF90] =	vst v6;
	v6 =	vld [tilespmem:s25+$0xFFFFFFA0];
	v4 =	vmul.f32 v4, v5  }
0x21f: {  	v5 =	vmul.f32 v9, v11;
	v9 =	vld [tilespmem:s23+$0xFFFFFFA0]  }
0x220: {  	[tilespmem:s25+$0x10] =	vst v4;
	v4 =	vld [tilespmem:s25+$0x20]  }
0x221: {  	[tilespmem:s25+$0xFFFFFF10] =	vst v5;
	v5 =	vld [tilespmem:s23+$0x20];
	v7 =	vmul.f32 v7, v8  }
0x222: {  	v8 =	vld [tilespmem:s23+$0xFFFFFF20]  }
0x223: {  	[tilespmem:s25+$0xA0] =	vst v7;
	v7 =	vld [tilespmem:s25+$0xB0]  }
0x224: {  	v6 =	vmul.f32 v9, v6;
	v9 =	vld [tilespmem:s23+$0xB0]  }
0x225: {  	v11 =	vld [tilespmem:s25+$0xFFFFFF30]  }
0x226: {  	[tilespmem:s25+$0xFFFFFFA0] =	vst v6;
	v6 =	vld [tilespmem:s25+$0xFFFFFFB0];
	v4 =	vmul.f32 v5, v4  }
0x227: {  	v5 =	vmul.f32 v8, v10;
	v8 =	vld [tilespmem:s23+$0xFFFFFFB0]  }
0x228: {  	[tilespmem:s25+$0x20] =	vst v4;
	v4 =	vld [tilespmem:s25+$0x30]  }
0x229: {  	[tilespmem:s25+$0xFFFFFF20] =	vst v5;
	v5 =	vld [tilespmem:s23+$0x30];
	v7 =	vmul.f32 v9, v7  }
0x22a: {  	v9 =	vld [tilespmem:s23+$0xFFFFFF30]  }
0x22b: {  	[tilespmem:s25+$0xB0] =	vst v7;
	v7 =	vld [tilespmem:s25+$0xC0]  }
0x22c: {  	v6 =	vmul.f32 v8, v6;
	v8 =	vld [tilespmem:s23+$0xC0]  }
0x22d: {  	v10 =	vld [tilespmem:s25+$0xFFFFFF40]  }
0x22e: {  	[tilespmem:s25+$0xFFFFFFB0] =	vst v6;
	v6 =	vld [tilespmem:s25+$0xFFFFFFC0];
	v4 =	vmul.f32 v5, v4  }
0x22f: {  	v5 =	vmul.f32 v9, v11;
	v9 =	vld [tilespmem:s23+$0xFFFFFFC0]  }
0x230: {  	[tilespmem:s25+$0x30] =	vst v4;
	v4 =	vld [tilespmem:s25+$0x40]  }
0x231: {  	[tilespmem:s25+$0xFFFFFF30] =	vst v5;
	v5 =	vld [tilespmem:s23+$0x40];
	v7 =	vmul.f32 v8, v7  }
0x232: {  	v8 =	vld [tilespmem:s23+$0xFFFFFF40]  }
0x233: {  	[tilespmem:s25+$0xC0] =	vst v7;
	v7 =	vld [tilespmem:s25+$0xD0]  }
0x234: {  	v6 =	vmul.f32 v9, v6;
	v9 =	vld [tilespmem:s23+$0xD0]  }
0x235: {  	v11 =	vld [tilespmem:s25+$0xFFFFFF50]  }
0x236: {  	[tilespmem:s25+$0xFFFFFFC0] =	vst v6;
	v6 =	vld [tilespmem:s25+$0xFFFFFFD0];
	v4 =	vmul.f32 v5, v4  }
0x237: {  	v5 =	vmul.f32 v8, v10;
	v8 =	vld [tilespmem:s23+$0xFFFFFFD0]  }
0x238: {  	[tilespmem:s25+$0x40] =	vst v4;
	v4 =	vld [tilespmem:s25+$0x50]  }
0x239: {  	[tilespmem:s25+$0xFFFFFF40] =	vst v5;
	v5 =	vld [tilespmem:s23+$0x50];
	v7 =	vmul.f32 v9, v7  }
0x23a: {  	v9 =	vld [tilespmem:s23+$0xFFFFFF50]  }
0x23b: {  	[tilespmem:s25+$0xD0] =	vst v7;
	v7 =	vld [tilespmem:s25+$0xE0]  }
0x23c: {  	v6 =	vmul.f32 v8, v6;
	v8 =	vld [tilespmem:s23+$0xE0]  }
0x23d: {  	v10 =	vld [tilespmem:s25+$0xFFFFFF60]  }
0x23e: {  	[tilespmem:s25+$0xFFFFFFD0] =	vst v6;
	v6 =	vld [tilespmem:s25+$0xFFFFFFE0];
	v4 =	vmul.f32 v5, v4  }
0x23f: {  	v5 =	vmul.f32 v9, v11;
	v9 =	vld [tilespmem:s23+$0xFFFFFFE0]  }
0x240: {  	[tilespmem:s25+$0x50] =	vst v4;
	v11 =	vld [tilespmem:s25+$0x60]  }
0x241: {  	[tilespmem:s25+$0xFFFFFF50] =	vst v5;
	v12 =	vld [tilespmem:s23+$0x60];
	v4 =	vmul.f32 v8, v7  }
0x242: {  	v7 =	vld [tilespmem:s23+$0xFFFFFF60]  }
0x243: {  	[tilespmem:s25+$0xE0] =	vst v4;
	v13 =	vld [tilespmem:s25+$0xF0]  }
0x244: {  	v5 =	vmul.f32 v9, v6;
	v9 =	vld [tilespmem:s23+$0xF0]  }
0x245: {  	v4 =	vld [tilespmem:s25+$0xFFFFFF70]  }
.Ltmp5:
0x246: {  	[tilespmem:s25+$0xFFFFFFE0] =	vst v5;
	v5 =	vld [tilespmem:s25+$0xFFFFFFF0];
	v6 =	vmul.f32 v12, v11;
	(pc) =	sbr.rel @p1 .LBB2_9-.Ltmp5, $4  }
0x247: {  	v8 =	vmul.f32 v7, v10;
	v7 =	vld [tilespmem:s23+$0xFFFFFFF0]  }
0x248: {  	[tilespmem:s25+$0x60] =	vst v6;
	v6 =	vld [tilespmem:s25+$0x70]  }
0x249: {  	[tilespmem:s25+$0xFFFFFF60] =	vst v8;
	v8 =	vld [tilespmem:s23+$0x70];
	v10 =	vmul.f32 v9, v13  }
0x24a: {  	s25 =	sadd.s32 $0x200, s25;
	v9 =	vld [tilespmem:s23+$0xFFFFFF70]  }
0x24b: {  	_ =	sdelay $0x1  }
0x24c: {  	v5 =	vmul.f32 v7, v5  }
0x24d: {  	[tilespmem:s22+$0xF0] =	vst v10;
	v6 =	vmul.f32 v8, v6  }
0x24e: {  	[tilespmem:s22+$0xFFFFFFF0] =	vst v5;
	v4 =	vmul.f32 v9, v4  }
0x24f: {  	[tilespmem:s22+$0x70] =	vst v6  }
.Ltmp6:
0x250: {  	s21 =	sadd.s32 $0x15480, s21;
	[tilespmem:s22+$0xFFFFFF70] =	vst v4;
	(pc) =	sbr.rel @p0 .LBB2_12-.Ltmp6, $4  }
0x251: {  	[spmem:s2] =	stream.indirect.scatter.add.f32 [tilespmem:s13], [sflag:$0x4], $0x80, s21, s10, $0xb8;
	[tilespmem:$0x1FC00] =	vst v63  }
0x252: {  	_ =	swait.ge [sflag:s7], $0x2000  }
0x253: {  	[sflag:s7] =	ssyncset.done $0x0  }
0x254: {  	[sflag:s7] =	ssyncadd.s32 $0xFFFFE000  }
.Ltmp7:
0x255: {  	(pc) =	sbr.rel .LBB2_6-.Ltmp7, $4  }
0x256: {  	s21 =	sadd.s32 $0x14180, s20  }
0x257: {  	[tilespmem:s13], [sflag:$0x2] =	stream.indirect.gather [hbm4b:s1+s10], $0x80, s21, s10, $0xb8;
	[tilespmem:$0x1FC00] =	vst v63  }
0x258: {  	s25 =	sadd.s32 $0x16980, s20;
	s19 =	sadd.s32 $0x1, s19  }
0x259: {  	[tilespmem:s15], [sflag:$0x2] =	stream.indirect.gather [hbm4b:s5+s10], $0x80, s25, s10, $0xb8;
	[tilespmem:$0x1FC00] =	vst v63  }
.LBB2_12:
0x25a: {  	s19 =	rddreg [dreg:$0x9]  }
0x25b: {  	[tilespmem:s3], [sflag:$0x4] =	stream.linear.gather [hbm4b:s19+s4], $0x1400, $0x38;
	[tilespmem:$0x1FC00] =	vst v63  }
0x25c: {  	_ =	swait.ge [sflag:s7], $0x1400  }
0x25d: {  	[sflag:s7] =	ssyncset.done $0x0  }
0x25e: {  	s24 =	rddreg [dreg:$0xa];
	[sflag:s7] =	ssyncadd.s32 $0xFFFFEC00  }
0x25f: {  	[tilespmem:s8], [sflag:$0x4] =	stream.linear.gather [hbm4b:s24+s4], $0x1400, $0x38;
	[tilespmem:$0x1FC00] =	vst v63  }
0x260: {  	_ =	swait.ge [sflag:s7], $0x1400  }
0x261: {  	[sflag:s7] =	ssyncset.done $0x0  }
0x262: {  	s25 =	rddreg [dreg:$0xb];
	[sflag:s7] =	ssyncadd.s32 $0xFFFFEC00  }
0x263: {  	[tilespmem:s9], [sflag:$0x4] =	stream.linear.gather [hbm4b:s25+s4], $0x1400, $0x38;
	[tilespmem:$0x1FC00] =	vst v63  }
0x264: {  	_ =	swait.ge [sflag:s7], $0x1400  }
0x265: {  	[sflag:s7] =	ssyncset.done $0x0  }
0x266: {  	s22 =	simm.s32 $0x14100;
	[sflag:s7] =	ssyncadd.s32 $0xFFFFEC00  }
0x267: {  	v4 =	vld [tilespmem:s22+$0x80];
	_ =	sdelay $0x3  }
0x268: {  	v5 =	vld [tilespmem:s22+$0xFFFFFF00]  }
0x269: {  	v6 =	vld [tilespmem:s22+$0xFFFFFF80];
	v4 =	vshll.u32 v4, $0x1  }
0x26a: {  	v7 =	vld [tilespmem:s22+$0x0];
	v4 =	vor.u32 v1, v4  }
0x26b: {  	s19 =	simm.s32 $0x16900;
	[tilespmem:s22+$0x80] =	vst v4  }
0x26c: {  	v4 =	vld [tilespmem:s19+$0x80]  }
0x26d: {  	v5 =	vshll.u32 v5, $0x1  }
0x26e: {  	v6 =	vshll.u32 v6, $0x1;
	v5 =	vor.u32 v1, v5  }
0x26f: {  	v7 =	vshll.u32 v7, $0x1;
	v6 =	vor.u32 v1, v6;
	[tilespmem:s22+$0xFFFFFF00] =	vst v5  }
0x270: {  	[tilespmem:s22+$0xFFFFFF80] =	vst v6;
	v5 =	vor.u32 v1, v7;
	v6 =	vld [tilespmem:s19+$0xFFFFFF00]  }
0x271: {  	v7 =	vld [tilespmem:s19+$0xFFFFFF80];
	[tilespmem:s22+$0x0] =	vst v5;
	v4 =	vshll.u32 v4, $0x1  }
0x272: {  	v5 =	vld [tilespmem:s19+$0x0];
	v4 =	vadd.s32 v4, v2  }
0x273: {  	[tilespmem:s19+$0x80] =	vst v4  }
0x274: {  	v4 =	vld [tilespmem:s22+$0x90]  }
0x275: {  	v6 =	vshll.u32 v6, $0x1  }
0x276: {  	v7 =	vshll.u32 v7, $0x1;
	v6 =	vadd.s32 v6, v0  }
0x277: {  	v7 =	vadd.s32 v7, v2;
	v5 =	vshll.u32 v5, $0x1;
	[tilespmem:s19+$0xFFFFFF00] =	vst v6  }
0x278: {  	[tilespmem:s19+$0xFFFFFF80] =	vst v7;
	v5 =	vadd.s32 v5, v0;
	v6 =	vld [tilespmem:s22+$0xFFFFFF10]  }
0x279: {  	v7 =	vld [tilespmem:s22+$0xFFFFFF90];
	[tilespmem:s19+$0x0] =	vst v5;
	v4 =	vshll.u32 v4, $0x1  }
0x27a: {  	v5 =	vld [tilespmem:s22+$0x10];
	v4 =	vor.u32 v1, v4  }
0x27b: {  	[tilespmem:s22+$0x90] =	vst v4  }
0x27c: {  	v4 =	vld [tilespmem:s19+$0x90]  }
0x27d: {  	v6 =	vshll.u32 v6, $0x1  }
0x27e: {  	v7 =	vshll.u32 v7, $0x1;
	v6 =	vor.u32 v1, v6  }
0x27f: {  	v7 =	vor.u32 v1, v7;
	v5 =	vshll.u32 v5, $0x1;
	[tilespmem:s22+$0xFFFFFF10] =	vst v6  }
0x280: {  	[tilespmem:s22+$0xFFFFFF90] =	vst v7;
	v5 =	vor.u32 v1, v5;
	v6 =	vld [tilespmem:s19+$0xFFFFFF10]  }
0x281: {  	v7 =	vld [tilespmem:s19+$0xFFFFFF90];
	[tilespmem:s22+$0x10] =	vst v5;
	v4 =	vshll.u32 v4, $0x1  }
0x282: {  	s20 =	simm.s32 $0x14300;
	v5 =	vld [tilespmem:s19+$0x10];
	v4 =	vadd.s32 v4, v2  }
0x283: {  	[tilespmem:s19+$0x90] =	vst v4;
	v4 =	vld [tilespmem:s20+$0x80]  }
0x284: {  	v8 =	vld [tilespmem:s22+$0xA0]  }
0x285: {  	v9 =	vld [tilespmem:s20+$0xFFFFFF80];
	v6 =	vshll.u32 v6, $0x1  }
0x286: {  	v10 =	vld [tilespmem:s20+$0x0];
	v7 =	vshll.u32 v7, $0x1;
	v6 =	vadd.s32 v6, v0  }
0x287: {  	v7 =	vadd.s32 v7, v2;
	v5 =	vshll.u32 v5, $0x1;
	[tilespmem:s19+$0xFFFFFF10] =	vst v6;
	v6 =	vld [tilespmem:s20+$0xFFFFFF00]  }
0x288: {  	[tilespmem:s19+$0xFFFFFF90] =	vst v7;
	v5 =	vadd.s32 v5, v0;
	v7 =	vld [tilespmem:s22+$0xFFFFFF20];
	v4 =	vshll.u32 v4, $0x1  }
0x289: {  	[tilespmem:s19+$0x10] =	vst v5;
	v5 =	vld [tilespmem:s22+$0xFFFFFFA0];
	v4 =	vor.u32 v1, v4;
	v8 =	vshll.u32 v8, $0x1  }
0x28a: {  	s21 =	simm.s32 $0x16B00;
	v9 =	vshll.u32 v9, $0x1;
	[tilespmem:s20+$0x80] =	vst v4;
	v4 =	vld [tilespmem:s22+$0x20];
	v8 =	vor.u32 v1, v8  }
0x28b: {  	v10 =	vshll.u32 v10, $0x1;
	v9 =	vor.u32 v1, v9;
	v11 =	vld [tilespmem:s21+$0x80];
	[tilespmem:s22+$0xA0] =	vst v8  }
0x28c: {  	[tilespmem:s20+$0xFFFFFF80] =	vst v9;
	v6 =	vshll.u32 v6, $0x1;
	v8 =	vor.u32 v1, v10;
	v9 =	vld [tilespmem:s19+$0xA0]  }
0x28d: {  	v6 =	vor.u32 v1, v6;
	v7 =	vshll.u32 v7, $0x1;
	v10 =	vld [tilespmem:s21+$0xFFFFFF80];
	[tilespmem:s20+$0x0] =	vst v8  }
0x28e: {  	v5 =	vshll.u32 v5, $0x1;
	[tilespmem:s20+$0xFFFFFF00] =	vst v6;
	v7 =	vor.u32 v1, v7;
	v6 =	vld [tilespmem:s21+$0x0]  }
0x28f: {  	v5 =	vor.u32 v1, v5;
	[tilespmem:s22+$0xFFFFFF20] =	vst v7;
	v8 =	vld [tilespmem:s21+$0xFFFFFF00];
	v4 =	vshll.u32 v4, $0x1  }
0x290: {  	[tilespmem:s22+$0xFFFFFFA0] =	vst v5;
	v7 =	vshll.u32 v11, $0x1;
	v11 =	vld [tilespmem:s19+$0xFFFFFF20];
	v4 =	vor.u32 v1, v4  }
0x291: {  	v5 =	vadd.s32 v7, v2;
	v7 =	vld [tilespmem:s19+$0xFFFFFFA0];
	[tilespmem:s22+$0x20] =	vst v4;
	v4 =	vshll.u32 v9, $0x1  }
0x292: {  	v9 =	vshll.u32 v10, $0x1;
	[tilespmem:s21+$0x80] =	vst v5;
	v5 =	vld [tilespmem:s19+$0x20];
	v4 =	vadd.s32 v4, v2  }
0x293: {  	v9 =	vadd.s32 v9, v2;
	v6 =	vshll.u32 v6, $0x1;
	v10 =	vld [tilespmem:s20+$0x90];
	[tilespmem:s19+$0xA0] =	vst v4  }
0x294: {  	v4 =	vshll.u32 v8, $0x1;
	[tilespmem:s21+$0xFFFFFF80] =	vst v9;
	v6 =	vadd.s32 v6, v0;
	v8 =	vld [tilespmem:s22+$0xB0]  }
0x295: {  	v4 =	vadd.s32 v4, v0;
	v9 =	vld [tilespmem:s20+$0xFFFFFF90];
	[tilespmem:s21+$0x0] =	vst v6;
	v6 =	vshll.u32 v11, $0x1  }
0x296: {  	[tilespmem:s21+$0xFFFFFF00] =	vst v4;
	v4 =	vld [tilespmem:s20+$0x10];
	v6 =	vadd.s32 v6, v0;
	v7 =	vshll.u32 v7, $0x1  }
0x297: {  	v11 =	vld [tilespmem:s20+$0xFFFFFF10];
	[tilespmem:s19+$0xFFFFFF20] =	vst v6;
	v6 =	vadd.s32 v7, v2;
	v5 =	vshll.u32 v5, $0x1  }
0x298: {  	v7 =	vshll.u32 v10, $0x1;
	v10 =	vld [tilespmem:s22+$0xFFFFFF30];
	[tilespmem:s19+$0xFFFFFFA0] =	vst v6;
	v5 =	vadd.s32 v5, v0  }
0x299: {  	v6 =	vor.u32 v1, v7;
	v7 =	vld [tilespmem:s22+$0xFFFFFFB0];
	[tilespmem:s19+$0x20] =	vst v5;
	v5 =	vshll.u32 v8, $0x1  }
0x29a: {  	v8 =	vshll.u32 v9, $0x1;
	[tilespmem:s20+$0x90] =	vst v6;
	v6 =	vld [tilespmem:s22+$0x30];
	v5 =	vor.u32 v1, v5  }
0x29b: {  	v8 =	vor.u32 v1, v8;
	v4 =	vshll.u32 v4, $0x1;
	v12 =	vld [tilespmem:s21+$0x90];
	[tilespmem:s22+$0xB0] =	vst v5  }
0x29c: {  	v5 =	vshll.u32 v11, $0x1;
	[tilespmem:s20+$0xFFFFFF90] =	vst v8;
	v4 =	vor.u32 v1, v4;
	v11 =	vld [tilespmem:s19+$0xB0]  }
0x29d: {  	v5 =	vor.u32 v1, v5;
	v13 =	vld [tilespmem:s21+$0xFFFFFF90];
	[tilespmem:s20+$0x10] =	vst v4;
	v4 =	vshll.u32 v10, $0x1  }
0x29e: {  	[tilespmem:s20+$0xFFFFFF10] =	vst v5;
	v8 =	vld [tilespmem:s21+$0x10];
	v4 =	vor.u32 v1, v4;
	v5 =	vshll.u32 v7, $0x1  }
0x29f: {  	v9 =	vld [tilespmem:s21+$0xFFFFFF10];
	[tilespmem:s22+$0xFFFFFF30] =	vst v4;
	v4 =	vor.u32 v1, v5;
	v6 =	vshll.u32 v6, $0x1  }
0x2a0: {  	v7 =	vshll.u32 v12, $0x1;
	v5 =	vld [tilespmem:s19+$0xFFFFFF30];
	[tilespmem:s22+$0xFFFFFFB0] =	vst v4;
	v6 =	vor.u32 v1, v6  }
0x2a1: {  	v7 =	vadd.s32 v7, v2;
	v4 =	vld [tilespmem:s19+$0xFFFFFFB0];
	[tilespmem:s22+$0x30] =	vst v6;
	v11 =	vshll.u32 v11, $0x1  }
0x2a2: {  	s23 =	simm.s32 $0x14500;
	s22 =	simm.s32 $0x4;
	v10 =	vshll.u32 v13, $0x1;
	[tilespmem:s21+$0x90] =	vst v7;
	v6 =	vld [tilespmem:s19+$0x30];
	v7 =	vadd.s32 v11, v2  }
.LBB2_13:
0x2a3: {  	v11 =	vld [tilespmem:s23+$0x80];
	v10 =	vadd.s32 v10, v2;
	v8 =	vshll.u32 v8, $0x1;
	[tilespmem:s19+$0xB0] =	vst v7  }
0x2a4: {  	s22 =	sadd.s32 $0x4, s22;
	v7 =	vshll.u32 v9, $0x1;
	[tilespmem:s21+$0xFFFFFF90] =	vst v10;
	v8 =	vadd.s32 v8, v0;
	v9 =	vld [tilespmem:s20+$0xA0]  }
0x2a5: {  	p0 =	slt.u32 s22, $0x24;
	v10 =	vld [tilespmem:s23+$0xFFFFFF80];
	v7 =	vadd.s32 v7, v0;
	[tilespmem:s21+$0x10] =	vst v8;
	v5 =	vshll.u32 v5, $0x1  }
0x2a6: {  	v8 =	vld [tilespmem:s23+$0x0];
	[tilespmem:s21+$0xFFFFFF10] =	vst v7;
	v5 =	vadd.s32 v5, v0;
	v4 =	vshll.u32 v4, $0x1  }
0x2a7: {  	v7 =	vld [tilespmem:s23+$0xFFFFFF00];
	[tilespmem:s19+$0xFFFFFF30] =	vst v5;
	v4 =	vadd.s32 v4, v2;
	v5 =	vshll.u32 v6, $0x1  }
0x2a8: {  	v6 =	vshll.u32 v11, $0x1;
	v11 =	vld [tilespmem:s20+$0xFFFFFF20];
	[tilespmem:s19+$0xFFFFFFB0] =	vst v4;
	v4 =	vadd.s32 v5, v0  }
0x2a9: {  	v5 =	vor.u32 v1, v6;
	v6 =	vld [tilespmem:s20+$0xFFFFFFA0];
	v9 =	vshll.u32 v9, $0x1;
	[tilespmem:s19+$0x30] =	vst v4;
	s19 =	smov.u32 s21  }
0x2aa: {  	s21 =	sadd.s32 $0x200, s21;
	v4 =	vshll.u32 v10, $0x1;
	[tilespmem:s23+$0x80] =	vst v5;
	v5 =	vld [tilespmem:s20+$0x20];
	v9 =	vor.u32 v1, v9  }
0x2ab: {  	v4 =	vor.u32 v1, v4;
	v8 =	vshll.u32 v8, $0x1;
	v10 =	vld [tilespmem:s21+$0x80];
	[tilespmem:s20+$0xA0] =	vst v9  }
0x2ac: {  	v7 =	vshll.u32 v7, $0x1;
	[tilespmem:s23+$0xFFFFFF80] =	vst v4;
	v4 =	vor.u32 v1, v8;
	v8 =	vld [tilespmem:s19+$0xA0]  }
0x2ad: {  	v7 =	vor.u32 v1, v7;
	v9 =	vld [tilespmem:s21+$0xFFFFFF80];
	[tilespmem:s23+$0x0] =	vst v4;
	v4 =	vshll.u32 v11, $0x1  }
0x2ae: {  	[tilespmem:s23+$0xFFFFFF00] =	vst v7;
	v7 =	vld [tilespmem:s21+$0x0];
	v4 =	vor.u32 v1, v4;
	v6 =	vshll.u32 v6, $0x1  }
0x2af: {  	v11 =	vld [tilespmem:s21+$0xFFFFFF00];
	[tilespmem:s20+$0xFFFFFF20] =	vst v4;
	v4 =	vor.u32 v1, v6;
	v5 =	vshll.u32 v5, $0x1  }
0x2b0: {  	v6 =	vshll.u32 v10, $0x1;
	v10 =	vld [tilespmem:s19+$0xFFFFFF20];
	[tilespmem:s20+$0xFFFFFFA0] =	vst v4;
	v4 =	vor.u32 v1, v5  }
0x2b1: {  	v5 =	vadd.s32 v6, v2;
	v6 =	vld [tilespmem:s19+$0xFFFFFFA0];
	[tilespmem:s20+$0x20] =	vst v4;
	v4 =	vshll.u32 v8, $0x1  }
0x2b2: {  	v8 =	vshll.u32 v9, $0x1;
	[tilespmem:s21+$0x80] =	vst v5;
	v5 =	vld [tilespmem:s19+$0x20];
	v4 =	vadd.s32 v4, v2  }
0x2b3: {  	v8 =	vadd.s32 v8, v2;
	v7 =	vshll.u32 v7, $0x1;
	v9 =	vld [tilespmem:s23+$0x90];
	[tilespmem:s19+$0xA0] =	vst v4  }
0x2b4: {  	v4 =	vshll.u32 v11, $0x1;
	[tilespmem:s21+$0xFFFFFF80] =	vst v8;
	v7 =	vadd.s32 v7, v0;
	v8 =	vld [tilespmem:s20+$0xB0]  }
0x2b5: {  	v4 =	vadd.s32 v4, v0;
	v11 =	vld [tilespmem:s23+$0xFFFFFF90];
	[tilespmem:s21+$0x0] =	vst v7;
	v7 =	vshll.u32 v10, $0x1  }
0x2b6: {  	[tilespmem:s21+$0xFFFFFF00] =	vst v4;
	v4 =	vld [tilespmem:s23+$0x10];
	v7 =	vadd.s32 v7, v0;
	v6 =	vshll.u32 v6, $0x1  }
0x2b7: {  	v10 =	vld [tilespmem:s23+$0xFFFFFF10];
	[tilespmem:s19+$0xFFFFFF20] =	vst v7;
	v6 =	vadd.s32 v6, v2;
	v5 =	vshll.u32 v5, $0x1  }
0x2b8: {  	v7 =	vshll.u32 v9, $0x1;
	v9 =	vld [tilespmem:s20+$0xFFFFFF30];
	[tilespmem:s19+$0xFFFFFFA0] =	vst v6;
	v5 =	vadd.s32 v5, v0  }
0x2b9: {  	v6 =	vor.u32 v1, v7;
	v7 =	vld [tilespmem:s20+$0xFFFFFFB0];
	[tilespmem:s19+$0x20] =	vst v5;
	v5 =	vshll.u32 v8, $0x1  }
0x2ba: {  	v8 =	vshll.u32 v11, $0x1;
	[tilespmem:s23+$0x90] =	vst v6;
	v6 =	vld [tilespmem:s20+$0x30];
	v5 =	vor.u32 v1, v5  }
0x2bb: {  	v8 =	vor.u32 v1, v8;
	v4 =	vshll.u32 v4, $0x1;
	v11 =	vld [tilespmem:s21+$0x90];
	[tilespmem:s20+$0xB0] =	vst v5  }
0x2bc: {  	v5 =	vshll.u32 v10, $0x1;
	[tilespmem:s23+$0xFFFFFF90] =	vst v8;
	v4 =	vor.u32 v1, v4;
	v10 =	vld [tilespmem:s19+$0xB0]  }
0x2bd: {  	v5 =	vor.u32 v1, v5;
	v12 =	vld [tilespmem:s21+$0xFFFFFF90];
	[tilespmem:s23+$0x10] =	vst v4;
	v4 =	vshll.u32 v9, $0x1  }
.Ltmp8:
0x2be: {  	[tilespmem:s23+$0xFFFFFF10] =	vst v5;
	v8 =	vld [tilespmem:s21+$0x10];
	v4 =	vor.u32 v1, v4;
	v5 =	vshll.u32 v7, $0x1;
	(pc) =	sbr.rel @p0 .LBB2_13-.Ltmp8, $4  }
0x2bf: {  	v9 =	vld [tilespmem:s21+$0xFFFFFF10];
	[tilespmem:s20+$0xFFFFFF30] =	vst v4;
	v4 =	vor.u32 v1, v5;
	v6 =	vshll.u32 v6, $0x1  }
0x2c0: {  	v7 =	vshll.u32 v11, $0x1;
	v5 =	vld [tilespmem:s19+$0xFFFFFF30];
	[tilespmem:s20+$0xFFFFFFB0] =	vst v4;
	v6 =	vor.u32 v1, v6  }
0x2c1: {  	v7 =	vadd.s32 v7, v2;
	v4 =	vld [tilespmem:s19+$0xFFFFFFB0];
	[tilespmem:s20+$0x30] =	vst v6;
	v11 =	vshll.u32 v10, $0x1;
	s20 =	smov.u32 s23  }
0x2c2: {  	s23 =	sadd.s32 $0x200, s23;
	v10 =	vshll.u32 v12, $0x1;
	[tilespmem:s21+$0x90] =	vst v7;
	v6 =	vld [tilespmem:s19+$0x30];
	v7 =	vadd.s32 v11, v2  }
0x2c3: {  	_ = 	snop  }
0x2c4: {  	v9 =	vshll.u32 v9, $0x1  }
0x2c5: {  	v9 =	vadd.s32 v9, v0  }
0x2c6: {  	v10 =	vadd.s32 v10, v2;
	v8 =	vshll.u32 v8, $0x1;
	v11 =	vld [tilespmem:s20+$0xA0];
	[tilespmem:s21+$0xFFFFFF10] =	vst v9  }
0x2c7: {  	[tilespmem:s21+$0xFFFFFF90] =	vst v10;
	v8 =	vadd.s32 v8, v0;
	v9 =	vld [tilespmem:s20+$0xFFFFFF20]  }
0x2c8: {  	[tilespmem:s21+$0x10] =	vst v8;
	v54 =	vld [tilespmem:s20+$0xFFFFFFA0]  }
0x2c9: {  	v55 =	vld [tilespmem:s20+$0x20];
	_ =	sdelay $0x1  }
0x2ca: {  	v11 =	vshll.u32 v11, $0x1  }
0x2cb: {  	v11 =	vor.u32 v1, v11;
	v9 =	vshll.u32 v9, $0x1  }
0x2cc: {  	[tilespmem:s20+$0xA0] =	vst v11;
	v8 =	vshll.u32 v54, $0x1;
	v9 =	vor.u32 v1, v9  }
0x2cd: {  	v11 =	vld [tilespmem:s21+$0xA0];
	v8 =	vor.u32 v1, v8;
	v56 =	vshll.u32 v55, $0x1;
	[tilespmem:s20+$0xFFFFFF20] =	vst v9  }
0x2ce: {  	[tilespmem:s20+$0xFFFFFFA0] =	vst v8;
	v58 =	vor.u32 v1, v56;
	v57 =	vld [tilespmem:s21+$0xFFFFFF20]  }
0x2cf: {  	v59 =	vld [tilespmem:s21+$0xFFFFFFA0];
	[tilespmem:s20+$0x20] =	vst v58  }
0x2d0: {  	v8 =	vld [tilespmem:s21+$0x20];
	_ =	sdelay $0x1  }
0x2d1: {  	v11 =	vshll.u32 v11, $0x1  }
0x2d2: {  	v11 =	vadd.s32 v11, v2;
	v10 =	vshll.u32 v57, $0x1  }
0x2d3: {  	[tilespmem:s21+$0xA0] =	vst v11;
	v9 =	vshll.u32 v59, $0x1;
	v10 =	vadd.s32 v10, v0  }
0x2d4: {  	v11 =	vld [tilespmem:s20+$0xB0];
	v9 =	vadd.s32 v9, v2;
	v8 =	vshll.u32 v8, $0x1;
	[tilespmem:s21+$0xFFFFFF20] =	vst v10  }
0x2d5: {  	[tilespmem:s21+$0xFFFFFFA0] =	vst v9;
	v8 =	vadd.s32 v8, v0;
	v10 =	vld [tilespmem:s20+$0xFFFFFF30]  }
0x2d6: {  	v9 =	vld [tilespmem:s20+$0xFFFFFFB0];
	[tilespmem:s21+$0x20] =	vst v8  }
0x2d7: {  	v8 =	vld [tilespmem:s20+$0x30];
	_ =	sdelay $0x1  }
0x2d8: {  	v11 =	vshll.u32 v11, $0x1  }
0x2d9: {  	v11 =	vor.u32 v1, v11;
	v10 =	vshll.u32 v10, $0x1  }
0x2da: {  	[tilespmem:s20+$0xB0] =	vst v11;
	v9 =	vshll.u32 v9, $0x1;
	v10 =	vor.u32 v1, v10  }
0x2db: {  	v60 =	vld [tilespmem:s21+$0xB0];
	v9 =	vor.u32 v1, v9;
	v8 =	vshll.u32 v8, $0x1;
	[tilespmem:s20+$0xFFFFFF30] =	vst v10  }
0x2dc: {  	[tilespmem:s20+$0xFFFFFFB0] =	vst v9;
	v8 =	vor.u32 v1, v8;
	v61 =	vld [tilespmem:s21+$0xFFFFFF30]  }
0x2dd: {  	v5 =	vshll.u32 v5, $0x1;
	[tilespmem:s20+$0x30] =	vst v8;
	v62 =	vld [tilespmem:s21+$0xFFFFFFB0]  }
0x2de: {  	[tilespmem:s19+$0xB0] =	vst v7;
	v5 =	vadd.s32 v5, v0;
	v4 =	vshll.u32 v4, $0x1;
	v63 =	vld [tilespmem:s21+$0x30]  }
0x2df: {  	[tilespmem:s19+$0xFFFFFF30] =	vst v5;
	v4 =	vadd.s32 v4, v2;
	v5 =	vshll.u32 v6, $0x1  }
0x2e0: {  	[tilespmem:s19+$0xFFFFFFB0] =	vst v4;
	v4 =	vadd.s32 v5, v0;
	v5 =	vshll.u32 v60, $0x1  }
0x2e1: {  	[tilespmem:s19+$0x30] =	vst v4;
	v4 =	vadd.s32 v5, v2;
	v5 =	vshll.u32 v61, $0x1  }
0x2e2: {  	[tilespmem:s21+$0xB0] =	vst v4;
	v4 =	vadd.s32 v5, v0;
	v5 =	vshll.u32 v62, $0x1  }
0x2e3: {  	[tilespmem:s21+$0xFFFFFF30] =	vst v4;
	v4 =	vadd.s32 v5, v2;
	v5 =	vshll.u32 v63, $0x1  }
0x2e4: {  	[tilespmem:s21+$0xFFFFFFB0] =	vst v4;
	v4 =	vadd.s32 v5, v0  }
0x2e5: {  	[tilespmem:s21+$0x30] =	vst v4  }
0x2e6: {  	[tilespmem:s31], [sflag:$0x1] =	stream.indirect.gather [hbm4b:s1+s10], $0x80, s3, s10, $0xb8;
	[tilespmem:$0x1FC00] =	vst v63  }
0x2e7: {  	_ = 	snop  }
0x2e8: {  	[tilespmem:s11], [sflag:$0x1] =	stream.indirect.gather [hbm4b:s5+s10], $0x80, s9, s10, $0xb8;
	[tilespmem:$0x1FC00] =	vst v63  }
0x2e9: {  	_ = 	snop  }
0x2ea: {  	[tilespmem:s13], [sflag:$0x2] =	stream.indirect.gather [hbm4b:s1+s10], $0x80, s12, s10, $0xb8;
	[tilespmem:$0x1FC00] =	vst v63  }
0x2eb: {  	s19 =	simm.s32 $0x0  }
0x2ec: {  	[tilespmem:s15], [sflag:$0x2] =	stream.indirect.gather [hbm4b:s5+s10], $0x80, s14, s10, $0xb8;
	[tilespmem:$0x1FC00] =	vst v63  }
.LBB2_15:
0x2ed: {  	_ =	swait.ge [sflag:s16], $0x2000  }
0x2ee: {  	[sflag:s16] =	ssyncset.done $0x0  }
0x2ef: {  	[sflag:s16] =	ssyncadd.s32 $0xFFFFE000  }
0x2f0: {  	_ =	swait.ge [sflag:s16], $0x2000  }
0x2f1: {  	[sflag:s16] =	ssyncset.done $0x0  }
0x2f2: {  	s22 =	simm.s32 $0x17D00;
	[sflag:s16] =	ssyncadd.s32 $0xFFFFE000  }
0x2f3: {  	s20 =	simm.s32 $0x1BD00;
	v4 =	vld [tilespmem:s22+$0x80]  }
0x2f4: {  	v5 =	vld [tilespmem:s20+$0x80]  }
0x2f5: {  	v6 =	vld [tilespmem:s22+$0xFFFFFF80]  }
0x2f6: {  	v7 =	vld [tilespmem:s20+$0xFFFFFF80]  }
0x2f7: {  	v8 =	vld [tilespmem:s22+$0x0]  }
0x2f8: {  	v9 =	vld [tilespmem:s20+$0x0]  }
0x2f9: {  	v10 =	vld [tilespmem:s22+$0xFFFFFF00];
	v4 =	vmul.f32 v5, v4  }
0x2fa: {  	v5 =	vld [tilespmem:s20+$0xFFFFFF00]  }
0x2fb: {  	[tilespmem:s22+$0x80] =	vst v4;
	v4 =	vld [tilespmem:s22+$0x90]  }
0x2fc: {  	v6 =	vmul.f32 v7, v6;
	v7 =	vld [tilespmem:s20+$0x90]  }
0x2fd: {  	v11 =	vld [tilespmem:s22+$0xFFFFFF10]  }
0x2fe: {  	[tilespmem:s22+$0xFFFFFF80] =	vst v6;
	v6 =	vmul.f32 v9, v8;
	v8 =	vld [tilespmem:s22+$0xFFFFFF90]  }
0x2ff: {  	v9 =	vld [tilespmem:s20+$0xFFFFFF90];
	v5 =	vmul.f32 v5, v10  }
0x300: {  	[tilespmem:s22+$0x0] =	vst v6;
	v6 =	vld [tilespmem:s22+$0x10]  }
0x301: {  	v10 =	vld [tilespmem:s20+$0x10];
	[tilespmem:s22+$0xFFFFFF00] =	vst v5;
	v4 =	vmul.f32 v7, v4  }
0x302: {  	v5 =	vld [tilespmem:s20+$0xFFFFFF10]  }
0x303: {  	[tilespmem:s22+$0x90] =	vst v4;
	v4 =	vld [tilespmem:s22+$0xA0]  }
0x304: {  	v7 =	vmul.f32 v9, v8;
	v8 =	vld [tilespmem:s20+$0xA0]  }
0x305: {  	v9 =	vld [tilespmem:s22+$0xFFFFFF20]  }
0x306: {  	[tilespmem:s22+$0xFFFFFF90] =	vst v7;
	v6 =	vmul.f32 v10, v6;
	v7 =	vld [tilespmem:s22+$0xFFFFFFA0]  }
0x307: {  	v10 =	vld [tilespmem:s20+$0xFFFFFFA0];
	v5 =	vmul.f32 v5, v11  }
0x308: {  	[tilespmem:s22+$0x10] =	vst v6;
	v6 =	vld [tilespmem:s22+$0x20]  }
0x309: {  	v11 =	vld [tilespmem:s20+$0x20];
	[tilespmem:s22+$0xFFFFFF10] =	vst v5;
	v4 =	vmul.f32 v8, v4  }
0x30a: {  	v5 =	vld [tilespmem:s20+$0xFFFFFF20]  }
0x30b: {  	[tilespmem:s22+$0xA0] =	vst v4;
	v4 =	vld [tilespmem:s22+$0xB0]  }
0x30c: {  	v7 =	vmul.f32 v10, v7;
	v8 =	vld [tilespmem:s20+$0xB0]  }
0x30d: {  	v10 =	vld [tilespmem:s22+$0xFFFFFF30]  }
0x30e: {  	[tilespmem:s22+$0xFFFFFFA0] =	vst v7;
	v6 =	vmul.f32 v11, v6;
	v7 =	vld [tilespmem:s22+$0xFFFFFFB0]  }
0x30f: {  	v11 =	vld [tilespmem:s20+$0xFFFFFFB0];
	v5 =	vmul.f32 v5, v9  }
0x310: {  	[tilespmem:s22+$0x20] =	vst v6;
	v6 =	vld [tilespmem:s22+$0x30]  }
0x311: {  	v9 =	vld [tilespmem:s20+$0x30];
	[tilespmem:s22+$0xFFFFFF20] =	vst v5;
	v4 =	vmul.f32 v8, v4  }
0x312: {  	v5 =	vld [tilespmem:s20+$0xFFFFFF30]  }
0x313: {  	[tilespmem:s22+$0xB0] =	vst v4;
	v4 =	vld [tilespmem:s22+$0xC0]  }
0x314: {  	v7 =	vmul.f32 v11, v7;
	v8 =	vld [tilespmem:s20+$0xC0]  }
0x315: {  	v11 =	vld [tilespmem:s22+$0xFFFFFF40]  }
0x316: {  	[tilespmem:s22+$0xFFFFFFB0] =	vst v7;
	v6 =	vmul.f32 v9, v6;
	v7 =	vld [tilespmem:s22+$0xFFFFFFC0]  }
0x317: {  	v9 =	vld [tilespmem:s20+$0xFFFFFFC0];
	v5 =	vmul.f32 v5, v10  }
0x318: {  	[tilespmem:s22+$0x30] =	vst v6;
	v6 =	vld [tilespmem:s22+$0x40]  }
0x319: {  	v10 =	vld [tilespmem:s20+$0x40];
	[tilespmem:s22+$0xFFFFFF30] =	vst v5;
	v4 =	vmul.f32 v8, v4  }
0x31a: {  	v5 =	vld [tilespmem:s20+$0xFFFFFF40]  }
0x31b: {  	[tilespmem:s22+$0xC0] =	vst v4;
	v4 =	vld [tilespmem:s22+$0xD0]  }
0x31c: {  	v7 =	vmul.f32 v9, v7;
	v8 =	vld [tilespmem:s20+$0xD0]  }
0x31d: {  	v9 =	vld [tilespmem:s22+$0xFFFFFF50]  }
0x31e: {  	[tilespmem:s22+$0xFFFFFFC0] =	vst v7;
	v6 =	vmul.f32 v10, v6;
	v7 =	vld [tilespmem:s22+$0xFFFFFFD0]  }
0x31f: {  	v10 =	vld [tilespmem:s20+$0xFFFFFFD0];
	v5 =	vmul.f32 v5, v11  }
0x320: {  	[tilespmem:s22+$0x40] =	vst v6;
	v6 =	vld [tilespmem:s22+$0x50]  }
0x321: {  	v11 =	vld [tilespmem:s20+$0x50];
	[tilespmem:s22+$0xFFFFFF40] =	vst v5;
	v4 =	vmul.f32 v8, v4  }
0x322: {  	v5 =	vld [tilespmem:s20+$0xFFFFFF50]  }
0x323: {  	[tilespmem:s22+$0xD0] =	vst v4;
	v4 =	vld [tilespmem:s22+$0xE0]  }
0x324: {  	v7 =	vmul.f32 v10, v7;
	v8 =	vld [tilespmem:s20+$0xE0]  }
0x325: {  	v10 =	vld [tilespmem:s22+$0xFFFFFF60]  }
0x326: {  	[tilespmem:s22+$0xFFFFFFD0] =	vst v7;
	v6 =	vmul.f32 v11, v6;
	v7 =	vld [tilespmem:s22+$0xFFFFFFE0]  }
0x327: {  	v11 =	vld [tilespmem:s20+$0xFFFFFFE0];
	v5 =	vmul.f32 v5, v9  }
0x328: {  	[tilespmem:s22+$0x50] =	vst v6;
	v6 =	vld [tilespmem:s22+$0x60]  }
0x329: {  	v9 =	vld [tilespmem:s20+$0x60];
	[tilespmem:s22+$0xFFFFFF50] =	vst v5;
	v4 =	vmul.f32 v8, v4  }
0x32a: {  	v8 =	vld [tilespmem:s20+$0xFFFFFF60]  }
0x32b: {  	v12 =	vld [tilespmem:s22+$0xF0];
	[tilespmem:s22+$0xE0] =	vst v4  }
0x32c: {  	v5 =	vmul.f32 v11, v7;
	v11 =	vld [tilespmem:s20+$0xF0]  }
0x32d: {  	v4 =	vld [tilespmem:s22+$0xFFFFFF70]  }
0x32e: {  	[tilespmem:s22+$0xFFFFFFE0] =	vst v5;
	v6 =	vmul.f32 v9, v6;
	v5 =	vld [tilespmem:s22+$0xFFFFFFF0]  }
0x32f: {  	v7 =	vld [tilespmem:s20+$0xFFFFFFF0];
	v8 =	vmul.f32 v8, v10  }
0x330: {  	[tilespmem:s22+$0x60] =	vst v6;
	v6 =	vld [tilespmem:s22+$0x70]  }
0x331: {  	[tilespmem:s22+$0xFFFFFF60] =	vst v8;
	v8 =	vld [tilespmem:s20+$0x70];
	v10 =	vmul.f32 v11, v12  }
0x332: {  	s21 =	simm.s32 $0x0;
	s23 =	simm.s32 $0x17F00;
	v9 =	vld [tilespmem:s20+$0xFFFFFF70]  }
.LBB2_16:
0x333: {  	v11 =	vld [tilespmem:s23+$0x80];
	[tilespmem:s22+$0xF0] =	vst v10;
	s20 =	sadd.s32 $0x200, s20  }
0x334: {  	s21 =	sadd.s32 $0x4, s21;
	v10 =	vld [tilespmem:s20+$0x80];
	v5 =	vmul.f32 v7, v5  }
0x335: {  	p0 =	slt.u32 s21, $0x3C;
	v7 =	vld [tilespmem:s20+$0xFFFFFF00]  }
0x336: {  	v12 =	vld [tilespmem:s23+$0xFFFFFF80];
	[tilespmem:s22+$0xFFFFFFF0] =	vst v5;
	v5 =	vmul.f32 v8, v6  }
0x337: {  	v6 =	vld [tilespmem:s20+$0xFFFFFF80];
	v4 =	vmul.f32 v9, v4  }
0x338: {  	v8 =	vld [tilespmem:s23+$0x0];
	[tilespmem:s22+$0x70] =	vst v5  }
0x339: {  	v5 =	vld [tilespmem:s20+$0x0];
	v9 =	vmul.f32 v10, v11;
	[tilespmem:s22+$0xFFFFFF70] =	vst v4;
	s22 =	smov.u32 s23  }
0x33a: {  	v4 =	vld [tilespmem:s23+$0xFFFFFF00]  }
0x33b: {  	[tilespmem:s23+$0x80] =	vst v9;
	v9 =	vld [tilespmem:s23+$0x90]  }
0x33c: {  	v6 =	vmul.f32 v6, v12;
	v10 =	vld [tilespmem:s20+$0x90]  }
0x33d: {  	v11 =	vld [tilespmem:s23+$0xFFFFFF10]  }
0x33e: {  	[tilespmem:s23+$0xFFFFFF80] =	vst v6;
	v6 =	vld [tilespmem:s23+$0xFFFFFF90];
	v5 =	vmul.f32 v5, v8  }
0x33f: {  	v4 =	vmul.f32 v7, v4;
	v7 =	vld [tilespmem:s20+$0xFFFFFF90]  }
0x340: {  	[tilespmem:s23+$0x0] =	vst v5;
	v5 =	vld [tilespmem:s23+$0x10]  }
0x341: {  	[tilespmem:s23+$0xFFFFFF00] =	vst v4;
	v4 =	vld [tilespmem:s20+$0x10];
	v8 =	vmul.f32 v10, v9  }
0x342: {  	v9 =	vld [tilespmem:s20+$0xFFFFFF10]  }
0x343: {  	[tilespmem:s23+$0x90] =	vst v8;
	v8 =	vld [tilespmem:s23+$0xA0]  }
0x344: {  	v6 =	vmul.f32 v7, v6;
	v7 =	vld [tilespmem:s20+$0xA0]  }
0x345: {  	v10 =	vld [tilespmem:s23+$0xFFFFFF20]  }
0x346: {  	[tilespmem:s23+$0xFFFFFF90] =	vst v6;
	v6 =	vld [tilespmem:s23+$0xFFFFFFA0];
	v4 =	vmul.f32 v4, v5  }
0x347: {  	v5 =	vmul.f32 v9, v11;
	v9 =	vld [tilespmem:s20+$0xFFFFFFA0]  }
0x348: {  	[tilespmem:s23+$0x10] =	vst v4;
	v4 =	vld [tilespmem:s23+$0x20]  }
0x349: {  	[tilespmem:s23+$0xFFFFFF10] =	vst v5;
	v5 =	vld [tilespmem:s20+$0x20];
	v7 =	vmul.f32 v7, v8  }
0x34a: {  	v8 =	vld [tilespmem:s20+$0xFFFFFF20]  }
0x34b: {  	[tilespmem:s23+$0xA0] =	vst v7;
	v7 =	vld [tilespmem:s23+$0xB0]  }
0x34c: {  	v6 =	vmul.f32 v9, v6;
	v9 =	vld [tilespmem:s20+$0xB0]  }
0x34d: {  	v11 =	vld [tilespmem:s23+$0xFFFFFF30]  }
0x34e: {  	[tilespmem:s23+$0xFFFFFFA0] =	vst v6;
	v6 =	vld [tilespmem:s23+$0xFFFFFFB0];
	v4 =	vmul.f32 v5, v4  }
0x34f: {  	v5 =	vmul.f32 v8, v10;
	v8 =	vld [tilespmem:s20+$0xFFFFFFB0]  }
0x350: {  	[tilespmem:s23+$0x20] =	vst v4;
	v4 =	vld [tilespmem:s23+$0x30]  }
0x351: {  	[tilespmem:s23+$0xFFFFFF20] =	vst v5;
	v5 =	vld [tilespmem:s20+$0x30];
	v7 =	vmul.f32 v9, v7  }
0x352: {  	v9 =	vld [tilespmem:s20+$0xFFFFFF30]  }
0x353: {  	[tilespmem:s23+$0xB0] =	vst v7;
	v7 =	vld [tilespmem:s23+$0xC0]  }
0x354: {  	v6 =	vmul.f32 v8, v6;
	v8 =	vld [tilespmem:s20+$0xC0]  }
0x355: {  	v10 =	vld [tilespmem:s23+$0xFFFFFF40]  }
0x356: {  	[tilespmem:s23+$0xFFFFFFB0] =	vst v6;
	v6 =	vld [tilespmem:s23+$0xFFFFFFC0];
	v4 =	vmul.f32 v5, v4  }
0x357: {  	v5 =	vmul.f32 v9, v11;
	v9 =	vld [tilespmem:s20+$0xFFFFFFC0]  }
0x358: {  	[tilespmem:s23+$0x30] =	vst v4;
	v4 =	vld [tilespmem:s23+$0x40]  }
0x359: {  	[tilespmem:s23+$0xFFFFFF30] =	vst v5;
	v5 =	vld [tilespmem:s20+$0x40];
	v7 =	vmul.f32 v8, v7  }
0x35a: {  	v8 =	vld [tilespmem:s20+$0xFFFFFF40]  }
0x35b: {  	[tilespmem:s23+$0xC0] =	vst v7;
	v7 =	vld [tilespmem:s23+$0xD0]  }
0x35c: {  	v6 =	vmul.f32 v9, v6;
	v9 =	vld [tilespmem:s20+$0xD0]  }
0x35d: {  	v11 =	vld [tilespmem:s23+$0xFFFFFF50]  }
0x35e: {  	[tilespmem:s23+$0xFFFFFFC0] =	vst v6;
	v6 =	vld [tilespmem:s23+$0xFFFFFFD0];
	v4 =	vmul.f32 v5, v4  }
0x35f: {  	v5 =	vmul.f32 v8, v10;
	v8 =	vld [tilespmem:s20+$0xFFFFFFD0]  }
0x360: {  	[tilespmem:s23+$0x40] =	vst v4;
	v4 =	vld [tilespmem:s23+$0x50]  }
0x361: {  	[tilespmem:s23+$0xFFFFFF40] =	vst v5;
	v5 =	vld [tilespmem:s20+$0x50];
	v7 =	vmul.f32 v9, v7  }
0x362: {  	v9 =	vld [tilespmem:s20+$0xFFFFFF50]  }
0x363: {  	[tilespmem:s23+$0xD0] =	vst v7;
	v7 =	vld [tilespmem:s23+$0xE0]  }
0x364: {  	v6 =	vmul.f32 v8, v6;
	v8 =	vld [tilespmem:s20+$0xE0]  }
0x365: {  	v10 =	vld [tilespmem:s23+$0xFFFFFF60]  }
0x366: {  	[tilespmem:s23+$0xFFFFFFD0] =	vst v6;
	v6 =	vld [tilespmem:s23+$0xFFFFFFE0];
	v4 =	vmul.f32 v5, v4  }
0x367: {  	v5 =	vmul.f32 v9, v11;
	v9 =	vld [tilespmem:s20+$0xFFFFFFE0]  }
0x368: {  	[tilespmem:s23+$0x50] =	vst v4;
	v11 =	vld [tilespmem:s23+$0x60]  }
0x369: {  	[tilespmem:s23+$0xFFFFFF50] =	vst v5;
	v12 =	vld [tilespmem:s20+$0x60];
	v4 =	vmul.f32 v8, v7  }
0x36a: {  	v7 =	vld [tilespmem:s20+$0xFFFFFF60]  }
0x36b: {  	[tilespmem:s23+$0xE0] =	vst v4;
	v13 =	vld [tilespmem:s23+$0xF0]  }
0x36c: {  	v5 =	vmul.f32 v9, v6;
	v9 =	vld [tilespmem:s20+$0xF0]  }
0x36d: {  	v4 =	vld [tilespmem:s23+$0xFFFFFF70]  }
.Ltmp9:
0x36e: {  	[tilespmem:s23+$0xFFFFFFE0] =	vst v5;
	v5 =	vld [tilespmem:s23+$0xFFFFFFF0];
	v6 =	vmul.f32 v12, v11;
	(pc) =	sbr.rel @p0 .LBB2_16-.Ltmp9, $4  }
0x36f: {  	v8 =	vmul.f32 v7, v10;
	v7 =	vld [tilespmem:s20+$0xFFFFFFF0]  }
0x370: {  	[tilespmem:s23+$0x60] =	vst v6;
	v6 =	vld [tilespmem:s23+$0x70]  }
0x371: {  	[tilespmem:s23+$0xFFFFFF60] =	vst v8;
	v8 =	vld [tilespmem:s20+$0x70];
	v10 =	vmul.f32 v9, v13  }
0x372: {  	s23 =	sadd.s32 $0x200, s23;
	v9 =	vld [tilespmem:s20+$0xFFFFFF70]  }
0x373: {  	_ =	sdelay $0x1  }
0x374: {  	v5 =	vmul.f32 v7, v5  }
0x375: {  	[tilespmem:s22+$0xF0] =	vst v10;
	v6 =	vmul.f32 v8, v6  }
0x376: {  	s20 =	sshll.u32 s19, $0x8;
	[tilespmem:s22+$0xFFFFFFF0] =	vst v5;
	v4 =	vmul.f32 v9, v4  }
0x377: {  	s21 =	sand.u32 $0x3FFFFF00, s20;
	[tilespmem:s22+$0x70] =	vst v6  }
0x378: {  	s25 =	sadd.s32 $0x15400, s21;
	[tilespmem:s22+$0xFFFFFF70] =	vst v4  }
0x379: {  	[spmem:s2] =	stream.indirect.scatter.add.f32 [tilespmem:s31], [sflag:$0x4], $0x80, s25, s10, $0xb8;
	[tilespmem:$0x1FC00] =	vst v63  }
0x37a: {  	p0 =	seq.s32 s19, $0x13;
	_ =	swait.ge [sflag:s7], $0x2000  }
0x37b: {  	s23 =	simm.s32 @!p0 $0x40;
	[sflag:s7] =	ssyncset.done $0x0  }
0x37c: {  	s24 =	simm.s32 @!p0 $0x17C00;
	s22 =	sadd.s32 @!p0 $0x14100, s20;
	[sflag:s7] =	ssyncadd.s32 $0xFFFFE000  }
0x37d: {  	[tilespmem:s24], [sflag:$0x1] =	stream.indirect.gather @!p0 [hbm4b:s1+s23], $0x80, s22, s23, $0xb8;
	[tilespmem:$0x1FC00] =	vst v63  }
0x37e: {  	s22 =	sadd.s32 @!p0 $0x16900, s20;
	s24 =	simm.s32 @!p0 $0x1BC00  }
0x37f: {  	[tilespmem:s24], [sflag:$0x1] =	stream.indirect.gather @!p0 [hbm4b:s5+s23], $0x80, s22, s23, $0xb8;
	[tilespmem:$0x1FC00] =	vst v63  }
0x380: {  	_ =	swait.ge [sflag:s17], $0x2000  }
0x381: {  	[sflag:s17] =	ssyncset.done $0x0  }
0x382: {  	[sflag:s17] =	ssyncadd.s32 $0xFFFFE000  }
0x383: {  	_ =	swait.ge [sflag:s17], $0x2000  }
0x384: {  	[sflag:s17] =	ssyncset.done $0x0  }
0x385: {  	s22 =	simm.s32 $0x19D00;
	[sflag:s17] =	ssyncadd.s32 $0xFFFFE000  }
0x386: {  	s23 =	simm.s32 $0x1DD00;
	v4 =	vld [tilespmem:s22+$0x80]  }
0x387: {  	v5 =	vld [tilespmem:s23+$0x80]  }
0x388: {  	v6 =	vld [tilespmem:s22+$0xFFFFFF80]  }
0x389: {  	v7 =	vld [tilespmem:s23+$0xFFFFFF80]  }
0x38a: {  	v8 =	vld [tilespmem:s22+$0x0]  }
0x38b: {  	v9 =	vld [tilespmem:s23+$0x0]  }
0x38c: {  	v10 =	vld [tilespmem:s22+$0xFFFFFF00];
	v4 =	vmul.f32 v5, v4  }
0x38d: {  	v5 =	vld [tilespmem:s23+$0xFFFFFF00]  }
0x38e: {  	[tilespmem:s22+$0x80] =	vst v4;
	v4 =	vld [tilespmem:s22+$0x90]  }
0x38f: {  	v6 =	vmul.f32 v7, v6;
	v7 =	vld [tilespmem:s23+$0x90]  }
0x390: {  	v11 =	vld [tilespmem:s22+$0xFFFFFF10]  }
0x391: {  	[tilespmem:s22+$0xFFFFFF80] =	vst v6;
	v6 =	vmul.f32 v9, v8;
	v8 =	vld [tilespmem:s22+$0xFFFFFF90]  }
0x392: {  	v9 =	vld [tilespmem:s23+$0xFFFFFF90];
	v5 =	vmul.f32 v5, v10  }
0x393: {  	[tilespmem:s22+$0x0] =	vst v6;
	v6 =	vld [tilespmem:s22+$0x10]  }
0x394: {  	v10 =	vld [tilespmem:s23+$0x10];
	[tilespmem:s22+$0xFFFFFF00] =	vst v5;
	v4 =	vmul.f32 v7, v4  }
0x395: {  	v5 =	vld [tilespmem:s23+$0xFFFFFF10]  }
0x396: {  	[tilespmem:s22+$0x90] =	vst v4;
	v4 =	vld [tilespmem:s22+$0xA0]  }
0x397: {  	v7 =	vmul.f32 v9, v8;
	v8 =	vld [tilespmem:s23+$0xA0]  }
0x398: {  	v9 =	vld [tilespmem:s22+$0xFFFFFF20]  }
0x399: {  	[tilespmem:s22+$0xFFFFFF90] =	vst v7;
	v6 =	vmul.f32 v10, v6;
	v7 =	vld [tilespmem:s22+$0xFFFFFFA0]  }
0x39a: {  	v10 =	vld [tilespmem:s23+$0xFFFFFFA0];
	v5 =	vmul.f32 v5, v11  }
0x39b: {  	[tilespmem:s22+$0x10] =	vst v6;
	v6 =	vld [tilespmem:s22+$0x20]  }
0x39c: {  	v11 =	vld [tilespmem:s23+$0x20];
	[tilespmem:s22+$0xFFFFFF10] =	vst v5;
	v4 =	vmul.f32 v8, v4  }
0x39d: {  	v5 =	vld [tilespmem:s23+$0xFFFFFF20]  }
0x39e: {  	[tilespmem:s22+$0xA0] =	vst v4;
	v4 =	vld [tilespmem:s22+$0xB0]  }
0x39f: {  	v7 =	vmul.f32 v10, v7;
	v8 =	vld [tilespmem:s23+$0xB0]  }
0x3a0: {  	v10 =	vld [tilespmem:s22+$0xFFFFFF30]  }
0x3a1: {  	[tilespmem:s22+$0xFFFFFFA0] =	vst v7;
	v6 =	vmul.f32 v11, v6;
	v7 =	vld [tilespmem:s22+$0xFFFFFFB0]  }
0x3a2: {  	v11 =	vld [tilespmem:s23+$0xFFFFFFB0];
	v5 =	vmul.f32 v5, v9  }
0x3a3: {  	[tilespmem:s22+$0x20] =	vst v6;
	v6 =	vld [tilespmem:s22+$0x30]  }
0x3a4: {  	v9 =	vld [tilespmem:s23+$0x30];
	[tilespmem:s22+$0xFFFFFF20] =	vst v5;
	v4 =	vmul.f32 v8, v4  }
0x3a5: {  	v5 =	vld [tilespmem:s23+$0xFFFFFF30]  }
0x3a6: {  	[tilespmem:s22+$0xB0] =	vst v4;
	v4 =	vld [tilespmem:s22+$0xC0]  }
0x3a7: {  	v7 =	vmul.f32 v11, v7;
	v8 =	vld [tilespmem:s23+$0xC0]  }
0x3a8: {  	v11 =	vld [tilespmem:s22+$0xFFFFFF40]  }
0x3a9: {  	[tilespmem:s22+$0xFFFFFFB0] =	vst v7;
	v6 =	vmul.f32 v9, v6;
	v7 =	vld [tilespmem:s22+$0xFFFFFFC0]  }
0x3aa: {  	v9 =	vld [tilespmem:s23+$0xFFFFFFC0];
	v5 =	vmul.f32 v5, v10  }
0x3ab: {  	[tilespmem:s22+$0x30] =	vst v6;
	v6 =	vld [tilespmem:s22+$0x40]  }
0x3ac: {  	v10 =	vld [tilespmem:s23+$0x40];
	[tilespmem:s22+$0xFFFFFF30] =	vst v5;
	v4 =	vmul.f32 v8, v4  }
0x3ad: {  	v5 =	vld [tilespmem:s23+$0xFFFFFF40]  }
0x3ae: {  	[tilespmem:s22+$0xC0] =	vst v4;
	v4 =	vld [tilespmem:s22+$0xD0]  }
0x3af: {  	v7 =	vmul.f32 v9, v7;
	v8 =	vld [tilespmem:s23+$0xD0]  }
0x3b0: {  	v9 =	vld [tilespmem:s22+$0xFFFFFF50]  }
0x3b1: {  	[tilespmem:s22+$0xFFFFFFC0] =	vst v7;
	v6 =	vmul.f32 v10, v6;
	v7 =	vld [tilespmem:s22+$0xFFFFFFD0]  }
0x3b2: {  	v10 =	vld [tilespmem:s23+$0xFFFFFFD0];
	v5 =	vmul.f32 v5, v11  }
0x3b3: {  	[tilespmem:s22+$0x40] =	vst v6;
	v6 =	vld [tilespmem:s22+$0x50]  }
0x3b4: {  	v11 =	vld [tilespmem:s23+$0x50];
	[tilespmem:s22+$0xFFFFFF40] =	vst v5;
	v4 =	vmul.f32 v8, v4  }
0x3b5: {  	v5 =	vld [tilespmem:s23+$0xFFFFFF50]  }
0x3b6: {  	[tilespmem:s22+$0xD0] =	vst v4;
	v4 =	vld [tilespmem:s22+$0xE0]  }
0x3b7: {  	v7 =	vmul.f32 v10, v7;
	v8 =	vld [tilespmem:s23+$0xE0]  }
0x3b8: {  	v10 =	vld [tilespmem:s22+$0xFFFFFF60]  }
0x3b9: {  	[tilespmem:s22+$0xFFFFFFD0] =	vst v7;
	v6 =	vmul.f32 v11, v6;
	v7 =	vld [tilespmem:s22+$0xFFFFFFE0]  }
0x3ba: {  	v11 =	vld [tilespmem:s23+$0xFFFFFFE0];
	v5 =	vmul.f32 v5, v9  }
0x3bb: {  	[tilespmem:s22+$0x50] =	vst v6;
	v6 =	vld [tilespmem:s22+$0x60]  }
0x3bc: {  	v9 =	vld [tilespmem:s23+$0x60];
	[tilespmem:s22+$0xFFFFFF50] =	vst v5;
	v4 =	vmul.f32 v8, v4  }
0x3bd: {  	v8 =	vld [tilespmem:s23+$0xFFFFFF60]  }
0x3be: {  	v12 =	vld [tilespmem:s22+$0xF0];
	[tilespmem:s22+$0xE0] =	vst v4  }
0x3bf: {  	v5 =	vmul.f32 v11, v7;
	v11 =	vld [tilespmem:s23+$0xF0]  }
0x3c0: {  	v4 =	vld [tilespmem:s22+$0xFFFFFF70]  }
0x3c1: {  	[tilespmem:s22+$0xFFFFFFE0] =	vst v5;
	v6 =	vmul.f32 v9, v6;
	v5 =	vld [tilespmem:s22+$0xFFFFFFF0]  }
0x3c2: {  	v7 =	vld [tilespmem:s23+$0xFFFFFFF0];
	v8 =	vmul.f32 v8, v10  }
0x3c3: {  	[tilespmem:s22+$0x60] =	vst v6;
	v6 =	vld [tilespmem:s22+$0x70]  }
0x3c4: {  	[tilespmem:s22+$0xFFFFFF60] =	vst v8;
	v8 =	vld [tilespmem:s23+$0x70];
	v10 =	vmul.f32 v11, v12  }
0x3c5: {  	s25 =	simm.s32 $0x19F00;
	s24 =	simm.s32 $0x0;
	v9 =	vld [tilespmem:s23+$0xFFFFFF70]  }
.LBB2_18:
0x3c6: {  	v11 =	vld [tilespmem:s25+$0x80];
	[tilespmem:s22+$0xF0] =	vst v10;
	s23 =	sadd.s32 $0x200, s23  }
0x3c7: {  	s24 =	sadd.s32 $0x4, s24;
	v10 =	vld [tilespmem:s23+$0x80];
	v5 =	vmul.f32 v7, v5  }
0x3c8: {  	p1 =	slt.u32 s24, $0x3C;
	v7 =	vld [tilespmem:s23+$0xFFFFFF00]  }
0x3c9: {  	v12 =	vld [tilespmem:s25+$0xFFFFFF80];
	[tilespmem:s22+$0xFFFFFFF0] =	vst v5;
	v5 =	vmul.f32 v8, v6  }
0x3ca: {  	v6 =	vld [tilespmem:s23+$0xFFFFFF80];
	v4 =	vmul.f32 v9, v4  }
0x3cb: {  	v8 =	vld [tilespmem:s25+$0x0];
	[tilespmem:s22+$0x70] =	vst v5  }
0x3cc: {  	v5 =	vld [tilespmem:s23+$0x0];
	v9 =	vmul.f32 v10, v11;
	[tilespmem:s22+$0xFFFFFF70] =	vst v4;
	s22 =	smov.u32 s25  }
0x3cd: {  	v4 =	vld [tilespmem:s25+$0xFFFFFF00]  }
0x3ce: {  	[tilespmem:s25+$0x80] =	vst v9;
	v9 =	vld [tilespmem:s25+$0x90]  }
0x3cf: {  	v6 =	vmul.f32 v6, v12;
	v10 =	vld [tilespmem:s23+$0x90]  }
0x3d0: {  	v11 =	vld [tilespmem:s25+$0xFFFFFF10]  }
0x3d1: {  	[tilespmem:s25+$0xFFFFFF80] =	vst v6;
	v6 =	vld [tilespmem:s25+$0xFFFFFF90];
	v5 =	vmul.f32 v5, v8  }
0x3d2: {  	v4 =	vmul.f32 v7, v4;
	v7 =	vld [tilespmem:s23+$0xFFFFFF90]  }
0x3d3: {  	[tilespmem:s25+$0x0] =	vst v5;
	v5 =	vld [tilespmem:s25+$0x10]  }
0x3d4: {  	[tilespmem:s25+$0xFFFFFF00] =	vst v4;
	v4 =	vld [tilespmem:s23+$0x10];
	v8 =	vmul.f32 v10, v9  }
0x3d5: {  	v9 =	vld [tilespmem:s23+$0xFFFFFF10]  }
0x3d6: {  	[tilespmem:s25+$0x90] =	vst v8;
	v8 =	vld [tilespmem:s25+$0xA0]  }
0x3d7: {  	v6 =	vmul.f32 v7, v6;
	v7 =	vld [tilespmem:s23+$0xA0]  }
0x3d8: {  	v10 =	vld [tilespmem:s25+$0xFFFFFF20]  }
0x3d9: {  	[tilespmem:s25+$0xFFFFFF90] =	vst v6;
	v6 =	vld [tilespmem:s25+$0xFFFFFFA0];
	v4 =	vmul.f32 v4, v5  }
0x3da: {  	v5 =	vmul.f32 v9, v11;
	v9 =	vld [tilespmem:s23+$0xFFFFFFA0]  }
0x3db: {  	[tilespmem:s25+$0x10] =	vst v4;
	v4 =	vld [tilespmem:s25+$0x20]  }
0x3dc: {  	[tilespmem:s25+$0xFFFFFF10] =	vst v5;
	v5 =	vld [tilespmem:s23+$0x20];
	v7 =	vmul.f32 v7, v8  }
0x3dd: {  	v8 =	vld [tilespmem:s23+$0xFFFFFF20]  }
0x3de: {  	[tilespmem:s25+$0xA0] =	vst v7;
	v7 =	vld [tilespmem:s25+$0xB0]  }
0x3df: {  	v6 =	vmul.f32 v9, v6;
	v9 =	vld [tilespmem:s23+$0xB0]  }
0x3e0: {  	v11 =	vld [tilespmem:s25+$0xFFFFFF30]  }
0x3e1: {  	[tilespmem:s25+$0xFFFFFFA0] =	vst v6;
	v6 =	vld [tilespmem:s25+$0xFFFFFFB0];
	v4 =	vmul.f32 v5, v4  }
0x3e2: {  	v5 =	vmul.f32 v8, v10;
	v8 =	vld [tilespmem:s23+$0xFFFFFFB0]  }
0x3e3: {  	[tilespmem:s25+$0x20] =	vst v4;
	v4 =	vld [tilespmem:s25+$0x30]  }
0x3e4: {  	[tilespmem:s25+$0xFFFFFF20] =	vst v5;
	v5 =	vld [tilespmem:s23+$0x30];
	v7 =	vmul.f32 v9, v7  }
0x3e5: {  	v9 =	vld [tilespmem:s23+$0xFFFFFF30]  }
0x3e6: {  	[tilespmem:s25+$0xB0] =	vst v7;
	v7 =	vld [tilespmem:s25+$0xC0]  }
0x3e7: {  	v6 =	vmul.f32 v8, v6;
	v8 =	vld [tilespmem:s23+$0xC0]  }
0x3e8: {  	v10 =	vld [tilespmem:s25+$0xFFFFFF40]  }
0x3e9: {  	[tilespmem:s25+$0xFFFFFFB0] =	vst v6;
	v6 =	vld [tilespmem:s25+$0xFFFFFFC0];
	v4 =	vmul.f32 v5, v4  }
0x3ea: {  	v5 =	vmul.f32 v9, v11;
	v9 =	vld [tilespmem:s23+$0xFFFFFFC0]  }
0x3eb: {  	[tilespmem:s25+$0x30] =	vst v4;
	v4 =	vld [tilespmem:s25+$0x40]  }
0x3ec: {  	[tilespmem:s25+$0xFFFFFF30] =	vst v5;
	v5 =	vld [tilespmem:s23+$0x40];
	v7 =	vmul.f32 v8, v7  }
0x3ed: {  	v8 =	vld [tilespmem:s23+$0xFFFFFF40]  }
0x3ee: {  	[tilespmem:s25+$0xC0] =	vst v7;
	v7 =	vld [tilespmem:s25+$0xD0]  }
0x3ef: {  	v6 =	vmul.f32 v9, v6;
	v9 =	vld [tilespmem:s23+$0xD0]  }
0x3f0: {  	v11 =	vld [tilespmem:s25+$0xFFFFFF50]  }
0x3f1: {  	[tilespmem:s25+$0xFFFFFFC0] =	vst v6;
	v6 =	vld [tilespmem:s25+$0xFFFFFFD0];
	v4 =	vmul.f32 v5, v4  }
0x3f2: {  	v5 =	vmul.f32 v8, v10;
	v8 =	vld [tilespmem:s23+$0xFFFFFFD0]  }
0x3f3: {  	[tilespmem:s25+$0x40] =	vst v4;
	v4 =	vld [tilespmem:s25+$0x50]  }
0x3f4: {  	[tilespmem:s25+$0xFFFFFF40] =	vst v5;
	v5 =	vld [tilespmem:s23+$0x50];
	v7 =	vmul.f32 v9, v7  }
0x3f5: {  	v9 =	vld [tilespmem:s23+$0xFFFFFF50]  }
0x3f6: {  	[tilespmem:s25+$0xD0] =	vst v7;
	v7 =	vld [tilespmem:s25+$0xE0]  }
0x3f7: {  	v6 =	vmul.f32 v8, v6;
	v8 =	vld [tilespmem:s23+$0xE0]  }
0x3f8: {  	v10 =	vld [tilespmem:s25+$0xFFFFFF60]  }
0x3f9: {  	[tilespmem:s25+$0xFFFFFFD0] =	vst v6;
	v6 =	vld [tilespmem:s25+$0xFFFFFFE0];
	v4 =	vmul.f32 v5, v4  }
0x3fa: {  	v5 =	vmul.f32 v9, v11;
	v9 =	vld [tilespmem:s23+$0xFFFFFFE0]  }
0x3fb: {  	[tilespmem:s25+$0x50] =	vst v4;
	v11 =	vld [tilespmem:s25+$0x60]  }
0x3fc: {  	[tilespmem:s25+$0xFFFFFF50] =	vst v5;
	v12 =	vld [tilespmem:s23+$0x60];
	v4 =	vmul.f32 v8, v7  }
0x3fd: {  	v7 =	vld [tilespmem:s23+$0xFFFFFF60]  }
0x3fe: {  	[tilespmem:s25+$0xE0] =	vst v4;
	v13 =	vld [tilespmem:s25+$0xF0]  }
0x3ff: {  	v5 =	vmul.f32 v9, v6;
	v9 =	vld [tilespmem:s23+$0xF0]  }
0x400: {  	v4 =	vld [tilespmem:s25+$0xFFFFFF70]  }
.Ltmp10:
0x401: {  	[tilespmem:s25+$0xFFFFFFE0] =	vst v5;
	v5 =	vld [tilespmem:s25+$0xFFFFFFF0];
	v6 =	vmul.f32 v12, v11;
	(pc) =	sbr.rel @p1 .LBB2_18-.Ltmp10, $4  }
0x402: {  	v8 =	vmul.f32 v7, v10;
	v7 =	vld [tilespmem:s23+$0xFFFFFFF0]  }
0x403: {  	[tilespmem:s25+$0x60] =	vst v6;
	v6 =	vld [tilespmem:s25+$0x70]  }
0x404: {  	[tilespmem:s25+$0xFFFFFF60] =	vst v8;
	v8 =	vld [tilespmem:s23+$0x70];
	v10 =	vmul.f32 v9, v13  }
0x405: {  	s25 =	sadd.s32 $0x200, s25;
	v9 =	vld [tilespmem:s23+$0xFFFFFF70]  }
0x406: {  	_ =	sdelay $0x1  }
0x407: {  	v5 =	vmul.f32 v7, v5  }
0x408: {  	[tilespmem:s22+$0xF0] =	vst v10;
	v6 =	vmul.f32 v8, v6  }
0x409: {  	[tilespmem:s22+$0xFFFFFFF0] =	vst v5;
	v4 =	vmul.f32 v9, v4  }
0x40a: {  	[tilespmem:s22+$0x70] =	vst v6  }
.Ltmp11:
0x40b: {  	s21 =	sadd.s32 $0x15480, s21;
	[tilespmem:s22+$0xFFFFFF70] =	vst v4;
	(pc) =	sbr.rel @p0 .LBB2_21-.Ltmp11, $4  }
0x40c: {  	[spmem:s2] =	stream.indirect.scatter.add.f32 [tilespmem:s13], [sflag:$0x4], $0x80, s21, s10, $0xb8;
	[tilespmem:$0x1FC00] =	vst v63  }
0x40d: {  	_ =	swait.ge [sflag:s7], $0x2000  }
0x40e: {  	[sflag:s7] =	ssyncset.done $0x0  }
0x40f: {  	[sflag:s7] =	ssyncadd.s32 $0xFFFFE000  }
.Ltmp12:
0x410: {  	(pc) =	sbr.rel .LBB2_15-.Ltmp12, $4  }
0x411: {  	s21 =	sadd.s32 $0x14180, s20  }
0x412: {  	[tilespmem:s13], [sflag:$0x2] =	stream.indirect.gather [hbm4b:s1+s10], $0x80, s21, s10, $0xb8;
	[tilespmem:$0x1FC00] =	vst v63  }
0x413: {  	s25 =	sadd.s32 $0x16980, s20;
	s19 =	sadd.s32 $0x1, s19  }
0x414: {  	[tilespmem:s15], [sflag:$0x2] =	stream.indirect.gather [hbm4b:s5+s10], $0x80, s25, s10, $0xb8;
	[tilespmem:$0x1FC00] =	vst v63  }
.LBB2_21:
0x415: {  	s19 =	rddreg [dreg:$0xc]  }
0x416: {  	[tilespmem:s3], [sflag:$0x4] =	stream.linear.gather [hbm4b:s19+s4], $0x1400, $0x38;
	[tilespmem:$0x1FC00] =	vst v63  }
0x417: {  	_ =	swait.ge [sflag:s7], $0x1400  }
0x418: {  	[sflag:s7] =	ssyncset.done $0x0  }
0x419: {  	s24 =	rddreg [dreg:$0xd];
	[sflag:s7] =	ssyncadd.s32 $0xFFFFEC00  }
0x41a: {  	[tilespmem:s8], [sflag:$0x4] =	stream.linear.gather [hbm4b:s24+s4], $0x1400, $0x38;
	[tilespmem:$0x1FC00] =	vst v63  }
0x41b: {  	_ =	swait.ge [sflag:s7], $0x1400  }
0x41c: {  	[sflag:s7] =	ssyncset.done $0x0  }
0x41d: {  	s25 =	rddreg [dreg:$0xe];
	[sflag:s7] =	ssyncadd.s32 $0xFFFFEC00  }
0x41e: {  	[tilespmem:s9], [sflag:$0x4] =	stream.linear.gather [hbm4b:s25+s4], $0x1400, $0x38;
	[tilespmem:$0x1FC00] =	vst v63  }
0x41f: {  	_ =	swait.ge [sflag:s7], $0x1400  }
0x420: {  	[sflag:s7] =	ssyncset.done $0x0  }
0x421: {  	s22 =	simm.s32 $0x14100;
	[sflag:s7] =	ssyncadd.s32 $0xFFFFEC00  }
0x422: {  	v4 =	vld [tilespmem:s22+$0x80];
	_ =	sdelay $0x3  }
0x423: {  	v5 =	vld [tilespmem:s22+$0xFFFFFF00]  }
0x424: {  	v6 =	vld [tilespmem:s22+$0xFFFFFF80];
	v4 =	vshll.u32 v4, $0x1  }
0x425: {  	v7 =	vld [tilespmem:s22+$0x0];
	v4 =	vor.u32 v1, v4  }
0x426: {  	s19 =	simm.s32 $0x16900;
	[tilespmem:s22+$0x80] =	vst v4  }
0x427: {  	v4 =	vld [tilespmem:s19+$0x80]  }
0x428: {  	v5 =	vshll.u32 v5, $0x1  }
0x429: {  	v6 =	vshll.u32 v6, $0x1;
	v5 =	vor.u32 v1, v5  }
0x42a: {  	v7 =	vshll.u32 v7, $0x1;
	v6 =	vor.u32 v1, v6;
	[tilespmem:s22+$0xFFFFFF00] =	vst v5  }
0x42b: {  	[tilespmem:s22+$0xFFFFFF80] =	vst v6;
	v5 =	vor.u32 v1, v7;
	v6 =	vld [tilespmem:s19+$0xFFFFFF00]  }
0x42c: {  	v7 =	vld [tilespmem:s19+$0xFFFFFF80];
	[tilespmem:s22+$0x0] =	vst v5;
	v4 =	vshll.u32 v4, $0x1  }
0x42d: {  	v5 =	vld [tilespmem:s19+$0x0];
	v4 =	vadd.s32 v4, v2  }
0x42e: {  	[tilespmem:s19+$0x80] =	vst v4  }
0x42f: {  	v4 =	vld [tilespmem:s22+$0x90]  }
0x430: {  	v6 =	vshll.u32 v6, $0x1  }
0x431: {  	v7 =	vshll.u32 v7, $0x1;
	v6 =	vadd.s32 v6, v0  }
0x432: {  	v7 =	vadd.s32 v7, v2;
	v5 =	vshll.u32 v5, $0x1;
	[tilespmem:s19+$0xFFFFFF00] =	vst v6  }
0x433: {  	[tilespmem:s19+$0xFFFFFF80] =	vst v7;
	v5 =	vadd.s32 v5, v0;
	v6 =	vld [tilespmem:s22+$0xFFFFFF10]  }
0x434: {  	v7 =	vld [tilespmem:s22+$0xFFFFFF90];
	[tilespmem:s19+$0x0] =	vst v5;
	v4 =	vshll.u32 v4, $0x1  }
0x435: {  	v5 =	vld [tilespmem:s22+$0x10];
	v4 =	vor.u32 v1, v4  }
0x436: {  	[tilespmem:s22+$0x90] =	vst v4  }
0x437: {  	v4 =	vld [tilespmem:s19+$0x90]  }
0x438: {  	v6 =	vshll.u32 v6, $0x1  }
0x439: {  	v7 =	vshll.u32 v7, $0x1;
	v6 =	vor.u32 v1, v6  }
0x43a: {  	v7 =	vor.u32 v1, v7;
	v5 =	vshll.u32 v5, $0x1;
	[tilespmem:s22+$0xFFFFFF10] =	vst v6  }
0x43b: {  	[tilespmem:s22+$0xFFFFFF90] =	vst v7;
	v5 =	vor.u32 v1, v5;
	v6 =	vld [tilespmem:s19+$0xFFFFFF10]  }
0x43c: {  	v7 =	vld [tilespmem:s19+$0xFFFFFF90];
	[tilespmem:s22+$0x10] =	vst v5;
	v4 =	vshll.u32 v4, $0x1  }
0x43d: {  	s20 =	simm.s32 $0x14300;
	v5 =	vld [tilespmem:s19+$0x10];
	v4 =	vadd.s32 v4, v2  }
0x43e: {  	[tilespmem:s19+$0x90] =	vst v4;
	v4 =	vld [tilespmem:s20+$0x80]  }
0x43f: {  	v8 =	vld [tilespmem:s22+$0xA0]  }
0x440: {  	v9 =	vld [tilespmem:s20+$0xFFFFFF80];
	v6 =	vshll.u32 v6, $0x1  }
0x441: {  	v10 =	vld [tilespmem:s20+$0x0];
	v7 =	vshll.u32 v7, $0x1;
	v6 =	vadd.s32 v6, v0  }
0x442: {  	v7 =	vadd.s32 v7, v2;
	v5 =	vshll.u32 v5, $0x1;
	[tilespmem:s19+$0xFFFFFF10] =	vst v6;
	v6 =	vld [tilespmem:s20+$0xFFFFFF00]  }
0x443: {  	[tilespmem:s19+$0xFFFFFF90] =	vst v7;
	v5 =	vadd.s32 v5, v0;
	v7 =	vld [tilespmem:s22+$0xFFFFFF20];
	v4 =	vshll.u32 v4, $0x1  }
0x444: {  	[tilespmem:s19+$0x10] =	vst v5;
	v5 =	vld [tilespmem:s22+$0xFFFFFFA0];
	v4 =	vor.u32 v1, v4;
	v8 =	vshll.u32 v8, $0x1  }
0x445: {  	s21 =	simm.s32 $0x16B00;
	v9 =	vshll.u32 v9, $0x1;
	[tilespmem:s20+$0x80] =	vst v4;
	v4 =	vld [tilespmem:s22+$0x20];
	v8 =	vor.u32 v1, v8  }
0x446: {  	v10 =	vshll.u32 v10, $0x1;
	v9 =	vor.u32 v1, v9;
	v11 =	vld [tilespmem:s21+$0x80];
	[tilespmem:s22+$0xA0] =	vst v8  }
0x447: {  	[tilespmem:s20+$0xFFFFFF80] =	vst v9;
	v6 =	vshll.u32 v6, $0x1;
	v8 =	vor.u32 v1, v10;
	v9 =	vld [tilespmem:s19+$0xA0]  }
0x448: {  	v6 =	vor.u32 v1, v6;
	v7 =	vshll.u32 v7, $0x1;
	v10 =	vld [tilespmem:s21+$0xFFFFFF80];
	[tilespmem:s20+$0x0] =	vst v8  }
0x449: {  	v5 =	vshll.u32 v5, $0x1;
	[tilespmem:s20+$0xFFFFFF00] =	vst v6;
	v7 =	vor.u32 v1, v7;
	v6 =	vld [tilespmem:s21+$0x0]  }
0x44a: {  	v5 =	vor.u32 v1, v5;
	[tilespmem:s22+$0xFFFFFF20] =	vst v7;
	v8 =	vld [tilespmem:s21+$0xFFFFFF00];
	v4 =	vshll.u32 v4, $0x1  }
0x44b: {  	[tilespmem:s22+$0xFFFFFFA0] =	vst v5;
	v7 =	vshll.u32 v11, $0x1;
	v11 =	vld [tilespmem:s19+$0xFFFFFF20];
	v4 =	vor.u32 v1, v4  }
0x44c: {  	v5 =	vadd.s32 v7, v2;
	v7 =	vld [tilespmem:s19+$0xFFFFFFA0];
	[tilespmem:s22+$0x20] =	vst v4;
	v4 =	vshll.u32 v9, $0x1  }
0x44d: {  	v9 =	vshll.u32 v10, $0x1;
	[tilespmem:s21+$0x80] =	vst v5;
	v5 =	vld [tilespmem:s19+$0x20];
	v4 =	vadd.s32 v4, v2  }
0x44e: {  	v9 =	vadd.s32 v9, v2;
	v6 =	vshll.u32 v6, $0x1;
	v10 =	vld [tilespmem:s20+$0x90];
	[tilespmem:s19+$0xA0] =	vst v4  }
0x44f: {  	v4 =	vshll.u32 v8, $0x1;
	[tilespmem:s21+$0xFFFFFF80] =	vst v9;
	v6 =	vadd.s32 v6, v0;
	v8 =	vld [tilespmem:s22+$0xB0]  }
0x450: {  	v4 =	vadd.s32 v4, v0;
	v9 =	vld [tilespmem:s20+$0xFFFFFF90];
	[tilespmem:s21+$0x0] =	vst v6;
	v6 =	vshll.u32 v11, $0x1  }
0x451: {  	[tilespmem:s21+$0xFFFFFF00] =	vst v4;
	v4 =	vld [tilespmem:s20+$0x10];
	v6 =	vadd.s32 v6, v0;
	v7 =	vshll.u32 v7, $0x1  }
0x452: {  	v11 =	vld [tilespmem:s20+$0xFFFFFF10];
	[tilespmem:s19+$0xFFFFFF20] =	vst v6;
	v6 =	vadd.s32 v7, v2;
	v5 =	vshll.u32 v5, $0x1  }
0x453: {  	v7 =	vshll.u32 v10, $0x1;
	v10 =	vld [tilespmem:s22+$0xFFFFFF30];
	[tilespmem:s19+$0xFFFFFFA0] =	vst v6;
	v5 =	vadd.s32 v5, v0  }
0x454: {  	v6 =	vor.u32 v1, v7;
	v7 =	vld [tilespmem:s22+$0xFFFFFFB0];
	[tilespmem:s19+$0x20] =	vst v5;
	v5 =	vshll.u32 v8, $0x1  }
0x455: {  	v8 =	vshll.u32 v9, $0x1;
	[tilespmem:s20+$0x90] =	vst v6;
	v6 =	vld [tilespmem:s22+$0x30];
	v5 =	vor.u32 v1, v5  }
0x456: {  	v8 =	vor.u32 v1, v8;
	v4 =	vshll.u32 v4, $0x1;
	v12 =	vld [tilespmem:s21+$0x90];
	[tilespmem:s22+$0xB0] =	vst v5  }
0x457: {  	v5 =	vshll.u32 v11, $0x1;
	[tilespmem:s20+$0xFFFFFF90] =	vst v8;
	v4 =	vor.u32 v1, v4;
	v11 =	vld [tilespmem:s19+$0xB0]  }
0x458: {  	v5 =	vor.u32 v1, v5;
	v13 =	vld [tilespmem:s21+$0xFFFFFF90];
	[tilespmem:s20+$0x10] =	vst v4;
	v4 =	vshll.u32 v10, $0x1  }
0x459: {  	[tilespmem:s20+$0xFFFFFF10] =	vst v5;
	v8 =	vld [tilespmem:s21+$0x10];
	v4 =	vor.u32 v1, v4;
	v5 =	vshll.u32 v7, $0x1  }
0x45a: {  	v9 =	vld [tilespmem:s21+$0xFFFFFF10];
	[tilespmem:s22+$0xFFFFFF30] =	vst v4;
	v4 =	vor.u32 v1, v5;
	v6 =	vshll.u32 v6, $0x1  }
0x45b: {  	v7 =	vshll.u32 v12, $0x1;
	v5 =	vld [tilespmem:s19+$0xFFFFFF30];
	[tilespmem:s22+$0xFFFFFFB0] =	vst v4;
	v6 =	vor.u32 v1, v6  }
0x45c: {  	v7 =	vadd.s32 v7, v2;
	v4 =	vld [tilespmem:s19+$0xFFFFFFB0];
	[tilespmem:s22+$0x30] =	vst v6;
	v11 =	vshll.u32 v11, $0x1  }
0x45d: {  	s23 =	simm.s32 $0x14500;
	s22 =	simm.s32 $0x4;
	v10 =	vshll.u32 v13, $0x1;
	[tilespmem:s21+$0x90] =	vst v7;
	v6 =	vld [tilespmem:s19+$0x30];
	v7 =	vadd.s32 v11, v2  }
.LBB2_22:
0x45e: {  	v11 =	vld [tilespmem:s23+$0x80];
	v10 =	vadd.s32 v10, v2;
	v8 =	vshll.u32 v8, $0x1;
	[tilespmem:s19+$0xB0] =	vst v7  }
0x45f: {  	s22 =	sadd.s32 $0x4, s22;
	v7 =	vshll.u32 v9, $0x1;
	[tilespmem:s21+$0xFFFFFF90] =	vst v10;
	v8 =	vadd.s32 v8, v0;
	v9 =	vld [tilespmem:s20+$0xA0]  }
0x460: {  	p0 =	slt.u32 s22, $0x24;
	v10 =	vld [tilespmem:s23+$0xFFFFFF80];
	v7 =	vadd.s32 v7, v0;
	[tilespmem:s21+$0x10] =	vst v8;
	v5 =	vshll.u32 v5, $0x1  }
0x461: {  	v8 =	vld [tilespmem:s23+$0x0];
	[tilespmem:s21+$0xFFFFFF10] =	vst v7;
	v5 =	vadd.s32 v5, v0;
	v4 =	vshll.u32 v4, $0x1  }
0x462: {  	v7 =	vld [tilespmem:s23+$0xFFFFFF00];
	[tilespmem:s19+$0xFFFFFF30] =	vst v5;
	v4 =	vadd.s32 v4, v2;
	v5 =	vshll.u32 v6, $0x1  }
0x463: {  	v6 =	vshll.u32 v11, $0x1;
	v11 =	vld [tilespmem:s20+$0xFFFFFF20];
	[tilespmem:s19+$0xFFFFFFB0] =	vst v4;
	v4 =	vadd.s32 v5, v0  }
0x464: {  	v5 =	vor.u32 v1, v6;
	v6 =	vld [tilespmem:s20+$0xFFFFFFA0];
	v9 =	vshll.u32 v9, $0x1;
	[tilespmem:s19+$0x30] =	vst v4;
	s19 =	smov.u32 s21  }
0x465: {  	s21 =	sadd.s32 $0x200, s21;
	v4 =	vshll.u32 v10, $0x1;
	[tilespmem:s23+$0x80] =	vst v5;
	v5 =	vld [tilespmem:s20+$0x20];
	v9 =	vor.u32 v1, v9  }
0x466: {  	v4 =	vor.u32 v1, v4;
	v8 =	vshll.u32 v8, $0x1;
	v10 =	vld [tilespmem:s21+$0x80];
	[tilespmem:s20+$0xA0] =	vst v9  }
0x467: {  	v7 =	vshll.u32 v7, $0x1;
	[tilespmem:s23+$0xFFFFFF80] =	vst v4;
	v4 =	vor.u32 v1, v8;
	v8 =	vld [tilespmem:s19+$0xA0]  }
0x468: {  	v7 =	vor.u32 v1, v7;
	v9 =	vld [tilespmem:s21+$0xFFFFFF80];
	[tilespmem:s23+$0x0] =	vst v4;
	v4 =	vshll.u32 v11, $0x1  }
0x469: {  	[tilespmem:s23+$0xFFFFFF00] =	vst v7;
	v7 =	vld [tilespmem:s21+$0x0];
	v4 =	vor.u32 v1, v4;
	v6 =	vshll.u32 v6, $0x1  }
0x46a: {  	v11 =	vld [tilespmem:s21+$0xFFFFFF00];
	[tilespmem:s20+$0xFFFFFF20] =	vst v4;
	v4 =	vor.u32 v1, v6;
	v5 =	vshll.u32 v5, $0x1  }
0x46b: {  	v6 =	vshll.u32 v10, $0x1;
	v10 =	vld [tilespmem:s19+$0xFFFFFF20];
	[tilespmem:s20+$0xFFFFFFA0] =	vst v4;
	v4 =	vor.u32 v1, v5  }
0x46c: {  	v5 =	vadd.s32 v6, v2;
	v6 =	vld [tilespmem:s19+$0xFFFFFFA0];
	[tilespmem:s20+$0x20] =	vst v4;
	v4 =	vshll.u32 v8, $0x1  }
0x46d: {  	v8 =	vshll.u32 v9, $0x1;
	[tilespmem:s21+$0x80] =	vst v5;
	v5 =	vld [tilespmem:s19+$0x20];
	v4 =	vadd.s32 v4, v2  }
0x46e: {  	v8 =	vadd.s32 v8, v2;
	v7 =	vshll.u32 v7, $0x1;
	v9 =	vld [tilespmem:s23+$0x90];
	[tilespmem:s19+$0xA0] =	vst v4  }
0x46f: {  	v4 =	vshll.u32 v11, $0x1;
	[tilespmem:s21+$0xFFFFFF80] =	vst v8;
	v7 =	vadd.s32 v7, v0;
	v8 =	vld [tilespmem:s20+$0xB0]  }
0x470: {  	v4 =	vadd.s32 v4, v0;
	v11 =	vld [tilespmem:s23+$0xFFFFFF90];
	[tilespmem:s21+$0x0] =	vst v7;
	v7 =	vshll.u32 v10, $0x1  }
0x471: {  	[tilespmem:s21+$0xFFFFFF00] =	vst v4;
	v4 =	vld [tilespmem:s23+$0x10];
	v7 =	vadd.s32 v7, v0;
	v6 =	vshll.u32 v6, $0x1  }
0x472: {  	v10 =	vld [tilespmem:s23+$0xFFFFFF10];
	[tilespmem:s19+$0xFFFFFF20] =	vst v7;
	v6 =	vadd.s32 v6, v2;
	v5 =	vshll.u32 v5, $0x1  }
0x473: {  	v7 =	vshll.u32 v9, $0x1;
	v9 =	vld [tilespmem:s20+$0xFFFFFF30];
	[tilespmem:s19+$0xFFFFFFA0] =	vst v6;
	v5 =	vadd.s32 v5, v0  }
0x474: {  	v6 =	vor.u32 v1, v7;
	v7 =	vld [tilespmem:s20+$0xFFFFFFB0];
	[tilespmem:s19+$0x20] =	vst v5;
	v5 =	vshll.u32 v8, $0x1  }
0x475: {  	v8 =	vshll.u32 v11, $0x1;
	[tilespmem:s23+$0x90] =	vst v6;
	v6 =	vld [tilespmem:s20+$0x30];
	v5 =	vor.u32 v1, v5  }
0x476: {  	v8 =	vor.u32 v1, v8;
	v4 =	vshll.u32 v4, $0x1;
	v11 =	vld [tilespmem:s21+$0x90];
	[tilespmem:s20+$0xB0] =	vst v5  }
0x477: {  	v5 =	vshll.u32 v10, $0x1;
	[tilespmem:s23+$0xFFFFFF90] =	vst v8;
	v4 =	vor.u32 v1, v4;
	v10 =	vld [tilespmem:s19+$0xB0]  }
0x478: {  	v5 =	vor.u32 v1, v5;
	v12 =	vld [tilespmem:s21+$0xFFFFFF90];
	[tilespmem:s23+$0x10] =	vst v4;
	v4 =	vshll.u32 v9, $0x1  }
.Ltmp13:
0x479: {  	[tilespmem:s23+$0xFFFFFF10] =	vst v5;
	v8 =	vld [tilespmem:s21+$0x10];
	v4 =	vor.u32 v1, v4;
	v5 =	vshll.u32 v7, $0x1;
	(pc) =	sbr.rel @p0 .LBB2_22-.Ltmp13, $4  }
0x47a: {  	v9 =	vld [tilespmem:s21+$0xFFFFFF10];
	[tilespmem:s20+$0xFFFFFF30] =	vst v4;
	v4 =	vor.u32 v1, v5;
	v6 =	vshll.u32 v6, $0x1  }
0x47b: {  	v7 =	vshll.u32 v11, $0x1;
	v5 =	vld [tilespmem:s19+$0xFFFFFF30];
	[tilespmem:s20+$0xFFFFFFB0] =	vst v4;
	v6 =	vor.u32 v1, v6  }
0x47c: {  	v7 =	vadd.s32 v7, v2;
	v4 =	vld [tilespmem:s19+$0xFFFFFFB0];
	[tilespmem:s20+$0x30] =	vst v6;
	v11 =	vshll.u32 v10, $0x1;
	s20 =	smov.u32 s23  }
0x47d: {  	s23 =	sadd.s32 $0x200, s23;
	v10 =	vshll.u32 v12, $0x1;
	[tilespmem:s21+$0x90] =	vst v7;
	v6 =	vld [tilespmem:s19+$0x30];
	v7 =	vadd.s32 v11, v2  }
0x47e: {  	_ = 	snop  }
0x47f: {  	v9 =	vshll.u32 v9, $0x1  }
0x480: {  	v9 =	vadd.s32 v9, v0  }
0x481: {  	v10 =	vadd.s32 v10, v2;
	v8 =	vshll.u32 v8, $0x1;
	v11 =	vld [tilespmem:s20+$0xA0];
	[tilespmem:s21+$0xFFFFFF10] =	vst v9  }
0x482: {  	[tilespmem:s21+$0xFFFFFF90] =	vst v10;
	v8 =	vadd.s32 v8, v0;
	v9 =	vld [tilespmem:s20+$0xFFFFFF20]  }
0x483: {  	[tilespmem:s21+$0x10] =	vst v8;
	v54 =	vld [tilespmem:s20+$0xFFFFFFA0]  }
0x484: {  	v55 =	vld [tilespmem:s20+$0x20];
	_ =	sdelay $0x1  }
0x485: {  	v11 =	vshll.u32 v11, $0x1  }
0x486: {  	v11 =	vor.u32 v1, v11;
	v9 =	vshll.u32 v9, $0x1  }
0x487: {  	[tilespmem:s20+$0xA0] =	vst v11;
	v8 =	vshll.u32 v54, $0x1;
	v9 =	vor.u32 v1, v9  }
0x488: {  	v11 =	vld [tilespmem:s21+$0xA0];
	v8 =	vor.u32 v1, v8;
	v56 =	vshll.u32 v55, $0x1;
	[tilespmem:s20+$0xFFFFFF20] =	vst v9  }
0x489: {  	[tilespmem:s20+$0xFFFFFFA0] =	vst v8;
	v58 =	vor.u32 v1, v56;
	v57 =	vld [tilespmem:s21+$0xFFFFFF20]  }
0x48a: {  	v59 =	vld [tilespmem:s21+$0xFFFFFFA0];
	[tilespmem:s20+$0x20] =	vst v58  }
0x48b: {  	v8 =	vld [tilespmem:s21+$0x20];
	_ =	sdelay $0x1  }
0x48c: {  	v11 =	vshll.u32 v11, $0x1  }
0x48d: {  	v11 =	vadd.s32 v11, v2;
	v10 =	vshll.u32 v57, $0x1  }
0x48e: {  	[tilespmem:s21+$0xA0] =	vst v11;
	v9 =	vshll.u32 v59, $0x1;
	v10 =	vadd.s32 v10, v0  }
0x48f: {  	v11 =	vld [tilespmem:s20+$0xB0];
	v9 =	vadd.s32 v9, v2;
	v8 =	vshll.u32 v8, $0x1;
	[tilespmem:s21+$0xFFFFFF20] =	vst v10  }
0x490: {  	[tilespmem:s21+$0xFFFFFFA0] =	vst v9;
	v8 =	vadd.s32 v8, v0;
	v10 =	vld [tilespmem:s20+$0xFFFFFF30]  }
0x491: {  	v9 =	vld [tilespmem:s20+$0xFFFFFFB0];
	[tilespmem:s21+$0x20] =	vst v8  }
0x492: {  	v8 =	vld [tilespmem:s20+$0x30];
	_ =	sdelay $0x1  }
0x493: {  	v11 =	vshll.u32 v11, $0x1  }
0x494: {  	v11 =	vor.u32 v1, v11;
	v10 =	vshll.u32 v10, $0x1  }
0x495: {  	[tilespmem:s20+$0xB0] =	vst v11;
	v9 =	vshll.u32 v9, $0x1;
	v10 =	vor.u32 v1, v10  }
0x496: {  	v60 =	vld [tilespmem:s21+$0xB0];
	v9 =	vor.u32 v1, v9;
	v8 =	vshll.u32 v8, $0x1;
	[tilespmem:s20+$0xFFFFFF30] =	vst v10  }
0x497: {  	[tilespmem:s20+$0xFFFFFFB0] =	vst v9;
	v8 =	vor.u32 v1, v8;
	v61 =	vld [tilespmem:s21+$0xFFFFFF30]  }
0x498: {  	v5 =	vshll.u32 v5, $0x1;
	[tilespmem:s20+$0x30] =	vst v8;
	v62 =	vld [tilespmem:s21+$0xFFFFFFB0]  }
0x499: {  	[tilespmem:s19+$0xB0] =	vst v7;
	v5 =	vadd.s32 v5, v0;
	v4 =	vshll.u32 v4, $0x1;
	v63 =	vld [tilespmem:s21+$0x30]  }
0x49a: {  	[tilespmem:s19+$0xFFFFFF30] =	vst v5;
	v4 =	vadd.s32 v4, v2;
	v5 =	vshll.u32 v6, $0x1  }
0x49b: {  	[tilespmem:s19+$0xFFFFFFB0] =	vst v4;
	v4 =	vadd.s32 v5, v0;
	v5 =	vshll.u32 v60, $0x1  }
0x49c: {  	[tilespmem:s19+$0x30] =	vst v4;
	v4 =	vadd.s32 v5, v2;
	v5 =	vshll.u32 v61, $0x1  }
0x49d: {  	[tilespmem:s21+$0xB0] =	vst v4;
	v4 =	vadd.s32 v5, v0;
	v5 =	vshll.u32 v62, $0x1  }
0x49e: {  	[tilespmem:s21+$0xFFFFFF30] =	vst v4;
	v4 =	vadd.s32 v5, v2;
	v5 =	vshll.u32 v63, $0x1  }
0x49f: {  	[tilespmem:s21+$0xFFFFFFB0] =	vst v4;
	v4 =	vadd.s32 v5, v0  }
0x4a0: {  	[tilespmem:s21+$0x30] =	vst v4  }
0x4a1: {  	[tilespmem:s31], [sflag:$0x1] =	stream.indirect.gather [hbm4b:s1+s10], $0x80, s3, s10, $0xb8;
	[tilespmem:$0x1FC00] =	vst v63  }
0x4a2: {  	_ = 	snop  }
0x4a3: {  	[tilespmem:s11], [sflag:$0x1] =	stream.indirect.gather [hbm4b:s5+s10], $0x80, s9, s10, $0xb8;
	[tilespmem:$0x1FC00] =	vst v63  }
0x4a4: {  	_ = 	snop  }
0x4a5: {  	[tilespmem:s13], [sflag:$0x2] =	stream.indirect.gather [hbm4b:s1+s10], $0x80, s12, s10, $0xb8;
	[tilespmem:$0x1FC00] =	vst v63  }
0x4a6: {  	s19 =	simm.s32 $0x0  }
0x4a7: {  	[tilespmem:s15], [sflag:$0x2] =	stream.indirect.gather [hbm4b:s5+s10], $0x80, s14, s10, $0xb8;
	[tilespmem:$0x1FC00] =	vst v63  }
.LBB2_24:
0x4a8: {  	_ =	swait.ge [sflag:s16], $0x2000  }
0x4a9: {  	[sflag:s16] =	ssyncset.done $0x0  }
0x4aa: {  	[sflag:s16] =	ssyncadd.s32 $0xFFFFE000  }
0x4ab: {  	_ =	swait.ge [sflag:s16], $0x2000  }
0x4ac: {  	[sflag:s16] =	ssyncset.done $0x0  }
0x4ad: {  	s22 =	simm.s32 $0x17D00;
	[sflag:s16] =	ssyncadd.s32 $0xFFFFE000  }
0x4ae: {  	s20 =	simm.s32 $0x1BD00;
	v4 =	vld [tilespmem:s22+$0x80]  }
0x4af: {  	v5 =	vld [tilespmem:s20+$0x80]  }
0x4b0: {  	v6 =	vld [tilespmem:s22+$0xFFFFFF80]  }
0x4b1: {  	v7 =	vld [tilespmem:s20+$0xFFFFFF80]  }
0x4b2: {  	v8 =	vld [tilespmem:s22+$0x0]  }
0x4b3: {  	v9 =	vld [tilespmem:s20+$0x0]  }
0x4b4: {  	v10 =	vld [tilespmem:s22+$0xFFFFFF00];
	v4 =	vmul.f32 v5, v4  }
0x4b5: {  	v5 =	vld [tilespmem:s20+$0xFFFFFF00]  }
0x4b6: {  	[tilespmem:s22+$0x80] =	vst v4;
	v4 =	vld [tilespmem:s22+$0x90]  }
0x4b7: {  	v6 =	vmul.f32 v7, v6;
	v7 =	vld [tilespmem:s20+$0x90]  }
0x4b8: {  	v11 =	vld [tilespmem:s22+$0xFFFFFF10]  }
0x4b9: {  	[tilespmem:s22+$0xFFFFFF80] =	vst v6;
	v6 =	vmul.f32 v9, v8;
	v8 =	vld [tilespmem:s22+$0xFFFFFF90]  }
0x4ba: {  	v9 =	vld [tilespmem:s20+$0xFFFFFF90];
	v5 =	vmul.f32 v5, v10  }
0x4bb: {  	[tilespmem:s22+$0x0] =	vst v6;
	v6 =	vld [tilespmem:s22+$0x10]  }
0x4bc: {  	v10 =	vld [tilespmem:s20+$0x10];
	[tilespmem:s22+$0xFFFFFF00] =	vst v5;
	v4 =	vmul.f32 v7, v4  }
0x4bd: {  	v5 =	vld [tilespmem:s20+$0xFFFFFF10]  }
0x4be: {  	[tilespmem:s22+$0x90] =	vst v4;
	v4 =	vld [tilespmem:s22+$0xA0]  }
0x4bf: {  	v7 =	vmul.f32 v9, v8;
	v8 =	vld [tilespmem:s20+$0xA0]  }
0x4c0: {  	v9 =	vld [tilespmem:s22+$0xFFFFFF20]  }
0x4c1: {  	[tilespmem:s22+$0xFFFFFF90] =	vst v7;
	v6 =	vmul.f32 v10, v6;
	v7 =	vld [tilespmem:s22+$0xFFFFFFA0]  }
0x4c2: {  	v10 =	vld [tilespmem:s20+$0xFFFFFFA0];
	v5 =	vmul.f32 v5, v11  }
0x4c3: {  	[tilespmem:s22+$0x10] =	vst v6;
	v6 =	vld [tilespmem:s22+$0x20]  }
0x4c4: {  	v11 =	vld [tilespmem:s20+$0x20];
	[tilespmem:s22+$0xFFFFFF10] =	vst v5;
	v4 =	vmul.f32 v8, v4  }
0x4c5: {  	v5 =	vld [tilespmem:s20+$0xFFFFFF20]  }
0x4c6: {  	[tilespmem:s22+$0xA0] =	vst v4;
	v4 =	vld [tilespmem:s22+$0xB0]  }
0x4c7: {  	v7 =	vmul.f32 v10, v7;
	v8 =	vld [tilespmem:s20+$0xB0]  }
0x4c8: {  	v10 =	vld [tilespmem:s22+$0xFFFFFF30]  }
0x4c9: {  	[tilespmem:s22+$0xFFFFFFA0] =	vst v7;
	v6 =	vmul.f32 v11, v6;
	v7 =	vld [tilespmem:s22+$0xFFFFFFB0]  }
0x4ca: {  	v11 =	vld [tilespmem:s20+$0xFFFFFFB0];
	v5 =	vmul.f32 v5, v9  }
0x4cb: {  	[tilespmem:s22+$0x20] =	vst v6;
	v6 =	vld [tilespmem:s22+$0x30]  }
0x4cc: {  	v9 =	vld [tilespmem:s20+$0x30];
	[tilespmem:s22+$0xFFFFFF20] =	vst v5;
	v4 =	vmul.f32 v8, v4  }
0x4cd: {  	v5 =	vld [tilespmem:s20+$0xFFFFFF30]  }
0x4ce: {  	[tilespmem:s22+$0xB0] =	vst v4;
	v4 =	vld [tilespmem:s22+$0xC0]  }
0x4cf: {  	v7 =	vmul.f32 v11, v7;
	v8 =	vld [tilespmem:s20+$0xC0]  }
0x4d0: {  	v11 =	vld [tilespmem:s22+$0xFFFFFF40]  }
0x4d1: {  	[tilespmem:s22+$0xFFFFFFB0] =	vst v7;
	v6 =	vmul.f32 v9, v6;
	v7 =	vld [tilespmem:s22+$0xFFFFFFC0]  }
0x4d2: {  	v9 =	vld [tilespmem:s20+$0xFFFFFFC0];
	v5 =	vmul.f32 v5, v10  }
0x4d3: {  	[tilespmem:s22+$0x30] =	vst v6;
	v6 =	vld [tilespmem:s22+$0x40]  }
0x4d4: {  	v10 =	vld [tilespmem:s20+$0x40];
	[tilespmem:s22+$0xFFFFFF30] =	vst v5;
	v4 =	vmul.f32 v8, v4  }
0x4d5: {  	v5 =	vld [tilespmem:s20+$0xFFFFFF40]  }
0x4d6: {  	[tilespmem:s22+$0xC0] =	vst v4;
	v4 =	vld [tilespmem:s22+$0xD0]  }
0x4d7: {  	v7 =	vmul.f32 v9, v7;
	v8 =	vld [tilespmem:s20+$0xD0]  }
0x4d8: {  	v9 =	vld [tilespmem:s22+$0xFFFFFF50]  }
0x4d9: {  	[tilespmem:s22+$0xFFFFFFC0] =	vst v7;
	v6 =	vmul.f32 v10, v6;
	v7 =	vld [tilespmem:s22+$0xFFFFFFD0]  }
0x4da: {  	v10 =	vld [tilespmem:s20+$0xFFFFFFD0];
	v5 =	vmul.f32 v5, v11  }
0x4db: {  	[tilespmem:s22+$0x40] =	vst v6;
	v6 =	vld [tilespmem:s22+$0x50]  }
0x4dc: {  	v11 =	vld [tilespmem:s20+$0x50];
	[tilespmem:s22+$0xFFFFFF40] =	vst v5;
	v4 =	vmul.f32 v8, v4  }
0x4dd: {  	v5 =	vld [tilespmem:s20+$0xFFFFFF50]  }
0x4de: {  	[tilespmem:s22+$0xD0] =	vst v4;
	v4 =	vld [tilespmem:s22+$0xE0]  }
0x4df: {  	v7 =	vmul.f32 v10, v7;
	v8 =	vld [tilespmem:s20+$0xE0]  }
0x4e0: {  	v10 =	vld [tilespmem:s22+$0xFFFFFF60]  }
0x4e1: {  	[tilespmem:s22+$0xFFFFFFD0] =	vst v7;
	v6 =	vmul.f32 v11, v6;
	v7 =	vld [tilespmem:s22+$0xFFFFFFE0]  }
0x4e2: {  	v11 =	vld [tilespmem:s20+$0xFFFFFFE0];
	v5 =	vmul.f32 v5, v9  }
0x4e3: {  	[tilespmem:s22+$0x50] =	vst v6;
	v6 =	vld [tilespmem:s22+$0x60]  }
0x4e4: {  	v9 =	vld [tilespmem:s20+$0x60];
	[tilespmem:s22+$0xFFFFFF50] =	vst v5;
	v4 =	vmul.f32 v8, v4  }
0x4e5: {  	v8 =	vld [tilespmem:s20+$0xFFFFFF60]  }
0x4e6: {  	v12 =	vld [tilespmem:s22+$0xF0];
	[tilespmem:s22+$0xE0] =	vst v4  }
0x4e7: {  	v5 =	vmul.f32 v11, v7;
	v11 =	vld [tilespmem:s20+$0xF0]  }
0x4e8: {  	v4 =	vld [tilespmem:s22+$0xFFFFFF70]  }
0x4e9: {  	[tilespmem:s22+$0xFFFFFFE0] =	vst v5;
	v6 =	vmul.f32 v9, v6;
	v5 =	vld [tilespmem:s22+$0xFFFFFFF0]  }
0x4ea: {  	v7 =	vld [tilespmem:s20+$0xFFFFFFF0];
	v8 =	vmul.f32 v8, v10  }
0x4eb: {  	[tilespmem:s22+$0x60] =	vst v6;
	v6 =	vld [tilespmem:s22+$0x70]  }
0x4ec: {  	[tilespmem:s22+$0xFFFFFF60] =	vst v8;
	v8 =	vld [tilespmem:s20+$0x70];
	v10 =	vmul.f32 v11, v12  }
0x4ed: {  	s21 =	simm.s32 $0x0;
	s23 =	simm.s32 $0x17F00;
	v9 =	vld [tilespmem:s20+$0xFFFFFF70]  }
.LBB2_25:
0x4ee: {  	v11 =	vld [tilespmem:s23+$0x80];
	[tilespmem:s22+$0xF0] =	vst v10;
	s20 =	sadd.s32 $0x200, s20  }
0x4ef: {  	s21 =	sadd.s32 $0x4, s21;
	v10 =	vld [tilespmem:s20+$0x80];
	v5 =	vmul.f32 v7, v5  }
0x4f0: {  	p0 =	slt.u32 s21, $0x3C;
	v7 =	vld [tilespmem:s20+$0xFFFFFF00]  }
0x4f1: {  	v12 =	vld [tilespmem:s23+$0xFFFFFF80];
	[tilespmem:s22+$0xFFFFFFF0] =	vst v5;
	v5 =	vmul.f32 v8, v6  }
0x4f2: {  	v6 =	vld [tilespmem:s20+$0xFFFFFF80];
	v4 =	vmul.f32 v9, v4  }
0x4f3: {  	v8 =	vld [tilespmem:s23+$0x0];
	[tilespmem:s22+$0x70] =	vst v5  }
0x4f4: {  	v5 =	vld [tilespmem:s20+$0x0];
	v9 =	vmul.f32 v10, v11;
	[tilespmem:s22+$0xFFFFFF70] =	vst v4;
	s22 =	smov.u32 s23  }
0x4f5: {  	v4 =	vld [tilespmem:s23+$0xFFFFFF00]  }
0x4f6: {  	[tilespmem:s23+$0x80] =	vst v9;
	v9 =	vld [tilespmem:s23+$0x90]  }
0x4f7: {  	v6 =	vmul.f32 v6, v12;
	v10 =	vld [tilespmem:s20+$0x90]  }
0x4f8: {  	v11 =	vld [tilespmem:s23+$0xFFFFFF10]  }
0x4f9: {  	[tilespmem:s23+$0xFFFFFF80] =	vst v6;
	v6 =	vld [tilespmem:s23+$0xFFFFFF90];
	v5 =	vmul.f32 v5, v8  }
0x4fa: {  	v4 =	vmul.f32 v7, v4;
	v7 =	vld [tilespmem:s20+$0xFFFFFF90]  }
0x4fb: {  	[tilespmem:s23+$0x0] =	vst v5;
	v5 =	vld [tilespmem:s23+$0x10]  }
0x4fc: {  	[tilespmem:s23+$0xFFFFFF00] =	vst v4;
	v4 =	vld [tilespmem:s20+$0x10];
	v8 =	vmul.f32 v10, v9  }
0x4fd: {  	v9 =	vld [tilespmem:s20+$0xFFFFFF10]  }
0x4fe: {  	[tilespmem:s23+$0x90] =	vst v8;
	v8 =	vld [tilespmem:s23+$0xA0]  }
0x4ff: {  	v6 =	vmul.f32 v7, v6;
	v7 =	vld [tilespmem:s20+$0xA0]  }
0x500: {  	v10 =	vld [tilespmem:s23+$0xFFFFFF20]  }
0x501: {  	[tilespmem:s23+$0xFFFFFF90] =	vst v6;
	v6 =	vld [tilespmem:s23+$0xFFFFFFA0];
	v4 =	vmul.f32 v4, v5  }
0x502: {  	v5 =	vmul.f32 v9, v11;
	v9 =	vld [tilespmem:s20+$0xFFFFFFA0]  }
0x503: {  	[tilespmem:s23+$0x10] =	vst v4;
	v4 =	vld [tilespmem:s23+$0x20]  }
0x504: {  	[tilespmem:s23+$0xFFFFFF10] =	vst v5;
	v5 =	vld [tilespmem:s20+$0x20];
	v7 =	vmul.f32 v7, v8  }
0x505: {  	v8 =	vld [tilespmem:s20+$0xFFFFFF20]  }
0x506: {  	[tilespmem:s23+$0xA0] =	vst v7;
	v7 =	vld [tilespmem:s23+$0xB0]  }
0x507: {  	v6 =	vmul.f32 v9, v6;
	v9 =	vld [tilespmem:s20+$0xB0]  }
0x508: {  	v11 =	vld [tilespmem:s23+$0xFFFFFF30]  }
0x509: {  	[tilespmem:s23+$0xFFFFFFA0] =	vst v6;
	v6 =	vld [tilespmem:s23+$0xFFFFFFB0];
	v4 =	vmul.f32 v5, v4  }
0x50a: {  	v5 =	vmul.f32 v8, v10;
	v8 =	vld [tilespmem:s20+$0xFFFFFFB0]  }
0x50b: {  	[tilespmem:s23+$0x20] =	vst v4;
	v4 =	vld [tilespmem:s23+$0x30]  }
0x50c: {  	[tilespmem:s23+$0xFFFFFF20] =	vst v5;
	v5 =	vld [tilespmem:s20+$0x30];
	v7 =	vmul.f32 v9, v7  }
0x50d: {  	v9 =	vld [tilespmem:s20+$0xFFFFFF30]  }
0x50e: {  	[tilespmem:s23+$0xB0] =	vst v7;
	v7 =	vld [tilespmem:s23+$0xC0]  }
0x50f: {  	v6 =	vmul.f32 v8, v6;
	v8 =	vld [tilespmem:s20+$0xC0]  }
0x510: {  	v10 =	vld [tilespmem:s23+$0xFFFFFF40]  }
0x511: {  	[tilespmem:s23+$0xFFFFFFB0] =	vst v6;
	v6 =	vld [tilespmem:s23+$0xFFFFFFC0];
	v4 =	vmul.f32 v5, v4  }
0x512: {  	v5 =	vmul.f32 v9, v11;
	v9 =	vld [tilespmem:s20+$0xFFFFFFC0]  }
0x513: {  	[tilespmem:s23+$0x30] =	vst v4;
	v4 =	vld [tilespmem:s23+$0x40]  }
0x514: {  	[tilespmem:s23+$0xFFFFFF30] =	vst v5;
	v5 =	vld [tilespmem:s20+$0x40];
	v7 =	vmul.f32 v8, v7  }
0x515: {  	v8 =	vld [tilespmem:s20+$0xFFFFFF40]  }
0x516: {  	[tilespmem:s23+$0xC0] =	vst v7;
	v7 =	vld [tilespmem:s23+$0xD0]  }
0x517: {  	v6 =	vmul.f32 v9, v6;
	v9 =	vld [tilespmem:s20+$0xD0]  }
0x518: {  	v11 =	vld [tilespmem:s23+$0xFFFFFF50]  }
0x519: {  	[tilespmem:s23+$0xFFFFFFC0] =	vst v6;
	v6 =	vld [tilespmem:s23+$0xFFFFFFD0];
	v4 =	vmul.f32 v5, v4  }
0x51a: {  	v5 =	vmul.f32 v8, v10;
	v8 =	vld [tilespmem:s20+$0xFFFFFFD0]  }
0x51b: {  	[tilespmem:s23+$0x40] =	vst v4;
	v4 =	vld [tilespmem:s23+$0x50]  }
0x51c: {  	[tilespmem:s23+$0xFFFFFF40] =	vst v5;
	v5 =	vld [tilespmem:s20+$0x50];
	v7 =	vmul.f32 v9, v7  }
0x51d: {  	v9 =	vld [tilespmem:s20+$0xFFFFFF50]  }
0x51e: {  	[tilespmem:s23+$0xD0] =	vst v7;
	v7 =	vld [tilespmem:s23+$0xE0]  }
0x51f: {  	v6 =	vmul.f32 v8, v6;
	v8 =	vld [tilespmem:s20+$0xE0]  }
0x520: {  	v10 =	vld [tilespmem:s23+$0xFFFFFF60]  }
0x521: {  	[tilespmem:s23+$0xFFFFFFD0] =	vst v6;
	v6 =	vld [tilespmem:s23+$0xFFFFFFE0];
	v4 =	vmul.f32 v5, v4  }
0x522: {  	v5 =	vmul.f32 v9, v11;
	v9 =	vld [tilespmem:s20+$0xFFFFFFE0]  }
0x523: {  	[tilespmem:s23+$0x50] =	vst v4;
	v11 =	vld [tilespmem:s23+$0x60]  }
0x524: {  	[tilespmem:s23+$0xFFFFFF50] =	vst v5;
	v12 =	vld [tilespmem:s20+$0x60];
	v4 =	vmul.f32 v8, v7  }
0x525: {  	v7 =	vld [tilespmem:s20+$0xFFFFFF60]  }
0x526: {  	[tilespmem:s23+$0xE0] =	vst v4;
	v13 =	vld [tilespmem:s23+$0xF0]  }
0x527: {  	v5 =	vmul.f32 v9, v6;
	v9 =	vld [tilespmem:s20+$0xF0]  }
0x528: {  	v4 =	vld [tilespmem:s23+$0xFFFFFF70]  }
.Ltmp14:
0x529: {  	[tilespmem:s23+$0xFFFFFFE0] =	vst v5;
	v5 =	vld [tilespmem:s23+$0xFFFFFFF0];
	v6 =	vmul.f32 v12, v11;
	(pc) =	sbr.rel @p0 .LBB2_25-.Ltmp14, $4  }
0x52a: {  	v8 =	vmul.f32 v7, v10;
	v7 =	vld [tilespmem:s20+$0xFFFFFFF0]  }
0x52b: {  	[tilespmem:s23+$0x60] =	vst v6;
	v6 =	vld [tilespmem:s23+$0x70]  }
0x52c: {  	[tilespmem:s23+$0xFFFFFF60] =	vst v8;
	v8 =	vld [tilespmem:s20+$0x70];
	v10 =	vmul.f32 v9, v13  }
0x52d: {  	s23 =	sadd.s32 $0x200, s23;
	v9 =	vld [tilespmem:s20+$0xFFFFFF70]  }
0x52e: {  	_ =	sdelay $0x1  }
0x52f: {  	v5 =	vmul.f32 v7, v5  }
0x530: {  	[tilespmem:s22+$0xF0] =	vst v10;
	v6 =	vmul.f32 v8, v6  }
0x531: {  	s20 =	sshll.u32 s19, $0x8;
	[tilespmem:s22+$0xFFFFFFF0] =	vst v5;
	v4 =	vmul.f32 v9, v4  }
0x532: {  	s21 =	sand.u32 $0x3FFFFF00, s20;
	[tilespmem:s22+$0x70] =	vst v6  }
0x533: {  	s25 =	sadd.s32 $0x15400, s21;
	[tilespmem:s22+$0xFFFFFF70] =	vst v4  }
0x534: {  	[spmem:s2] =	stream.indirect.scatter.add.f32 [tilespmem:s31], [sflag:$0x4], $0x80, s25, s10, $0xb8;
	[tilespmem:$0x1FC00] =	vst v63  }
0x535: {  	p0 =	seq.s32 s19, $0x13;
	_ =	swait.ge [sflag:s7], $0x2000  }
0x536: {  	s23 =	simm.s32 @!p0 $0x40;
	[sflag:s7] =	ssyncset.done $0x0  }
0x537: {  	s24 =	simm.s32 @!p0 $0x17C00;
	s22 =	sadd.s32 @!p0 $0x14100, s20;
	[sflag:s7] =	ssyncadd.s32 $0xFFFFE000  }
0x538: {  	[tilespmem:s24], [sflag:$0x1] =	stream.indirect.gather @!p0 [hbm4b:s1+s23], $0x80, s22, s23, $0xb8;
	[tilespmem:$0x1FC00] =	vst v63  }
0x539: {  	s22 =	sadd.s32 @!p0 $0x16900, s20;
	s24 =	simm.s32 @!p0 $0x1BC00  }
0x53a: {  	[tilespmem:s24], [sflag:$0x1] =	stream.indirect.gather @!p0 [hbm4b:s5+s23], $0x80, s22, s23, $0xb8;
	[tilespmem:$0x1FC00] =	vst v63  }
0x53b: {  	_ =	swait.ge [sflag:s17], $0x2000  }
0x53c: {  	[sflag:s17] =	ssyncset.done $0x0  }
0x53d: {  	[sflag:s17] =	ssyncadd.s32 $0xFFFFE000  }
0x53e: {  	_ =	swait.ge [sflag:s17], $0x2000  }
0x53f: {  	[sflag:s17] =	ssyncset.done $0x0  }
0x540: {  	s22 =	simm.s32 $0x19D00;
	[sflag:s17] =	ssyncadd.s32 $0xFFFFE000  }
0x541: {  	s23 =	simm.s32 $0x1DD00;
	v4 =	vld [tilespmem:s22+$0x80]  }
0x542: {  	v5 =	vld [tilespmem:s23+$0x80]  }
0x543: {  	v6 =	vld [tilespmem:s22+$0xFFFFFF80]  }
0x544: {  	v7 =	vld [tilespmem:s23+$0xFFFFFF80]  }
0x545: {  	v8 =	vld [tilespmem:s22+$0x0]  }
0x546: {  	v9 =	vld [tilespmem:s23+$0x0]  }
0x547: {  	v10 =	vld [tilespmem:s22+$0xFFFFFF00];
	v4 =	vmul.f32 v5, v4  }
0x548: {  	v5 =	vld [tilespmem:s23+$0xFFFFFF00]  }
0x549: {  	[tilespmem:s22+$0x80] =	vst v4;
	v4 =	vld [tilespmem:s22+$0x90]  }
0x54a: {  	v6 =	vmul.f32 v7, v6;
	v7 =	vld [tilespmem:s23+$0x90]  }
0x54b: {  	v11 =	vld [tilespmem:s22+$0xFFFFFF10]  }
0x54c: {  	[tilespmem:s22+$0xFFFFFF80] =	vst v6;
	v6 =	vmul.f32 v9, v8;
	v8 =	vld [tilespmem:s22+$0xFFFFFF90]  }
0x54d: {  	v9 =	vld [tilespmem:s23+$0xFFFFFF90];
	v5 =	vmul.f32 v5, v10  }
0x54e: {  	[tilespmem:s22+$0x0] =	vst v6;
	v6 =	vld [tilespmem:s22+$0x10]  }
0x54f: {  	v10 =	vld [tilespmem:s23+$0x10];
	[tilespmem:s22+$0xFFFFFF00] =	vst v5;
	v4 =	vmul.f32 v7, v4  }
0x550: {  	v5 =	vld [tilespmem:s23+$0xFFFFFF10]  }
0x551: {  	[tilespmem:s22+$0x90] =	vst v4;
	v4 =	vld [tilespmem:s22+$0xA0]  }
0x552: {  	v7 =	vmul.f32 v9, v8;
	v8 =	vld [tilespmem:s23+$0xA0]  }
0x553: {  	v9 =	vld [tilespmem:s22+$0xFFFFFF20]  }
0x554: {  	[tilespmem:s22+$0xFFFFFF90] =	vst v7;
	v6 =	vmul.f32 v10, v6;
	v7 =	vld [tilespmem:s22+$0xFFFFFFA0]  }
0x555: {  	v10 =	vld [tilespmem:s23+$0xFFFFFFA0];
	v5 =	vmul.f32 v5, v11  }
0x556: {  	[tilespmem:s22+$0x10] =	vst v6;
	v6 =	vld [tilespmem:s22+$0x20]  }
0x557: {  	v11 =	vld [tilespmem:s23+$0x20];
	[tilespmem:s22+$0xFFFFFF10] =	vst v5;
	v4 =	vmul.f32 v8, v4  }
0x558: {  	v5 =	vld [tilespmem:s23+$0xFFFFFF20]  }
0x559: {  	[tilespmem:s22+$0xA0] =	vst v4;
	v4 =	vld [tilespmem:s22+$0xB0]  }
0x55a: {  	v7 =	vmul.f32 v10, v7;
	v8 =	vld [tilespmem:s23+$0xB0]  }
0x55b: {  	v10 =	vld [tilespmem:s22+$0xFFFFFF30]  }
0x55c: {  	[tilespmem:s22+$0xFFFFFFA0] =	vst v7;
	v6 =	vmul.f32 v11, v6;
	v7 =	vld [tilespmem:s22+$0xFFFFFFB0]  }
0x55d: {  	v11 =	vld [tilespmem:s23+$0xFFFFFFB0];
	v5 =	vmul.f32 v5, v9  }
0x55e: {  	[tilespmem:s22+$0x20] =	vst v6;
	v6 =	vld [tilespmem:s22+$0x30]  }
0x55f: {  	v9 =	vld [tilespmem:s23+$0x30];
	[tilespmem:s22+$0xFFFFFF20] =	vst v5;
	v4 =	vmul.f32 v8, v4  }
0x560: {  	v5 =	vld [tilespmem:s23+$0xFFFFFF30]  }
0x561: {  	[tilespmem:s22+$0xB0] =	vst v4;
	v4 =	vld [tilespmem:s22+$0xC0]  }
0x562: {  	v7 =	vmul.f32 v11, v7;
	v8 =	vld [tilespmem:s23+$0xC0]  }
0x563: {  	v11 =	vld [tilespmem:s22+$0xFFFFFF40]  }
0x564: {  	[tilespmem:s22+$0xFFFFFFB0] =	vst v7;
	v6 =	vmul.f32 v9, v6;
	v7 =	vld [tilespmem:s22+$0xFFFFFFC0]  }
0x565: {  	v9 =	vld [tilespmem:s23+$0xFFFFFFC0];
	v5 =	vmul.f32 v5, v10  }
0x566: {  	[tilespmem:s22+$0x30] =	vst v6;
	v6 =	vld [tilespmem:s22+$0x40]  }
0x567: {  	v10 =	vld [tilespmem:s23+$0x40];
	[tilespmem:s22+$0xFFFFFF30] =	vst v5;
	v4 =	vmul.f32 v8, v4  }
0x568: {  	v5 =	vld [tilespmem:s23+$0xFFFFFF40]  }
0x569: {  	[tilespmem:s22+$0xC0] =	vst v4;
	v4 =	vld [tilespmem:s22+$0xD0]  }
0x56a: {  	v7 =	vmul.f32 v9, v7;
	v8 =	vld [tilespmem:s23+$0xD0]  }
0x56b: {  	v9 =	vld [tilespmem:s22+$0xFFFFFF50]  }
0x56c: {  	[tilespmem:s22+$0xFFFFFFC0] =	vst v7;
	v6 =	vmul.f32 v10, v6;
	v7 =	vld [tilespmem:s22+$0xFFFFFFD0]  }
0x56d: {  	v10 =	vld [tilespmem:s23+$0xFFFFFFD0];
	v5 =	vmul.f32 v5, v11  }
0x56e: {  	[tilespmem:s22+$0x40] =	vst v6;
	v6 =	vld [tilespmem:s22+$0x50]  }
0x56f: {  	v11 =	vld [tilespmem:s23+$0x50];
	[tilespmem:s22+$0xFFFFFF40] =	vst v5;
	v4 =	vmul.f32 v8, v4  }
0x570: {  	v5 =	vld [tilespmem:s23+$0xFFFFFF50]  }
0x571: {  	[tilespmem:s22+$0xD0] =	vst v4;
	v4 =	vld [tilespmem:s22+$0xE0]  }
0x572: {  	v7 =	vmul.f32 v10, v7;
	v8 =	vld [tilespmem:s23+$0xE0]  }
0x573: {  	v10 =	vld [tilespmem:s22+$0xFFFFFF60]  }
0x574: {  	[tilespmem:s22+$0xFFFFFFD0] =	vst v7;
	v6 =	vmul.f32 v11, v6;
	v7 =	vld [tilespmem:s22+$0xFFFFFFE0]  }
0x575: {  	v11 =	vld [tilespmem:s23+$0xFFFFFFE0];
	v5 =	vmul.f32 v5, v9  }
0x576: {  	[tilespmem:s22+$0x50] =	vst v6;
	v6 =	vld [tilespmem:s22+$0x60]  }
0x577: {  	v9 =	vld [tilespmem:s23+$0x60];
	[tilespmem:s22+$0xFFFFFF50] =	vst v5;
	v4 =	vmul.f32 v8, v4  }
0x578: {  	v8 =	vld [tilespmem:s23+$0xFFFFFF60]  }
0x579: {  	v12 =	vld [tilespmem:s22+$0xF0];
	[tilespmem:s22+$0xE0] =	vst v4  }
0x57a: {  	v5 =	vmul.f32 v11, v7;
	v11 =	vld [tilespmem:s23+$0xF0]  }
0x57b: {  	v4 =	vld [tilespmem:s22+$0xFFFFFF70]  }
0x57c: {  	[tilespmem:s22+$0xFFFFFFE0] =	vst v5;
	v6 =	vmul.f32 v9, v6;
	v5 =	vld [tilespmem:s22+$0xFFFFFFF0]  }
0x57d: {  	v7 =	vld [tilespmem:s23+$0xFFFFFFF0];
	v8 =	vmul.f32 v8, v10  }
0x57e: {  	[tilespmem:s22+$0x60] =	vst v6;
	v6 =	vld [tilespmem:s22+$0x70]  }
0x57f: {  	[tilespmem:s22+$0xFFFFFF60] =	vst v8;
	v8 =	vld [tilespmem:s23+$0x70];
	v10 =	vmul.f32 v11, v12  }
0x580: {  	s25 =	simm.s32 $0x19F00;
	s24 =	simm.s32 $0x0;
	v9 =	vld [tilespmem:s23+$0xFFFFFF70]  }
.LBB2_27:
0x581: {  	v11 =	vld [tilespmem:s25+$0x80];
	[tilespmem:s22+$0xF0] =	vst v10;
	s23 =	sadd.s32 $0x200, s23  }
0x582: {  	s24 =	sadd.s32 $0x4, s24;
	v10 =	vld [tilespmem:s23+$0x80];
	v5 =	vmul.f32 v7, v5  }
0x583: {  	p1 =	slt.u32 s24, $0x3C;
	v7 =	vld [tilespmem:s23+$0xFFFFFF00]  }
0x584: {  	v12 =	vld [tilespmem:s25+$0xFFFFFF80];
	[tilespmem:s22+$0xFFFFFFF0] =	vst v5;
	v5 =	vmul.f32 v8, v6  }
0x585: {  	v6 =	vld [tilespmem:s23+$0xFFFFFF80];
	v4 =	vmul.f32 v9, v4  }
0x586: {  	v8 =	vld [tilespmem:s25+$0x0];
	[tilespmem:s22+$0x70] =	vst v5  }
0x587: {  	v5 =	vld [tilespmem:s23+$0x0];
	v9 =	vmul.f32 v10, v11;
	[tilespmem:s22+$0xFFFFFF70] =	vst v4;
	s22 =	smov.u32 s25  }
0x588: {  	v4 =	vld [tilespmem:s25+$0xFFFFFF00]  }
0x589: {  	[tilespmem:s25+$0x80] =	vst v9;
	v9 =	vld [tilespmem:s25+$0x90]  }
0x58a: {  	v6 =	vmul.f32 v6, v12;
	v10 =	vld [tilespmem:s23+$0x90]  }
0x58b: {  	v11 =	vld [tilespmem:s25+$0xFFFFFF10]  }
0x58c: {  	[tilespmem:s25+$0xFFFFFF80] =	vst v6;
	v6 =	vld [tilespmem:s25+$0xFFFFFF90];
	v5 =	vmul.f32 v5, v8  }
0x58d: {  	v4 =	vmul.f32 v7, v4;
	v7 =	vld [tilespmem:s23+$0xFFFFFF90]  }
0x58e: {  	[tilespmem:s25+$0x0] =	vst v5;
	v5 =	vld [tilespmem:s25+$0x10]  }
0x58f: {  	[tilespmem:s25+$0xFFFFFF00] =	vst v4;
	v4 =	vld [tilespmem:s23+$0x10];
	v8 =	vmul.f32 v10, v9  }
0x590: {  	v9 =	vld [tilespmem:s23+$0xFFFFFF10]  }
0x591: {  	[tilespmem:s25+$0x90] =	vst v8;
	v8 =	vld [tilespmem:s25+$0xA0]  }
0x592: {  	v6 =	vmul.f32 v7, v6;
	v7 =	vld [tilespmem:s23+$0xA0]  }
0x593: {  	v10 =	vld [tilespmem:s25+$0xFFFFFF20]  }
0x594: {  	[tilespmem:s25+$0xFFFFFF90] =	vst v6;
	v6 =	vld [tilespmem:s25+$0xFFFFFFA0];
	v4 =	vmul.f32 v4, v5  }
0x595: {  	v5 =	vmul.f32 v9, v11;
	v9 =	vld [tilespmem:s23+$0xFFFFFFA0]  }
0x596: {  	[tilespmem:s25+$0x10] =	vst v4;
	v4 =	vld [tilespmem:s25+$0x20]  }
0x597: {  	[tilespmem:s25+$0xFFFFFF10] =	vst v5;
	v5 =	vld [tilespmem:s23+$0x20];
	v7 =	vmul.f32 v7, v8  }
0x598: {  	v8 =	vld [tilespmem:s23+$0xFFFFFF20]  }
0x599: {  	[tilespmem:s25+$0xA0] =	vst v7;
	v7 =	vld [tilespmem:s25+$0xB0]  }
0x59a: {  	v6 =	vmul.f32 v9, v6;
	v9 =	vld [tilespmem:s23+$0xB0]  }
0x59b: {  	v11 =	vld [tilespmem:s25+$0xFFFFFF30]  }
0x59c: {  	[tilespmem:s25+$0xFFFFFFA0] =	vst v6;
	v6 =	vld [tilespmem:s25+$0xFFFFFFB0];
	v4 =	vmul.f32 v5, v4  }
0x59d: {  	v5 =	vmul.f32 v8, v10;
	v8 =	vld [tilespmem:s23+$0xFFFFFFB0]  }
0x59e: {  	[tilespmem:s25+$0x20] =	vst v4;
	v4 =	vld [tilespmem:s25+$0x30]  }
0x59f: {  	[tilespmem:s25+$0xFFFFFF20] =	vst v5;
	v5 =	vld [tilespmem:s23+$0x30];
	v7 =	vmul.f32 v9, v7  }
0x5a0: {  	v9 =	vld [tilespmem:s23+$0xFFFFFF30]  }
0x5a1: {  	[tilespmem:s25+$0xB0] =	vst v7;
	v7 =	vld [tilespmem:s25+$0xC0]  }
0x5a2: {  	v6 =	vmul.f32 v8, v6;
	v8 =	vld [tilespmem:s23+$0xC0]  }
0x5a3: {  	v10 =	vld [tilespmem:s25+$0xFFFFFF40]  }
0x5a4: {  	[tilespmem:s25+$0xFFFFFFB0] =	vst v6;
	v6 =	vld [tilespmem:s25+$0xFFFFFFC0];
	v4 =	vmul.f32 v5, v4  }
0x5a5: {  	v5 =	vmul.f32 v9, v11;
	v9 =	vld [tilespmem:s23+$0xFFFFFFC0]  }
0x5a6: {  	[tilespmem:s25+$0x30] =	vst v4;
	v4 =	vld [tilespmem:s25+$0x40]  }
0x5a7: {  	[tilespmem:s25+$0xFFFFFF30] =	vst v5;
	v5 =	vld [tilespmem:s23+$0x40];
	v7 =	vmul.f32 v8, v7  }
0x5a8: {  	v8 =	vld [tilespmem:s23+$0xFFFFFF40]  }
0x5a9: {  	[tilespmem:s25+$0xC0] =	vst v7;
	v7 =	vld [tilespmem:s25+$0xD0]  }
0x5aa: {  	v6 =	vmul.f32 v9, v6;
	v9 =	vld [tilespmem:s23+$0xD0]  }
0x5ab: {  	v11 =	vld [tilespmem:s25+$0xFFFFFF50]  }
0x5ac: {  	[tilespmem:s25+$0xFFFFFFC0] =	vst v6;
	v6 =	vld [tilespmem:s25+$0xFFFFFFD0];
	v4 =	vmul.f32 v5, v4  }
0x5ad: {  	v5 =	vmul.f32 v8, v10;
	v8 =	vld [tilespmem:s23+$0xFFFFFFD0]  }
0x5ae: {  	[tilespmem:s25+$0x40] =	vst v4;
	v4 =	vld [tilespmem:s25+$0x50]  }
0x5af: {  	[tilespmem:s25+$0xFFFFFF40] =	vst v5;
	v5 =	vld [tilespmem:s23+$0x50];
	v7 =	vmul.f32 v9, v7  }
0x5b0: {  	v9 =	vld [tilespmem:s23+$0xFFFFFF50]  }
0x5b1: {  	[tilespmem:s25+$0xD0] =	vst v7;
	v7 =	vld [tilespmem:s25+$0xE0]  }
0x5b2: {  	v6 =	vmul.f32 v8, v6;
	v8 =	vld [tilespmem:s23+$0xE0]  }
0x5b3: {  	v10 =	vld [tilespmem:s25+$0xFFFFFF60]  }
0x5b4: {  	[tilespmem:s25+$0xFFFFFFD0] =	vst v6;
	v6 =	vld [tilespmem:s25+$0xFFFFFFE0];
	v4 =	vmul.f32 v5, v4  }
0x5b5: {  	v5 =	vmul.f32 v9, v11;
	v9 =	vld [tilespmem:s23+$0xFFFFFFE0]  }
0x5b6: {  	[tilespmem:s25+$0x50] =	vst v4;
	v11 =	vld [tilespmem:s25+$0x60]  }
0x5b7: {  	[tilespmem:s25+$0xFFFFFF50] =	vst v5;
	v12 =	vld [tilespmem:s23+$0x60];
	v4 =	vmul.f32 v8, v7  }
0x5b8: {  	v7 =	vld [tilespmem:s23+$0xFFFFFF60]  }
0x5b9: {  	[tilespmem:s25+$0xE0] =	vst v4;
	v13 =	vld [tilespmem:s25+$0xF0]  }
0x5ba: {  	v5 =	vmul.f32 v9, v6;
	v9 =	vld [tilespmem:s23+$0xF0]  }
0x5bb: {  	v4 =	vld [tilespmem:s25+$0xFFFFFF70]  }
.Ltmp15:
0x5bc: {  	[tilespmem:s25+$0xFFFFFFE0] =	vst v5;
	v5 =	vld [tilespmem:s25+$0xFFFFFFF0];
	v6 =	vmul.f32 v12, v11;
	(pc) =	sbr.rel @p1 .LBB2_27-.Ltmp15, $4  }
0x5bd: {  	v8 =	vmul.f32 v7, v10;
	v7 =	vld [tilespmem:s23+$0xFFFFFFF0]  }
0x5be: {  	[tilespmem:s25+$0x60] =	vst v6;
	v6 =	vld [tilespmem:s25+$0x70]  }
0x5bf: {  	[tilespmem:s25+$0xFFFFFF60] =	vst v8;
	v8 =	vld [tilespmem:s23+$0x70];
	v10 =	vmul.f32 v9, v13  }
0x5c0: {  	s25 =	sadd.s32 $0x200, s25;
	v9 =	vld [tilespmem:s23+$0xFFFFFF70]  }
0x5c1: {  	_ =	sdelay $0x1  }
0x5c2: {  	v5 =	vmul.f32 v7, v5  }
0x5c3: {  	[tilespmem:s22+$0xF0] =	vst v10;
	v6 =	vmul.f32 v8, v6  }
0x5c4: {  	[tilespmem:s22+$0xFFFFFFF0] =	vst v5;
	v4 =	vmul.f32 v9, v4  }
0x5c5: {  	[tilespmem:s22+$0x70] =	vst v6  }
.Ltmp16:
0x5c6: {  	s21 =	sadd.s32 $0x15480, s21;
	[tilespmem:s22+$0xFFFFFF70] =	vst v4;
	(pc) =	sbr.rel @p0 .LBB2_30-.Ltmp16, $4  }
0x5c7: {  	[spmem:s2] =	stream.indirect.scatter.add.f32 [tilespmem:s13], [sflag:$0x4], $0x80, s21, s10, $0xb8;
	[tilespmem:$0x1FC00] =	vst v63  }
0x5c8: {  	_ =	swait.ge [sflag:s7], $0x2000  }
0x5c9: {  	[sflag:s7] =	ssyncset.done $0x0  }
0x5ca: {  	[sflag:s7] =	ssyncadd.s32 $0xFFFFE000  }
.Ltmp17:
0x5cb: {  	(pc) =	sbr.rel .LBB2_24-.Ltmp17, $4  }
0x5cc: {  	s21 =	sadd.s32 $0x14180, s20  }
0x5cd: {  	[tilespmem:s13], [sflag:$0x2] =	stream.indirect.gather [hbm4b:s1+s10], $0x80, s21, s10, $0xb8;
	[tilespmem:$0x1FC00] =	vst v63  }
0x5ce: {  	s25 =	sadd.s32 $0x16980, s20;
	s19 =	sadd.s32 $0x1, s19  }
0x5cf: {  	[tilespmem:s15], [sflag:$0x2] =	stream.indirect.gather [hbm4b:s5+s10], $0x80, s25, s10, $0xb8;
	[tilespmem:$0x1FC00] =	vst v63  }
.LBB2_30:
0x5d0: {  	s19 =	rddreg [dreg:$0xf]  }
0x5d1: {  	[tilespmem:s3], [sflag:$0x4] =	stream.linear.gather [hbm4b:s19+s4], $0x1400, $0x38;
	[tilespmem:$0x1FC00] =	vst v63  }
0x5d2: {  	_ =	swait.ge [sflag:s7], $0x1400  }
0x5d3: {  	[sflag:s7] =	ssyncset.done $0x0  }
0x5d4: {  	s24 =	rddreg [dreg:$0x10];
	[sflag:s7] =	ssyncadd.s32 $0xFFFFEC00  }
0x5d5: {  	[tilespmem:s8], [sflag:$0x4] =	stream.linear.gather [hbm4b:s24+s4], $0x1400, $0x38;
	[tilespmem:$0x1FC00] =	vst v63  }
0x5d6: {  	_ =	swait.ge [sflag:s7], $0x1400  }
0x5d7: {  	[sflag:s7] =	ssyncset.done $0x0  }
0x5d8: {  	s25 =	rddreg [dreg:$0x11];
	[sflag:s7] =	ssyncadd.s32 $0xFFFFEC00  }
0x5d9: {  	[tilespmem:s9], [sflag:$0x4] =	stream.linear.gather [hbm4b:s25+s4], $0x1400, $0x38;
	[tilespmem:$0x1FC00] =	vst v63  }
0x5da: {  	_ =	swait.ge [sflag:s7], $0x1400  }
0x5db: {  	[sflag:s7] =	ssyncset.done $0x0  }
0x5dc: {  	s22 =	simm.s32 $0x14100;
	[sflag:s7] =	ssyncadd.s32 $0xFFFFEC00  }
0x5dd: {  	v4 =	vld [tilespmem:s22+$0x80];
	_ =	sdelay $0x3  }
0x5de: {  	v5 =	vld [tilespmem:s22+$0xFFFFFF00]  }
0x5df: {  	v6 =	vld [tilespmem:s22+$0xFFFFFF80];
	v4 =	vshll.u32 v4, $0x1  }
0x5e0: {  	v7 =	vld [tilespmem:s22+$0x0];
	v4 =	vor.u32 v1, v4  }
0x5e1: {  	s19 =	simm.s32 $0x16900;
	[tilespmem:s22+$0x80] =	vst v4  }
0x5e2: {  	v4 =	vld [tilespmem:s19+$0x80]  }
0x5e3: {  	v5 =	vshll.u32 v5, $0x1  }
0x5e4: {  	v6 =	vshll.u32 v6, $0x1;
	v5 =	vor.u32 v1, v5  }
0x5e5: {  	v7 =	vshll.u32 v7, $0x1;
	v6 =	vor.u32 v1, v6;
	[tilespmem:s22+$0xFFFFFF00] =	vst v5  }
0x5e6: {  	[tilespmem:s22+$0xFFFFFF80] =	vst v6;
	v5 =	vor.u32 v1, v7;
	v6 =	vld [tilespmem:s19+$0xFFFFFF00]  }
0x5e7: {  	v7 =	vld [tilespmem:s19+$0xFFFFFF80];
	[tilespmem:s22+$0x0] =	vst v5;
	v4 =	vshll.u32 v4, $0x1  }
0x5e8: {  	v5 =	vld [tilespmem:s19+$0x0];
	v4 =	vadd.s32 v4, v2  }
0x5e9: {  	[tilespmem:s19+$0x80] =	vst v4  }
0x5ea: {  	v4 =	vld [tilespmem:s22+$0x90]  }
0x5eb: {  	v6 =	vshll.u32 v6, $0x1  }
0x5ec: {  	v7 =	vshll.u32 v7, $0x1;
	v6 =	vadd.s32 v6, v0  }
0x5ed: {  	v7 =	vadd.s32 v7, v2;
	v5 =	vshll.u32 v5, $0x1;
	[tilespmem:s19+$0xFFFFFF00] =	vst v6  }
0x5ee: {  	[tilespmem:s19+$0xFFFFFF80] =	vst v7;
	v5 =	vadd.s32 v5, v0;
	v6 =	vld [tilespmem:s22+$0xFFFFFF10]  }
0x5ef: {  	v7 =	vld [tilespmem:s22+$0xFFFFFF90];
	[tilespmem:s19+$0x0] =	vst v5;
	v4 =	vshll.u32 v4, $0x1  }
0x5f0: {  	v5 =	vld [tilespmem:s22+$0x10];
	v4 =	vor.u32 v1, v4  }
0x5f1: {  	[tilespmem:s22+$0x90] =	vst v4  }
0x5f2: {  	v4 =	vld [tilespmem:s19+$0x90]  }
0x5f3: {  	v6 =	vshll.u32 v6, $0x1  }
0x5f4: {  	v7 =	vshll.u32 v7, $0x1;
	v6 =	vor.u32 v1, v6  }
0x5f5: {  	v7 =	vor.u32 v1, v7;
	v5 =	vshll.u32 v5, $0x1;
	[tilespmem:s22+$0xFFFFFF10] =	vst v6  }
0x5f6: {  	[tilespmem:s22+$0xFFFFFF90] =	vst v7;
	v5 =	vor.u32 v1, v5;
	v6 =	vld [tilespmem:s19+$0xFFFFFF10]  }
0x5f7: {  	v7 =	vld [tilespmem:s19+$0xFFFFFF90];
	[tilespmem:s22+$0x10] =	vst v5;
	v4 =	vshll.u32 v4, $0x1  }
0x5f8: {  	s20 =	simm.s32 $0x14300;
	v5 =	vld [tilespmem:s19+$0x10];
	v4 =	vadd.s32 v4, v2  }
0x5f9: {  	[tilespmem:s19+$0x90] =	vst v4;
	v4 =	vld [tilespmem:s20+$0x80]  }
0x5fa: {  	v8 =	vld [tilespmem:s22+$0xA0]  }
0x5fb: {  	v9 =	vld [tilespmem:s20+$0xFFFFFF80];
	v6 =	vshll.u32 v6, $0x1  }
0x5fc: {  	v10 =	vld [tilespmem:s20+$0x0];
	v7 =	vshll.u32 v7, $0x1;
	v6 =	vadd.s32 v6, v0  }
0x5fd: {  	v7 =	vadd.s32 v7, v2;
	v5 =	vshll.u32 v5, $0x1;
	[tilespmem:s19+$0xFFFFFF10] =	vst v6;
	v6 =	vld [tilespmem:s20+$0xFFFFFF00]  }
0x5fe: {  	[tilespmem:s19+$0xFFFFFF90] =	vst v7;
	v5 =	vadd.s32 v5, v0;
	v7 =	vld [tilespmem:s22+$0xFFFFFF20];
	v4 =	vshll.u32 v4, $0x1  }
0x5ff: {  	[tilespmem:s19+$0x10] =	vst v5;
	v5 =	vld [tilespmem:s22+$0xFFFFFFA0];
	v4 =	vor.u32 v1, v4;
	v8 =	vshll.u32 v8, $0x1  }
0x600: {  	s21 =	simm.s32 $0x16B00;
	v9 =	vshll.u32 v9, $0x1;
	[tilespmem:s20+$0x80] =	vst v4;
	v4 =	vld [tilespmem:s22+$0x20];
	v8 =	vor.u32 v1, v8  }
0x601: {  	v10 =	vshll.u32 v10, $0x1;
	v9 =	vor.u32 v1, v9;
	v11 =	vld [tilespmem:s21+$0x80];
	[tilespmem:s22+$0xA0] =	vst v8  }
0x602: {  	[tilespmem:s20+$0xFFFFFF80] =	vst v9;
	v6 =	vshll.u32 v6, $0x1;
	v8 =	vor.u32 v1, v10;
	v9 =	vld [tilespmem:s19+$0xA0]  }
0x603: {  	v6 =	vor.u32 v1, v6;
	v7 =	vshll.u32 v7, $0x1;
	v10 =	vld [tilespmem:s21+$0xFFFFFF80];
	[tilespmem:s20+$0x0] =	vst v8  }
0x604: {  	v5 =	vshll.u32 v5, $0x1;
	[tilespmem:s20+$0xFFFFFF00] =	vst v6;
	v7 =	vor.u32 v1, v7;
	v6 =	vld [tilespmem:s21+$0x0]  }
0x605: {  	v5 =	vor.u32 v1, v5;
	[tilespmem:s22+$0xFFFFFF20] =	vst v7;
	v8 =	vld [tilespmem:s21+$0xFFFFFF00];
	v4 =	vshll.u32 v4, $0x1  }
0x606: {  	[tilespmem:s22+$0xFFFFFFA0] =	vst v5;
	v7 =	vshll.u32 v11, $0x1;
	v11 =	vld [tilespmem:s19+$0xFFFFFF20];
	v4 =	vor.u32 v1, v4  }
0x607: {  	v5 =	vadd.s32 v7, v2;
	v7 =	vld [tilespmem:s19+$0xFFFFFFA0];
	[tilespmem:s22+$0x20] =	vst v4;
	v4 =	vshll.u32 v9, $0x1  }
0x608: {  	v9 =	vshll.u32 v10, $0x1;
	[tilespmem:s21+$0x80] =	vst v5;
	v5 =	vld [tilespmem:s19+$0x20];
	v4 =	vadd.s32 v4, v2  }
0x609: {  	v9 =	vadd.s32 v9, v2;
	v6 =	vshll.u32 v6, $0x1;
	v10 =	vld [tilespmem:s20+$0x90];
	[tilespmem:s19+$0xA0] =	vst v4  }
0x60a: {  	v4 =	vshll.u32 v8, $0x1;
	[tilespmem:s21+$0xFFFFFF80] =	vst v9;
	v6 =	vadd.s32 v6, v0;
	v8 =	vld [tilespmem:s22+$0xB0]  }
0x60b: {  	v4 =	vadd.s32 v4, v0;
	v9 =	vld [tilespmem:s20+$0xFFFFFF90];
	[tilespmem:s21+$0x0] =	vst v6;
	v6 =	vshll.u32 v11, $0x1  }
0x60c: {  	[tilespmem:s21+$0xFFFFFF00] =	vst v4;
	v4 =	vld [tilespmem:s20+$0x10];
	v6 =	vadd.s32 v6, v0;
	v7 =	vshll.u32 v7, $0x1  }
0x60d: {  	v11 =	vld [tilespmem:s20+$0xFFFFFF10];
	[tilespmem:s19+$0xFFFFFF20] =	vst v6;
	v6 =	vadd.s32 v7, v2;
	v5 =	vshll.u32 v5, $0x1  }
0x60e: {  	v7 =	vshll.u32 v10, $0x1;
	v10 =	vld [tilespmem:s22+$0xFFFFFF30];
	[tilespmem:s19+$0xFFFFFFA0] =	vst v6;
	v5 =	vadd.s32 v5, v0  }
0x60f: {  	v6 =	vor.u32 v1, v7;
	v7 =	vld [tilespmem:s22+$0xFFFFFFB0];
	[tilespmem:s19+$0x20] =	vst v5;
	v5 =	vshll.u32 v8, $0x1  }
0x610: {  	v8 =	vshll.u32 v9, $0x1;
	[tilespmem:s20+$0x90] =	vst v6;
	v6 =	vld [tilespmem:s22+$0x30];
	v5 =	vor.u32 v1, v5  }
0x611: {  	v8 =	vor.u32 v1, v8;
	v4 =	vshll.u32 v4, $0x1;
	v12 =	vld [tilespmem:s21+$0x90];
	[tilespmem:s22+$0xB0] =	vst v5  }
0x612: {  	v5 =	vshll.u32 v11, $0x1;
	[tilespmem:s20+$0xFFFFFF90] =	vst v8;
	v4 =	vor.u32 v1, v4;
	v11 =	vld [tilespmem:s19+$0xB0]  }
0x613: {  	v5 =	vor.u32 v1, v5;
	v13 =	vld [tilespmem:s21+$0xFFFFFF90];
	[tilespmem:s20+$0x10] =	vst v4;
	v4 =	vshll.u32 v10, $0x1  }
0x614: {  	[tilespmem:s20+$0xFFFFFF10] =	vst v5;
	v8 =	vld [tilespmem:s21+$0x10];
	v4 =	vor.u32 v1, v4;
	v5 =	vshll.u32 v7, $0x1  }
0x615: {  	v9 =	vld [tilespmem:s21+$0xFFFFFF10];
	[tilespmem:s22+$0xFFFFFF30] =	vst v4;
	v4 =	vor.u32 v1, v5;
	v6 =	vshll.u32 v6, $0x1  }
0x616: {  	v7 =	vshll.u32 v12, $0x1;
	v5 =	vld [tilespmem:s19+$0xFFFFFF30];
	[tilespmem:s22+$0xFFFFFFB0] =	vst v4;
	v6 =	vor.u32 v1, v6  }
0x617: {  	v7 =	vadd.s32 v7, v2;
	v4 =	vld [tilespmem:s19+$0xFFFFFFB0];
	[tilespmem:s22+$0x30] =	vst v6;
	v11 =	vshll.u32 v11, $0x1  }
0x618: {  	s23 =	simm.s32 $0x14500;
	s22 =	simm.s32 $0x4;
	v10 =	vshll.u32 v13, $0x1;
	[tilespmem:s21+$0x90] =	vst v7;
	v6 =	vld [tilespmem:s19+$0x30];
	v7 =	vadd.s32 v11, v2  }
.LBB2_31:
0x619: {  	v11 =	vld [tilespmem:s23+$0x80];
	v10 =	vadd.s32 v10, v2;
	v8 =	vshll.u32 v8, $0x1;
	[tilespmem:s19+$0xB0] =	vst v7  }
0x61a: {  	s22 =	sadd.s32 $0x4, s22;
	v7 =	vshll.u32 v9, $0x1;
	[tilespmem:s21+$0xFFFFFF90] =	vst v10;
	v8 =	vadd.s32 v8, v0;
	v9 =	vld [tilespmem:s20+$0xA0]  }
0x61b: {  	p0 =	slt.u32 s22, $0x24;
	v10 =	vld [tilespmem:s23+$0xFFFFFF80];
	v7 =	vadd.s32 v7, v0;
	[tilespmem:s21+$0x10] =	vst v8;
	v5 =	vshll.u32 v5, $0x1  }
0x61c: {  	v8 =	vld [tilespmem:s23+$0x0];
	[tilespmem:s21+$0xFFFFFF10] =	vst v7;
	v5 =	vadd.s32 v5, v0;
	v4 =	vshll.u32 v4, $0x1  }
0x61d: {  	v7 =	vld [tilespmem:s23+$0xFFFFFF00];
	[tilespmem:s19+$0xFFFFFF30] =	vst v5;
	v4 =	vadd.s32 v4, v2;
	v5 =	vshll.u32 v6, $0x1  }
0x61e: {  	v6 =	vshll.u32 v11, $0x1;
	v11 =	vld [tilespmem:s20+$0xFFFFFF20];
	[tilespmem:s19+$0xFFFFFFB0] =	vst v4;
	v4 =	vadd.s32 v5, v0  }
0x61f: {  	v5 =	vor.u32 v1, v6;
	v6 =	vld [tilespmem:s20+$0xFFFFFFA0];
	v9 =	vshll.u32 v9, $0x1;
	[tilespmem:s19+$0x30] =	vst v4;
	s19 =	smov.u32 s21  }
0x620: {  	s21 =	sadd.s32 $0x200, s21;
	v4 =	vshll.u32 v10, $0x1;
	[tilespmem:s23+$0x80] =	vst v5;
	v5 =	vld [tilespmem:s20+$0x20];
	v9 =	vor.u32 v1, v9  }
0x621: {  	v4 =	vor.u32 v1, v4;
	v8 =	vshll.u32 v8, $0x1;
	v10 =	vld [tilespmem:s21+$0x80];
	[tilespmem:s20+$0xA0] =	vst v9  }
0x622: {  	v7 =	vshll.u32 v7, $0x1;
	[tilespmem:s23+$0xFFFFFF80] =	vst v4;
	v4 =	vor.u32 v1, v8;
	v8 =	vld [tilespmem:s19+$0xA0]  }
0x623: {  	v7 =	vor.u32 v1, v7;
	v9 =	vld [tilespmem:s21+$0xFFFFFF80];
	[tilespmem:s23+$0x0] =	vst v4;
	v4 =	vshll.u32 v11, $0x1  }
0x624: {  	[tilespmem:s23+$0xFFFFFF00] =	vst v7;
	v7 =	vld [tilespmem:s21+$0x0];
	v4 =	vor.u32 v1, v4;
	v6 =	vshll.u32 v6, $0x1  }
0x625: {  	v11 =	vld [tilespmem:s21+$0xFFFFFF00];
	[tilespmem:s20+$0xFFFFFF20] =	vst v4;
	v4 =	vor.u32 v1, v6;
	v5 =	vshll.u32 v5, $0x1  }
0x626: {  	v6 =	vshll.u32 v10, $0x1;
	v10 =	vld [tilespmem:s19+$0xFFFFFF20];
	[tilespmem:s20+$0xFFFFFFA0] =	vst v4;
	v4 =	vor.u32 v1, v5  }
0x627: {  	v5 =	vadd.s32 v6, v2;
	v6 =	vld [tilespmem:s19+$0xFFFFFFA0];
	[tilespmem:s20+$0x20] =	vst v4;
	v4 =	vshll.u32 v8, $0x1  }
0x628: {  	v8 =	vshll.u32 v9, $0x1;
	[tilespmem:s21+$0x80] =	vst v5;
	v5 =	vld [tilespmem:s19+$0x20];
	v4 =	vadd.s32 v4, v2  }
0x629: {  	v8 =	vadd.s32 v8, v2;
	v7 =	vshll.u32 v7, $0x1;
	v9 =	vld [tilespmem:s23+$0x90];
	[tilespmem:s19+$0xA0] =	vst v4  }
0x62a: {  	v4 =	vshll.u32 v11, $0x1;
	[tilespmem:s21+$0xFFFFFF80] =	vst v8;
	v7 =	vadd.s32 v7, v0;
	v8 =	vld [tilespmem:s20+$0xB0]  }
0x62b: {  	v4 =	vadd.s32 v4, v0;
	v11 =	vld [tilespmem:s23+$0xFFFFFF90];
	[tilespmem:s21+$0x0] =	vst v7;
	v7 =	vshll.u32 v10, $0x1  }
0x62c: {  	[tilespmem:s21+$0xFFFFFF00] =	vst v4;
	v4 =	vld [tilespmem:s23+$0x10];
	v7 =	vadd.s32 v7, v0;
	v6 =	vshll.u32 v6, $0x1  }
0x62d: {  	v10 =	vld [tilespmem:s23+$0xFFFFFF10];
	[tilespmem:s19+$0xFFFFFF20] =	vst v7;
	v6 =	vadd.s32 v6, v2;
	v5 =	vshll.u32 v5, $0x1  }
0x62e: {  	v7 =	vshll.u32 v9, $0x1;
	v9 =	vld [tilespmem:s20+$0xFFFFFF30];
	[tilespmem:s19+$0xFFFFFFA0] =	vst v6;
	v5 =	vadd.s32 v5, v0  }
0x62f: {  	v6 =	vor.u32 v1, v7;
	v7 =	vld [tilespmem:s20+$0xFFFFFFB0];
	[tilespmem:s19+$0x20] =	vst v5;
	v5 =	vshll.u32 v8, $0x1  }
0x630: {  	v8 =	vshll.u32 v11, $0x1;
	[tilespmem:s23+$0x90] =	vst v6;
	v6 =	vld [tilespmem:s20+$0x30];
	v5 =	vor.u32 v1, v5  }
0x631: {  	v8 =	vor.u32 v1, v8;
	v4 =	vshll.u32 v4, $0x1;
	v11 =	vld [tilespmem:s21+$0x90];
	[tilespmem:s20+$0xB0] =	vst v5  }
0x632: {  	v5 =	vshll.u32 v10, $0x1;
	[tilespmem:s23+$0xFFFFFF90] =	vst v8;
	v4 =	vor.u32 v1, v4;
	v10 =	vld [tilespmem:s19+$0xB0]  }
0x633: {  	v5 =	vor.u32 v1, v5;
	v12 =	vld [tilespmem:s21+$0xFFFFFF90];
	[tilespmem:s23+$0x10] =	vst v4;
	v4 =	vshll.u32 v9, $0x1  }
.Ltmp18:
0x634: {  	[tilespmem:s23+$0xFFFFFF10] =	vst v5;
	v8 =	vld [tilespmem:s21+$0x10];
	v4 =	vor.u32 v1, v4;
	v5 =	vshll.u32 v7, $0x1;
	(pc) =	sbr.rel @p0 .LBB2_31-.Ltmp18, $4  }
0x635: {  	v9 =	vld [tilespmem:s21+$0xFFFFFF10];
	[tilespmem:s20+$0xFFFFFF30] =	vst v4;
	v4 =	vor.u32 v1, v5;
	v6 =	vshll.u32 v6, $0x1  }
0x636: {  	v7 =	vshll.u32 v11, $0x1;
	v5 =	vld [tilespmem:s19+$0xFFFFFF30];
	[tilespmem:s20+$0xFFFFFFB0] =	vst v4;
	v6 =	vor.u32 v1, v6  }
0x637: {  	v7 =	vadd.s32 v7, v2;
	v4 =	vld [tilespmem:s19+$0xFFFFFFB0];
	[tilespmem:s20+$0x30] =	vst v6;
	v11 =	vshll.u32 v10, $0x1;
	s20 =	smov.u32 s23  }
0x638: {  	s23 =	sadd.s32 $0x200, s23;
	v10 =	vshll.u32 v12, $0x1;
	[tilespmem:s21+$0x90] =	vst v7;
	v6 =	vld [tilespmem:s19+$0x30];
	v7 =	vadd.s32 v11, v2  }
0x639: {  	_ = 	snop  }
0x63a: {  	v9 =	vshll.u32 v9, $0x1  }
0x63b: {  	v9 =	vadd.s32 v9, v0  }
0x63c: {  	v10 =	vadd.s32 v10, v2;
	v8 =	vshll.u32 v8, $0x1;
	v11 =	vld [tilespmem:s20+$0xA0];
	[tilespmem:s21+$0xFFFFFF10] =	vst v9  }
0x63d: {  	[tilespmem:s21+$0xFFFFFF90] =	vst v10;
	v8 =	vadd.s32 v8, v0;
	v9 =	vld [tilespmem:s20+$0xFFFFFF20]  }
0x63e: {  	[tilespmem:s21+$0x10] =	vst v8;
	v54 =	vld [tilespmem:s20+$0xFFFFFFA0]  }
0x63f: {  	v55 =	vld [tilespmem:s20+$0x20];
	_ =	sdelay $0x1  }
0x640: {  	v11 =	vshll.u32 v11, $0x1  }
0x641: {  	v11 =	vor.u32 v1, v11;
	v9 =	vshll.u32 v9, $0x1  }
0x642: {  	[tilespmem:s20+$0xA0] =	vst v11;
	v8 =	vshll.u32 v54, $0x1;
	v9 =	vor.u32 v1, v9  }
0x643: {  	v11 =	vld [tilespmem:s21+$0xA0];
	v8 =	vor.u32 v1, v8;
	v56 =	vshll.u32 v55, $0x1;
	[tilespmem:s20+$0xFFFFFF20] =	vst v9  }
0x644: {  	[tilespmem:s20+$0xFFFFFFA0] =	vst v8;
	v58 =	vor.u32 v1, v56;
	v57 =	vld [tilespmem:s21+$0xFFFFFF20]  }
0x645: {  	v59 =	vld [tilespmem:s21+$0xFFFFFFA0];
	[tilespmem:s20+$0x20] =	vst v58  }
0x646: {  	v8 =	vld [tilespmem:s21+$0x20];
	_ =	sdelay $0x1  }
0x647: {  	v11 =	vshll.u32 v11, $0x1  }
0x648: {  	v11 =	vadd.s32 v11, v2;
	v10 =	vshll.u32 v57, $0x1  }
0x649: {  	[tilespmem:s21+$0xA0] =	vst v11;
	v9 =	vshll.u32 v59, $0x1;
	v10 =	vadd.s32 v10, v0  }
0x64a: {  	v11 =	vld [tilespmem:s20+$0xB0];
	v9 =	vadd.s32 v9, v2;
	v8 =	vshll.u32 v8, $0x1;
	[tilespmem:s21+$0xFFFFFF20] =	vst v10  }
0x64b: {  	[tilespmem:s21+$0xFFFFFFA0] =	vst v9;
	v8 =	vadd.s32 v8, v0;
	v10 =	vld [tilespmem:s20+$0xFFFFFF30]  }
0x64c: {  	v9 =	vld [tilespmem:s20+$0xFFFFFFB0];
	[tilespmem:s21+$0x20] =	vst v8  }
0x64d: {  	v8 =	vld [tilespmem:s20+$0x30];
	_ =	sdelay $0x1  }
0x64e: {  	v11 =	vshll.u32 v11, $0x1  }
0x64f: {  	v11 =	vor.u32 v1, v11;
	v10 =	vshll.u32 v10, $0x1  }
0x650: {  	[tilespmem:s20+$0xB0] =	vst v11;
	v9 =	vshll.u32 v9, $0x1;
	v10 =	vor.u32 v1, v10  }
0x651: {  	v60 =	vld [tilespmem:s21+$0xB0];
	v9 =	vor.u32 v1, v9;
	v8 =	vshll.u32 v8, $0x1;
	[tilespmem:s20+$0xFFFFFF30] =	vst v10  }
0x652: {  	[tilespmem:s20+$0xFFFFFFB0] =	vst v9;
	v8 =	vor.u32 v1, v8;
	v61 =	vld [tilespmem:s21+$0xFFFFFF30]  }
0x653: {  	v5 =	vshll.u32 v5, $0x1;
	[tilespmem:s20+$0x30] =	vst v8;
	v62 =	vld [tilespmem:s21+$0xFFFFFFB0]  }
0x654: {  	[tilespmem:s19+$0xB0] =	vst v7;
	v5 =	vadd.s32 v5, v0;
	v4 =	vshll.u32 v4, $0x1;
	v63 =	vld [tilespmem:s21+$0x30]  }
0x655: {  	[tilespmem:s19+$0xFFFFFF30] =	vst v5;
	v4 =	vadd.s32 v4, v2;
	v5 =	vshll.u32 v6, $0x1  }
0x656: {  	[tilespmem:s19+$0xFFFFFFB0] =	vst v4;
	v4 =	vadd.s32 v5, v0;
	v5 =	vshll.u32 v60, $0x1  }
0x657: {  	[tilespmem:s19+$0x30] =	vst v4;
	v4 =	vadd.s32 v5, v2;
	v5 =	vshll.u32 v61, $0x1  }
0x658: {  	[tilespmem:s21+$0xB0] =	vst v4;
	v4 =	vadd.s32 v5, v0;
	v5 =	vshll.u32 v62, $0x1  }
0x659: {  	[tilespmem:s21+$0xFFFFFF30] =	vst v4;
	v4 =	vadd.s32 v5, v2;
	v5 =	vshll.u32 v63, $0x1  }
0x65a: {  	[tilespmem:s21+$0xFFFFFFB0] =	vst v4;
	v4 =	vadd.s32 v5, v0  }
0x65b: {  	[tilespmem:s21+$0x30] =	vst v4  }
0x65c: {  	[tilespmem:s31], [sflag:$0x1] =	stream.indirect.gather [hbm4b:s1+s10], $0x80, s3, s10, $0xb8;
	[tilespmem:$0x1FC00] =	vst v63  }
0x65d: {  	_ = 	snop  }
0x65e: {  	[tilespmem:s11], [sflag:$0x1] =	stream.indirect.gather [hbm4b:s5+s10], $0x80, s9, s10, $0xb8;
	[tilespmem:$0x1FC00] =	vst v63  }
0x65f: {  	_ = 	snop  }
0x660: {  	[tilespmem:s13], [sflag:$0x2] =	stream.indirect.gather [hbm4b:s1+s10], $0x80, s12, s10, $0xb8;
	[tilespmem:$0x1FC00] =	vst v63  }
0x661: {  	s19 =	simm.s32 $0x0  }
0x662: {  	[tilespmem:s15], [sflag:$0x2] =	stream.indirect.gather [hbm4b:s5+s10], $0x80, s14, s10, $0xb8;
	[tilespmem:$0x1FC00] =	vst v63  }
.LBB2_33:
0x663: {  	_ =	swait.ge [sflag:s16], $0x2000  }
0x664: {  	[sflag:s16] =	ssyncset.done $0x0  }
0x665: {  	[sflag:s16] =	ssyncadd.s32 $0xFFFFE000  }
0x666: {  	_ =	swait.ge [sflag:s16], $0x2000  }
0x667: {  	[sflag:s16] =	ssyncset.done $0x0  }
0x668: {  	s22 =	simm.s32 $0x17D00;
	[sflag:s16] =	ssyncadd.s32 $0xFFFFE000  }
0x669: {  	s20 =	simm.s32 $0x1BD00;
	v4 =	vld [tilespmem:s22+$0x80]  }
0x66a: {  	v5 =	vld [tilespmem:s20+$0x80]  }
0x66b: {  	v6 =	vld [tilespmem:s22+$0xFFFFFF80]  }
0x66c: {  	v7 =	vld [tilespmem:s20+$0xFFFFFF80]  }
0x66d: {  	v8 =	vld [tilespmem:s22+$0x0]  }
0x66e: {  	v9 =	vld [tilespmem:s20+$0x0]  }
0x66f: {  	v10 =	vld [tilespmem:s22+$0xFFFFFF00];
	v4 =	vmul.f32 v5, v4  }
0x670: {  	v5 =	vld [tilespmem:s20+$0xFFFFFF00]  }
0x671: {  	[tilespmem:s22+$0x80] =	vst v4;
	v4 =	vld [tilespmem:s22+$0x90]  }
0x672: {  	v6 =	vmul.f32 v7, v6;
	v7 =	vld [tilespmem:s20+$0x90]  }
0x673: {  	v11 =	vld [tilespmem:s22+$0xFFFFFF10]  }
0x674: {  	[tilespmem:s22+$0xFFFFFF80] =	vst v6;
	v6 =	vmul.f32 v9, v8;
	v8 =	vld [tilespmem:s22+$0xFFFFFF90]  }
0x675: {  	v9 =	vld [tilespmem:s20+$0xFFFFFF90];
	v5 =	vmul.f32 v5, v10  }
0x676: {  	[tilespmem:s22+$0x0] =	vst v6;
	v6 =	vld [tilespmem:s22+$0x10]  }
0x677: {  	v10 =	vld [tilespmem:s20+$0x10];
	[tilespmem:s22+$0xFFFFFF00] =	vst v5;
	v4 =	vmul.f32 v7, v4  }
0x678: {  	v5 =	vld [tilespmem:s20+$0xFFFFFF10]  }
0x679: {  	[tilespmem:s22+$0x90] =	vst v4;
	v4 =	vld [tilespmem:s22+$0xA0]  }
0x67a: {  	v7 =	vmul.f32 v9, v8;
	v8 =	vld [tilespmem:s20+$0xA0]  }
0x67b: {  	v9 =	vld [tilespmem:s22+$0xFFFFFF20]  }
0x67c: {  	[tilespmem:s22+$0xFFFFFF90] =	vst v7;
	v6 =	vmul.f32 v10, v6;
	v7 =	vld [tilespmem:s22+$0xFFFFFFA0]  }
0x67d: {  	v10 =	vld [tilespmem:s20+$0xFFFFFFA0];
	v5 =	vmul.f32 v5, v11  }
0x67e: {  	[tilespmem:s22+$0x10] =	vst v6;
	v6 =	vld [tilespmem:s22+$0x20]  }
0x67f: {  	v11 =	vld [tilespmem:s20+$0x20];
	[tilespmem:s22+$0xFFFFFF10] =	vst v5;
	v4 =	vmul.f32 v8, v4  }
0x680: {  	v5 =	vld [tilespmem:s20+$0xFFFFFF20]  }
0x681: {  	[tilespmem:s22+$0xA0] =	vst v4;
	v4 =	vld [tilespmem:s22+$0xB0]  }
0x682: {  	v7 =	vmul.f32 v10, v7;
	v8 =	vld [tilespmem:s20+$0xB0]  }
0x683: {  	v10 =	vld [tilespmem:s22+$0xFFFFFF30]  }
0x684: {  	[tilespmem:s22+$0xFFFFFFA0] =	vst v7;
	v6 =	vmul.f32 v11, v6;
	v7 =	vld [tilespmem:s22+$0xFFFFFFB0]  }
0x685: {  	v11 =	vld [tilespmem:s20+$0xFFFFFFB0];
	v5 =	vmul.f32 v5, v9  }
0x686: {  	[tilespmem:s22+$0x20] =	vst v6;
	v6 =	vld [tilespmem:s22+$0x30]  }
0x687: {  	v9 =	vld [tilespmem:s20+$0x30];
	[tilespmem:s22+$0xFFFFFF20] =	vst v5;
	v4 =	vmul.f32 v8, v4  }
0x688: {  	v5 =	vld [tilespmem:s20+$0xFFFFFF30]  }
0x689: {  	[tilespmem:s22+$0xB0] =	vst v4;
	v4 =	vld [tilespmem:s22+$0xC0]  }
0x68a: {  	v7 =	vmul.f32 v11, v7;
	v8 =	vld [tilespmem:s20+$0xC0]  }
0x68b: {  	v11 =	vld [tilespmem:s22+$0xFFFFFF40]  }
0x68c: {  	[tilespmem:s22+$0xFFFFFFB0] =	vst v7;
	v6 =	vmul.f32 v9, v6;
	v7 =	vld [tilespmem:s22+$0xFFFFFFC0]  }
0x68d: {  	v9 =	vld [tilespmem:s20+$0xFFFFFFC0];
	v5 =	vmul.f32 v5, v10  }
0x68e: {  	[tilespmem:s22+$0x30] =	vst v6;
	v6 =	vld [tilespmem:s22+$0x40]  }
0x68f: {  	v10 =	vld [tilespmem:s20+$0x40];
	[tilespmem:s22+$0xFFFFFF30] =	vst v5;
	v4 =	vmul.f32 v8, v4  }
0x690: {  	v5 =	vld [tilespmem:s20+$0xFFFFFF40]  }
0x691: {  	[tilespmem:s22+$0xC0] =	vst v4;
	v4 =	vld [tilespmem:s22+$0xD0]  }
0x692: {  	v7 =	vmul.f32 v9, v7;
	v8 =	vld [tilespmem:s20+$0xD0]  }
0x693: {  	v9 =	vld [tilespmem:s22+$0xFFFFFF50]  }
0x694: {  	[tilespmem:s22+$0xFFFFFFC0] =	vst v7;
	v6 =	vmul.f32 v10, v6;
	v7 =	vld [tilespmem:s22+$0xFFFFFFD0]  }
0x695: {  	v10 =	vld [tilespmem:s20+$0xFFFFFFD0];
	v5 =	vmul.f32 v5, v11  }
0x696: {  	[tilespmem:s22+$0x40] =	vst v6;
	v6 =	vld [tilespmem:s22+$0x50]  }
0x697: {  	v11 =	vld [tilespmem:s20+$0x50];
	[tilespmem:s22+$0xFFFFFF40] =	vst v5;
	v4 =	vmul.f32 v8, v4  }
0x698: {  	v5 =	vld [tilespmem:s20+$0xFFFFFF50]  }
0x699: {  	[tilespmem:s22+$0xD0] =	vst v4;
	v4 =	vld [tilespmem:s22+$0xE0]  }
0x69a: {  	v7 =	vmul.f32 v10, v7;
	v8 =	vld [tilespmem:s20+$0xE0]  }
0x69b: {  	v10 =	vld [tilespmem:s22+$0xFFFFFF60]  }
0x69c: {  	[tilespmem:s22+$0xFFFFFFD0] =	vst v7;
	v6 =	vmul.f32 v11, v6;
	v7 =	vld [tilespmem:s22+$0xFFFFFFE0]  }
0x69d: {  	v11 =	vld [tilespmem:s20+$0xFFFFFFE0];
	v5 =	vmul.f32 v5, v9  }
0x69e: {  	[tilespmem:s22+$0x50] =	vst v6;
	v6 =	vld [tilespmem:s22+$0x60]  }
0x69f: {  	v9 =	vld [tilespmem:s20+$0x60];
	[tilespmem:s22+$0xFFFFFF50] =	vst v5;
	v4 =	vmul.f32 v8, v4  }
0x6a0: {  	v8 =	vld [tilespmem:s20+$0xFFFFFF60]  }
0x6a1: {  	v12 =	vld [tilespmem:s22+$0xF0];
	[tilespmem:s22+$0xE0] =	vst v4  }
0x6a2: {  	v5 =	vmul.f32 v11, v7;
	v11 =	vld [tilespmem:s20+$0xF0]  }
0x6a3: {  	v4 =	vld [tilespmem:s22+$0xFFFFFF70]  }
0x6a4: {  	[tilespmem:s22+$0xFFFFFFE0] =	vst v5;
	v6 =	vmul.f32 v9, v6;
	v5 =	vld [tilespmem:s22+$0xFFFFFFF0]  }
0x6a5: {  	v7 =	vld [tilespmem:s20+$0xFFFFFFF0];
	v8 =	vmul.f32 v8, v10  }
0x6a6: {  	[tilespmem:s22+$0x60] =	vst v6;
	v6 =	vld [tilespmem:s22+$0x70]  }
0x6a7: {  	[tilespmem:s22+$0xFFFFFF60] =	vst v8;
	v8 =	vld [tilespmem:s20+$0x70];
	v10 =	vmul.f32 v11, v12  }
0x6a8: {  	s21 =	simm.s32 $0x0;
	s23 =	simm.s32 $0x17F00;
	v9 =	vld [tilespmem:s20+$0xFFFFFF70]  }
.LBB2_34:
0x6a9: {  	v11 =	vld [tilespmem:s23+$0x80];
	[tilespmem:s22+$0xF0] =	vst v10;
	s20 =	sadd.s32 $0x200, s20  }
0x6aa: {  	s21 =	sadd.s32 $0x4, s21;
	v10 =	vld [tilespmem:s20+$0x80];
	v5 =	vmul.f32 v7, v5  }
0x6ab: {  	p0 =	slt.u32 s21, $0x3C;
	v7 =	vld [tilespmem:s20+$0xFFFFFF00]  }
0x6ac: {  	v12 =	vld [tilespmem:s23+$0xFFFFFF80];
	[tilespmem:s22+$0xFFFFFFF0] =	vst v5;
	v5 =	vmul.f32 v8, v6  }
0x6ad: {  	v6 =	vld [tilespmem:s20+$0xFFFFFF80];
	v4 =	vmul.f32 v9, v4  }
0x6ae: {  	v8 =	vld [tilespmem:s23+$0x0];
	[tilespmem:s22+$0x70] =	vst v5  }
0x6af: {  	v5 =	vld [tilespmem:s20+$0x0];
	v9 =	vmul.f32 v10, v11;
	[tilespmem:s22+$0xFFFFFF70] =	vst v4;
	s22 =	smov.u32 s23  }
0x6b0: {  	v4 =	vld [tilespmem:s23+$0xFFFFFF00]  }
0x6b1: {  	[tilespmem:s23+$0x80] =	vst v9;
	v9 =	vld [tilespmem:s23+$0x90]  }
0x6b2: {  	v6 =	vmul.f32 v6, v12;
	v10 =	vld [tilespmem:s20+$0x90]  }
0x6b3: {  	v11 =	vld [tilespmem:s23+$0xFFFFFF10]  }
0x6b4: {  	[tilespmem:s23+$0xFFFFFF80] =	vst v6;
	v6 =	vld [tilespmem:s23+$0xFFFFFF90];
	v5 =	vmul.f32 v5, v8  }
0x6b5: {  	v4 =	vmul.f32 v7, v4;
	v7 =	vld [tilespmem:s20+$0xFFFFFF90]  }
0x6b6: {  	[tilespmem:s23+$0x0] =	vst v5;
	v5 =	vld [tilespmem:s23+$0x10]  }
0x6b7: {  	[tilespmem:s23+$0xFFFFFF00] =	vst v4;
	v4 =	vld [tilespmem:s20+$0x10];
	v8 =	vmul.f32 v10, v9  }
0x6b8: {  	v9 =	vld [tilespmem:s20+$0xFFFFFF10]  }
0x6b9: {  	[tilespmem:s23+$0x90] =	vst v8;
	v8 =	vld [tilespmem:s23+$0xA0]  }
0x6ba: {  	v6 =	vmul.f32 v7, v6;
	v7 =	vld [tilespmem:s20+$0xA0]  }
0x6bb: {  	v10 =	vld [tilespmem:s23+$0xFFFFFF20]  }
0x6bc: {  	[tilespmem:s23+$0xFFFFFF90] =	vst v6;
	v6 =	vld [tilespmem:s23+$0xFFFFFFA0];
	v4 =	vmul.f32 v4, v5  }
0x6bd: {  	v5 =	vmul.f32 v9, v11;
	v9 =	vld [tilespmem:s20+$0xFFFFFFA0]  }
0x6be: {  	[tilespmem:s23+$0x10] =	vst v4;
	v4 =	vld [tilespmem:s23+$0x20]  }
0x6bf: {  	[tilespmem:s23+$0xFFFFFF10] =	vst v5;
	v5 =	vld [tilespmem:s20+$0x20];
	v7 =	vmul.f32 v7, v8  }
0x6c0: {  	v8 =	vld [tilespmem:s20+$0xFFFFFF20]  }
0x6c1: {  	[tilespmem:s23+$0xA0] =	vst v7;
	v7 =	vld [tilespmem:s23+$0xB0]  }
0x6c2: {  	v6 =	vmul.f32 v9, v6;
	v9 =	vld [tilespmem:s20+$0xB0]  }
0x6c3: {  	v11 =	vld [tilespmem:s23+$0xFFFFFF30]  }
0x6c4: {  	[tilespmem:s23+$0xFFFFFFA0] =	vst v6;
	v6 =	vld [tilespmem:s23+$0xFFFFFFB0];
	v4 =	vmul.f32 v5, v4  }
0x6c5: {  	v5 =	vmul.f32 v8, v10;
	v8 =	vld [tilespmem:s20+$0xFFFFFFB0]  }
0x6c6: {  	[tilespmem:s23+$0x20] =	vst v4;
	v4 =	vld [tilespmem:s23+$0x30]  }
0x6c7: {  	[tilespmem:s23+$0xFFFFFF20] =	vst v5;
	v5 =	vld [tilespmem:s20+$0x30];
	v7 =	vmul.f32 v9, v7  }
0x6c8: {  	v9 =	vld [tilespmem:s20+$0xFFFFFF30]  }
0x6c9: {  	[tilespmem:s23+$0xB0] =	vst v7;
	v7 =	vld [tilespmem:s23+$0xC0]  }
0x6ca: {  	v6 =	vmul.f32 v8, v6;
	v8 =	vld [tilespmem:s20+$0xC0]  }
0x6cb: {  	v10 =	vld [tilespmem:s23+$0xFFFFFF40]  }
0x6cc: {  	[tilespmem:s23+$0xFFFFFFB0] =	vst v6;
	v6 =	vld [tilespmem:s23+$0xFFFFFFC0];
	v4 =	vmul.f32 v5, v4  }
0x6cd: {  	v5 =	vmul.f32 v9, v11;
	v9 =	vld [tilespmem:s20+$0xFFFFFFC0]  }
0x6ce: {  	[tilespmem:s23+$0x30] =	vst v4;
	v4 =	vld [tilespmem:s23+$0x40]  }
0x6cf: {  	[tilespmem:s23+$0xFFFFFF30] =	vst v5;
	v5 =	vld [tilespmem:s20+$0x40];
	v7 =	vmul.f32 v8, v7  }
0x6d0: {  	v8 =	vld [tilespmem:s20+$0xFFFFFF40]  }
0x6d1: {  	[tilespmem:s23+$0xC0] =	vst v7;
	v7 =	vld [tilespmem:s23+$0xD0]  }
0x6d2: {  	v6 =	vmul.f32 v9, v6;
	v9 =	vld [tilespmem:s20+$0xD0]  }
0x6d3: {  	v11 =	vld [tilespmem:s23+$0xFFFFFF50]  }
0x6d4: {  	[tilespmem:s23+$0xFFFFFFC0] =	vst v6;
	v6 =	vld [tilespmem:s23+$0xFFFFFFD0];
	v4 =	vmul.f32 v5, v4  }
0x6d5: {  	v5 =	vmul.f32 v8, v10;
	v8 =	vld [tilespmem:s20+$0xFFFFFFD0]  }
0x6d6: {  	[tilespmem:s23+$0x40] =	vst v4;
	v4 =	vld [tilespmem:s23+$0x50]  }
0x6d7: {  	[tilespmem:s23+$0xFFFFFF40] =	vst v5;
	v5 =	vld [tilespmem:s20+$0x50];
	v7 =	vmul.f32 v9, v7  }
0x6d8: {  	v9 =	vld [tilespmem:s20+$0xFFFFFF50]  }
0x6d9: {  	[tilespmem:s23+$0xD0] =	vst v7;
	v7 =	vld [tilespmem:s23+$0xE0]  }
0x6da: {  	v6 =	vmul.f32 v8, v6;
	v8 =	vld [tilespmem:s20+$0xE0]  }
0x6db: {  	v10 =	vld [tilespmem:s23+$0xFFFFFF60]  }
0x6dc: {  	[tilespmem:s23+$0xFFFFFFD0] =	vst v6;
	v6 =	vld [tilespmem:s23+$0xFFFFFFE0];
	v4 =	vmul.f32 v5, v4  }
0x6dd: {  	v5 =	vmul.f32 v9, v11;
	v9 =	vld [tilespmem:s20+$0xFFFFFFE0]  }
0x6de: {  	[tilespmem:s23+$0x50] =	vst v4;
	v11 =	vld [tilespmem:s23+$0x60]  }
0x6df: {  	[tilespmem:s23+$0xFFFFFF50] =	vst v5;
	v12 =	vld [tilespmem:s20+$0x60];
	v4 =	vmul.f32 v8, v7  }
0x6e0: {  	v7 =	vld [tilespmem:s20+$0xFFFFFF60]  }
0x6e1: {  	[tilespmem:s23+$0xE0] =	vst v4;
	v13 =	vld [tilespmem:s23+$0xF0]  }
0x6e2: {  	v5 =	vmul.f32 v9, v6;
	v9 =	vld [tilespmem:s20+$0xF0]  }
0x6e3: {  	v4 =	vld [tilespmem:s23+$0xFFFFFF70]  }
.Ltmp19:
0x6e4: {  	[tilespmem:s23+$0xFFFFFFE0] =	vst v5;
	v5 =	vld [tilespmem:s23+$0xFFFFFFF0];
	v6 =	vmul.f32 v12, v11;
	(pc) =	sbr.rel @p0 .LBB2_34-.Ltmp19, $4  }
0x6e5: {  	v8 =	vmul.f32 v7, v10;
	v7 =	vld [tilespmem:s20+$0xFFFFFFF0]  }
0x6e6: {  	[tilespmem:s23+$0x60] =	vst v6;
	v6 =	vld [tilespmem:s23+$0x70]  }
0x6e7: {  	[tilespmem:s23+$0xFFFFFF60] =	vst v8;
	v8 =	vld [tilespmem:s20+$0x70];
	v10 =	vmul.f32 v9, v13  }
0x6e8: {  	s23 =	sadd.s32 $0x200, s23;
	v9 =	vld [tilespmem:s20+$0xFFFFFF70]  }
0x6e9: {  	_ =	sdelay $0x1  }
0x6ea: {  	v5 =	vmul.f32 v7, v5  }
0x6eb: {  	[tilespmem:s22+$0xF0] =	vst v10;
	v6 =	vmul.f32 v8, v6  }
0x6ec: {  	s20 =	sshll.u32 s19, $0x8;
	[tilespmem:s22+$0xFFFFFFF0] =	vst v5;
	v4 =	vmul.f32 v9, v4  }
0x6ed: {  	s21 =	sand.u32 $0x3FFFFF00, s20;
	[tilespmem:s22+$0x70] =	vst v6  }
0x6ee: {  	s25 =	sadd.s32 $0x15400, s21;
	[tilespmem:s22+$0xFFFFFF70] =	vst v4  }
0x6ef: {  	[spmem:s2] =	stream.indirect.scatter.add.f32 [tilespmem:s31], [sflag:$0x4], $0x80, s25, s10, $0xb8;
	[tilespmem:$0x1FC00] =	vst v63  }
0x6f0: {  	p0 =	seq.s32 s19, $0x13;
	_ =	swait.ge [sflag:s7], $0x2000  }
0x6f1: {  	s23 =	simm.s32 @!p0 $0x40;
	[sflag:s7] =	ssyncset.done $0x0  }
0x6f2: {  	s24 =	simm.s32 @!p0 $0x17C00;
	s22 =	sadd.s32 @!p0 $0x14100, s20;
	[sflag:s7] =	ssyncadd.s32 $0xFFFFE000  }
0x6f3: {  	[tilespmem:s24], [sflag:$0x1] =	stream.indirect.gather @!p0 [hbm4b:s1+s23], $0x80, s22, s23, $0xb8;
	[tilespmem:$0x1FC00] =	vst v63  }
0x6f4: {  	s22 =	sadd.s32 @!p0 $0x16900, s20;
	s24 =	simm.s32 @!p0 $0x1BC00  }
0x6f5: {  	[tilespmem:s24], [sflag:$0x1] =	stream.indirect.gather @!p0 [hbm4b:s5+s23], $0x80, s22, s23, $0xb8;
	[tilespmem:$0x1FC00] =	vst v63  }
0x6f6: {  	_ =	swait.ge [sflag:s17], $0x2000  }
0x6f7: {  	[sflag:s17] =	ssyncset.done $0x0  }
0x6f8: {  	[sflag:s17] =	ssyncadd.s32 $0xFFFFE000  }
0x6f9: {  	_ =	swait.ge [sflag:s17], $0x2000  }
0x6fa: {  	[sflag:s17] =	ssyncset.done $0x0  }
0x6fb: {  	s22 =	simm.s32 $0x19D00;
	[sflag:s17] =	ssyncadd.s32 $0xFFFFE000  }
0x6fc: {  	s23 =	simm.s32 $0x1DD00;
	v4 =	vld [tilespmem:s22+$0x80]  }
0x6fd: {  	v5 =	vld [tilespmem:s23+$0x80]  }
0x6fe: {  	v6 =	vld [tilespmem:s22+$0xFFFFFF80]  }
0x6ff: {  	v7 =	vld [tilespmem:s23+$0xFFFFFF80]  }
0x700: {  	v8 =	vld [tilespmem:s22+$0x0]  }
0x701: {  	v9 =	vld [tilespmem:s23+$0x0]  }
0x702: {  	v10 =	vld [tilespmem:s22+$0xFFFFFF00];
	v4 =	vmul.f32 v5, v4  }
0x703: {  	v5 =	vld [tilespmem:s23+$0xFFFFFF00]  }
0x704: {  	[tilespmem:s22+$0x80] =	vst v4;
	v4 =	vld [tilespmem:s22+$0x90]  }
0x705: {  	v6 =	vmul.f32 v7, v6;
	v7 =	vld [tilespmem:s23+$0x90]  }
0x706: {  	v11 =	vld [tilespmem:s22+$0xFFFFFF10]  }
0x707: {  	[tilespmem:s22+$0xFFFFFF80] =	vst v6;
	v6 =	vmul.f32 v9, v8;
	v8 =	vld [tilespmem:s22+$0xFFFFFF90]  }
0x708: {  	v9 =	vld [tilespmem:s23+$0xFFFFFF90];
	v5 =	vmul.f32 v5, v10  }
0x709: {  	[tilespmem:s22+$0x0] =	vst v6;
	v6 =	vld [tilespmem:s22+$0x10]  }
0x70a: {  	v10 =	vld [tilespmem:s23+$0x10];
	[tilespmem:s22+$0xFFFFFF00] =	vst v5;
	v4 =	vmul.f32 v7, v4  }
0x70b: {  	v5 =	vld [tilespmem:s23+$0xFFFFFF10]  }
0x70c: {  	[tilespmem:s22+$0x90] =	vst v4;
	v4 =	vld [tilespmem:s22+$0xA0]  }
0x70d: {  	v7 =	vmul.f32 v9, v8;
	v8 =	vld [tilespmem:s23+$0xA0]  }
0x70e: {  	v9 =	vld [tilespmem:s22+$0xFFFFFF20]  }
0x70f: {  	[tilespmem:s22+$0xFFFFFF90] =	vst v7;
	v6 =	vmul.f32 v10, v6;
	v7 =	vld [tilespmem:s22+$0xFFFFFFA0]  }
0x710: {  	v10 =	vld [tilespmem:s23+$0xFFFFFFA0];
	v5 =	vmul.f32 v5, v11  }
0x711: {  	[tilespmem:s22+$0x10] =	vst v6;
	v6 =	vld [tilespmem:s22+$0x20]  }
0x712: {  	v11 =	vld [tilespmem:s23+$0x20];
	[tilespmem:s22+$0xFFFFFF10] =	vst v5;
	v4 =	vmul.f32 v8, v4  }
0x713: {  	v5 =	vld [tilespmem:s23+$0xFFFFFF20]  }
0x714: {  	[tilespmem:s22+$0xA0] =	vst v4;
	v4 =	vld [tilespmem:s22+$0xB0]  }
0x715: {  	v7 =	vmul.f32 v10, v7;
	v8 =	vld [tilespmem:s23+$0xB0]  }
0x716: {  	v10 =	vld [tilespmem:s22+$0xFFFFFF30]  }
0x717: {  	[tilespmem:s22+$0xFFFFFFA0] =	vst v7;
	v6 =	vmul.f32 v11, v6;
	v7 =	vld [tilespmem:s22+$0xFFFFFFB0]  }
0x718: {  	v11 =	vld [tilespmem:s23+$0xFFFFFFB0];
	v5 =	vmul.f32 v5, v9  }
0x719: {  	[tilespmem:s22+$0x20] =	vst v6;
	v6 =	vld [tilespmem:s22+$0x30]  }
0x71a: {  	v9 =	vld [tilespmem:s23+$0x30];
	[tilespmem:s22+$0xFFFFFF20] =	vst v5;
	v4 =	vmul.f32 v8, v4  }
0x71b: {  	v5 =	vld [tilespmem:s23+$0xFFFFFF30]  }
0x71c: {  	[tilespmem:s22+$0xB0] =	vst v4;
	v4 =	vld [tilespmem:s22+$0xC0]  }
0x71d: {  	v7 =	vmul.f32 v11, v7;
	v8 =	vld [tilespmem:s23+$0xC0]  }
0x71e: {  	v11 =	vld [tilespmem:s22+$0xFFFFFF40]  }
0x71f: {  	[tilespmem:s22+$0xFFFFFFB0] =	vst v7;
	v6 =	vmul.f32 v9, v6;
	v7 =	vld [tilespmem:s22+$0xFFFFFFC0]  }
0x720: {  	v9 =	vld [tilespmem:s23+$0xFFFFFFC0];
	v5 =	vmul.f32 v5, v10  }
0x721: {  	[tilespmem:s22+$0x30] =	vst v6;
	v6 =	vld [tilespmem:s22+$0x40]  }
0x722: {  	v10 =	vld [tilespmem:s23+$0x40];
	[tilespmem:s22+$0xFFFFFF30] =	vst v5;
	v4 =	vmul.f32 v8, v4  }
0x723: {  	v5 =	vld [tilespmem:s23+$0xFFFFFF40]  }
0x724: {  	[tilespmem:s22+$0xC0] =	vst v4;
	v4 =	vld [tilespmem:s22+$0xD0]  }
0x725: {  	v7 =	vmul.f32 v9, v7;
	v8 =	vld [tilespmem:s23+$0xD0]  }
0x726: {  	v9 =	vld [tilespmem:s22+$0xFFFFFF50]  }
0x727: {  	[tilespmem:s22+$0xFFFFFFC0] =	vst v7;
	v6 =	vmul.f32 v10, v6;
	v7 =	vld [tilespmem:s22+$0xFFFFFFD0]  }
0x728: {  	v10 =	vld [tilespmem:s23+$0xFFFFFFD0];
	v5 =	vmul.f32 v5, v11  }
0x729: {  	[tilespmem:s22+$0x40] =	vst v6;
	v6 =	vld [tilespmem:s22+$0x50]  }
0x72a: {  	v11 =	vld [tilespmem:s23+$0x50];
	[tilespmem:s22+$0xFFFFFF40] =	vst v5;
	v4 =	vmul.f32 v8, v4  }
0x72b: {  	v5 =	vld [tilespmem:s23+$0xFFFFFF50]  }
0x72c: {  	[tilespmem:s22+$0xD0] =	vst v4;
	v4 =	vld [tilespmem:s22+$0xE0]  }
0x72d: {  	v7 =	vmul.f32 v10, v7;
	v8 =	vld [tilespmem:s23+$0xE0]  }
0x72e: {  	v10 =	vld [tilespmem:s22+$0xFFFFFF60]  }
0x72f: {  	[tilespmem:s22+$0xFFFFFFD0] =	vst v7;
	v6 =	vmul.f32 v11, v6;
	v7 =	vld [tilespmem:s22+$0xFFFFFFE0]  }
0x730: {  	v11 =	vld [tilespmem:s23+$0xFFFFFFE0];
	v5 =	vmul.f32 v5, v9  }
0x731: {  	[tilespmem:s22+$0x50] =	vst v6;
	v6 =	vld [tilespmem:s22+$0x60]  }
0x732: {  	v9 =	vld [tilespmem:s23+$0x60];
	[tilespmem:s22+$0xFFFFFF50] =	vst v5;
	v4 =	vmul.f32 v8, v4  }
0x733: {  	v8 =	vld [tilespmem:s23+$0xFFFFFF60]  }
0x734: {  	v12 =	vld [tilespmem:s22+$0xF0];
	[tilespmem:s22+$0xE0] =	vst v4  }
0x735: {  	v5 =	vmul.f32 v11, v7;
	v11 =	vld [tilespmem:s23+$0xF0]  }
0x736: {  	v4 =	vld [tilespmem:s22+$0xFFFFFF70]  }
0x737: {  	[tilespmem:s22+$0xFFFFFFE0] =	vst v5;
	v6 =	vmul.f32 v9, v6;
	v5 =	vld [tilespmem:s22+$0xFFFFFFF0]  }
0x738: {  	v7 =	vld [tilespmem:s23+$0xFFFFFFF0];
	v8 =	vmul.f32 v8, v10  }
0x739: {  	[tilespmem:s22+$0x60] =	vst v6;
	v6 =	vld [tilespmem:s22+$0x70]  }
0x73a: {  	[tilespmem:s22+$0xFFFFFF60] =	vst v8;
	v8 =	vld [tilespmem:s23+$0x70];
	v10 =	vmul.f32 v11, v12  }
0x73b: {  	s25 =	simm.s32 $0x19F00;
	s24 =	simm.s32 $0x0;
	v9 =	vld [tilespmem:s23+$0xFFFFFF70]  }
.LBB2_36:
0x73c: {  	v11 =	vld [tilespmem:s25+$0x80];
	[tilespmem:s22+$0xF0] =	vst v10;
	s23 =	sadd.s32 $0x200, s23  }
0x73d: {  	s24 =	sadd.s32 $0x4, s24;
	v10 =	vld [tilespmem:s23+$0x80];
	v5 =	vmul.f32 v7, v5  }
0x73e: {  	p1 =	slt.u32 s24, $0x3C;
	v7 =	vld [tilespmem:s23+$0xFFFFFF00]  }
0x73f: {  	v12 =	vld [tilespmem:s25+$0xFFFFFF80];
	[tilespmem:s22+$0xFFFFFFF0] =	vst v5;
	v5 =	vmul.f32 v8, v6  }
0x740: {  	v6 =	vld [tilespmem:s23+$0xFFFFFF80];
	v4 =	vmul.f32 v9, v4  }
0x741: {  	v8 =	vld [tilespmem:s25+$0x0];
	[tilespmem:s22+$0x70] =	vst v5  }
0x742: {  	v5 =	vld [tilespmem:s23+$0x0];
	v9 =	vmul.f32 v10, v11;
	[tilespmem:s22+$0xFFFFFF70] =	vst v4;
	s22 =	smov.u32 s25  }
0x743: {  	v4 =	vld [tilespmem:s25+$0xFFFFFF00]  }
0x744: {  	[tilespmem:s25+$0x80] =	vst v9;
	v9 =	vld [tilespmem:s25+$0x90]  }
0x745: {  	v6 =	vmul.f32 v6, v12;
	v10 =	vld [tilespmem:s23+$0x90]  }
0x746: {  	v11 =	vld [tilespmem:s25+$0xFFFFFF10]  }
0x747: {  	[tilespmem:s25+$0xFFFFFF80] =	vst v6;
	v6 =	vld [tilespmem:s25+$0xFFFFFF90];
	v5 =	vmul.f32 v5, v8  }
0x748: {  	v4 =	vmul.f32 v7, v4;
	v7 =	vld [tilespmem:s23+$0xFFFFFF90]  }
0x749: {  	[tilespmem:s25+$0x0] =	vst v5;
	v5 =	vld [tilespmem:s25+$0x10]  }
0x74a: {  	[tilespmem:s25+$0xFFFFFF00] =	vst v4;
	v4 =	vld [tilespmem:s23+$0x10];
	v8 =	vmul.f32 v10, v9  }
0x74b: {  	v9 =	vld [tilespmem:s23+$0xFFFFFF10]  }
0x74c: {  	[tilespmem:s25+$0x90] =	vst v8;
	v8 =	vld [tilespmem:s25+$0xA0]  }
0x74d: {  	v6 =	vmul.f32 v7, v6;
	v7 =	vld [tilespmem:s23+$0xA0]  }
0x74e: {  	v10 =	vld [tilespmem:s25+$0xFFFFFF20]  }
0x74f: {  	[tilespmem:s25+$0xFFFFFF90] =	vst v6;
	v6 =	vld [tilespmem:s25+$0xFFFFFFA0];
	v4 =	vmul.f32 v4, v5  }
0x750: {  	v5 =	vmul.f32 v9, v11;
	v9 =	vld [tilespmem:s23+$0xFFFFFFA0]  }
0x751: {  	[tilespmem:s25+$0x10] =	vst v4;
	v4 =	vld [tilespmem:s25+$0x20]  }
0x752: {  	[tilespmem:s25+$0xFFFFFF10] =	vst v5;
	v5 =	vld [tilespmem:s23+$0x20];
	v7 =	vmul.f32 v7, v8  }
0x753: {  	v8 =	vld [tilespmem:s23+$0xFFFFFF20]  }
0x754: {  	[tilespmem:s25+$0xA0] =	vst v7;
	v7 =	vld [tilespmem:s25+$0xB0]  }
0x755: {  	v6 =	vmul.f32 v9, v6;
	v9 =	vld [tilespmem:s23+$0xB0]  }
0x756: {  	v11 =	vld [tilespmem:s25+$0xFFFFFF30]  }
0x757: {  	[tilespmem:s25+$0xFFFFFFA0] =	vst v6;
	v6 =	vld [tilespmem:s25+$0xFFFFFFB0];
	v4 =	vmul.f32 v5, v4  }
0x758: {  	v5 =	vmul.f32 v8, v10;
	v8 =	vld [tilespmem:s23+$0xFFFFFFB0]  }
0x759: {  	[tilespmem:s25+$0x20] =	vst v4;
	v4 =	vld [tilespmem:s25+$0x30]  }
0x75a: {  	[tilespmem:s25+$0xFFFFFF20] =	vst v5;
	v5 =	vld [tilespmem:s23+$0x30];
	v7 =	vmul.f32 v9, v7  }
0x75b: {  	v9 =	vld [tilespmem:s23+$0xFFFFFF30]  }
0x75c: {  	[tilespmem:s25+$0xB0] =	vst v7;
	v7 =	vld [tilespmem:s25+$0xC0]  }
0x75d: {  	v6 =	vmul.f32 v8, v6;
	v8 =	vld [tilespmem:s23+$0xC0]  }
0x75e: {  	v10 =	vld [tilespmem:s25+$0xFFFFFF40]  }
0x75f: {  	[tilespmem:s25+$0xFFFFFFB0] =	vst v6;
	v6 =	vld [tilespmem:s25+$0xFFFFFFC0];
	v4 =	vmul.f32 v5, v4  }
0x760: {  	v5 =	vmul.f32 v9, v11;
	v9 =	vld [tilespmem:s23+$0xFFFFFFC0]  }
0x761: {  	[tilespmem:s25+$0x30] =	vst v4;
	v4 =	vld [tilespmem:s25+$0x40]  }
0x762: {  	[tilespmem:s25+$0xFFFFFF30] =	vst v5;
	v5 =	vld [tilespmem:s23+$0x40];
	v7 =	vmul.f32 v8, v7  }
0x763: {  	v8 =	vld [tilespmem:s23+$0xFFFFFF40]  }
0x764: {  	[tilespmem:s25+$0xC0] =	vst v7;
	v7 =	vld [tilespmem:s25+$0xD0]  }
0x765: {  	v6 =	vmul.f32 v9, v6;
	v9 =	vld [tilespmem:s23+$0xD0]  }
0x766: {  	v11 =	vld [tilespmem:s25+$0xFFFFFF50]  }
0x767: {  	[tilespmem:s25+$0xFFFFFFC0] =	vst v6;
	v6 =	vld [tilespmem:s25+$0xFFFFFFD0];
	v4 =	vmul.f32 v5, v4  }
0x768: {  	v5 =	vmul.f32 v8, v10;
	v8 =	vld [tilespmem:s23+$0xFFFFFFD0]  }
0x769: {  	[tilespmem:s25+$0x40] =	vst v4;
	v4 =	vld [tilespmem:s25+$0x50]  }
0x76a: {  	[tilespmem:s25+$0xFFFFFF40] =	vst v5;
	v5 =	vld [tilespmem:s23+$0x50];
	v7 =	vmul.f32 v9, v7  }
0x76b: {  	v9 =	vld [tilespmem:s23+$0xFFFFFF50]  }
0x76c: {  	[tilespmem:s25+$0xD0] =	vst v7;
	v7 =	vld [tilespmem:s25+$0xE0]  }
0x76d: {  	v6 =	vmul.f32 v8, v6;
	v8 =	vld [tilespmem:s23+$0xE0]  }
0x76e: {  	v10 =	vld [tilespmem:s25+$0xFFFFFF60]  }
0x76f: {  	[tilespmem:s25+$0xFFFFFFD0] =	vst v6;
	v6 =	vld [tilespmem:s25+$0xFFFFFFE0];
	v4 =	vmul.f32 v5, v4  }
0x770: {  	v5 =	vmul.f32 v9, v11;
	v9 =	vld [tilespmem:s23+$0xFFFFFFE0]  }
0x771: {  	[tilespmem:s25+$0x50] =	vst v4;
	v11 =	vld [tilespmem:s25+$0x60]  }
0x772: {  	[tilespmem:s25+$0xFFFFFF50] =	vst v5;
	v12 =	vld [tilespmem:s23+$0x60];
	v4 =	vmul.f32 v8, v7  }
0x773: {  	v7 =	vld [tilespmem:s23+$0xFFFFFF60]  }
0x774: {  	[tilespmem:s25+$0xE0] =	vst v4;
	v13 =	vld [tilespmem:s25+$0xF0]  }
0x775: {  	v5 =	vmul.f32 v9, v6;
	v9 =	vld [tilespmem:s23+$0xF0]  }
0x776: {  	v4 =	vld [tilespmem:s25+$0xFFFFFF70]  }
.Ltmp20:
0x777: {  	[tilespmem:s25+$0xFFFFFFE0] =	vst v5;
	v5 =	vld [tilespmem:s25+$0xFFFFFFF0];
	v6 =	vmul.f32 v12, v11;
	(pc) =	sbr.rel @p1 .LBB2_36-.Ltmp20, $4  }
0x778: {  	v8 =	vmul.f32 v7, v10;
	v7 =	vld [tilespmem:s23+$0xFFFFFFF0]  }
0x779: {  	[tilespmem:s25+$0x60] =	vst v6;
	v6 =	vld [tilespmem:s25+$0x70]  }
0x77a: {  	[tilespmem:s25+$0xFFFFFF60] =	vst v8;
	v8 =	vld [tilespmem:s23+$0x70];
	v10 =	vmul.f32 v9, v13  }
0x77b: {  	s25 =	sadd.s32 $0x200, s25;
	v9 =	vld [tilespmem:s23+$0xFFFFFF70]  }
0x77c: {  	_ =	sdelay $0x1  }
0x77d: {  	v5 =	vmul.f32 v7, v5  }
0x77e: {  	[tilespmem:s22+$0xF0] =	vst v10;
	v6 =	vmul.f32 v8, v6  }
0x77f: {  	[tilespmem:s22+$0xFFFFFFF0] =	vst v5;
	v4 =	vmul.f32 v9, v4  }
0x780: {  	[tilespmem:s22+$0x70] =	vst v6  }
.Ltmp21:
0x781: {  	s21 =	sadd.s32 $0x15480, s21;
	[tilespmem:s22+$0xFFFFFF70] =	vst v4;
	(pc) =	sbr.rel @p0 .LBB2_39-.Ltmp21, $4  }
0x782: {  	[spmem:s2] =	stream.indirect.scatter.add.f32 [tilespmem:s13], [sflag:$0x4], $0x80, s21, s10, $0xb8;
	[tilespmem:$0x1FC00] =	vst v63  }
0x783: {  	_ =	swait.ge [sflag:s7], $0x2000  }
0x784: {  	[sflag:s7] =	ssyncset.done $0x0  }
0x785: {  	[sflag:s7] =	ssyncadd.s32 $0xFFFFE000  }
.Ltmp22:
0x786: {  	(pc) =	sbr.rel .LBB2_33-.Ltmp22, $4  }
0x787: {  	s21 =	sadd.s32 $0x14180, s20  }
0x788: {  	[tilespmem:s13], [sflag:$0x2] =	stream.indirect.gather [hbm4b:s1+s10], $0x80, s21, s10, $0xb8;
	[tilespmem:$0x1FC00] =	vst v63  }
0x789: {  	s25 =	sadd.s32 $0x16980, s20;
	s19 =	sadd.s32 $0x1, s19  }
0x78a: {  	[tilespmem:s15], [sflag:$0x2] =	stream.indirect.gather [hbm4b:s5+s10], $0x80, s25, s10, $0xb8;
	[tilespmem:$0x1FC00] =	vst v63  }
.LBB2_40:
0x78b: {  	_ =	sfence.sel $0x180000  }
0x78c: {  	[bflag:$0x0] =	sbarrier.arrive $0xFFFF  }
0x78d: {  	_ =	strace $0x90000047  }
0x78e: {  	s0 =	stileid.u32;
	[bflag:$0x2] =	sbarrier.arrive $0xFFFF  }
0x78f: {  	p0 =	sne.s32 s0, $0x0;
	s0 =	rddreg [dreg:$0x3]  }
0x790: {  	s0 =	sadd.s32 @!p0 $0x100000, s0  }
0x791: {  	[sflag:s0] =	ssyncadd.tile.s32 @!p0 $0x1;
	_ =	shalt  }
.Lfunc_end2:
_tile_overlayer_lowered:
.L_overlay_start_2:
0x792: {  	(tag) =	ssettag $0x2  }
0x793: {  	s0 =	rddreg [dreg:$0x0];
	s2 =	stileid.u32  }
0x794: {  	s1 =	rddreg [dreg:$0x1];
	p0 =	sne.s32 s2, $0x0  }
0x795: {  	s3 =	rddreg [dreg:$0x2];
	[bflag:$0x3] =	sbarrier.arrive $0xFFFF;
	s2 =	simm.s32 @!p0 $0x1C04  }
0x796: {  	[timem:s3], [sflag:s2] =	dma.local @!p0 [hbm:s0], s1  }
0x797: {  	s0 =	simm.s32 @!p0 $0x4  }
0x798: {  	_ =	swait.ge @!p0 [sflag:s0], s1  }
0x799: {  	s1 =	ssub.s32 @!p0 $0x0, s1;
	[sflag:s0] =	ssyncset.done @!p0 $0x0  }
0x79a: {  	[sflag:s0] =	ssyncadd.s32 @!p0 s1  }
0x79b: {  	[bflag:$0x3] =	sbarrier.arrive $0xFFFF  }
0x79c: {  	_ =	shalt  }

</sc_bundles>
